<compile_context>
chip_gen: v7x
topology: tpu7x:2x2x1
jax: 0.10.2.dev20260603
libtpu: 0.0.44.dev20260713+nightly
codegen_flags: <defaults>
</compile_context>

<pallas_src>
import jax
import jax.numpy as jnp
from jax import lax
from jax.experimental import pallas as pl
from jax.experimental.pallas import tpu as pltpu
from jax.experimental.pallas import tpu_sc as plsc

K = 128
N = 8192
B = 64
THRESHOLD = 0.5

NC = 2
NS = 16
NW = NC * NS
ROWS_PER_W = B // NW
NCHUNK = N // 16
LIST_PAD = 144
CAP = 256
BK_PAD = CAP + 16


def _mask_body(x_ref, keys_ref):
    x = x_ref[:]
    probs = 0.5 + 0.5 * jnp.tanh(0.5 * x)
    mp = jnp.where(probs > THRESHOLD, probs, 0.0)
    keys_ref[:] = lax.bitcast_convert_type(mp, jnp.int32)


def _score_body(keys_ref, w_ref, k_ref, score_ref, prob_ref):
    keys = keys_ref[:]
    probs = lax.bitcast_convert_type(keys, jnp.float32)
    prob_ref[:] = probs
    slot = lax.broadcasted_iota(jnp.int32, (B, K), 1)
    valid = ((probs > THRESHOLD) & (slot < k_ref[0])).astype(jnp.float32)
    score_ref[:] = w_ref[0] * jnp.log(probs + 1e-9) * valid


def _sc_topk_body(keys_hbm, okeys_hbm, oidx_hbm,
                  key_v, hist2_v, histm_v, ak_v, ai_v, bk_v, bi_v,
                  ok_v, oi_v, sm_v):
    wid = lax.axis_index("s") * NC + lax.axis_index("c")
    lane = lax.iota(jnp.int32, 16)
    zeros16 = jnp.zeros((16,), jnp.int32)

    def clear_hist(i):
        hist2_v[pl.ds(i * 16, 16)] = zeros16

    def merge_hist(c):
        acc = zeros16
        for ln in range(16):
            acc = acc + hist2_v[pl.ds(ln * 256 + c * 16, 16)]
        histm_v[pl.ds(c * 16, 16)] = acc

    def select_level(t):
        def body(i, carry):
            carry_sum, bsel, above = carry
            c = 15 - i
            v = histm_v[pl.ds(c * 16, 16)]
            tot = jnp.sum(v)
            csum = plsc.cumsum(v)
            sfx = carry_sum + (tot - csum) + v
            cand = jnp.max(jnp.where(sfx >= t, lane, -1))
            found = (bsel < 0) & (cand >= 0)
            above_new = carry_sum + jnp.sum(jnp.where(lane > cand, v, 0))
            bsel = jnp.where(found, c * 16 + cand, bsel)
            above = jnp.where(found, above_new, above)
            return (carry_sum + tot, bsel, above)

        _, bsel, above = lax.fori_loop(0, 16, body, (0, -1, 0))
        return bsel, above

    def hist_pass(level, bsel0, bsel1):
        plsc.parallel_loop(0, 256, unroll=8)(clear_hist)

        def body(i):
            kv = key_v[pl.ds(i * 16, 16)]
            b0 = jnp.where(kv == 0, 0, ((kv >> 16) & 0xFF) + 1)
            if level == 0:
                b, add = b0, jnp.full((16,), 1, jnp.int32)
            elif level == 1:
                b = (kv >> 8) & 0xFF
                add = jnp.where(b0 == bsel0, 1, 0)
            else:
                b = kv & 0xFF
                add = jnp.where((b0 == bsel0) & (((kv >> 8) & 0xFF) == bsel1),
                                1, 0)
            plsc.addupdate_scatter(hist2_v, [lane * 256 + b], add)

        plsc.parallel_loop(0, NCHUNK, unroll=8)(body)
        plsc.parallel_loop(0, 16, unroll=2)(merge_hist)

    def process_row(row, _):
        pltpu.sync_copy(keys_hbm.at[row], key_v)

        hist_pass(0, 0, 0)
        bsel0, above0 = select_level(128)
        t1 = 128 - above0

        def cp2(i, carry):
            pa, pe = carry
            kv = key_v[pl.ds(i * 16, 16)]
            idxv = i * 16 + lane
            b0v = jnp.where(kv == 0, 0, ((kv >> 16) & 0xFF) + 1)
            gt = b0v > bsel0
            inb = b0v == bsel0
            pos_gt = pa + plsc.cumsum(gt.astype(jnp.int32)) - 1
            pos_in = pe + plsc.cumsum(inb.astype(jnp.int32)) - 1
            inc = inb & (pos_in < CAP)
            plsc.store_scatter(ak_v, [pos_gt], kv, mask=gt)
            plsc.store_scatter(ai_v, [pos_gt], idxv, mask=gt)
            plsc.store_scatter(bk_v, [pos_in], kv, mask=inc)
            plsc.store_scatter(bi_v, [pos_in], idxv, mask=inc)
            return (pa + plsc.all_reduce_population_count(gt),
                    pe + plsc.all_reduce_population_count(inb))

        _, pe_fin = plsc.parallel_loop(0, NCHUNK, unroll=4,
                                       carry=(zeros16, zeros16))(
            lambda i, c: cp2(i, c))
        m_cnt = jnp.max(pe_fin)

        sm_v[0] = above0
        sm_v[1] = 0

        @pl.when((bsel0 > 0) & (m_cnt > CAP))
        def _():
            hist_pass(1, bsel0, 0)
            bsel1, above1 = select_level(t1)
            hist_pass(2, bsel0, bsel1)
            bsel2, above2 = select_level(t1 - above1)
            cutkey = 0x3F000000 | ((bsel0 - 1) << 16) | (bsel1 << 8) | bsel2

            def cp3(i, carry):
                pa, pe = carry
                kv = key_v[pl.ds(i * 16, 16)]
                idxv = i * 16 + lane
                b0v = jnp.where(kv == 0, 0, ((kv >> 16) & 0xFF) + 1)
                gtc = (b0v == bsel0) & (kv > cutkey)
                eqc = kv == cutkey
                pos_g = pa + plsc.cumsum(gtc.astype(jnp.int32)) - 1
                pos_e = pe + plsc.cumsum(eqc.astype(jnp.int32)) - 1
                plsc.store_scatter(ak_v, [pos_g], kv, mask=gtc)
                plsc.store_scatter(ai_v, [pos_g], idxv, mask=gtc)
                plsc.store_scatter(bi_v, [pos_e], idxv,
                                   mask=eqc & (pos_e < CAP))
                return (pa + plsc.all_reduce_population_count(gtc),
                        pe + plsc.all_reduce_population_count(eqc))

            plsc.parallel_loop(0, NCHUNK, unroll=4,
                               carry=(zeros16 + above0, zeros16))(
                lambda i, c: cp3(i, c))
            sm_v[0] = above0 + above1 + above2
            sm_v[1] = cutkey

        a_star = sm_v[0]
        fill_key = sm_v[1]

        nlc = LIST_PAD // 16
        kcis = [ak_v[pl.ds(lc * 16, 16)] for lc in range(nlc)]
        poscis = [lc * 16 + lane for lc in range(nlc)]

        def rk(j, ranks):
            kj = plsc.load_gather(ak_v, [zeros16 + j])
            out = []
            for lc in range(nlc):
                beat = (kj > kcis[lc]) | ((kj == kcis[lc]) & (j < poscis[lc]))
                out.append(ranks[lc] + beat.astype(jnp.int32))
            return tuple(out)

        ranks = plsc.parallel_loop(0, a_star, unroll=2,
                                   carry=(zeros16,) * nlc)(rk)
        for lc in range(nlc):
            vmask = poscis[lc] < a_star
            plsc.store_scatter(ok_v, [ranks[lc]], kcis[lc], mask=vmask)
            plsc.store_scatter(oi_v, [ranks[lc]],
                               ai_v[pl.ds(lc * 16, 16)], mask=vmask)

        @pl.when((bsel0 > 0) & (m_cnt <= CAP))
        def _():
            def outer(lc, _):
                kci = bk_v[pl.ds(lc * 16, 16)]
                posci = lc * 16 + lane

                def rk2(j, rank):
                    kj = plsc.load_gather(bk_v, [zeros16 + j])
                    beat = (kj > kci) | ((kj == kci) & (j < posci))
                    return rank + beat.astype(jnp.int32)

                rank = lax.fori_loop(0, m_cnt, rk2, zeros16)
                keep = (posci < m_cnt) & (rank < t1)
                plsc.store_scatter(ok_v, [above0 + rank], kci, mask=keep)
                plsc.store_scatter(oi_v, [above0 + rank],
                                   bi_v[pl.ds(lc * 16, 16)], mask=keep)
                return 0

            lax.fori_loop(0, (m_cnt + 15) // 16, outer, 0)

        @pl.when((bsel0 == 0) | (m_cnt > CAP))
        def _():
            for oc in range(K // 16):
                slot = oc * 16 + lane
                need = slot >= a_star
                eqpos = jnp.where(need, slot - a_star, 0)
                gi = plsc.load_gather(bi_v, [eqpos], mask=need)
                cur_k = ok_v[pl.ds(oc * 16, 16)]
                cur_i = oi_v[pl.ds(oc * 16, 16)]
                ok_v[pl.ds(oc * 16, 16)] = jnp.where(need, fill_key, cur_k)
                oi_v[pl.ds(oc * 16, 16)] = jnp.where(need, gi, cur_i)

        pltpu.sync_copy(ok_v, okeys_hbm.at[row])
        pltpu.sync_copy(oi_v, oidx_hbm.at[row])
        return 0

    lax.fori_loop(wid * ROWS_PER_W, (wid + 1) * ROWS_PER_W, process_row, 0)


def _sc_topk(keys):
    mesh = plsc.VectorSubcoreMesh(core_axis_name="c", subcore_axis_name="s",
                                  num_cores=NC, num_subcores=NS)
    f = pl.kernel(
        _sc_topk_body,
        out_type=(
            jax.ShapeDtypeStruct((B, K), jnp.int32),
            jax.ShapeDtypeStruct((B, K), jnp.int32),
        ),
        mesh=mesh,
        compiler_params=pltpu.CompilerParams(needs_layout_passes=False),
        scratch_types=[
            pltpu.VMEM((N,), jnp.int32),
            pltpu.VMEM((4096,), jnp.int32),
            pltpu.VMEM((256,), jnp.int32),
            pltpu.VMEM((LIST_PAD,), jnp.int32),
            pltpu.VMEM((LIST_PAD,), jnp.int32),
            pltpu.VMEM((BK_PAD,), jnp.int32),
            pltpu.VMEM((BK_PAD,), jnp.int32),
            pltpu.VMEM((K,), jnp.int32),
            pltpu.VMEM((K,), jnp.int32),
            pltpu.SMEM((2,), jnp.int32),
        ],
    )
    return f(keys)


def kernel(logits, w_spl, k):
    keys = pl.pallas_call(
        _mask_body,
        out_shape=jax.ShapeDtypeStruct((B, N), jnp.int32),
        in_specs=[pl.BlockSpec(memory_space=pltpu.VMEM)],
        out_specs=pl.BlockSpec(memory_space=pltpu.VMEM),
    )(logits)

    okeys, oidx = _sc_topk(keys)

    w = jnp.asarray(w_spl, jnp.float32).reshape(1)
    kk = jnp.asarray(k, jnp.int32).reshape(1)
    scores, probs = pl.pallas_call(
        _score_body,
        out_shape=(
            jax.ShapeDtypeStruct((B, K), jnp.float32),
            jax.ShapeDtypeStruct((B, K), jnp.float32),
        ),
        in_specs=[
            pl.BlockSpec(memory_space=pltpu.VMEM),
            pl.BlockSpec(memory_space=pltpu.SMEM),
            pl.BlockSpec(memory_space=pltpu.SMEM),
        ],
        out_specs=(
            pl.BlockSpec(memory_space=pltpu.VMEM),
            pl.BlockSpec(memory_space=pltpu.VMEM),
        ),
    )(okeys, w, kk)
    return scores, probs, oidx

# --- scband reference (transcript-rebuilt; emitter-appended) ---
"""Pipeline reference for scband-isoform-decoder-54717883351582 (READ-ONLY COPY).

The authoritative reference and input builder live on the scoring server;
editing this copy changes nothing except your own understanding.
"""

import jax, jax.numpy as jnp
import numpy as np

THRESHOLD = 0.5


def setup_inputs(seed: int = 0) -> dict:
    key = jax.random.key(seed)
    k1, _ = jax.random.split(key)
    logits = jax.random.normal(k1, (64, 8192), dtype=jnp.float32)
    w_spl = jnp.asarray(1.0, dtype=jnp.float32)
    return {"logits": logits, "w_spl": w_spl, "k": 128}


def reference(logits, w_spl, k):
    # Batched, vectorized equivalent of IsoformDecoder._find_peaks +
    # _log_sigmoid peak scoring used by IsoformScorer:
    #   probs = sigmoid(logits); keep positions with prob > threshold;
    #   keep top_k by prob; score peaks with w_spl * log(prob + 1e-9).
    probs = jax.nn.sigmoid(logits)
    mask = probs > THRESHOLD
    masked_probs = jnp.where(mask, probs, 0.0)
    K = 128
    peak_probs, peak_idx = jax.lax.top_k(masked_probs, K)
    in_k = jnp.arange(K) < k
    valid = ((peak_probs > THRESHOLD) & in_k).astype(peak_probs.dtype)
    peak_scores = w_spl * jnp.log(peak_probs + 1e-9) * valid
    return peak_scores, peak_probs, peak_idx

if __name__ == "__main__":
    import jax
    _d = setup_inputs()
    print(jax.jit(kernel)(*tuple(_d.values())))

</pallas_src>

<mosaic_0001>
#map = affine_map<(d0, d1) -> (0, 0)>
module attributes {stable_mosaic.version = 14 : i64} {
  func.func @_sc_topk_body(%arg0: i32, %arg1: i32, %arg2: memref<64x8192xi32, #tpu.memory_space<hbm>>, %arg3: memref<64x128xi32, #tpu.memory_space<hbm>>, %arg4: memref<64x128xi32, #tpu.memory_space<hbm>>, %arg5: memref<8192xi32, #tpu.memory_space<vmem>>, %arg6: memref<4096xi32, #tpu.memory_space<vmem>>, %arg7: memref<256xi32, #tpu.memory_space<vmem>>, %arg8: memref<144xi32, #tpu.memory_space<vmem>>, %arg9: memref<144xi32, #tpu.memory_space<vmem>>, %arg10: memref<272xi32, #tpu.memory_space<vmem>>, %arg11: memref<272xi32, #tpu.memory_space<vmem>>, %arg12: memref<128xi32, #tpu.memory_space<vmem>>, %arg13: memref<128xi32, #tpu.memory_space<vmem>>, %arg14: memref<2xi32, #tpu.memory_space<smem>>) attributes {dimension_semantics = [#tpu.dimension_semantics<core_parallel>, #tpu.dimension_semantics<subcore_parallel>], iteration_bounds = array<i64: 2, 16>, scalar_prefetch = 0 : i64, scratch_operands = 10 : i64, tpu.core_type = #tpu.core_type<sc_vector_subcore>, window_params = [{transform_indices = #map}, {transform_indices = #map}, {transform_indices = #map}]} {
    %mul3A = arith.constant 2 : i32
    %mul3A_0 = arith.muli %arg1, %mul3A : i32
    %add3A = arith.addi %mul3A_0, %arg0 : i32
    %iota3A = tpu.iota {dimensions = array<i32: 0>} : vector<16xi32>
    %broadcast_in_dim3A = arith.constant 0 : i32
    %broadcast_in_dim3A_1 = vector.broadcast %broadcast_in_dim3A : i32 to vector<16xi32>
    %mul3A_2 = arith.constant 2 : i32
    %mul3A_3 = arith.muli %add3A, %mul3A_2 : i32
    %add3A_4 = arith.constant 1 : i32
    %add3A_5 = arith.addi %add3A, %add3A_4 : i32
    %mul3A_6 = arith.constant 2 : i32
    %mul3A_7 = arith.muli %add3A_5, %mul3A_6 : i32
    %while3A = arith.constant 0 : i32
    %while3A_8 = arith.subi %mul3A_7, %mul3A_3 : i32
    %while3A_9 = arith.addi %mul3A_3, %while3A_8 : i32
    %while3A_10 = arith.constant 1 : i32
    %while3A_11 = arith.divsi %while3A_8, %while3A_10 : i32
    %while3A_12 = arith.muli %while3A_11, %while3A_10 : i32
    %while3A_13 = arith.addi %mul3A_3, %while3A_12 : i32
    %while3A_14 = arith.constant 1 : i32
    %while3A_15 = scf.for %while3A_18 = %mul3A_3 to %while3A_13 step %while3A_14 iter_args(%while3A_19 = %while3A) -> (i32)  : i32 {
      "tpu.region"() ({
        %run_scoped3A = tpu.sem_alloc : memref<!tpu.dma_semaphore, #tpu.memory_space<semaphore_mem>>
        %dma_start3A = arith.constant 0 : i32
        %dma_start3A_160 = tpu.memref_slice %arg2[%while3A_18, %dma_start3A] : memref<64x8192xi32, #tpu.memory_space<hbm>> -> memref<1x8192xi32, #tpu.memory_space<hbm>>
        %dma_start3A_161 = tpu.memref_squeeze %dma_start3A_160 : memref<1x8192xi32, #tpu.memory_space<hbm>> -> memref<8192xi32, #tpu.memory_space<hbm>>
        %dma_start3A_162 = arith.constant 0 : i32
        %dma_start3A_163 = tpu.memref_slice %arg2[%while3A_18, %dma_start3A_162] : memref<64x8192xi32, #tpu.memory_space<hbm>> -> memref<1x8192xi32, #tpu.memory_space<hbm>>
        %dma_start3A_164 = tpu.memref_squeeze %dma_start3A_163 : memref<1x8192xi32, #tpu.memory_space<hbm>> -> memref<8192xi32, #tpu.memory_space<hbm>>
        tpu.enqueue_dma source(%dma_start3A_164 : memref<8192xi32, #tpu.memory_space<hbm>>) target(%arg5 : memref<8192xi32, #tpu.memory_space<vmem>>) target_semaphore(%run_scoped3A : memref<!tpu.dma_semaphore, #tpu.memory_space<semaphore_mem>>)
        %dma_wait3A = arith.constant 0 : i32
        %dma_wait3A_165 = tpu.memref_slice %arg2[%while3A_18, %dma_wait3A] : memref<64x8192xi32, #tpu.memory_space<hbm>> -> memref<1x8192xi32, #tpu.memory_space<hbm>>
        %dma_wait3A_166 = tpu.memref_squeeze %dma_wait3A_165 : memref<1x8192xi32, #tpu.memory_space<hbm>> -> memref<8192xi32, #tpu.memory_space<hbm>>
        %dma_wait3A_167 = arith.constant 0 : i32
        %dma_wait3A_168 = tpu.memref_slice %arg2[%while3A_18, %dma_wait3A_167] : memref<64x8192xi32, #tpu.memory_space<hbm>> -> memref<1x8192xi32, #tpu.memory_space<hbm>>
        %dma_wait3A_169 = tpu.memref_squeeze %dma_wait3A_168 : memref<1x8192xi32, #tpu.memory_space<hbm>> -> memref<8192xi32, #tpu.memory_space<hbm>>
        tpu.wait_dma2 semaphore(%run_scoped3A : memref<!tpu.dma_semaphore, #tpu.memory_space<semaphore_mem>>) src(%dma_wait3A_169 : memref<8192xi32, #tpu.memory_space<hbm>>) dst(%arg5 : memref<8192xi32, #tpu.memory_space<vmem>>)
        tpu.yield
      }) : () -> ()
      %parallel_loop3A = arith.constant 0 : i32
      %parallel_loop3A_20 = arith.constant 256 : i32
      %parallel_loop3A_21 = arith.constant 1 : i32
      scf.for %parallel_loop3A_160 = %parallel_loop3A to %parallel_loop3A_20 step %parallel_loop3A_21  : i32 {
        %parallel_loop3A_161 = arith.constant 16 : i32
        %parallel_loop3A_162 = arith.muli %parallel_loop3A_160, %parallel_loop3A_161 : i32
        %parallel_loop3A_163 = arith.index_cast %parallel_loop3A_162 : i32 to index
        %parallel_loop3A_164 = tpu.vector_load %arg6[%parallel_loop3A_163] {strides = array<i32>} : memref<4096xi32, #tpu.memory_space<vmem>>, vector<16xi32>,
        tpu.vector_store %arg6[%parallel_loop3A_163], %broadcast_in_dim3A_1 {strides = array<i32>} : memref<4096xi32, #tpu.memory_space<vmem>>, vector<16xi32>,
      } {sc.loop_unroll_factor = 8 : i64, sc.parallel_access}
      %parallel_loop3A_22 = arith.constant 0 : i32
      %parallel_loop3A_23 = arith.constant 512 : i32
      %parallel_loop3A_24 = arith.constant 1 : i32
      scf.for %parallel_loop3A_160 = %parallel_loop3A_22 to %parallel_loop3A_23 step %parallel_loop3A_24  : i32 {
        %parallel_loop3A_161 = arith.constant 16 : i32
        %parallel_loop3A_162 = arith.muli %parallel_loop3A_160, %parallel_loop3A_161 : i32
        %parallel_loop3A_163 = arith.index_cast %parallel_loop3A_162 : i32 to index
        %parallel_loop3A_164 = tpu.vector_load %arg5[%parallel_loop3A_163] {strides = array<i32>} : memref<8192xi32, #tpu.memory_space<vmem>>, vector<16xi32>,
        %parallel_loop3A_165 = arith.constant 0 : i32
        %parallel_loop3A_166 = vector.broadcast %parallel_loop3A_165 : i32 to vector<16xi32>
        %parallel_loop3A_167 = arith.cmpi eq, %parallel_loop3A_164, %parallel_loop3A_166 : vector<16xi32>
        %parallel_loop3A_168 = arith.constant 16 : i32
        %parallel_loop3A_169 = vector.broadcast %parallel_loop3A_168 : i32 to vector<16xi32>
        %parallel_loop3A_170 = arith.shrsi %parallel_loop3A_164, %parallel_loop3A_169 : vector<16xi32>
        %parallel_loop3A_171 = arith.constant 255 : i32
        %parallel_loop3A_172 = vector.broadcast %parallel_loop3A_171 : i32 to vector<16xi32>
        %parallel_loop3A_173 = arith.andi %parallel_loop3A_170, %parallel_loop3A_172 : vector<16xi32>
        %parallel_loop3A_174 = arith.constant 1 : i32
        %parallel_loop3A_175 = vector.broadcast %parallel_loop3A_174 : i32 to vector<16xi32>
        %parallel_loop3A_176 = arith.addi %parallel_loop3A_173, %parallel_loop3A_175 : vector<16xi32>
        %parallel_loop3A_177 = arith.constant 0 : i32
        %parallel_loop3A_178 = vector.broadcast %parallel_loop3A_177 : i32 to vector<16xi32>
        %parallel_loop3A_179 = arith.select %parallel_loop3A_167, %parallel_loop3A_178, %parallel_loop3A_176 : vector<16xi1>, vector<16xi32>
        %parallel_loop3A_180 = arith.constant 1 : i32
        %parallel_loop3A_181 = vector.broadcast %parallel_loop3A_180 : i32 to vector<16xi32>
        %parallel_loop3A_182 = arith.constant 256 : i32
        %parallel_loop3A_183 = vector.broadcast %parallel_loop3A_182 : i32 to vector<16xi32>
        %parallel_loop3A_184 = arith.muli %iota3A, %parallel_loop3A_183 : vector<16xi32>
        %parallel_loop3A_185 = arith.addi %parallel_loop3A_184, %parallel_loop3A_179 : vector<16xi32>
        tpu.vector_store_idx %arg6[%parallel_loop3A_185], %parallel_loop3A_181 {add = true} : memref<4096xi32, #tpu.memory_space<vmem>>[vector<16xi32>], vector<16xi32>,
      } {sc.loop_unroll_factor = 8 : i64, sc.parallel_access}
      %parallel_loop3A_25 = arith.constant 0 : i32
      %parallel_loop3A_26 = arith.constant 16 : i32
      %parallel_loop3A_27 = arith.constant 1 : i32
      scf.for %parallel_loop3A_160 = %parallel_loop3A_25 to %parallel_loop3A_26 step %parallel_loop3A_27  : i32 {
        %parallel_loop3A_161 = arith.constant 16 : i32
        %parallel_loop3A_162 = arith.muli %parallel_loop3A_160, %parallel_loop3A_161 : i32
        %parallel_loop3A_163 = arith.constant 0 : i32
        %parallel_loop3A_164 = arith.addi %parallel_loop3A_163, %parallel_loop3A_162 : i32
        %parallel_loop3A_165 = arith.index_cast %parallel_loop3A_164 : i32 to index
        %parallel_loop3A_166 = tpu.vector_load %arg6[%parallel_loop3A_165] {strides = array<i32>} : memref<4096xi32, #tpu.memory_space<vmem>>, vector<16xi32>,
        %parallel_loop3A_167 = arith.addi %broadcast_in_dim3A_1, %parallel_loop3A_166 : vector<16xi32>
        %parallel_loop3A_168 = arith.constant 16 : i32
        %parallel_loop3A_169 = arith.muli %parallel_loop3A_160, %parallel_loop3A_168 : i32
        %parallel_loop3A_170 = arith.constant 256 : i32
        %parallel_loop3A_171 = arith.addi %parallel_loop3A_170, %parallel_loop3A_169 : i32
        %parallel_loop3A_172 = arith.index_cast %parallel_loop3A_171 : i32 to index
        %parallel_loop3A_173 = tpu.vector_load %arg6[%parallel_loop3A_172] {strides = array<i32>} : memref<4096xi32, #tpu.memory_space<vmem>>, vector<16xi32>,
        %parallel_loop3A_174 = arith.addi %parallel_loop3A_167, %parallel_loop3A_173 : vector<16xi32>
        %parallel_loop3A_175 = arith.constant 16 : i32
        %parallel_loop3A_176 = arith.muli %parallel_loop3A_160, %parallel_loop3A_175 : i32
        %parallel_loop3A_177 = arith.constant 512 : i32
        %parallel_loop3A_178 = arith.addi %parallel_loop3A_177, %parallel_loop3A_176 : i32
        %parallel_loop3A_179 = arith.index_cast %parallel_loop3A_178 : i32 to index
        %parallel_loop3A_180 = tpu.vector_load %arg6[%parallel_loop3A_179] {strides = array<i32>} : memref<4096xi32, #tpu.memory_space<vmem>>, vector<16xi32>,
        %parallel_loop3A_181 = arith.addi %parallel_loop3A_174, %parallel_loop3A_180 : vector<16xi32>
        %parallel_loop3A_182 = arith.constant 16 : i32
        %parallel_loop3A_183 = arith.muli %parallel_loop3A_160, %parallel_loop3A_182 : i32
        %parallel_loop3A_184 = arith.constant 768 : i32
        %parallel_loop3A_185 = arith.addi %parallel_loop3A_184, %parallel_loop3A_183 : i32
        %parallel_loop3A_186 = arith.index_cast %parallel_loop3A_185 : i32 to index
        %parallel_loop3A_187 = tpu.vector_load %arg6[%parallel_loop3A_186] {strides = array<i32>} : memref<4096xi32, #tpu.memory_space<vmem>>, vector<16xi32>,
        %parallel_loop3A_188 = arith.addi %parallel_loop3A_181, %parallel_loop3A_187 : vector<16xi32>
        %parallel_loop3A_189 = arith.constant 16 : i32
        %parallel_loop3A_190 = arith.muli %parallel_loop3A_160, %parallel_loop3A_189 : i32
        %parallel_loop3A_191 = arith.constant 1024 : i32
        %parallel_loop3A_192 = arith.addi %parallel_loop3A_191, %parallel_loop3A_190 : i32
        %parallel_loop3A_193 = arith.index_cast %parallel_loop3A_192 : i32 to index
        %parallel_loop3A_194 = tpu.vector_load %arg6[%parallel_loop3A_193] {strides = array<i32>} : memref<4096xi32, #tpu.memory_space<vmem>>, vector<16xi32>,
        %parallel_loop3A_195 = arith.addi %parallel_loop3A_188, %parallel_loop3A_194 : vector<16xi32>
        %parallel_loop3A_196 = arith.constant 16 : i32
        %parallel_loop3A_197 = arith.muli %parallel_loop3A_160, %parallel_loop3A_196 : i32
        %parallel_loop3A_198 = arith.constant 1280 : i32
        %parallel_loop3A_199 = arith.addi %parallel_loop3A_198, %parallel_loop3A_197 : i32
        %parallel_loop3A_200 = arith.index_cast %parallel_loop3A_199 : i32 to index
        %parallel_loop3A_201 = tpu.vector_load %arg6[%parallel_loop3A_200] {strides = array<i32>} : memref<4096xi32, #tpu.memory_space<vmem>>, vector<16xi32>,
        %parallel_loop3A_202 = arith.addi %parallel_loop3A_195, %parallel_loop3A_201 : vector<16xi32>
        %parallel_loop3A_203 = arith.constant 16 : i32
        %parallel_loop3A_204 = arith.muli %parallel_loop3A_160, %parallel_loop3A_203 : i32
        %parallel_loop3A_205 = arith.constant 1536 : i32
        %parallel_loop3A_206 = arith.addi %parallel_loop3A_205, %parallel_loop3A_204 : i32
        %parallel_loop3A_207 = arith.index_cast %parallel_loop3A_206 : i32 to index
        %parallel_loop3A_208 = tpu.vector_load %arg6[%parallel_loop3A_207] {strides = array<i32>} : memref<4096xi32, #tpu.memory_space<vmem>>, vector<16xi32>,
        %parallel_loop3A_209 = arith.addi %parallel_loop3A_202, %parallel_loop3A_208 : vector<16xi32>
        %parallel_loop3A_210 = arith.constant 16 : i32
        %parallel_loop3A_211 = arith.muli %parallel_loop3A_160, %parallel_loop3A_210 : i32
        %parallel_loop3A_212 = arith.constant 1792 : i32
        %parallel_loop3A_213 = arith.addi %parallel_loop3A_212, %parallel_loop3A_211 : i32
        %parallel_loop3A_214 = arith.index_cast %parallel_loop3A_213 : i32 to index
        %parallel_loop3A_215 = tpu.vector_load %arg6[%parallel_loop3A_214] {strides = array<i32>} : memref<4096xi32, #tpu.memory_space<vmem>>, vector<16xi32>,
        %parallel_loop3A_216 = arith.addi %parallel_loop3A_209, %parallel_loop3A_215 : vector<16xi32>
        %parallel_loop3A_217 = arith.constant 16 : i32
        %parallel_loop3A_218 = arith.muli %parallel_loop3A_160, %parallel_loop3A_217 : i32
        %parallel_loop3A_219 = arith.constant 2048 : i32
        %parallel_loop3A_220 = arith.addi %parallel_loop3A_219, %parallel_loop3A_218 : i32
        %parallel_loop3A_221 = arith.index_cast %parallel_loop3A_220 : i32 to index
        %parallel_loop3A_222 = tpu.vector_load %arg6[%parallel_loop3A_221] {strides = array<i32>} : memref<4096xi32, #tpu.memory_space<vmem>>, vector<16xi32>,
        %parallel_loop3A_223 = arith.addi %parallel_loop3A_216, %parallel_loop3A_222 : vector<16xi32>
        %parallel_loop3A_224 = arith.constant 16 : i32
        %parallel_loop3A_225 = arith.muli %parallel_loop3A_160, %parallel_loop3A_224 : i32
        %parallel_loop3A_226 = arith.constant 2304 : i32
        %parallel_loop3A_227 = arith.addi %parallel_loop3A_226, %parallel_loop3A_225 : i32
        %parallel_loop3A_228 = arith.index_cast %parallel_loop3A_227 : i32 to index
        %parallel_loop3A_229 = tpu.vector_load %arg6[%parallel_loop3A_228] {strides = array<i32>} : memref<4096xi32, #tpu.memory_space<vmem>>, vector<16xi32>,
        %parallel_loop3A_230 = arith.addi %parallel_loop3A_223, %parallel_loop3A_229 : vector<16xi32>
        %parallel_loop3A_231 = arith.constant 16 : i32
        %parallel_loop3A_232 = arith.muli %parallel_loop3A_160, %parallel_loop3A_231 : i32
        %parallel_loop3A_233 = arith.constant 2560 : i32
        %parallel_loop3A_234 = arith.addi %parallel_loop3A_233, %parallel_loop3A_232 : i32
        %parallel_loop3A_235 = arith.index_cast %parallel_loop3A_234 : i32 to index
        %parallel_loop3A_236 = tpu.vector_load %arg6[%parallel_loop3A_235] {strides = array<i32>} : memref<4096xi32, #tpu.memory_space<vmem>>, vector<16xi32>,
        %parallel_loop3A_237 = arith.addi %parallel_loop3A_230, %parallel_loop3A_236 : vector<16xi32>
        %parallel_loop3A_238 = arith.constant 16 : i32
        %parallel_loop3A_239 = arith.muli %parallel_loop3A_160, %parallel_loop3A_238 : i32
        %parallel_loop3A_240 = arith.constant 2816 : i32
        %parallel_loop3A_241 = arith.addi %parallel_loop3A_240, %parallel_loop3A_239 : i32
        %parallel_loop3A_242 = arith.index_cast %parallel_loop3A_241 : i32 to index
        %parallel_loop3A_243 = tpu.vector_load %arg6[%parallel_loop3A_242] {strides = array<i32>} : memref<4096xi32, #tpu.memory_space<vmem>>, vector<16xi32>,
        %parallel_loop3A_244 = arith.addi %parallel_loop3A_237, %parallel_loop3A_243 : vector<16xi32>
        %parallel_loop3A_245 = arith.constant 16 : i32
        %parallel_loop3A_246 = arith.muli %parallel_loop3A_160, %parallel_loop3A_245 : i32
        %parallel_loop3A_247 = arith.constant 3072 : i32
        %parallel_loop3A_248 = arith.addi %parallel_loop3A_247, %parallel_loop3A_246 : i32
        %parallel_loop3A_249 = arith.index_cast %parallel_loop3A_248 : i32 to index
        %parallel_loop3A_250 = tpu.vector_load %arg6[%parallel_loop3A_249] {strides = array<i32>} : memref<4096xi32, #tpu.memory_space<vmem>>, vector<16xi32>,
        %parallel_loop3A_251 = arith.addi %parallel_loop3A_244, %parallel_loop3A_250 : vector<16xi32>
        %parallel_loop3A_252 = arith.constant 16 : i32
        %parallel_loop3A_253 = arith.muli %parallel_loop3A_160, %parallel_loop3A_252 : i32
        %parallel_loop3A_254 = arith.constant 3328 : i32
        %parallel_loop3A_255 = arith.addi %parallel_loop3A_254, %parallel_loop3A_253 : i32
        %parallel_loop3A_256 = arith.index_cast %parallel_loop3A_255 : i32 to index
        %parallel_loop3A_257 = tpu.vector_load %arg6[%parallel_loop3A_256] {strides = array<i32>} : memref<4096xi32, #tpu.memory_space<vmem>>, vector<16xi32>,
        %parallel_loop3A_258 = arith.addi %parallel_loop3A_251, %parallel_loop3A_257 : vector<16xi32>
        %parallel_loop3A_259 = arith.constant 16 : i32
        %parallel_loop3A_260 = arith.muli %parallel_loop3A_160, %parallel_loop3A_259 : i32
        %parallel_loop3A_261 = arith.constant 3584 : i32
        %parallel_loop3A_262 = arith.addi %parallel_loop3A_261, %parallel_loop3A_260 : i32
        %parallel_loop3A_263 = arith.index_cast %parallel_loop3A_262 : i32 to index
        %parallel_loop3A_264 = tpu.vector_load %arg6[%parallel_loop3A_263] {strides = array<i32>} : memref<4096xi32, #tpu.memory_space<vmem>>, vector<16xi32>,
        %parallel_loop3A_265 = arith.addi %parallel_loop3A_258, %parallel_loop3A_264 : vector<16xi32>
        %parallel_loop3A_266 = arith.constant 16 : i32
        %parallel_loop3A_267 = arith.muli %parallel_loop3A_160, %parallel_loop3A_266 : i32
        %parallel_loop3A_268 = arith.constant 3840 : i32
        %parallel_loop3A_269 = arith.addi %parallel_loop3A_268, %parallel_loop3A_267 : i32
        %parallel_loop3A_270 = arith.index_cast %parallel_loop3A_269 : i32 to index
        %parallel_loop3A_271 = tpu.vector_load %arg6[%parallel_loop3A_270] {strides = array<i32>} : memref<4096xi32, #tpu.memory_space<vmem>>, vector<16xi32>,
        %parallel_loop3A_272 = arith.addi %parallel_loop3A_265, %parallel_loop3A_271 : vector<16xi32>
        %parallel_loop3A_273 = arith.constant 16 : i32
        %parallel_loop3A_274 = arith.muli %parallel_loop3A_160, %parallel_loop3A_273 : i32
        %parallel_loop3A_275 = arith.index_cast %parallel_loop3A_274 : i32 to index
        %parallel_loop3A_276 = tpu.vector_load %arg7[%parallel_loop3A_275] {strides = array<i32>} : memref<256xi32, #tpu.memory_space<vmem>>, vector<16xi32>,
        tpu.vector_store %arg7[%parallel_loop3A_275], %parallel_loop3A_272 {strides = array<i32>} : memref<256xi32, #tpu.memory_space<vmem>>, vector<16xi32>,
      } {sc.loop_unroll_factor = 2 : i64, sc.parallel_access}
      %scan3A = arith.constant 0 : i32
      %scan3A_28 = arith.constant -1 : i32
      %scan3A_29 = arith.constant 0 : i32
      %scan3A_30 = arith.constant 0 : i32
      %scan3A_31 = arith.constant 16 : i32
      %scan3A_32 = arith.addi %scan3A_30, %scan3A_31 : i32
      %scan3A_33 = arith.constant 1 : i32
      %scan3A_34:3 = scf.for %scan3A_160 = %scan3A_30 to %scan3A_32 step %scan3A_33 iter_args(%scan3A_161 = %scan3A, %scan3A_162 = %scan3A_28, %scan3A_163 = %scan3A_29) -> (i32, i32, i32)  : i32 {
        %sub3A_164 = arith.constant 15 : i32
        %sub3A_165 = arith.subi %sub3A_164, %scan3A_160 : i32
        %mul3A_166 = arith.constant 16 : i32
        %mul3A_167 = arith.muli %sub3A_165, %mul3A_166 : i32
        %get3A_168 = arith.index_cast %mul3A_167 : i32 to index
        %get3A_169 = tpu.vector_load %arg7[%get3A_168] {strides = array<i32>} : memref<256xi32, #tpu.memory_space<vmem>>, vector<16xi32>,
        %reduce_sum3A = arith.constant true
        %reduce_sum3A_170 = vector.broadcast %reduce_sum3A : i1 to vector<16xi1>
        %reduce_sum3A_171 = tpu.scan <sum>, %get3A_169 masked %reduce_sum3A_170 : vector<16xi32>, vector<16xi1> -> vector<16xi32>
        %reduce_sum3A_172 = vector.extract %reduce_sum3A_171[15] : i32 from vector<16xi32>
        %broadcast_in_dim3A_173 = arith.constant true
        %broadcast_in_dim3A_174 = vector.broadcast %broadcast_in_dim3A_173 : i1 to vector<16xi1>
        %masked_cumsum3A = tpu.scan <sum>, %get3A_169 masked %broadcast_in_dim3A_174 : vector<16xi32>, vector<16xi1> -> vector<16xi32>
        %sub3A_175 = vector.broadcast %reduce_sum3A_172 : i32 to vector<16xi32>
        %sub3A_176 = arith.subi %sub3A_175, %masked_cumsum3A : vector<16xi32>
        %add3A_177 = vector.broadcast %scan3A_161 : i32 to vector<16xi32>
        %add3A_178 = arith.addi %add3A_177, %sub3A_176 : vector<16xi32>
        %add3A_179 = arith.addi %add3A_178, %get3A_169 : vector<16xi32>
        %ge3A = arith.constant 128 : i32
        %ge3A_180 = vector.broadcast %ge3A : i32 to vector<16xi32>
        %ge3A_181 = arith.cmpi sge, %add3A_179, %ge3A_180 : vector<16xi32>
        %jit3A = arith.constant -1 : i32
        %broadcast_in_dim3A_182 = vector.broadcast %jit3A : i32 to vector<16xi32>
        %select_n3A = arith.select %ge3A_181, %iota3A, %broadcast_in_dim3A_182 : vector<16xi1>, vector<16xi32>
        %reduce_max3A_183 = arith.constant true
        %reduce_max3A_184 = vector.broadcast %reduce_max3A_183 : i1 to vector<16xi1>
        %reduce_max3A_185 = arith.constant -2147483648 : i32
        %reduce_max3A_186 = vector.broadcast %reduce_max3A_185 : i32 to vector<16xi32>
        %reduce_max3A_187 = arith.xori %select_n3A, %reduce_max3A_186 : vector<16xi32>
        %reduce_max3A_188 = tpu.scan <max>, %reduce_max3A_187 masked %reduce_max3A_184 : vector<16xi32>, vector<16xi1> -> vector<16xi32>
        %reduce_max3A_189 = arith.xori %reduce_max3A_188, %reduce_max3A_186 : vector<16xi32>
        %reduce_max3A_190 = vector.extract %reduce_max3A_189[15] : i32 from vector<16xi32>
        %lt3A_191 = arith.constant 0 : i32
        %lt3A_192 = arith.cmpi slt, %scan3A_162, %lt3A_191 : i32
        %ge3A_193 = arith.constant 0 : i32
        %ge3A_194 = arith.cmpi sge, %reduce_max3A_190, %ge3A_193 : i32
        %and3A_195 = arith.andi %lt3A_192, %ge3A_194 : i1
        %gt3A_196 = vector.broadcast %reduce_max3A_190 : i32 to vector<16xi32>
        %gt3A_197 = arith.cmpi sgt, %iota3A, %gt3A_196 : vector<16xi32>
        %jit3A_198 = arith.constant 0 : i32
        %broadcast_in_dim3A_199 = vector.broadcast %jit3A_198 : i32 to vector<16xi32>
        %select_n3A_200 = arith.select %gt3A_197, %get3A_169, %broadcast_in_dim3A_199 : vector<16xi1>, vector<16xi32>
        %reduce_sum3A_201 = arith.constant true
        %reduce_sum3A_202 = vector.broadcast %reduce_sum3A_201 : i1 to vector<16xi1>
        %reduce_sum3A_203 = tpu.scan <sum>, %select_n3A_200 masked %reduce_sum3A_202 : vector<16xi32>, vector<16xi1> -> vector<16xi32>
        %reduce_sum3A_204 = vector.extract %reduce_sum3A_203[15] : i32 from vector<16xi32>
        %add3A_205 = arith.addi %scan3A_161, %reduce_sum3A_204 : i32
        %mul3A_206 = arith.constant 16 : i32
        %mul3A_207 = arith.muli %sub3A_165, %mul3A_206 : i32
        %add3A_208 = arith.addi %mul3A_207, %reduce_max3A_190 : i32
        %select_n3A_209 = arith.select %and3A_195, %add3A_208, %scan3A_162 : i32
        %select_n3A_210 = arith.select %and3A_195, %add3A_205, %scan3A_163 : i32
        %add3A_211 = arith.addi %scan3A_161, %reduce_sum3A_172 : i32
        scf.yield %add3A_211, %select_n3A_209, %select_n3A_210 : i32, i32, i32
      }
      %scan3A_35 = arith.constant 16 : i32
      %sub3A = arith.constant 128 : i32
      %sub3A_36 = arith.subi %sub3A, %scan3A_34#2 : i32
      %parallel_loop3A_37 = arith.constant 0 : i32
      %parallel_loop3A_38 = arith.constant 512 : i32
      %parallel_loop3A_39 = arith.constant 1 : i32
      %parallel_loop3A_40:2 = scf.for %parallel_loop3A_160 = %parallel_loop3A_37 to %parallel_loop3A_38 step %parallel_loop3A_39 iter_args(%parallel_loop3A_161 = %broadcast_in_dim3A_1, %parallel_loop3A_162 = %broadcast_in_dim3A_1) -> (vector<16xi32>, vector<16xi32>)  : i32 {
        %parallel_loop3A_163 = arith.constant 16 : i32
        %parallel_loop3A_164 = arith.muli %parallel_loop3A_160, %parallel_loop3A_163 : i32
        %parallel_loop3A_165 = arith.index_cast %parallel_loop3A_164 : i32 to index
        %parallel_loop3A_166 = tpu.vector_load %arg5[%parallel_loop3A_165] {strides = array<i32>} : memref<8192xi32, #tpu.memory_space<vmem>>, vector<16xi32>,
        %parallel_loop3A_167 = arith.constant 16 : i32
        %parallel_loop3A_168 = arith.muli %parallel_loop3A_160, %parallel_loop3A_167 : i32
        %parallel_loop3A_169 = vector.broadcast %parallel_loop3A_168 : i32 to vector<16xi32>
        %parallel_loop3A_170 = arith.addi %parallel_loop3A_169, %iota3A : vector<16xi32>
        %parallel_loop3A_171 = arith.constant 0 : i32
        %parallel_loop3A_172 = vector.broadcast %parallel_loop3A_171 : i32 to vector<16xi32>
        %parallel_loop3A_173 = arith.cmpi eq, %parallel_loop3A_166, %parallel_loop3A_172 : vector<16xi32>
        %parallel_loop3A_174 = arith.constant 16 : i32
        %parallel_loop3A_175 = vector.broadcast %parallel_loop3A_174 : i32 to vector<16xi32>
        %parallel_loop3A_176 = arith.shrsi %parallel_loop3A_166, %parallel_loop3A_175 : vector<16xi32>
        %parallel_loop3A_177 = arith.constant 255 : i32
        %parallel_loop3A_178 = vector.broadcast %parallel_loop3A_177 : i32 to vector<16xi32>
        %parallel_loop3A_179 = arith.andi %parallel_loop3A_176, %parallel_loop3A_178 : vector<16xi32>
        %parallel_loop3A_180 = arith.constant 1 : i32
        %parallel_loop3A_181 = vector.broadcast %parallel_loop3A_180 : i32 to vector<16xi32>
        %parallel_loop3A_182 = arith.addi %parallel_loop3A_179, %parallel_loop3A_181 : vector<16xi32>
        %parallel_loop3A_183 = arith.constant 0 : i32
        %parallel_loop3A_184 = vector.broadcast %parallel_loop3A_183 : i32 to vector<16xi32>
        %parallel_loop3A_185 = arith.select %parallel_loop3A_173, %parallel_loop3A_184, %parallel_loop3A_182 : vector<16xi1>, vector<16xi32>
        %parallel_loop3A_186 = vector.broadcast %scan3A_34#1 : i32 to vector<16xi32>
        %parallel_loop3A_187 = arith.cmpi sgt, %parallel_loop3A_185, %parallel_loop3A_186 : vector<16xi32>
        %parallel_loop3A_188 = vector.broadcast %scan3A_34#1 : i32 to vector<16xi32>
        %parallel_loop3A_189 = arith.cmpi eq, %parallel_loop3A_185, %parallel_loop3A_188 : vector<16xi32>
        %parallel_loop3A_190 = arith.extui %parallel_loop3A_187 : vector<16xi1> to vector<16xi32>
        %parallel_loop3A_191 = arith.constant true
        %parallel_loop3A_192 = vector.broadcast %parallel_loop3A_191 : i1 to vector<16xi1>
        %parallel_loop3A_193 = tpu.scan <sum>, %parallel_loop3A_190 masked %parallel_loop3A_192 : vector<16xi32>, vector<16xi1> -> vector<16xi32>
        %parallel_loop3A_194 = arith.addi %parallel_loop3A_161, %parallel_loop3A_193 : vector<16xi32>
        %parallel_loop3A_195 = arith.constant 1 : i32
        %parallel_loop3A_196 = vector.broadcast %parallel_loop3A_195 : i32 to vector<16xi32>
        %parallel_loop3A_197 = arith.subi %parallel_loop3A_194, %parallel_loop3A_196 : vector<16xi32>
        %parallel_loop3A_198 = arith.extui %parallel_loop3A_189 : vector<16xi1> to vector<16xi32>
        %parallel_loop3A_199 = arith.constant true
        %parallel_loop3A_200 = vector.broadcast %parallel_loop3A_199 : i1 to vector<16xi1>
        %parallel_loop3A_201 = tpu.scan <sum>, %parallel_loop3A_198 masked %parallel_loop3A_200 : vector<16xi32>, vector<16xi1> -> vector<16xi32>
        %parallel_loop3A_202 = arith.addi %parallel_loop3A_162, %parallel_loop3A_201 : vector<16xi32>
        %parallel_loop3A_203 = arith.constant 1 : i32
        %parallel_loop3A_204 = vector.broadcast %parallel_loop3A_203 : i32 to vector<16xi32>
        %parallel_loop3A_205 = arith.subi %parallel_loop3A_202, %parallel_loop3A_204 : vector<16xi32>
        %parallel_loop3A_206 = arith.constant 256 : i32
        %parallel_loop3A_207 = vector.broadcast %parallel_loop3A_206 : i32 to vector<16xi32>
        %parallel_loop3A_208 = arith.cmpi slt, %parallel_loop3A_205, %parallel_loop3A_207 : vector<16xi32>
        %parallel_loop3A_209 = arith.andi %parallel_loop3A_189, %parallel_loop3A_208 : vector<16xi1>
        tpu.vector_store_idx %arg8[%parallel_loop3A_197], %parallel_loop3A_166 masked %parallel_loop3A_187 : memref<144xi32, #tpu.memory_space<vmem>>[vector<16xi32>], vector<16xi32>, vector<16xi1>
        tpu.vector_store_idx %arg9[%parallel_loop3A_197], %parallel_loop3A_170 masked %parallel_loop3A_187 : memref<144xi32, #tpu.memory_space<vmem>>[vector<16xi32>], vector<16xi32>, vector<16xi1>
        tpu.vector_store_idx %arg10[%parallel_loop3A_205], %parallel_loop3A_166 masked %parallel_loop3A_209 : memref<272xi32, #tpu.memory_space<vmem>>[vector<16xi32>], vector<16xi32>, vector<16xi1>
        tpu.vector_store_idx %arg11[%parallel_loop3A_205], %parallel_loop3A_170 masked %parallel_loop3A_209 : memref<272xi32, #tpu.memory_space<vmem>>[vector<16xi32>], vector<16xi32>, vector<16xi1>
        %parallel_loop3A_210 = tpu.all_reduce %parallel_loop3A_187 {dim = 0 : i64, kind = #tpu.reduction_kind<sum>} : vector<16xi1> -> vector<16xi32>
        %parallel_loop3A_211 = arith.addi %parallel_loop3A_161, %parallel_loop3A_210 : vector<16xi32>
        %parallel_loop3A_212 = tpu.all_reduce %parallel_loop3A_189 {dim = 0 : i64, kind = #tpu.reduction_kind<sum>} : vector<16xi1> -> vector<16xi32>
        %parallel_loop3A_213 = arith.addi %parallel_loop3A_162, %parallel_loop3A_212 : vector<16xi32>
        scf.yield %parallel_loop3A_211, %parallel_loop3A_213 : vector<16xi32>, vector<16xi32>
      } {sc.loop_unroll_factor = 4 : i64, sc.parallel_access}
      %reduce_max3A = arith.constant true
      %reduce_max3A_41 = vector.broadcast %reduce_max3A : i1 to vector<16xi1>
      %reduce_max3A_42 = arith.constant -2147483648 : i32
      %reduce_max3A_43 = vector.broadcast %reduce_max3A_42 : i32 to vector<16xi32>
      %reduce_max3A_44 = arith.xori %parallel_loop3A_40#1, %reduce_max3A_43 : vector<16xi32>
      %reduce_max3A_45 = tpu.scan <max>, %reduce_max3A_44 masked %reduce_max3A_41 : vector<16xi32>, vector<16xi1> -> vector<16xi32>
      %reduce_max3A_46 = arith.xori %reduce_max3A_45, %reduce_max3A_43 : vector<16xi32>
      %reduce_max3A_47 = vector.extract %reduce_max3A_46[15] : i32 from vector<16xi32>
      %swap3A = arith.constant 0 : i32
      %swap3A_48 = arith.index_cast %swap3A : i32 to index
      %swap3A_49 = memref.load %arg14[%swap3A_48] : memref<2xi32, #tpu.memory_space<smem>>
      memref.store %scan3A_34#2, %arg14[%swap3A_48] : memref<2xi32, #tpu.memory_space<smem>>
      %swap3A_50 = arith.constant 0 : i32
      %swap3A_51 = arith.constant 1 : i32
      %swap3A_52 = arith.index_cast %swap3A_51 : i32 to index
      %swap3A_53 = memref.load %arg14[%swap3A_52] : memref<2xi32, #tpu.memory_space<smem>>
      memref.store %swap3A_50, %arg14[%swap3A_52] : memref<2xi32, #tpu.memory_space<smem>>
      %gt3A = arith.constant 0 : i32
      %gt3A_54 = arith.cmpi sgt, %scan3A_34#1, %gt3A : i32
      %gt3A_55 = arith.constant 256 : i32
      %gt3A_56 = arith.cmpi sgt, %reduce_max3A_47, %gt3A_55 : i32
      %and3A = arith.andi %gt3A_54, %gt3A_56 : i1
      %convert_element_type3A = arith.extui %and3A : i1 to i32
      %cond3A = arith.constant 0 : i32
      %cond3A_57 = arith.cmpi ne, %convert_element_type3A, %cond3A : i32
      scf.if %cond3A_57 {
        %parallel_loop3A_160 = arith.constant 0 : i32
        %parallel_loop3A_161 = arith.constant 256 : i32
        %parallel_loop3A_162 = arith.constant 1 : i32
        scf.for %parallel_loop3A_220 = %parallel_loop3A_160 to %parallel_loop3A_161 step %parallel_loop3A_162  : i32 {
          %parallel_loop3A_221 = arith.constant 16 : i32
          %parallel_loop3A_222 = arith.muli %parallel_loop3A_220, %parallel_loop3A_221 : i32
          %parallel_loop3A_223 = arith.index_cast %parallel_loop3A_222 : i32 to index
          %parallel_loop3A_224 = tpu.vector_load %arg6[%parallel_loop3A_223] {strides = array<i32>} : memref<4096xi32, #tpu.memory_space<vmem>>, vector<16xi32>,
          tpu.vector_store %arg6[%parallel_loop3A_223], %broadcast_in_dim3A_1 {strides = array<i32>} : memref<4096xi32, #tpu.memory_space<vmem>>, vector<16xi32>,
        } {sc.loop_unroll_factor = 8 : i64, sc.parallel_access}
        %parallel_loop3A_163 = arith.constant 0 : i32
        %parallel_loop3A_164 = arith.constant 512 : i32
        %parallel_loop3A_165 = arith.constant 1 : i32
        scf.for %parallel_loop3A_220 = %parallel_loop3A_163 to %parallel_loop3A_164 step %parallel_loop3A_165  : i32 {
          %parallel_loop3A_221 = arith.constant 16 : i32
          %parallel_loop3A_222 = arith.muli %parallel_loop3A_220, %parallel_loop3A_221 : i32
          %parallel_loop3A_223 = arith.index_cast %parallel_loop3A_222 : i32 to index
          %parallel_loop3A_224 = tpu.vector_load %arg5[%parallel_loop3A_223] {strides = array<i32>} : memref<8192xi32, #tpu.memory_space<vmem>>, vector<16xi32>,
          %parallel_loop3A_225 = arith.constant 0 : i32
          %parallel_loop3A_226 = vector.broadcast %parallel_loop3A_225 : i32 to vector<16xi32>
          %parallel_loop3A_227 = arith.cmpi eq, %parallel_loop3A_224, %parallel_loop3A_226 : vector<16xi32>
          %parallel_loop3A_228 = arith.constant 16 : i32
          %parallel_loop3A_229 = vector.broadcast %parallel_loop3A_228 : i32 to vector<16xi32>
          %parallel_loop3A_230 = arith.shrsi %parallel_loop3A_224, %parallel_loop3A_229 : vector<16xi32>
          %parallel_loop3A_231 = arith.constant 255 : i32
          %parallel_loop3A_232 = vector.broadcast %parallel_loop3A_231 : i32 to vector<16xi32>
          %parallel_loop3A_233 = arith.andi %parallel_loop3A_230, %parallel_loop3A_232 : vector<16xi32>
          %parallel_loop3A_234 = arith.constant 1 : i32
          %parallel_loop3A_235 = vector.broadcast %parallel_loop3A_234 : i32 to vector<16xi32>
          %parallel_loop3A_236 = arith.addi %parallel_loop3A_233, %parallel_loop3A_235 : vector<16xi32>
          %parallel_loop3A_237 = arith.constant 0 : i32
          %parallel_loop3A_238 = vector.broadcast %parallel_loop3A_237 : i32 to vector<16xi32>
          %parallel_loop3A_239 = arith.select %parallel_loop3A_227, %parallel_loop3A_238, %parallel_loop3A_236 : vector<16xi1>, vector<16xi32>
          %parallel_loop3A_240 = arith.constant 8 : i32
          %parallel_loop3A_241 = vector.broadcast %parallel_loop3A_240 : i32 to vector<16xi32>
          %parallel_loop3A_242 = arith.shrsi %parallel_loop3A_224, %parallel_loop3A_241 : vector<16xi32>
          %parallel_loop3A_243 = arith.constant 255 : i32
          %parallel_loop3A_244 = vector.broadcast %parallel_loop3A_243 : i32 to vector<16xi32>
          %parallel_loop3A_245 = arith.andi %parallel_loop3A_242, %parallel_loop3A_244 : vector<16xi32>
          %parallel_loop3A_246 = vector.broadcast %scan3A_34#1 : i32 to vector<16xi32>
          %parallel_loop3A_247 = arith.cmpi eq, %parallel_loop3A_239, %parallel_loop3A_246 : vector<16xi32>
          %parallel_loop3A_248 = arith.constant 1 : i32
          %parallel_loop3A_249 = arith.constant 0 : i32
          %parallel_loop3A_250 = vector.broadcast %parallel_loop3A_248 : i32 to vector<16xi32>
          %parallel_loop3A_251 = vector.broadcast %parallel_loop3A_249 : i32 to vector<16xi32>
          %parallel_loop3A_252 = arith.select %parallel_loop3A_247, %parallel_loop3A_250, %parallel_loop3A_251 : vector<16xi1>, vector<16xi32>
          %parallel_loop3A_253 = arith.constant 256 : i32
          %parallel_loop3A_254 = vector.broadcast %parallel_loop3A_253 : i32 to vector<16xi32>
          %parallel_loop3A_255 = arith.muli %iota3A, %parallel_loop3A_254 : vector<16xi32>
          %parallel_loop3A_256 = arith.addi %parallel_loop3A_255, %parallel_loop3A_245 : vector<16xi32>
          tpu.vector_store_idx %arg6[%parallel_loop3A_256], %parallel_loop3A_252 {add = true} : memref<4096xi32, #tpu.memory_space<vmem>>[vector<16xi32>], vector<16xi32>,
        } {sc.loop_unroll_factor = 8 : i64, sc.parallel_access}
        %parallel_loop3A_166 = arith.constant 0 : i32
        %parallel_loop3A_167 = arith.constant 16 : i32
        %parallel_loop3A_168 = arith.constant 1 : i32
        scf.for %parallel_loop3A_220 = %parallel_loop3A_166 to %parallel_loop3A_167 step %parallel_loop3A_168  : i32 {
          %parallel_loop3A_221 = arith.constant 16 : i32
          %parallel_loop3A_222 = arith.muli %parallel_loop3A_220, %parallel_loop3A_221 : i32
          %parallel_loop3A_223 = arith.constant 0 : i32
          %parallel_loop3A_224 = arith.addi %parallel_loop3A_223, %parallel_loop3A_222 : i32
          %parallel_loop3A_225 = arith.index_cast %parallel_loop3A_224 : i32 to index
          %parallel_loop3A_226 = tpu.vector_load %arg6[%parallel_loop3A_225] {strides = array<i32>} : memref<4096xi32, #tpu.memory_space<vmem>>, vector<16xi32>,
          %parallel_loop3A_227 = arith.addi %broadcast_in_dim3A_1, %parallel_loop3A_226 : vector<16xi32>
          %parallel_loop3A_228 = arith.constant 16 : i32
          %parallel_loop3A_229 = arith.muli %parallel_loop3A_220, %parallel_loop3A_228 : i32
          %parallel_loop3A_230 = arith.constant 256 : i32
          %parallel_loop3A_231 = arith.addi %parallel_loop3A_230, %parallel_loop3A_229 : i32
          %parallel_loop3A_232 = arith.index_cast %parallel_loop3A_231 : i32 to index
          %parallel_loop3A_233 = tpu.vector_load %arg6[%parallel_loop3A_232] {strides = array<i32>} : memref<4096xi32, #tpu.memory_space<vmem>>, vector<16xi32>,
          %parallel_loop3A_234 = arith.addi %parallel_loop3A_227, %parallel_loop3A_233 : vector<16xi32>
          %parallel_loop3A_235 = arith.constant 16 : i32
          %parallel_loop3A_236 = arith.muli %parallel_loop3A_220, %parallel_loop3A_235 : i32
          %parallel_loop3A_237 = arith.constant 512 : i32
          %parallel_loop3A_238 = arith.addi %parallel_loop3A_237, %parallel_loop3A_236 : i32
          %parallel_loop3A_239 = arith.index_cast %parallel_loop3A_238 : i32 to index
          %parallel_loop3A_240 = tpu.vector_load %arg6[%parallel_loop3A_239] {strides = array<i32>} : memref<4096xi32, #tpu.memory_space<vmem>>, vector<16xi32>,
          %parallel_loop3A_241 = arith.addi %parallel_loop3A_234, %parallel_loop3A_240 : vector<16xi32>
          %parallel_loop3A_242 = arith.constant 16 : i32
          %parallel_loop3A_243 = arith.muli %parallel_loop3A_220, %parallel_loop3A_242 : i32
          %parallel_loop3A_244 = arith.constant 768 : i32
          %parallel_loop3A_245 = arith.addi %parallel_loop3A_244, %parallel_loop3A_243 : i32
          %parallel_loop3A_246 = arith.index_cast %parallel_loop3A_245 : i32 to index
          %parallel_loop3A_247 = tpu.vector_load %arg6[%parallel_loop3A_246] {strides = array<i32>} : memref<4096xi32, #tpu.memory_space<vmem>>, vector<16xi32>,
          %parallel_loop3A_248 = arith.addi %parallel_loop3A_241, %parallel_loop3A_247 : vector<16xi32>
          %parallel_loop3A_249 = arith.constant 16 : i32
          %parallel_loop3A_250 = arith.muli %parallel_loop3A_220, %parallel_loop3A_249 : i32
          %parallel_loop3A_251 = arith.constant 1024 : i32
          %parallel_loop3A_252 = arith.addi %parallel_loop3A_251, %parallel_loop3A_250 : i32
          %parallel_loop3A_253 = arith.index_cast %parallel_loop3A_252 : i32 to index
          %parallel_loop3A_254 = tpu.vector_load %arg6[%parallel_loop3A_253] {strides = array<i32>} : memref<4096xi32, #tpu.memory_space<vmem>>, vector<16xi32>,
          %parallel_loop3A_255 = arith.addi %parallel_loop3A_248, %parallel_loop3A_254 : vector<16xi32>
          %parallel_loop3A_256 = arith.constant 16 : i32
          %parallel_loop3A_257 = arith.muli %parallel_loop3A_220, %parallel_loop3A_256 : i32
          %parallel_loop3A_258 = arith.constant 1280 : i32
          %parallel_loop3A_259 = arith.addi %parallel_loop3A_258, %parallel_loop3A_257 : i32
          %parallel_loop3A_260 = arith.index_cast %parallel_loop3A_259 : i32 to index
          %parallel_loop3A_261 = tpu.vector_load %arg6[%parallel_loop3A_260] {strides = array<i32>} : memref<4096xi32, #tpu.memory_space<vmem>>, vector<16xi32>,
          %parallel_loop3A_262 = arith.addi %parallel_loop3A_255, %parallel_loop3A_261 : vector<16xi32>
          %parallel_loop3A_263 = arith.constant 16 : i32
          %parallel_loop3A_264 = arith.muli %parallel_loop3A_220, %parallel_loop3A_263 : i32
          %parallel_loop3A_265 = arith.constant 1536 : i32
          %parallel_loop3A_266 = arith.addi %parallel_loop3A_265, %parallel_loop3A_264 : i32
          %parallel_loop3A_267 = arith.index_cast %parallel_loop3A_266 : i32 to index
          %parallel_loop3A_268 = tpu.vector_load %arg6[%parallel_loop3A_267] {strides = array<i32>} : memref<4096xi32, #tpu.memory_space<vmem>>, vector<16xi32>,
          %parallel_loop3A_269 = arith.addi %parallel_loop3A_262, %parallel_loop3A_268 : vector<16xi32>
          %parallel_loop3A_270 = arith.constant 16 : i32
          %parallel_loop3A_271 = arith.muli %parallel_loop3A_220, %parallel_loop3A_270 : i32
          %parallel_loop3A_272 = arith.constant 1792 : i32
          %parallel_loop3A_273 = arith.addi %parallel_loop3A_272, %parallel_loop3A_271 : i32
          %parallel_loop3A_274 = arith.index_cast %parallel_loop3A_273 : i32 to index
          %parallel_loop3A_275 = tpu.vector_load %arg6[%parallel_loop3A_274] {strides = array<i32>} : memref<4096xi32, #tpu.memory_space<vmem>>, vector<16xi32>,
          %parallel_loop3A_276 = arith.addi %parallel_loop3A_269, %parallel_loop3A_275 : vector<16xi32>
          %parallel_loop3A_277 = arith.constant 16 : i32
          %parallel_loop3A_278 = arith.muli %parallel_loop3A_220, %parallel_loop3A_277 : i32
          %parallel_loop3A_279 = arith.constant 2048 : i32
          %parallel_loop3A_280 = arith.addi %parallel_loop3A_279, %parallel_loop3A_278 : i32
          %parallel_loop3A_281 = arith.index_cast %parallel_loop3A_280 : i32 to index
          %parallel_loop3A_282 = tpu.vector_load %arg6[%parallel_loop3A_281] {strides = array<i32>} : memref<4096xi32, #tpu.memory_space<vmem>>, vector<16xi32>,
          %parallel_loop3A_283 = arith.addi %parallel_loop3A_276, %parallel_loop3A_282 : vector<16xi32>
          %parallel_loop3A_284 = arith.constant 16 : i32
          %parallel_loop3A_285 = arith.muli %parallel_loop3A_220, %parallel_loop3A_284 : i32
          %parallel_loop3A_286 = arith.constant 2304 : i32
          %parallel_loop3A_287 = arith.addi %parallel_loop3A_286, %parallel_loop3A_285 : i32
          %parallel_loop3A_288 = arith.index_cast %parallel_loop3A_287 : i32 to index
          %parallel_loop3A_289 = tpu.vector_load %arg6[%parallel_loop3A_288] {strides = array<i32>} : memref<4096xi32, #tpu.memory_space<vmem>>, vector<16xi32>,
          %parallel_loop3A_290 = arith.addi %parallel_loop3A_283, %parallel_loop3A_289 : vector<16xi32>
          %parallel_loop3A_291 = arith.constant 16 : i32
          %parallel_loop3A_292 = arith.muli %parallel_loop3A_220, %parallel_loop3A_291 : i32
          %parallel_loop3A_293 = arith.constant 2560 : i32
          %parallel_loop3A_294 = arith.addi %parallel_loop3A_293, %parallel_loop3A_292 : i32
          %parallel_loop3A_295 = arith.index_cast %parallel_loop3A_294 : i32 to index
          %parallel_loop3A_296 = tpu.vector_load %arg6[%parallel_loop3A_295] {strides = array<i32>} : memref<4096xi32, #tpu.memory_space<vmem>>, vector<16xi32>,
          %parallel_loop3A_297 = arith.addi %parallel_loop3A_290, %parallel_loop3A_296 : vector<16xi32>
          %parallel_loop3A_298 = arith.constant 16 : i32
          %parallel_loop3A_299 = arith.muli %parallel_loop3A_220, %parallel_loop3A_298 : i32
          %parallel_loop3A_300 = arith.constant 2816 : i32
          %parallel_loop3A_301 = arith.addi %parallel_loop3A_300, %parallel_loop3A_299 : i32
          %parallel_loop3A_302 = arith.index_cast %parallel_loop3A_301 : i32 to index
          %parallel_loop3A_303 = tpu.vector_load %arg6[%parallel_loop3A_302] {strides = array<i32>} : memref<4096xi32, #tpu.memory_space<vmem>>, vector<16xi32>,
          %parallel_loop3A_304 = arith.addi %parallel_loop3A_297, %parallel_loop3A_303 : vector<16xi32>
          %parallel_loop3A_305 = arith.constant 16 : i32
          %parallel_loop3A_306 = arith.muli %parallel_loop3A_220, %parallel_loop3A_305 : i32
          %parallel_loop3A_307 = arith.constant 3072 : i32
          %parallel_loop3A_308 = arith.addi %parallel_loop3A_307, %parallel_loop3A_306 : i32
          %parallel_loop3A_309 = arith.index_cast %parallel_loop3A_308 : i32 to index
          %parallel_loop3A_310 = tpu.vector_load %arg6[%parallel_loop3A_309] {strides = array<i32>} : memref<4096xi32, #tpu.memory_space<vmem>>, vector<16xi32>,
          %parallel_loop3A_311 = arith.addi %parallel_loop3A_304, %parallel_loop3A_310 : vector<16xi32>
          %parallel_loop3A_312 = arith.constant 16 : i32
          %parallel_loop3A_313 = arith.muli %parallel_loop3A_220, %parallel_loop3A_312 : i32
          %parallel_loop3A_314 = arith.constant 3328 : i32
          %parallel_loop3A_315 = arith.addi %parallel_loop3A_314, %parallel_loop3A_313 : i32
          %parallel_loop3A_316 = arith.index_cast %parallel_loop3A_315 : i32 to index
          %parallel_loop3A_317 = tpu.vector_load %arg6[%parallel_loop3A_316] {strides = array<i32>} : memref<4096xi32, #tpu.memory_space<vmem>>, vector<16xi32>,
          %parallel_loop3A_318 = arith.addi %parallel_loop3A_311, %parallel_loop3A_317 : vector<16xi32>
          %parallel_loop3A_319 = arith.constant 16 : i32
          %parallel_loop3A_320 = arith.muli %parallel_loop3A_220, %parallel_loop3A_319 : i32
          %parallel_loop3A_321 = arith.constant 3584 : i32
          %parallel_loop3A_322 = arith.addi %parallel_loop3A_321, %parallel_loop3A_320 : i32
          %parallel_loop3A_323 = arith.index_cast %parallel_loop3A_322 : i32 to index
          %parallel_loop3A_324 = tpu.vector_load %arg6[%parallel_loop3A_323] {strides = array<i32>} : memref<4096xi32, #tpu.memory_space<vmem>>, vector<16xi32>,
          %parallel_loop3A_325 = arith.addi %parallel_loop3A_318, %parallel_loop3A_324 : vector<16xi32>
          %parallel_loop3A_326 = arith.constant 16 : i32
          %parallel_loop3A_327 = arith.muli %parallel_loop3A_220, %parallel_loop3A_326 : i32
          %parallel_loop3A_328 = arith.constant 3840 : i32
          %parallel_loop3A_329 = arith.addi %parallel_loop3A_328, %parallel_loop3A_327 : i32
          %parallel_loop3A_330 = arith.index_cast %parallel_loop3A_329 : i32 to index
          %parallel_loop3A_331 = tpu.vector_load %arg6[%parallel_loop3A_330] {strides = array<i32>} : memref<4096xi32, #tpu.memory_space<vmem>>, vector<16xi32>,
          %parallel_loop3A_332 = arith.addi %parallel_loop3A_325, %parallel_loop3A_331 : vector<16xi32>
          %parallel_loop3A_333 = arith.constant 16 : i32
          %parallel_loop3A_334 = arith.muli %parallel_loop3A_220, %parallel_loop3A_333 : i32
          %parallel_loop3A_335 = arith.index_cast %parallel_loop3A_334 : i32 to index
          %parallel_loop3A_336 = tpu.vector_load %arg7[%parallel_loop3A_335] {strides = array<i32>} : memref<256xi32, #tpu.memory_space<vmem>>, vector<16xi32>,
          tpu.vector_store %arg7[%parallel_loop3A_335], %parallel_loop3A_332 {strides = array<i32>} : memref<256xi32, #tpu.memory_space<vmem>>, vector<16xi32>,
        } {sc.loop_unroll_factor = 2 : i64, sc.parallel_access}
        %scan3A_169 = arith.constant 0 : i32
        %scan3A_170 = arith.constant -1 : i32
        %scan3A_171 = arith.constant 0 : i32
        %scan3A_172 = arith.constant 0 : i32
        %scan3A_173 = arith.constant 16 : i32
        %scan3A_174 = arith.addi %scan3A_172, %scan3A_173 : i32
        %scan3A_175 = arith.constant 1 : i32
        %scan3A_176:3 = scf.for %scan3A_220 = %scan3A_172 to %scan3A_174 step %scan3A_175 iter_args(%scan3A_221 = %scan3A_169, %scan3A_222 = %scan3A_170, %scan3A_223 = %scan3A_171) -> (i32, i32, i32)  : i32 {
          %sub3A_224 = arith.constant 15 : i32
          %sub3A_225 = arith.subi %sub3A_224, %scan3A_220 : i32
          %mul3A_226 = arith.constant 16 : i32
          %mul3A_227 = arith.muli %sub3A_225, %mul3A_226 : i32
          %get3A_228 = arith.index_cast %mul3A_227 : i32 to index
          %get3A_229 = tpu.vector_load %arg7[%get3A_228] {strides = array<i32>} : memref<256xi32, #tpu.memory_space<vmem>>, vector<16xi32>,
          %reduce_sum3A = arith.constant true
          %reduce_sum3A_230 = vector.broadcast %reduce_sum3A : i1 to vector<16xi1>
          %reduce_sum3A_231 = tpu.scan <sum>, %get3A_229 masked %reduce_sum3A_230 : vector<16xi32>, vector<16xi1> -> vector<16xi32>
          %reduce_sum3A_232 = vector.extract %reduce_sum3A_231[15] : i32 from vector<16xi32>
          %broadcast_in_dim3A_233 = arith.constant true
          %broadcast_in_dim3A_234 = vector.broadcast %broadcast_in_dim3A_233 : i1 to vector<16xi1>
          %masked_cumsum3A = tpu.scan <sum>, %get3A_229 masked %broadcast_in_dim3A_234 : vector<16xi32>, vector<16xi1> -> vector<16xi32>
          %sub3A_235 = vector.broadcast %reduce_sum3A_232 : i32 to vector<16xi32>
          %sub3A_236 = arith.subi %sub3A_235, %masked_cumsum3A : vector<16xi32>
          %add3A_237 = vector.broadcast %scan3A_221 : i32 to vector<16xi32>
          %add3A_238 = arith.addi %add3A_237, %sub3A_236 : vector<16xi32>
          %add3A_239 = arith.addi %add3A_238, %get3A_229 : vector<16xi32>
          %ge3A = vector.broadcast %sub3A_36 : i32 to vector<16xi32>
          %ge3A_240 = arith.cmpi sge, %add3A_239, %ge3A : vector<16xi32>
          %jit3A = arith.constant -1 : i32
          %broadcast_in_dim3A_241 = vector.broadcast %jit3A : i32 to vector<16xi32>
          %select_n3A = arith.select %ge3A_240, %iota3A, %broadcast_in_dim3A_241 : vector<16xi1>, vector<16xi32>
          %reduce_max3A_242 = arith.constant true
          %reduce_max3A_243 = vector.broadcast %reduce_max3A_242 : i1 to vector<16xi1>
          %reduce_max3A_244 = arith.constant -2147483648 : i32
          %reduce_max3A_245 = vector.broadcast %reduce_max3A_244 : i32 to vector<16xi32>
          %reduce_max3A_246 = arith.xori %select_n3A, %reduce_max3A_245 : vector<16xi32>
          %reduce_max3A_247 = tpu.scan <max>, %reduce_max3A_246 masked %reduce_max3A_243 : vector<16xi32>, vector<16xi1> -> vector<16xi32>
          %reduce_max3A_248 = arith.xori %reduce_max3A_247, %reduce_max3A_245 : vector<16xi32>
          %reduce_max3A_249 = vector.extract %reduce_max3A_248[15] : i32 from vector<16xi32>
          %lt3A_250 = arith.constant 0 : i32
          %lt3A_251 = arith.cmpi slt, %scan3A_222, %lt3A_250 : i32
          %ge3A_252 = arith.constant 0 : i32
          %ge3A_253 = arith.cmpi sge, %reduce_max3A_249, %ge3A_252 : i32
          %and3A_254 = arith.andi %lt3A_251, %ge3A_253 : i1
          %gt3A_255 = vector.broadcast %reduce_max3A_249 : i32 to vector<16xi32>
          %gt3A_256 = arith.cmpi sgt, %iota3A, %gt3A_255 : vector<16xi32>
          %jit3A_257 = arith.constant 0 : i32
          %broadcast_in_dim3A_258 = vector.broadcast %jit3A_257 : i32 to vector<16xi32>
          %select_n3A_259 = arith.select %gt3A_256, %get3A_229, %broadcast_in_dim3A_258 : vector<16xi1>, vector<16xi32>
          %reduce_sum3A_260 = arith.constant true
          %reduce_sum3A_261 = vector.broadcast %reduce_sum3A_260 : i1 to vector<16xi1>
          %reduce_sum3A_262 = tpu.scan <sum>, %select_n3A_259 masked %reduce_sum3A_261 : vector<16xi32>, vector<16xi1> -> vector<16xi32>
          %reduce_sum3A_263 = vector.extract %reduce_sum3A_262[15] : i32 from vector<16xi32>
          %add3A_264 = arith.addi %scan3A_221, %reduce_sum3A_263 : i32
          %mul3A_265 = arith.constant 16 : i32
          %mul3A_266 = arith.muli %sub3A_225, %mul3A_265 : i32
          %add3A_267 = arith.addi %mul3A_266, %reduce_max3A_249 : i32
          %select_n3A_268 = arith.select %and3A_254, %add3A_267, %scan3A_222 : i32
          %select_n3A_269 = arith.select %and3A_254, %add3A_264, %scan3A_223 : i32
          %add3A_270 = arith.addi %scan3A_221, %reduce_sum3A_232 : i32
          scf.yield %add3A_270, %select_n3A_268, %select_n3A_269 : i32, i32, i32
        }
        %scan3A_177 = arith.constant 16 : i32
        %parallel_loop3A_178 = arith.constant 0 : i32
        %parallel_loop3A_179 = arith.constant 256 : i32
        %parallel_loop3A_180 = arith.constant 1 : i32
        scf.for %parallel_loop3A_220 = %parallel_loop3A_178 to %parallel_loop3A_179 step %parallel_loop3A_180  : i32 {
          %parallel_loop3A_221 = arith.constant 16 : i32
          %parallel_loop3A_222 = arith.muli %parallel_loop3A_220, %parallel_loop3A_221 : i32
          %parallel_loop3A_223 = arith.index_cast %parallel_loop3A_222 : i32 to index
          %parallel_loop3A_224 = tpu.vector_load %arg6[%parallel_loop3A_223] {strides = array<i32>} : memref<4096xi32, #tpu.memory_space<vmem>>, vector<16xi32>,
          tpu.vector_store %arg6[%parallel_loop3A_223], %broadcast_in_dim3A_1 {strides = array<i32>} : memref<4096xi32, #tpu.memory_space<vmem>>, vector<16xi32>,
        } {sc.loop_unroll_factor = 8 : i64, sc.parallel_access}
        %parallel_loop3A_181 = arith.constant 0 : i32
        %parallel_loop3A_182 = arith.constant 512 : i32
        %parallel_loop3A_183 = arith.constant 1 : i32
        scf.for %parallel_loop3A_220 = %parallel_loop3A_181 to %parallel_loop3A_182 step %parallel_loop3A_183  : i32 {
          %parallel_loop3A_221 = arith.constant 16 : i32
          %parallel_loop3A_222 = arith.muli %parallel_loop3A_220, %parallel_loop3A_221 : i32
          %parallel_loop3A_223 = arith.index_cast %parallel_loop3A_222 : i32 to index
          %parallel_loop3A_224 = tpu.vector_load %arg5[%parallel_loop3A_223] {strides = array<i32>} : memref<8192xi32, #tpu.memory_space<vmem>>, vector<16xi32>,
          %parallel_loop3A_225 = arith.constant 0 : i32
          %parallel_loop3A_226 = vector.broadcast %parallel_loop3A_225 : i32 to vector<16xi32>
          %parallel_loop3A_227 = arith.cmpi eq, %parallel_loop3A_224, %parallel_loop3A_226 : vector<16xi32>
          %parallel_loop3A_228 = arith.constant 16 : i32
          %parallel_loop3A_229 = vector.broadcast %parallel_loop3A_228 : i32 to vector<16xi32>
          %parallel_loop3A_230 = arith.shrsi %parallel_loop3A_224, %parallel_loop3A_229 : vector<16xi32>
          %parallel_loop3A_231 = arith.constant 255 : i32
          %parallel_loop3A_232 = vector.broadcast %parallel_loop3A_231 : i32 to vector<16xi32>
          %parallel_loop3A_233 = arith.andi %parallel_loop3A_230, %parallel_loop3A_232 : vector<16xi32>
          %parallel_loop3A_234 = arith.constant 1 : i32
          %parallel_loop3A_235 = vector.broadcast %parallel_loop3A_234 : i32 to vector<16xi32>
          %parallel_loop3A_236 = arith.addi %parallel_loop3A_233, %parallel_loop3A_235 : vector<16xi32>
          %parallel_loop3A_237 = arith.constant 0 : i32
          %parallel_loop3A_238 = vector.broadcast %parallel_loop3A_237 : i32 to vector<16xi32>
          %parallel_loop3A_239 = arith.select %parallel_loop3A_227, %parallel_loop3A_238, %parallel_loop3A_236 : vector<16xi1>, vector<16xi32>
          %parallel_loop3A_240 = arith.constant 255 : i32
          %parallel_loop3A_241 = vector.broadcast %parallel_loop3A_240 : i32 to vector<16xi32>
          %parallel_loop3A_242 = arith.andi %parallel_loop3A_224, %parallel_loop3A_241 : vector<16xi32>
          %parallel_loop3A_243 = vector.broadcast %scan3A_34#1 : i32 to vector<16xi32>
          %parallel_loop3A_244 = arith.cmpi eq, %parallel_loop3A_239, %parallel_loop3A_243 : vector<16xi32>
          %parallel_loop3A_245 = arith.constant 8 : i32
          %parallel_loop3A_246 = vector.broadcast %parallel_loop3A_245 : i32 to vector<16xi32>
          %parallel_loop3A_247 = arith.shrsi %parallel_loop3A_224, %parallel_loop3A_246 : vector<16xi32>
          %parallel_loop3A_248 = arith.constant 255 : i32
          %parallel_loop3A_249 = vector.broadcast %parallel_loop3A_248 : i32 to vector<16xi32>
          %parallel_loop3A_250 = arith.andi %parallel_loop3A_247, %parallel_loop3A_249 : vector<16xi32>
          %parallel_loop3A_251 = vector.broadcast %scan3A_176#1 : i32 to vector<16xi32>
          %parallel_loop3A_252 = arith.cmpi eq, %parallel_loop3A_250, %parallel_loop3A_251 : vector<16xi32>
          %parallel_loop3A_253 = arith.andi %parallel_loop3A_244, %parallel_loop3A_252 : vector<16xi1>
          %parallel_loop3A_254 = arith.constant 1 : i32
          %parallel_loop3A_255 = arith.constant 0 : i32
          %parallel_loop3A_256 = vector.broadcast %parallel_loop3A_254 : i32 to vector<16xi32>
          %parallel_loop3A_257 = vector.broadcast %parallel_loop3A_255 : i32 to vector<16xi32>
          %parallel_loop3A_258 = arith.select %parallel_loop3A_253, %parallel_loop3A_256, %parallel_loop3A_257 : vector<16xi1>, vector<16xi32>
          %parallel_loop3A_259 = arith.constant 256 : i32
          %parallel_loop3A_260 = vector.broadcast %parallel_loop3A_259 : i32 to vector<16xi32>
          %parallel_loop3A_261 = arith.muli %iota3A, %parallel_loop3A_260 : vector<16xi32>
          %parallel_loop3A_262 = arith.addi %parallel_loop3A_261, %parallel_loop3A_242 : vector<16xi32>
          tpu.vector_store_idx %arg6[%parallel_loop3A_262], %parallel_loop3A_258 {add = true} : memref<4096xi32, #tpu.memory_space<vmem>>[vector<16xi32>], vector<16xi32>,
        } {sc.loop_unroll_factor = 8 : i64, sc.parallel_access}
        %parallel_loop3A_184 = arith.constant 0 : i32
        %parallel_loop3A_185 = arith.constant 16 : i32
        %parallel_loop3A_186 = arith.constant 1 : i32
        scf.for %parallel_loop3A_220 = %parallel_loop3A_184 to %parallel_loop3A_185 step %parallel_loop3A_186  : i32 {
          %parallel_loop3A_221 = arith.constant 16 : i32
          %parallel_loop3A_222 = arith.muli %parallel_loop3A_220, %parallel_loop3A_221 : i32
          %parallel_loop3A_223 = arith.constant 0 : i32
          %parallel_loop3A_224 = arith.addi %parallel_loop3A_223, %parallel_loop3A_222 : i32
          %parallel_loop3A_225 = arith.index_cast %parallel_loop3A_224 : i32 to index
          %parallel_loop3A_226 = tpu.vector_load %arg6[%parallel_loop3A_225] {strides = array<i32>} : memref<4096xi32, #tpu.memory_space<vmem>>, vector<16xi32>,
          %parallel_loop3A_227 = arith.addi %broadcast_in_dim3A_1, %parallel_loop3A_226 : vector<16xi32>
          %parallel_loop3A_228 = arith.constant 16 : i32
          %parallel_loop3A_229 = arith.muli %parallel_loop3A_220, %parallel_loop3A_228 : i32
          %parallel_loop3A_230 = arith.constant 256 : i32
          %parallel_loop3A_231 = arith.addi %parallel_loop3A_230, %parallel_loop3A_229 : i32
          %parallel_loop3A_232 = arith.index_cast %parallel_loop3A_231 : i32 to index
          %parallel_loop3A_233 = tpu.vector_load %arg6[%parallel_loop3A_232] {strides = array<i32>} : memref<4096xi32, #tpu.memory_space<vmem>>, vector<16xi32>,
          %parallel_loop3A_234 = arith.addi %parallel_loop3A_227, %parallel_loop3A_233 : vector<16xi32>
          %parallel_loop3A_235 = arith.constant 16 : i32
          %parallel_loop3A_236 = arith.muli %parallel_loop3A_220, %parallel_loop3A_235 : i32
          %parallel_loop3A_237 = arith.constant 512 : i32
          %parallel_loop3A_238 = arith.addi %parallel_loop3A_237, %parallel_loop3A_236 : i32
          %parallel_loop3A_239 = arith.index_cast %parallel_loop3A_238 : i32 to index
          %parallel_loop3A_240 = tpu.vector_load %arg6[%parallel_loop3A_239] {strides = array<i32>} : memref<4096xi32, #tpu.memory_space<vmem>>, vector<16xi32>,
          %parallel_loop3A_241 = arith.addi %parallel_loop3A_234, %parallel_loop3A_240 : vector<16xi32>
          %parallel_loop3A_242 = arith.constant 16 : i32
          %parallel_loop3A_243 = arith.muli %parallel_loop3A_220, %parallel_loop3A_242 : i32
          %parallel_loop3A_244 = arith.constant 768 : i32
          %parallel_loop3A_245 = arith.addi %parallel_loop3A_244, %parallel_loop3A_243 : i32
          %parallel_loop3A_246 = arith.index_cast %parallel_loop3A_245 : i32 to index
          %parallel_loop3A_247 = tpu.vector_load %arg6[%parallel_loop3A_246] {strides = array<i32>} : memref<4096xi32, #tpu.memory_space<vmem>>, vector<16xi32>,
          %parallel_loop3A_248 = arith.addi %parallel_loop3A_241, %parallel_loop3A_247 : vector<16xi32>
          %parallel_loop3A_249 = arith.constant 16 : i32
          %parallel_loop3A_250 = arith.muli %parallel_loop3A_220, %parallel_loop3A_249 : i32
          %parallel_loop3A_251 = arith.constant 1024 : i32
          %parallel_loop3A_252 = arith.addi %parallel_loop3A_251, %parallel_loop3A_250 : i32
          %parallel_loop3A_253 = arith.index_cast %parallel_loop3A_252 : i32 to index
          %parallel_loop3A_254 = tpu.vector_load %arg6[%parallel_loop3A_253] {strides = array<i32>} : memref<4096xi32, #tpu.memory_space<vmem>>, vector<16xi32>,
          %parallel_loop3A_255 = arith.addi %parallel_loop3A_248, %parallel_loop3A_254 : vector<16xi32>
          %parallel_loop3A_256 = arith.constant 16 : i32
          %parallel_loop3A_257 = arith.muli %parallel_loop3A_220, %parallel_loop3A_256 : i32
          %parallel_loop3A_258 = arith.constant 1280 : i32
          %parallel_loop3A_259 = arith.addi %parallel_loop3A_258, %parallel_loop3A_257 : i32
          %parallel_loop3A_260 = arith.index_cast %parallel_loop3A_259 : i32 to index
          %parallel_loop3A_261 = tpu.vector_load %arg6[%parallel_loop3A_260] {strides = array<i32>} : memref<4096xi32, #tpu.memory_space<vmem>>, vector<16xi32>,
          %parallel_loop3A_262 = arith.addi %parallel_loop3A_255, %parallel_loop3A_261 : vector<16xi32>
          %parallel_loop3A_263 = arith.constant 16 : i32
          %parallel_loop3A_264 = arith.muli %parallel_loop3A_220, %parallel_loop3A_263 : i32
          %parallel_loop3A_265 = arith.constant 1536 : i32
          %parallel_loop3A_266 = arith.addi %parallel_loop3A_265, %parallel_loop3A_264 : i32
          %parallel_loop3A_267 = arith.index_cast %parallel_loop3A_266 : i32 to index
          %parallel_loop3A_268 = tpu.vector_load %arg6[%parallel_loop3A_267] {strides = array<i32>} : memref<4096xi32, #tpu.memory_space<vmem>>, vector<16xi32>,
          %parallel_loop3A_269 = arith.addi %parallel_loop3A_262, %parallel_loop3A_268 : vector<16xi32>
          %parallel_loop3A_270 = arith.constant 16 : i32
          %parallel_loop3A_271 = arith.muli %parallel_loop3A_220, %parallel_loop3A_270 : i32
          %parallel_loop3A_272 = arith.constant 1792 : i32
          %parallel_loop3A_273 = arith.addi %parallel_loop3A_272, %parallel_loop3A_271 : i32
          %parallel_loop3A_274 = arith.index_cast %parallel_loop3A_273 : i32 to index
          %parallel_loop3A_275 = tpu.vector_load %arg6[%parallel_loop3A_274] {strides = array<i32>} : memref<4096xi32, #tpu.memory_space<vmem>>, vector<16xi32>,
          %parallel_loop3A_276 = arith.addi %parallel_loop3A_269, %parallel_loop3A_275 : vector<16xi32>
          %parallel_loop3A_277 = arith.constant 16 : i32
          %parallel_loop3A_278 = arith.muli %parallel_loop3A_220, %parallel_loop3A_277 : i32
          %parallel_loop3A_279 = arith.constant 2048 : i32
          %parallel_loop3A_280 = arith.addi %parallel_loop3A_279, %parallel_loop3A_278 : i32
          %parallel_loop3A_281 = arith.index_cast %parallel_loop3A_280 : i32 to index
          %parallel_loop3A_282 = tpu.vector_load %arg6[%parallel_loop3A_281] {strides = array<i32>} : memref<4096xi32, #tpu.memory_space<vmem>>, vector<16xi32>,
          %parallel_loop3A_283 = arith.addi %parallel_loop3A_276, %parallel_loop3A_282 : vector<16xi32>
          %parallel_loop3A_284 = arith.constant 16 : i32
          %parallel_loop3A_285 = arith.muli %parallel_loop3A_220, %parallel_loop3A_284 : i32
          %parallel_loop3A_286 = arith.constant 2304 : i32
          %parallel_loop3A_287 = arith.addi %parallel_loop3A_286, %parallel_loop3A_285 : i32
          %parallel_loop3A_288 = arith.index_cast %parallel_loop3A_287 : i32 to index
          %parallel_loop3A_289 = tpu.vector_load %arg6[%parallel_loop3A_288] {strides = array<i32>} : memref<4096xi32, #tpu.memory_space<vmem>>, vector<16xi32>,
          %parallel_loop3A_290 = arith.addi %parallel_loop3A_283, %parallel_loop3A_289 : vector<16xi32>
          %parallel_loop3A_291 = arith.constant 16 : i32
          %parallel_loop3A_292 = arith.muli %parallel_loop3A_220, %parallel_loop3A_291 : i32
          %parallel_loop3A_293 = arith.constant 2560 : i32
          %parallel_loop3A_294 = arith.addi %parallel_loop3A_293, %parallel_loop3A_292 : i32
          %parallel_loop3A_295 = arith.index_cast %parallel_loop3A_294 : i32 to index
          %parallel_loop3A_296 = tpu.vector_load %arg6[%parallel_loop3A_295] {strides = array<i32>} : memref<4096xi32, #tpu.memory_space<vmem>>, vector<16xi32>,
          %parallel_loop3A_297 = arith.addi %parallel_loop3A_290, %parallel_loop3A_296 : vector<16xi32>
          %parallel_loop3A_298 = arith.constant 16 : i32
          %parallel_loop3A_299 = arith.muli %parallel_loop3A_220, %parallel_loop3A_298 : i32
          %parallel_loop3A_300 = arith.constant 2816 : i32
          %parallel_loop3A_301 = arith.addi %parallel_loop3A_300, %parallel_loop3A_299 : i32
          %parallel_loop3A_302 = arith.index_cast %parallel_loop3A_301 : i32 to index
          %parallel_loop3A_303 = tpu.vector_load %arg6[%parallel_loop3A_302] {strides = array<i32>} : memref<4096xi32, #tpu.memory_space<vmem>>, vector<16xi32>,
          %parallel_loop3A_304 = arith.addi %parallel_loop3A_297, %parallel_loop3A_303 : vector<16xi32>
          %parallel_loop3A_305 = arith.constant 16 : i32
          %parallel_loop3A_306 = arith.muli %parallel_loop3A_220, %parallel_loop3A_305 : i32
          %parallel_loop3A_307 = arith.constant 3072 : i32
          %parallel_loop3A_308 = arith.addi %parallel_loop3A_307, %parallel_loop3A_306 : i32
          %parallel_loop3A_309 = arith.index_cast %parallel_loop3A_308 : i32 to index
          %parallel_loop3A_310 = tpu.vector_load %arg6[%parallel_loop3A_309] {strides = array<i32>} : memref<4096xi32, #tpu.memory_space<vmem>>, vector<16xi32>,
          %parallel_loop3A_311 = arith.addi %parallel_loop3A_304, %parallel_loop3A_310 : vector<16xi32>
          %parallel_loop3A_312 = arith.constant 16 : i32
          %parallel_loop3A_313 = arith.muli %parallel_loop3A_220, %parallel_loop3A_312 : i32
          %parallel_loop3A_314 = arith.constant 3328 : i32
          %parallel_loop3A_315 = arith.addi %parallel_loop3A_314, %parallel_loop3A_313 : i32
          %parallel_loop3A_316 = arith.index_cast %parallel_loop3A_315 : i32 to index
          %parallel_loop3A_317 = tpu.vector_load %arg6[%parallel_loop3A_316] {strides = array<i32>} : memref<4096xi32, #tpu.memory_space<vmem>>, vector<16xi32>,
          %parallel_loop3A_318 = arith.addi %parallel_loop3A_311, %parallel_loop3A_317 : vector<16xi32>
          %parallel_loop3A_319 = arith.constant 16 : i32
          %parallel_loop3A_320 = arith.muli %parallel_loop3A_220, %parallel_loop3A_319 : i32
          %parallel_loop3A_321 = arith.constant 3584 : i32
          %parallel_loop3A_322 = arith.addi %parallel_loop3A_321, %parallel_loop3A_320 : i32
          %parallel_loop3A_323 = arith.index_cast %parallel_loop3A_322 : i32 to index
          %parallel_loop3A_324 = tpu.vector_load %arg6[%parallel_loop3A_323] {strides = array<i32>} : memref<4096xi32, #tpu.memory_space<vmem>>, vector<16xi32>,
          %parallel_loop3A_325 = arith.addi %parallel_loop3A_318, %parallel_loop3A_324 : vector<16xi32>
          %parallel_loop3A_326 = arith.constant 16 : i32
          %parallel_loop3A_327 = arith.muli %parallel_loop3A_220, %parallel_loop3A_326 : i32
          %parallel_loop3A_328 = arith.constant 3840 : i32
          %parallel_loop3A_329 = arith.addi %parallel_loop3A_328, %parallel_loop3A_327 : i32
          %parallel_loop3A_330 = arith.index_cast %parallel_loop3A_329 : i32 to index
          %parallel_loop3A_331 = tpu.vector_load %arg6[%parallel_loop3A_330] {strides = array<i32>} : memref<4096xi32, #tpu.memory_space<vmem>>, vector<16xi32>,
          %parallel_loop3A_332 = arith.addi %parallel_loop3A_325, %parallel_loop3A_331 : vector<16xi32>
          %parallel_loop3A_333 = arith.constant 16 : i32
          %parallel_loop3A_334 = arith.muli %parallel_loop3A_220, %parallel_loop3A_333 : i32
          %parallel_loop3A_335 = arith.index_cast %parallel_loop3A_334 : i32 to index
          %parallel_loop3A_336 = tpu.vector_load %arg7[%parallel_loop3A_335] {strides = array<i32>} : memref<256xi32, #tpu.memory_space<vmem>>, vector<16xi32>,
          tpu.vector_store %arg7[%parallel_loop3A_335], %parallel_loop3A_332 {strides = array<i32>} : memref<256xi32, #tpu.memory_space<vmem>>, vector<16xi32>,
        } {sc.loop_unroll_factor = 2 : i64, sc.parallel_access}
        %sub3A_187 = arith.subi %sub3A_36, %scan3A_176#2 : i32
        %scan3A_188 = arith.constant 0 : i32
        %scan3A_189 = arith.constant -1 : i32
        %scan3A_190 = arith.constant 0 : i32
        %scan3A_191 = arith.constant 0 : i32
        %scan3A_192 = arith.constant 16 : i32
        %scan3A_193 = arith.addi %scan3A_191, %scan3A_192 : i32
        %scan3A_194 = arith.constant 1 : i32
        %scan3A_195:3 = scf.for %scan3A_220 = %scan3A_191 to %scan3A_193 step %scan3A_194 iter_args(%scan3A_221 = %scan3A_188, %scan3A_222 = %scan3A_189, %scan3A_223 = %scan3A_190) -> (i32, i32, i32)  : i32 {
          %sub3A_224 = arith.constant 15 : i32
          %sub3A_225 = arith.subi %sub3A_224, %scan3A_220 : i32
          %mul3A_226 = arith.constant 16 : i32
          %mul3A_227 = arith.muli %sub3A_225, %mul3A_226 : i32
          %get3A_228 = arith.index_cast %mul3A_227 : i32 to index
          %get3A_229 = tpu.vector_load %arg7[%get3A_228] {strides = array<i32>} : memref<256xi32, #tpu.memory_space<vmem>>, vector<16xi32>,
          %reduce_sum3A = arith.constant true
          %reduce_sum3A_230 = vector.broadcast %reduce_sum3A : i1 to vector<16xi1>
          %reduce_sum3A_231 = tpu.scan <sum>, %get3A_229 masked %reduce_sum3A_230 : vector<16xi32>, vector<16xi1> -> vector<16xi32>
          %reduce_sum3A_232 = vector.extract %reduce_sum3A_231[15] : i32 from vector<16xi32>
          %broadcast_in_dim3A_233 = arith.constant true
          %broadcast_in_dim3A_234 = vector.broadcast %broadcast_in_dim3A_233 : i1 to vector<16xi1>
          %masked_cumsum3A = tpu.scan <sum>, %get3A_229 masked %broadcast_in_dim3A_234 : vector<16xi32>, vector<16xi1> -> vector<16xi32>
          %sub3A_235 = vector.broadcast %reduce_sum3A_232 : i32 to vector<16xi32>
          %sub3A_236 = arith.subi %sub3A_235, %masked_cumsum3A : vector<16xi32>
          %add3A_237 = vector.broadcast %scan3A_221 : i32 to vector<16xi32>
          %add3A_238 = arith.addi %add3A_237, %sub3A_236 : vector<16xi32>
          %add3A_239 = arith.addi %add3A_238, %get3A_229 : vector<16xi32>
          %ge3A = vector.broadcast %sub3A_187 : i32 to vector<16xi32>
          %ge3A_240 = arith.cmpi sge, %add3A_239, %ge3A : vector<16xi32>
          %jit3A = arith.constant -1 : i32
          %broadcast_in_dim3A_241 = vector.broadcast %jit3A : i32 to vector<16xi32>
          %select_n3A = arith.select %ge3A_240, %iota3A, %broadcast_in_dim3A_241 : vector<16xi1>, vector<16xi32>
          %reduce_max3A_242 = arith.constant true
          %reduce_max3A_243 = vector.broadcast %reduce_max3A_242 : i1 to vector<16xi1>
          %reduce_max3A_244 = arith.constant -2147483648 : i32
          %reduce_max3A_245 = vector.broadcast %reduce_max3A_244 : i32 to vector<16xi32>
          %reduce_max3A_246 = arith.xori %select_n3A, %reduce_max3A_245 : vector<16xi32>
          %reduce_max3A_247 = tpu.scan <max>, %reduce_max3A_246 masked %reduce_max3A_243 : vector<16xi32>, vector<16xi1> -> vector<16xi32>
          %reduce_max3A_248 = arith.xori %reduce_max3A_247, %reduce_max3A_245 : vector<16xi32>
          %reduce_max3A_249 = vector.extract %reduce_max3A_248[15] : i32 from vector<16xi32>
          %lt3A_250 = arith.constant 0 : i32
          %lt3A_251 = arith.cmpi slt, %scan3A_222, %lt3A_250 : i32
          %ge3A_252 = arith.constant 0 : i32
          %ge3A_253 = arith.cmpi sge, %reduce_max3A_249, %ge3A_252 : i32
          %and3A_254 = arith.andi %lt3A_251, %ge3A_253 : i1
          %gt3A_255 = vector.broadcast %reduce_max3A_249 : i32 to vector<16xi32>
          %gt3A_256 = arith.cmpi sgt, %iota3A, %gt3A_255 : vector<16xi32>
          %jit3A_257 = arith.constant 0 : i32
          %broadcast_in_dim3A_258 = vector.broadcast %jit3A_257 : i32 to vector<16xi32>
          %select_n3A_259 = arith.select %gt3A_256, %get3A_229, %broadcast_in_dim3A_258 : vector<16xi1>, vector<16xi32>
          %reduce_sum3A_260 = arith.constant true
          %reduce_sum3A_261 = vector.broadcast %reduce_sum3A_260 : i1 to vector<16xi1>
          %reduce_sum3A_262 = tpu.scan <sum>, %select_n3A_259 masked %reduce_sum3A_261 : vector<16xi32>, vector<16xi1> -> vector<16xi32>
          %reduce_sum3A_263 = vector.extract %reduce_sum3A_262[15] : i32 from vector<16xi32>
          %add3A_264 = arith.addi %scan3A_221, %reduce_sum3A_263 : i32
          %mul3A_265 = arith.constant 16 : i32
          %mul3A_266 = arith.muli %sub3A_225, %mul3A_265 : i32
          %add3A_267 = arith.addi %mul3A_266, %reduce_max3A_249 : i32
          %select_n3A_268 = arith.select %and3A_254, %add3A_267, %scan3A_222 : i32
          %select_n3A_269 = arith.select %and3A_254, %add3A_264, %scan3A_223 : i32
          %add3A_270 = arith.addi %scan3A_221, %reduce_sum3A_232 : i32
          scf.yield %add3A_270, %select_n3A_268, %select_n3A_269 : i32, i32, i32
        }
        %scan3A_196 = arith.constant 16 : i32
        %sub3A_197 = arith.constant 1 : i32
        %sub3A_198 = arith.subi %scan3A_34#1, %sub3A_197 : i32
        %shift_left3A = arith.constant 16 : i32
        %shift_left3A_199 = arith.shli %sub3A_198, %shift_left3A : i32
        %or3A_200 = arith.constant 1056964608 : i32
        %or3A_201 = arith.ori %or3A_200, %shift_left3A_199 : i32
        %shift_left3A_202 = arith.constant 8 : i32
        %shift_left3A_203 = arith.shli %scan3A_176#1, %shift_left3A_202 : i32
        %or3A_204 = arith.ori %or3A_201, %shift_left3A_203 : i32
        %or3A_205 = arith.ori %or3A_204, %scan3A_195#1 : i32
        %add3A_206 = vector.broadcast %scan3A_34#2 : i32 to vector<16xi32>
        %add3A_207 = arith.addi %broadcast_in_dim3A_1, %add3A_206 : vector<16xi32>
        %parallel_loop3A_208 = arith.constant 0 : i32
        %parallel_loop3A_209 = arith.constant 512 : i32
        %parallel_loop3A_210 = arith.constant 1 : i32
        %parallel_loop3A_211:2 = scf.for %parallel_loop3A_220 = %parallel_loop3A_208 to %parallel_loop3A_209 step %parallel_loop3A_210 iter_args(%parallel_loop3A_221 = %add3A_207, %parallel_loop3A_222 = %broadcast_in_dim3A_1) -> (vector<16xi32>, vector<16xi32>)  : i32 {
          %parallel_loop3A_223 = arith.constant 16 : i32
          %parallel_loop3A_224 = arith.muli %parallel_loop3A_220, %parallel_loop3A_223 : i32
          %parallel_loop3A_225 = arith.index_cast %parallel_loop3A_224 : i32 to index
          %parallel_loop3A_226 = tpu.vector_load %arg5[%parallel_loop3A_225] {strides = array<i32>} : memref<8192xi32, #tpu.memory_space<vmem>>, vector<16xi32>,
          %parallel_loop3A_227 = arith.constant 16 : i32
          %parallel_loop3A_228 = arith.muli %parallel_loop3A_220, %parallel_loop3A_227 : i32
          %parallel_loop3A_229 = vector.broadcast %parallel_loop3A_228 : i32 to vector<16xi32>
          %parallel_loop3A_230 = arith.addi %parallel_loop3A_229, %iota3A : vector<16xi32>
          %parallel_loop3A_231 = arith.constant 0 : i32
          %parallel_loop3A_232 = vector.broadcast %parallel_loop3A_231 : i32 to vector<16xi32>
          %parallel_loop3A_233 = arith.cmpi eq, %parallel_loop3A_226, %parallel_loop3A_232 : vector<16xi32>
          %parallel_loop3A_234 = arith.constant 16 : i32
          %parallel_loop3A_235 = vector.broadcast %parallel_loop3A_234 : i32 to vector<16xi32>
          %parallel_loop3A_236 = arith.shrsi %parallel_loop3A_226, %parallel_loop3A_235 : vector<16xi32>
          %parallel_loop3A_237 = arith.constant 255 : i32
          %parallel_loop3A_238 = vector.broadcast %parallel_loop3A_237 : i32 to vector<16xi32>
          %parallel_loop3A_239 = arith.andi %parallel_loop3A_236, %parallel_loop3A_238 : vector<16xi32>
          %parallel_loop3A_240 = arith.constant 1 : i32
          %parallel_loop3A_241 = vector.broadcast %parallel_loop3A_240 : i32 to vector<16xi32>
          %parallel_loop3A_242 = arith.addi %parallel_loop3A_239, %parallel_loop3A_241 : vector<16xi32>
          %parallel_loop3A_243 = arith.constant 0 : i32
          %parallel_loop3A_244 = vector.broadcast %parallel_loop3A_243 : i32 to vector<16xi32>
          %parallel_loop3A_245 = arith.select %parallel_loop3A_233, %parallel_loop3A_244, %parallel_loop3A_242 : vector<16xi1>, vector<16xi32>
          %parallel_loop3A_246 = vector.broadcast %scan3A_34#1 : i32 to vector<16xi32>
          %parallel_loop3A_247 = arith.cmpi eq, %parallel_loop3A_245, %parallel_loop3A_246 : vector<16xi32>
          %parallel_loop3A_248 = vector.broadcast %or3A_205 : i32 to vector<16xi32>
          %parallel_loop3A_249 = arith.cmpi sgt, %parallel_loop3A_226, %parallel_loop3A_248 : vector<16xi32>
          %parallel_loop3A_250 = arith.andi %parallel_loop3A_247, %parallel_loop3A_249 : vector<16xi1>
          %parallel_loop3A_251 = vector.broadcast %or3A_205 : i32 to vector<16xi32>
          %parallel_loop3A_252 = arith.cmpi eq, %parallel_loop3A_226, %parallel_loop3A_251 : vector<16xi32>
          %parallel_loop3A_253 = arith.extui %parallel_loop3A_250 : vector<16xi1> to vector<16xi32>
          %parallel_loop3A_254 = arith.constant true
          %parallel_loop3A_255 = vector.broadcast %parallel_loop3A_254 : i1 to vector<16xi1>
          %parallel_loop3A_256 = tpu.scan <sum>, %parallel_loop3A_253 masked %parallel_loop3A_255 : vector<16xi32>, vector<16xi1> -> vector<16xi32>
          %parallel_loop3A_257 = arith.addi %parallel_loop3A_221, %parallel_loop3A_256 : vector<16xi32>
          %parallel_loop3A_258 = arith.constant 1 : i32
          %parallel_loop3A_259 = vector.broadcast %parallel_loop3A_258 : i32 to vector<16xi32>
          %parallel_loop3A_260 = arith.subi %parallel_loop3A_257, %parallel_loop3A_259 : vector<16xi32>
          %parallel_loop3A_261 = arith.extui %parallel_loop3A_252 : vector<16xi1> to vector<16xi32>
          %parallel_loop3A_262 = arith.constant true
          %parallel_loop3A_263 = vector.broadcast %parallel_loop3A_262 : i1 to vector<16xi1>
          %parallel_loop3A_264 = tpu.scan <sum>, %parallel_loop3A_261 masked %parallel_loop3A_263 : vector<16xi32>, vector<16xi1> -> vector<16xi32>
          %parallel_loop3A_265 = arith.addi %parallel_loop3A_222, %parallel_loop3A_264 : vector<16xi32>
          %parallel_loop3A_266 = arith.constant 1 : i32
          %parallel_loop3A_267 = vector.broadcast %parallel_loop3A_266 : i32 to vector<16xi32>
          %parallel_loop3A_268 = arith.subi %parallel_loop3A_265, %parallel_loop3A_267 : vector<16xi32>
          tpu.vector_store_idx %arg8[%parallel_loop3A_260], %parallel_loop3A_226 masked %parallel_loop3A_250 : memref<144xi32, #tpu.memory_space<vmem>>[vector<16xi32>], vector<16xi32>, vector<16xi1>
          tpu.vector_store_idx %arg9[%parallel_loop3A_260], %parallel_loop3A_230 masked %parallel_loop3A_250 : memref<144xi32, #tpu.memory_space<vmem>>[vector<16xi32>], vector<16xi32>, vector<16xi1>
          %parallel_loop3A_269 = arith.constant 256 : i32
          %parallel_loop3A_270 = vector.broadcast %parallel_loop3A_269 : i32 to vector<16xi32>
          %parallel_loop3A_271 = arith.cmpi slt, %parallel_loop3A_268, %parallel_loop3A_270 : vector<16xi32>
          %parallel_loop3A_272 = arith.andi %parallel_loop3A_252, %parallel_loop3A_271 : vector<16xi1>
          tpu.vector_store_idx %arg11[%parallel_loop3A_268], %parallel_loop3A_230 masked %parallel_loop3A_272 : memref<272xi32, #tpu.memory_space<vmem>>[vector<16xi32>], vector<16xi32>, vector<16xi1>
          %parallel_loop3A_273 = tpu.all_reduce %parallel_loop3A_250 {dim = 0 : i64, kind = #tpu.reduction_kind<sum>} : vector<16xi1> -> vector<16xi32>
          %parallel_loop3A_274 = arith.addi %parallel_loop3A_221, %parallel_loop3A_273 : vector<16xi32>
          %parallel_loop3A_275 = tpu.all_reduce %parallel_loop3A_252 {dim = 0 : i64, kind = #tpu.reduction_kind<sum>} : vector<16xi1> -> vector<16xi32>
          %parallel_loop3A_276 = arith.addi %parallel_loop3A_222, %parallel_loop3A_275 : vector<16xi32>
          scf.yield %parallel_loop3A_274, %parallel_loop3A_276 : vector<16xi32>, vector<16xi32>
        } {sc.loop_unroll_factor = 4 : i64, sc.parallel_access}
        %add3A_212 = arith.addi %scan3A_34#2, %scan3A_176#2 : i32
        %add3A_213 = arith.addi %add3A_212, %scan3A_195#2 : i32
        %swap3A_214 = arith.constant 0 : i32
        %swap3A_215 = arith.index_cast %swap3A_214 : i32 to index
        %swap3A_216 = memref.load %arg14[%swap3A_215] : memref<2xi32, #tpu.memory_space<smem>>
        memref.store %add3A_213, %arg14[%swap3A_215] : memref<2xi32, #tpu.memory_space<smem>>
        %swap3A_217 = arith.constant 1 : i32
        %swap3A_218 = arith.index_cast %swap3A_217 : i32 to index
        %swap3A_219 = memref.load %arg14[%swap3A_218] : memref<2xi32, #tpu.memory_space<smem>>
        memref.store %or3A_205, %arg14[%swap3A_218] : memref<2xi32, #tpu.memory_space<smem>>
      } else {
      }
      %get3A = arith.constant 0 : i32
      %get3A_58 = arith.index_cast %get3A : i32 to index
      %get3A_59 = memref.load %arg14[%get3A_58] : memref<2xi32, #tpu.memory_space<smem>>
      %get3A_60 = arith.constant 1 : i32
      %get3A_61 = arith.index_cast %get3A_60 : i32 to index
      %get3A_62 = memref.load %arg14[%get3A_61] : memref<2xi32, #tpu.memory_space<smem>>
      %get3A_63 = arith.constant 0 : index
      %get3A_64 = tpu.vector_load %arg8[%get3A_63] {strides = array<i32>} : memref<144xi32, #tpu.memory_space<vmem>>, vector<16xi32>,
      %get3A_65 = arith.constant 16 : index
      %get3A_66 = tpu.vector_load %arg8[%get3A_65] {strides = array<i32>} : memref<144xi32, #tpu.memory_space<vmem>>, vector<16xi32>,
      %get3A_67 = arith.constant 32 : index
      %get3A_68 = tpu.vector_load %arg8[%get3A_67] {strides = array<i32>} : memref<144xi32, #tpu.memory_space<vmem>>, vector<16xi32>,
      %get3A_69 = arith.constant 48 : index
      %get3A_70 = tpu.vector_load %arg8[%get3A_69] {strides = array<i32>} : memref<144xi32, #tpu.memory_space<vmem>>, vector<16xi32>,
      %get3A_71 = arith.constant 64 : index
      %get3A_72 = tpu.vector_load %arg8[%get3A_71] {strides = array<i32>} : memref<144xi32, #tpu.memory_space<vmem>>, vector<16xi32>,
      %get3A_73 = arith.constant 80 : index
      %get3A_74 = tpu.vector_load %arg8[%get3A_73] {strides = array<i32>} : memref<144xi32, #tpu.memory_space<vmem>>, vector<16xi32>,
      %get3A_75 = arith.constant 96 : index
      %get3A_76 = tpu.vector_load %arg8[%get3A_75] {strides = array<i32>} : memref<144xi32, #tpu.memory_space<vmem>>, vector<16xi32>,
      %get3A_77 = arith.constant 112 : index
      %get3A_78 = tpu.vector_load %arg8[%get3A_77] {strides = array<i32>} : memref<144xi32, #tpu.memory_space<vmem>>, vector<16xi32>,
      %get3A_79 = arith.constant 128 : index
      %get3A_80 = tpu.vector_load %arg8[%get3A_79] {strides = array<i32>} : memref<144xi32, #tpu.memory_space<vmem>>, vector<16xi32>,
      %add3A_81 = arith.constant 0 : i32
      %add3A_82 = vector.broadcast %add3A_81 : i32 to vector<16xi32>
      %add3A_83 = arith.addi %add3A_82, %iota3A : vector<16xi32>
      %add3A_84 = arith.constant 16 : i32
      %add3A_85 = vector.broadcast %add3A_84 : i32 to vector<16xi32>
      %add3A_86 = arith.addi %add3A_85, %iota3A : vector<16xi32>
      %add3A_87 = arith.constant 32 : i32
      %add3A_88 = vector.broadcast %add3A_87 : i32 to vector<16xi32>
      %add3A_89 = arith.addi %add3A_88, %iota3A : vector<16xi32>
      %add3A_90 = arith.constant 48 : i32
      %add3A_91 = vector.broadcast %add3A_90 : i32 to vector<16xi32>
      %add3A_92 = arith.addi %add3A_91, %iota3A : vector<16xi32>
      %add3A_93 = arith.constant 64 : i32
      %add3A_94 = vector.broadcast %add3A_93 : i32 to vector<16xi32>
      %add3A_95 = arith.addi %add3A_94, %iota3A : vector<16xi32>
      %add3A_96 = arith.constant 80 : i32
      %add3A_97 = vector.broadcast %add3A_96 : i32 to vector<16xi32>
      %add3A_98 = arith.addi %add3A_97, %iota3A : vector<16xi32>
      %add3A_99 = arith.constant 96 : i32
      %add3A_100 = vector.broadcast %add3A_99 : i32 to vector<16xi32>
      %add3A_101 = arith.addi %add3A_100, %iota3A : vector<16xi32>
      %add3A_102 = arith.constant 112 : i32
      %add3A_103 = vector.broadcast %add3A_102 : i32 to vector<16xi32>
      %add3A_104 = arith.addi %add3A_103, %iota3A : vector<16xi32>
      %add3A_105 = arith.constant 128 : i32
      %add3A_106 = vector.broadcast %add3A_105 : i32 to vector<16xi32>
      %add3A_107 = arith.addi %add3A_106, %iota3A : vector<16xi32>
      %parallel_loop3A_108 = arith.constant 0 : i32
      %parallel_loop3A_109 = arith.constant 1 : i32
      %parallel_loop3A_110:9 = scf.for %parallel_loop3A_160 = %parallel_loop3A_108 to %get3A_59 step %parallel_loop3A_109 iter_args(%parallel_loop3A_161 = %broadcast_in_dim3A_1, %parallel_loop3A_162 = %broadcast_in_dim3A_1, %parallel_loop3A_163 = %broadcast_in_dim3A_1, %parallel_loop3A_164 = %broadcast_in_dim3A_1, %parallel_loop3A_165 = %broadcast_in_dim3A_1, %parallel_loop3A_166 = %broadcast_in_dim3A_1, %parallel_loop3A_167 = %broadcast_in_dim3A_1, %parallel_loop3A_168 = %broadcast_in_dim3A_1, %parallel_loop3A_169 = %broadcast_in_dim3A_1) -> (vector<16xi32>, vector<16xi32>, vector<16xi32>, vector<16xi32>, vector<16xi32>, vector<16xi32>, vector<16xi32>, vector<16xi32>, vector<16xi32>)  : i32 {
        %parallel_loop3A_170 = vector.broadcast %parallel_loop3A_160 : i32 to vector<16xi32>
        %parallel_loop3A_171 = arith.addi %broadcast_in_dim3A_1, %parallel_loop3A_170 : vector<16xi32>
        %parallel_loop3A_172 = tpu.vector_load_idx %arg8[%parallel_loop3A_171] : memref<144xi32, #tpu.memory_space<vmem>>[vector<16xi32>], vector<16xi32>,
        %parallel_loop3A_173 = arith.cmpi sgt, %parallel_loop3A_172, %get3A_64 : vector<16xi32>
        %parallel_loop3A_174 = arith.cmpi eq, %parallel_loop3A_172, %get3A_64 : vector<16xi32>
        %parallel_loop3A_175 = vector.broadcast %parallel_loop3A_160 : i32 to vector<16xi32>
        %parallel_loop3A_176 = arith.cmpi slt, %parallel_loop3A_175, %add3A_83 : vector<16xi32>
        %parallel_loop3A_177 = arith.andi %parallel_loop3A_174, %parallel_loop3A_176 : vector<16xi1>
        %parallel_loop3A_178 = arith.ori %parallel_loop3A_173, %parallel_loop3A_177 : vector<16xi1>
        %parallel_loop3A_179 = arith.extui %parallel_loop3A_178 : vector<16xi1> to vector<16xi32>
        %parallel_loop3A_180 = arith.addi %parallel_loop3A_161, %parallel_loop3A_179 : vector<16xi32>
        %parallel_loop3A_181 = arith.cmpi sgt, %parallel_loop3A_172, %get3A_66 : vector<16xi32>
        %parallel_loop3A_182 = arith.cmpi eq, %parallel_loop3A_172, %get3A_66 : vector<16xi32>
        %parallel_loop3A_183 = vector.broadcast %parallel_loop3A_160 : i32 to vector<16xi32>
        %parallel_loop3A_184 = arith.cmpi slt, %parallel_loop3A_183, %add3A_86 : vector<16xi32>
        %parallel_loop3A_185 = arith.andi %parallel_loop3A_182, %parallel_loop3A_184 : vector<16xi1>
        %parallel_loop3A_186 = arith.ori %parallel_loop3A_181, %parallel_loop3A_185 : vector<16xi1>
        %parallel_loop3A_187 = arith.extui %parallel_loop3A_186 : vector<16xi1> to vector<16xi32>
        %parallel_loop3A_188 = arith.addi %parallel_loop3A_162, %parallel_loop3A_187 : vector<16xi32>
        %parallel_loop3A_189 = arith.cmpi sgt, %parallel_loop3A_172, %get3A_68 : vector<16xi32>
        %parallel_loop3A_190 = arith.cmpi eq, %parallel_loop3A_172, %get3A_68 : vector<16xi32>
        %parallel_loop3A_191 = vector.broadcast %parallel_loop3A_160 : i32 to vector<16xi32>
        %parallel_loop3A_192 = arith.cmpi slt, %parallel_loop3A_191, %add3A_89 : vector<16xi32>
        %parallel_loop3A_193 = arith.andi %parallel_loop3A_190, %parallel_loop3A_192 : vector<16xi1>
        %parallel_loop3A_194 = arith.ori %parallel_loop3A_189, %parallel_loop3A_193 : vector<16xi1>
        %parallel_loop3A_195 = arith.extui %parallel_loop3A_194 : vector<16xi1> to vector<16xi32>
        %parallel_loop3A_196 = arith.addi %parallel_loop3A_163, %parallel_loop3A_195 : vector<16xi32>
        %parallel_loop3A_197 = arith.cmpi sgt, %parallel_loop3A_172, %get3A_70 : vector<16xi32>
        %parallel_loop3A_198 = arith.cmpi eq, %parallel_loop3A_172, %get3A_70 : vector<16xi32>
        %parallel_loop3A_199 = vector.broadcast %parallel_loop3A_160 : i32 to vector<16xi32>
        %parallel_loop3A_200 = arith.cmpi slt, %parallel_loop3A_199, %add3A_92 : vector<16xi32>
        %parallel_loop3A_201 = arith.andi %parallel_loop3A_198, %parallel_loop3A_200 : vector<16xi1>
        %parallel_loop3A_202 = arith.ori %parallel_loop3A_197, %parallel_loop3A_201 : vector<16xi1>
        %parallel_loop3A_203 = arith.extui %parallel_loop3A_202 : vector<16xi1> to vector<16xi32>
        %parallel_loop3A_204 = arith.addi %parallel_loop3A_164, %parallel_loop3A_203 : vector<16xi32>
        %parallel_loop3A_205 = arith.cmpi sgt, %parallel_loop3A_172, %get3A_72 : vector<16xi32>
        %parallel_loop3A_206 = arith.cmpi eq, %parallel_loop3A_172, %get3A_72 : vector<16xi32>
        %parallel_loop3A_207 = vector.broadcast %parallel_loop3A_160 : i32 to vector<16xi32>
        %parallel_loop3A_208 = arith.cmpi slt, %parallel_loop3A_207, %add3A_95 : vector<16xi32>
        %parallel_loop3A_209 = arith.andi %parallel_loop3A_206, %parallel_loop3A_208 : vector<16xi1>
        %parallel_loop3A_210 = arith.ori %parallel_loop3A_205, %parallel_loop3A_209 : vector<16xi1>
        %parallel_loop3A_211 = arith.extui %parallel_loop3A_210 : vector<16xi1> to vector<16xi32>
        %parallel_loop3A_212 = arith.addi %parallel_loop3A_165, %parallel_loop3A_211 : vector<16xi32>
        %parallel_loop3A_213 = arith.cmpi sgt, %parallel_loop3A_172, %get3A_74 : vector<16xi32>
        %parallel_loop3A_214 = arith.cmpi eq, %parallel_loop3A_172, %get3A_74 : vector<16xi32>
        %parallel_loop3A_215 = vector.broadcast %parallel_loop3A_160 : i32 to vector<16xi32>
        %parallel_loop3A_216 = arith.cmpi slt, %parallel_loop3A_215, %add3A_98 : vector<16xi32>
        %parallel_loop3A_217 = arith.andi %parallel_loop3A_214, %parallel_loop3A_216 : vector<16xi1>
        %parallel_loop3A_218 = arith.ori %parallel_loop3A_213, %parallel_loop3A_217 : vector<16xi1>
        %parallel_loop3A_219 = arith.extui %parallel_loop3A_218 : vector<16xi1> to vector<16xi32>
        %parallel_loop3A_220 = arith.addi %parallel_loop3A_166, %parallel_loop3A_219 : vector<16xi32>
        %parallel_loop3A_221 = arith.cmpi sgt, %parallel_loop3A_172, %get3A_76 : vector<16xi32>
        %parallel_loop3A_222 = arith.cmpi eq, %parallel_loop3A_172, %get3A_76 : vector<16xi32>
        %parallel_loop3A_223 = vector.broadcast %parallel_loop3A_160 : i32 to vector<16xi32>
        %parallel_loop3A_224 = arith.cmpi slt, %parallel_loop3A_223, %add3A_101 : vector<16xi32>
        %parallel_loop3A_225 = arith.andi %parallel_loop3A_222, %parallel_loop3A_224 : vector<16xi1>
        %parallel_loop3A_226 = arith.ori %parallel_loop3A_221, %parallel_loop3A_225 : vector<16xi1>
        %parallel_loop3A_227 = arith.extui %parallel_loop3A_226 : vector<16xi1> to vector<16xi32>
        %parallel_loop3A_228 = arith.addi %parallel_loop3A_167, %parallel_loop3A_227 : vector<16xi32>
        %parallel_loop3A_229 = arith.cmpi sgt, %parallel_loop3A_172, %get3A_78 : vector<16xi32>
        %parallel_loop3A_230 = arith.cmpi eq, %parallel_loop3A_172, %get3A_78 : vector<16xi32>
        %parallel_loop3A_231 = vector.broadcast %parallel_loop3A_160 : i32 to vector<16xi32>
        %parallel_loop3A_232 = arith.cmpi slt, %parallel_loop3A_231, %add3A_104 : vector<16xi32>
        %parallel_loop3A_233 = arith.andi %parallel_loop3A_230, %parallel_loop3A_232 : vector<16xi1>
        %parallel_loop3A_234 = arith.ori %parallel_loop3A_229, %parallel_loop3A_233 : vector<16xi1>
        %parallel_loop3A_235 = arith.extui %parallel_loop3A_234 : vector<16xi1> to vector<16xi32>
        %parallel_loop3A_236 = arith.addi %parallel_loop3A_168, %parallel_loop3A_235 : vector<16xi32>
        %parallel_loop3A_237 = arith.cmpi sgt, %parallel_loop3A_172, %get3A_80 : vector<16xi32>
        %parallel_loop3A_238 = arith.cmpi eq, %parallel_loop3A_172, %get3A_80 : vector<16xi32>
        %parallel_loop3A_239 = vector.broadcast %parallel_loop3A_160 : i32 to vector<16xi32>
        %parallel_loop3A_240 = arith.cmpi slt, %parallel_loop3A_239, %add3A_107 : vector<16xi32>
        %parallel_loop3A_241 = arith.andi %parallel_loop3A_238, %parallel_loop3A_240 : vector<16xi1>
        %parallel_loop3A_242 = arith.ori %parallel_loop3A_237, %parallel_loop3A_241 : vector<16xi1>
        %parallel_loop3A_243 = arith.extui %parallel_loop3A_242 : vector<16xi1> to vector<16xi32>
        %parallel_loop3A_244 = arith.addi %parallel_loop3A_169, %parallel_loop3A_243 : vector<16xi32>
        scf.yield %parallel_loop3A_180, %parallel_loop3A_188, %parallel_loop3A_196, %parallel_loop3A_204, %parallel_loop3A_212, %parallel_loop3A_220, %parallel_loop3A_228, %parallel_loop3A_236, %parallel_loop3A_244 : vector<16xi32>, vector<16xi32>, vector<16xi32>, vector<16xi32>, vector<16xi32>, vector<16xi32>, vector<16xi32>, vector<16xi32>, vector<16xi32>
      } {sc.loop_unroll_factor = 2 : i64, sc.parallel_access}
      %lt3A = vector.broadcast %get3A_59 : i32 to vector<16xi32>
      %lt3A_111 = arith.cmpi slt, %add3A_83, %lt3A : vector<16xi32>
      tpu.vector_store_idx %arg12[%parallel_loop3A_110#0], %get3A_64 masked %lt3A_111 : memref<128xi32, #tpu.memory_space<vmem>>[vector<16xi32>], vector<16xi32>, vector<16xi1>
      %get3A_112 = arith.constant 0 : index
      %get3A_113 = tpu.vector_load %arg9[%get3A_112] {strides = array<i32>} : memref<144xi32, #tpu.memory_space<vmem>>, vector<16xi32>,
      tpu.vector_store_idx %arg13[%parallel_loop3A_110#0], %get3A_113 masked %lt3A_111 : memref<128xi32, #tpu.memory_space<vmem>>[vector<16xi32>], vector<16xi32>, vector<16xi1>
      %lt3A_114 = vector.broadcast %get3A_59 : i32 to vector<16xi32>
      %lt3A_115 = arith.cmpi slt, %add3A_86, %lt3A_114 : vector<16xi32>
      tpu.vector_store_idx %arg12[%parallel_loop3A_110#1], %get3A_66 masked %lt3A_115 : memref<128xi32, #tpu.memory_space<vmem>>[vector<16xi32>], vector<16xi32>, vector<16xi1>
      %get3A_116 = arith.constant 16 : index
      %get3A_117 = tpu.vector_load %arg9[%get3A_116] {strides = array<i32>} : memref<144xi32, #tpu.memory_space<vmem>>, vector<16xi32>,
      tpu.vector_store_idx %arg13[%parallel_loop3A_110#1], %get3A_117 masked %lt3A_115 : memref<128xi32, #tpu.memory_space<vmem>>[vector<16xi32>], vector<16xi32>, vector<16xi1>
      %lt3A_118 = vector.broadcast %get3A_59 : i32 to vector<16xi32>
      %lt3A_119 = arith.cmpi slt, %add3A_89, %lt3A_118 : vector<16xi32>
      tpu.vector_store_idx %arg12[%parallel_loop3A_110#2], %get3A_68 masked %lt3A_119 : memref<128xi32, #tpu.memory_space<vmem>>[vector<16xi32>], vector<16xi32>, vector<16xi1>
      %get3A_120 = arith.constant 32 : index
      %get3A_121 = tpu.vector_load %arg9[%get3A_120] {strides = array<i32>} : memref<144xi32, #tpu.memory_space<vmem>>, vector<16xi32>,
      tpu.vector_store_idx %arg13[%parallel_loop3A_110#2], %get3A_121 masked %lt3A_119 : memref<128xi32, #tpu.memory_space<vmem>>[vector<16xi32>], vector<16xi32>, vector<16xi1>
      %lt3A_122 = vector.broadcast %get3A_59 : i32 to vector<16xi32>
      %lt3A_123 = arith.cmpi slt, %add3A_92, %lt3A_122 : vector<16xi32>
      tpu.vector_store_idx %arg12[%parallel_loop3A_110#3], %get3A_70 masked %lt3A_123 : memref<128xi32, #tpu.memory_space<vmem>>[vector<16xi32>], vector<16xi32>, vector<16xi1>
      %get3A_124 = arith.constant 48 : index
      %get3A_125 = tpu.vector_load %arg9[%get3A_124] {strides = array<i32>} : memref<144xi32, #tpu.memory_space<vmem>>, vector<16xi32>,
      tpu.vector_store_idx %arg13[%parallel_loop3A_110#3], %get3A_125 masked %lt3A_123 : memref<128xi32, #tpu.memory_space<vmem>>[vector<16xi32>], vector<16xi32>, vector<16xi1>
      %lt3A_126 = vector.broadcast %get3A_59 : i32 to vector<16xi32>
      %lt3A_127 = arith.cmpi slt, %add3A_95, %lt3A_126 : vector<16xi32>
      tpu.vector_store_idx %arg12[%parallel_loop3A_110#4], %get3A_72 masked %lt3A_127 : memref<128xi32, #tpu.memory_space<vmem>>[vector<16xi32>], vector<16xi32>, vector<16xi1>
      %get3A_128 = arith.constant 64 : index
      %get3A_129 = tpu.vector_load %arg9[%get3A_128] {strides = array<i32>} : memref<144xi32, #tpu.memory_space<vmem>>, vector<16xi32>,
      tpu.vector_store_idx %arg13[%parallel_loop3A_110#4], %get3A_129 masked %lt3A_127 : memref<128xi32, #tpu.memory_space<vmem>>[vector<16xi32>], vector<16xi32>, vector<16xi1>
      %lt3A_130 = vector.broadcast %get3A_59 : i32 to vector<16xi32>
      %lt3A_131 = arith.cmpi slt, %add3A_98, %lt3A_130 : vector<16xi32>
      tpu.vector_store_idx %arg12[%parallel_loop3A_110#5], %get3A_74 masked %lt3A_131 : memref<128xi32, #tpu.memory_space<vmem>>[vector<16xi32>], vector<16xi32>, vector<16xi1>
      %get3A_132 = arith.constant 80 : index
      %get3A_133 = tpu.vector_load %arg9[%get3A_132] {strides = array<i32>} : memref<144xi32, #tpu.memory_space<vmem>>, vector<16xi32>,
      tpu.vector_store_idx %arg13[%parallel_loop3A_110#5], %get3A_133 masked %lt3A_131 : memref<128xi32, #tpu.memory_space<vmem>>[vector<16xi32>], vector<16xi32>, vector<16xi1>
      %lt3A_134 = vector.broadcast %get3A_59 : i32 to vector<16xi32>
      %lt3A_135 = arith.cmpi slt, %add3A_101, %lt3A_134 : vector<16xi32>
      tpu.vector_store_idx %arg12[%parallel_loop3A_110#6], %get3A_76 masked %lt3A_135 : memref<128xi32, #tpu.memory_space<vmem>>[vector<16xi32>], vector<16xi32>, vector<16xi1>
      %get3A_136 = arith.constant 96 : index
      %get3A_137 = tpu.vector_load %arg9[%get3A_136] {strides = array<i32>} : memref<144xi32, #tpu.memory_space<vmem>>, vector<16xi32>,
      tpu.vector_store_idx %arg13[%parallel_loop3A_110#6], %get3A_137 masked %lt3A_135 : memref<128xi32, #tpu.memory_space<vmem>>[vector<16xi32>], vector<16xi32>, vector<16xi1>
      %lt3A_138 = vector.broadcast %get3A_59 : i32 to vector<16xi32>
      %lt3A_139 = arith.cmpi slt, %add3A_104, %lt3A_138 : vector<16xi32>
      tpu.vector_store_idx %arg12[%parallel_loop3A_110#7], %get3A_78 masked %lt3A_139 : memref<128xi32, #tpu.memory_space<vmem>>[vector<16xi32>], vector<16xi32>, vector<16xi1>
      %get3A_140 = arith.constant 112 : index
      %get3A_141 = tpu.vector_load %arg9[%get3A_140] {strides = array<i32>} : memref<144xi32, #tpu.memory_space<vmem>>, vector<16xi32>,
      tpu.vector_store_idx %arg13[%parallel_loop3A_110#7], %get3A_141 masked %lt3A_139 : memref<128xi32, #tpu.memory_space<vmem>>[vector<16xi32>], vector<16xi32>, vector<16xi1>
      %lt3A_142 = vector.broadcast %get3A_59 : i32 to vector<16xi32>
      %lt3A_143 = arith.cmpi slt, %add3A_107, %lt3A_142 : vector<16xi32>
      tpu.vector_store_idx %arg12[%parallel_loop3A_110#8], %get3A_80 masked %lt3A_143 : memref<128xi32, #tpu.memory_space<vmem>>[vector<16xi32>], vector<16xi32>, vector<16xi1>
      %get3A_144 = arith.constant 128 : index
      %get3A_145 = tpu.vector_load %arg9[%get3A_144] {strides = array<i32>} : memref<144xi32, #tpu.memory_space<vmem>>, vector<16xi32>,
      tpu.vector_store_idx %arg13[%parallel_loop3A_110#8], %get3A_145 masked %lt3A_143 : memref<128xi32, #tpu.memory_space<vmem>>[vector<16xi32>], vector<16xi32>, vector<16xi1>
      %gt3A_146 = arith.constant 0 : i32
      %gt3A_147 = arith.cmpi sgt, %scan3A_34#1, %gt3A_146 : i32
      %le3A = arith.constant 256 : i32
      %le3A_148 = arith.cmpi sle, %reduce_max3A_47, %le3A : i32
      %and3A_149 = arith.andi %gt3A_147, %le3A_148 : i1
      %convert_element_type3A_150 = arith.extui %and3A_149 : i1 to i32
      %cond3A_151 = arith.constant 0 : i32
      %cond3A_152 = arith.cmpi ne, %convert_element_type3A_150, %cond3A_151 : i32
      scf.if %cond3A_152 {
        %add3A_160 = arith.constant 15 : i32
        %add3A_161 = arith.addi %reduce_max3A_47, %add3A_160 : i32
        %jit3A = arith.constant 16 : i32
        %div3A = arith.divsi %add3A_161, %jit3A : i32
        %sign3A = arith.constant 0 : i32
        %sign3A_162 = arith.cmpi sgt, %add3A_161, %sign3A : i32
        %sign3A_163 = arith.extui %sign3A_162 : i1 to i32
        %sign3A_164 = arith.constant 0 : i32
        %sign3A_165 = arith.cmpi slt, %add3A_161, %sign3A_164 : i32
        %sign3A_166 = arith.extui %sign3A_165 : i1 to i32
        %sign3A_167 = arith.subi %sign3A_163, %sign3A_166 : i32
        %sign3A_168 = arith.constant 0 : i32
        %sign3A_169 = arith.cmpi sgt, %jit3A, %sign3A_168 : i32
        %sign3A_170 = arith.extui %sign3A_169 : i1 to i32
        %sign3A_171 = arith.constant 0 : i32
        %sign3A_172 = arith.cmpi slt, %jit3A, %sign3A_171 : i32
        %sign3A_173 = arith.extui %sign3A_172 : i1 to i32
        %sign3A_174 = arith.subi %sign3A_170, %sign3A_173 : i32
        %ne3A = arith.cmpi ne, %sign3A_167, %sign3A_174 : i32
        %rem3A = arith.remsi %add3A_161, %jit3A : i32
        %ne3A_175 = arith.constant 0 : i32
        %ne3A_176 = arith.cmpi ne, %rem3A, %ne3A_175 : i32
        %and3A_177 = arith.andi %ne3A, %ne3A_176 : i1
        %sub3A_178 = arith.constant 1 : i32
        %sub3A_179 = arith.subi %div3A, %sub3A_178 : i32
        %select_n3A = arith.select %and3A_177, %sub3A_179, %div3A : i32
        %while3A_180 = arith.constant 0 : i32
        %while3A_181 = arith.constant 0 : i32
        %while3A_182 = arith.subi %select_n3A, %while3A_180 : i32
        %while3A_183 = arith.addi %while3A_180, %while3A_182 : i32
        %while3A_184 = arith.constant 1 : i32
        %while3A_185 = arith.divsi %while3A_182, %while3A_184 : i32
        %while3A_186 = arith.muli %while3A_185, %while3A_184 : i32
        %while3A_187 = arith.addi %while3A_180, %while3A_186 : i32
        %while3A_188 = arith.constant 1 : i32
        %while3A_189 = scf.for %while3A_192 = %while3A_180 to %while3A_187 step %while3A_188 iter_args(%while3A_193 = %while3A_181) -> (i32)  : i32 {
          %mul3A_194 = arith.constant 16 : i32
          %mul3A_195 = arith.muli %while3A_192, %mul3A_194 : i32
          %get3A_196 = arith.index_cast %mul3A_195 : i32 to index
          %get3A_197 = tpu.vector_load %arg10[%get3A_196] {strides = array<i32>} : memref<272xi32, #tpu.memory_space<vmem>>, vector<16xi32>,
          %mul3A_198 = arith.constant 16 : i32
          %mul3A_199 = arith.muli %while3A_192, %mul3A_198 : i32
          %add3A_200 = vector.broadcast %mul3A_199 : i32 to vector<16xi32>
          %add3A_201 = arith.addi %add3A_200, %iota3A : vector<16xi32>
          %while3A_202 = arith.constant 0 : i32
          %while3A_203 = arith.subi %reduce_max3A_47, %while3A_202 : i32
          %while3A_204 = arith.addi %while3A_202, %while3A_203 : i32
          %while3A_205 = arith.constant 1 : i32
          %while3A_206 = arith.divsi %while3A_203, %while3A_205 : i32
          %while3A_207 = arith.muli %while3A_206, %while3A_205 : i32
          %while3A_208 = arith.addi %while3A_202, %while3A_207 : i32
          %while3A_209 = arith.constant 1 : i32
          %while3A_210 = scf.for %while3A_227 = %while3A_202 to %while3A_208 step %while3A_209 iter_args(%while3A_228 = %broadcast_in_dim3A_1) -> (vector<16xi32>)  : i32 {
            %add3A_229 = vector.broadcast %while3A_227 : i32 to vector<16xi32>
            %add3A_230 = arith.addi %broadcast_in_dim3A_1, %add3A_229 : vector<16xi32>
            %gather3A = tpu.vector_load_idx %arg10[%add3A_230] : memref<272xi32, #tpu.memory_space<vmem>>[vector<16xi32>], vector<16xi32>,
            %gt3A_231 = arith.cmpi sgt, %gather3A, %get3A_197 : vector<16xi32>
            %eq3A_232 = arith.cmpi eq, %gather3A, %get3A_197 : vector<16xi32>
            %lt3A_233 = vector.broadcast %while3A_227 : i32 to vector<16xi32>
            %lt3A_234 = arith.cmpi slt, %lt3A_233, %add3A_201 : vector<16xi32>
            %and3A_235 = arith.andi %eq3A_232, %lt3A_234 : vector<16xi1>
            %or3A_236 = arith.ori %gt3A_231, %and3A_235 : vector<16xi1>
            %convert_element_type3A_237 = arith.extui %or3A_236 : vector<16xi1> to vector<16xi32>
            %add3A_238 = arith.addi %while3A_228, %convert_element_type3A_237 : vector<16xi32>
            scf.yield %add3A_238 : vector<16xi32>
          }
          %while3A_211 = arith.constant 1 : i32
          %while3A_212 = scf.for %while3A_227 = %while3A_208 to %while3A_204 step %while3A_211 iter_args(%while3A_228 = %while3A_210) -> (vector<16xi32>)  : i32 {
            %add3A_229 = vector.broadcast %while3A_227 : i32 to vector<16xi32>
            %add3A_230 = arith.addi %broadcast_in_dim3A_1, %add3A_229 : vector<16xi32>
            %gather3A = tpu.vector_load_idx %arg10[%add3A_230] : memref<272xi32, #tpu.memory_space<vmem>>[vector<16xi32>], vector<16xi32>,
            %gt3A_231 = arith.cmpi sgt, %gather3A, %get3A_197 : vector<16xi32>
            %eq3A_232 = arith.cmpi eq, %gather3A, %get3A_197 : vector<16xi32>
            %lt3A_233 = vector.broadcast %while3A_227 : i32 to vector<16xi32>
            %lt3A_234 = arith.cmpi slt, %lt3A_233, %add3A_201 : vector<16xi32>
            %and3A_235 = arith.andi %eq3A_232, %lt3A_234 : vector<16xi1>
            %or3A_236 = arith.ori %gt3A_231, %and3A_235 : vector<16xi1>
            %convert_element_type3A_237 = arith.extui %or3A_236 : vector<16xi1> to vector<16xi32>
            %add3A_238 = arith.addi %while3A_228, %convert_element_type3A_237 : vector<16xi32>
            scf.yield %add3A_238 : vector<16xi32>
          }
          %lt3A_213 = vector.broadcast %reduce_max3A_47 : i32 to vector<16xi32>
          %lt3A_214 = arith.cmpi slt, %add3A_201, %lt3A_213 : vector<16xi32>
          %lt3A_215 = vector.broadcast %sub3A_36 : i32 to vector<16xi32>
          %lt3A_216 = arith.cmpi slt, %while3A_212, %lt3A_215 : vector<16xi32>
          %and3A_217 = arith.andi %lt3A_214, %lt3A_216 : vector<16xi1>
          %add3A_218 = vector.broadcast %scan3A_34#2 : i32 to vector<16xi32>
          %add3A_219 = arith.addi %add3A_218, %while3A_212 : vector<16xi32>
          tpu.vector_store_idx %arg12[%add3A_219], %get3A_197 masked %and3A_217 : memref<128xi32, #tpu.memory_space<vmem>>[vector<16xi32>], vector<16xi32>, vector<16xi1>
          %add3A_220 = vector.broadcast %scan3A_34#2 : i32 to vector<16xi32>
          %add3A_221 = arith.addi %add3A_220, %while3A_212 : vector<16xi32>
          %mul3A_222 = arith.constant 16 : i32
          %mul3A_223 = arith.muli %while3A_192, %mul3A_222 : i32
          %get3A_224 = arith.index_cast %mul3A_223 : i32 to index
          %get3A_225 = tpu.vector_load %arg11[%get3A_224] {strides = array<i32>} : memref<272xi32, #tpu.memory_space<vmem>>, vector<16xi32>,
          tpu.vector_store_idx %arg13[%add3A_221], %get3A_225 masked %and3A_217 : memref<128xi32, #tpu.memory_space<vmem>>[vector<16xi32>], vector<16xi32>, vector<16xi1>
          %while3A_226 = arith.constant 0 : i32
          scf.yield %while3A_226 : i32
        }
        %while3A_190 = arith.constant 1 : i32
        %while3A_191 = scf.for %while3A_192 = %while3A_187 to %while3A_183 step %while3A_190 iter_args(%while3A_193 = %while3A_189) -> (i32)  : i32 {
          %mul3A_194 = arith.constant 16 : i32
          %mul3A_195 = arith.muli %while3A_192, %mul3A_194 : i32
          %get3A_196 = arith.index_cast %mul3A_195 : i32 to index
          %get3A_197 = tpu.vector_load %arg10[%get3A_196] {strides = array<i32>} : memref<272xi32, #tpu.memory_space<vmem>>, vector<16xi32>,
          %mul3A_198 = arith.constant 16 : i32
          %mul3A_199 = arith.muli %while3A_192, %mul3A_198 : i32
          %add3A_200 = vector.broadcast %mul3A_199 : i32 to vector<16xi32>
          %add3A_201 = arith.addi %add3A_200, %iota3A : vector<16xi32>
          %while3A_202 = arith.constant 0 : i32
          %while3A_203 = arith.subi %reduce_max3A_47, %while3A_202 : i32
          %while3A_204 = arith.addi %while3A_202, %while3A_203 : i32
          %while3A_205 = arith.constant 1 : i32
          %while3A_206 = arith.divsi %while3A_203, %while3A_205 : i32
          %while3A_207 = arith.muli %while3A_206, %while3A_205 : i32
          %while3A_208 = arith.addi %while3A_202, %while3A_207 : i32
          %while3A_209 = arith.constant 1 : i32
          %while3A_210 = scf.for %while3A_227 = %while3A_202 to %while3A_208 step %while3A_209 iter_args(%while3A_228 = %broadcast_in_dim3A_1) -> (vector<16xi32>)  : i32 {
            %add3A_229 = vector.broadcast %while3A_227 : i32 to vector<16xi32>
            %add3A_230 = arith.addi %broadcast_in_dim3A_1, %add3A_229 : vector<16xi32>
            %gather3A = tpu.vector_load_idx %arg10[%add3A_230] : memref<272xi32, #tpu.memory_space<vmem>>[vector<16xi32>], vector<16xi32>,
            %gt3A_231 = arith.cmpi sgt, %gather3A, %get3A_197 : vector<16xi32>
            %eq3A_232 = arith.cmpi eq, %gather3A, %get3A_197 : vector<16xi32>
            %lt3A_233 = vector.broadcast %while3A_227 : i32 to vector<16xi32>
            %lt3A_234 = arith.cmpi slt, %lt3A_233, %add3A_201 : vector<16xi32>
            %and3A_235 = arith.andi %eq3A_232, %lt3A_234 : vector<16xi1>
            %or3A_236 = arith.ori %gt3A_231, %and3A_235 : vector<16xi1>
            %convert_element_type3A_237 = arith.extui %or3A_236 : vector<16xi1> to vector<16xi32>
            %add3A_238 = arith.addi %while3A_228, %convert_element_type3A_237 : vector<16xi32>
            scf.yield %add3A_238 : vector<16xi32>
          }
          %while3A_211 = arith.constant 1 : i32
          %while3A_212 = scf.for %while3A_227 = %while3A_208 to %while3A_204 step %while3A_211 iter_args(%while3A_228 = %while3A_210) -> (vector<16xi32>)  : i32 {
            %add3A_229 = vector.broadcast %while3A_227 : i32 to vector<16xi32>
            %add3A_230 = arith.addi %broadcast_in_dim3A_1, %add3A_229 : vector<16xi32>
            %gather3A = tpu.vector_load_idx %arg10[%add3A_230] : memref<272xi32, #tpu.memory_space<vmem>>[vector<16xi32>], vector<16xi32>,
            %gt3A_231 = arith.cmpi sgt, %gather3A, %get3A_197 : vector<16xi32>
            %eq3A_232 = arith.cmpi eq, %gather3A, %get3A_197 : vector<16xi32>
            %lt3A_233 = vector.broadcast %while3A_227 : i32 to vector<16xi32>
            %lt3A_234 = arith.cmpi slt, %lt3A_233, %add3A_201 : vector<16xi32>
            %and3A_235 = arith.andi %eq3A_232, %lt3A_234 : vector<16xi1>
            %or3A_236 = arith.ori %gt3A_231, %and3A_235 : vector<16xi1>
            %convert_element_type3A_237 = arith.extui %or3A_236 : vector<16xi1> to vector<16xi32>
            %add3A_238 = arith.addi %while3A_228, %convert_element_type3A_237 : vector<16xi32>
            scf.yield %add3A_238 : vector<16xi32>
          }
          %lt3A_213 = vector.broadcast %reduce_max3A_47 : i32 to vector<16xi32>
          %lt3A_214 = arith.cmpi slt, %add3A_201, %lt3A_213 : vector<16xi32>
          %lt3A_215 = vector.broadcast %sub3A_36 : i32 to vector<16xi32>
          %lt3A_216 = arith.cmpi slt, %while3A_212, %lt3A_215 : vector<16xi32>
          %and3A_217 = arith.andi %lt3A_214, %lt3A_216 : vector<16xi1>
          %add3A_218 = vector.broadcast %scan3A_34#2 : i32 to vector<16xi32>
          %add3A_219 = arith.addi %add3A_218, %while3A_212 : vector<16xi32>
          tpu.vector_store_idx %arg12[%add3A_219], %get3A_197 masked %and3A_217 : memref<128xi32, #tpu.memory_space<vmem>>[vector<16xi32>], vector<16xi32>, vector<16xi1>
          %add3A_220 = vector.broadcast %scan3A_34#2 : i32 to vector<16xi32>
          %add3A_221 = arith.addi %add3A_220, %while3A_212 : vector<16xi32>
          %mul3A_222 = arith.constant 16 : i32
          %mul3A_223 = arith.muli %while3A_192, %mul3A_222 : i32
          %get3A_224 = arith.index_cast %mul3A_223 : i32 to index
          %get3A_225 = tpu.vector_load %arg11[%get3A_224] {strides = array<i32>} : memref<272xi32, #tpu.memory_space<vmem>>, vector<16xi32>,
          tpu.vector_store_idx %arg13[%add3A_221], %get3A_225 masked %and3A_217 : memref<128xi32, #tpu.memory_space<vmem>>[vector<16xi32>], vector<16xi32>, vector<16xi1>
          %while3A_226 = arith.constant 0 : i32
          scf.yield %while3A_226 : i32
        }
      } else {
      }
      %eq3A = arith.constant 0 : i32
      %eq3A_153 = arith.cmpi eq, %scan3A_34#1, %eq3A : i32
      %gt3A_154 = arith.constant 256 : i32
      %gt3A_155 = arith.cmpi sgt, %reduce_max3A_47, %gt3A_154 : i32
      %or3A = arith.ori %eq3A_153, %gt3A_155 : i1
      %convert_element_type3A_156 = arith.extui %or3A : i1 to i32
      %cond3A_157 = arith.constant 0 : i32
      %cond3A_158 = arith.cmpi ne, %convert_element_type3A_156, %cond3A_157 : i32
      scf.if %cond3A_158 {
        %add3A_160 = arith.constant 0 : i32
        %add3A_161 = vector.broadcast %add3A_160 : i32 to vector<16xi32>
        %add3A_162 = arith.addi %add3A_161, %iota3A : vector<16xi32>
        %ge3A = vector.broadcast %get3A_59 : i32 to vector<16xi32>
        %ge3A_163 = arith.cmpi sge, %add3A_162, %ge3A : vector<16xi32>
        %sub3A_164 = vector.broadcast %get3A_59 : i32 to vector<16xi32>
        %sub3A_165 = arith.subi %add3A_162, %sub3A_164 : vector<16xi32>
        %jit3A = arith.constant 0 : i32
        %broadcast_in_dim3A_166 = vector.broadcast %jit3A : i32 to vector<16xi32>
        %select_n3A = arith.select %ge3A_163, %sub3A_165, %broadcast_in_dim3A_166 : vector<16xi1>, vector<16xi32>
        %gather3A = tpu.vector_load_idx %arg11[%select_n3A] masked %ge3A_163 : memref<272xi32, #tpu.memory_space<vmem>>[vector<16xi32>], vector<16xi32>, vector<16xi1>
        %get3A_167 = arith.constant 0 : index
        %get3A_168 = tpu.vector_load %arg12[%get3A_167] {strides = array<i32>} : memref<128xi32, #tpu.memory_space<vmem>>, vector<16xi32>,
        %get3A_169 = arith.constant 0 : index
        %get3A_170 = tpu.vector_load %arg13[%get3A_169] {strides = array<i32>} : memref<128xi32, #tpu.memory_space<vmem>>, vector<16xi32>,
        %broadcast_in_dim3A_171 = vector.broadcast %get3A_62 : i32 to vector<16xi32>
        %select_n3A_172 = arith.select %ge3A_163, %broadcast_in_dim3A_171, %get3A_168 : vector<16xi1>, vector<16xi32>
        %swap3A_173 = arith.constant 0 : index
        %swap3A_174 = tpu.vector_load %arg12[%swap3A_173] {strides = array<i32>} : memref<128xi32, #tpu.memory_space<vmem>>, vector<16xi32>,
        tpu.vector_store %arg12[%swap3A_173], %select_n3A_172 {strides = array<i32>} : memref<128xi32, #tpu.memory_space<vmem>>, vector<16xi32>,
        %select_n3A_175 = arith.select %ge3A_163, %gather3A, %get3A_170 : vector<16xi1>, vector<16xi32>
        %swap3A_176 = arith.constant 0 : index
        %swap3A_177 = tpu.vector_load %arg13[%swap3A_176] {strides = array<i32>} : memref<128xi32, #tpu.memory_space<vmem>>, vector<16xi32>,
        tpu.vector_store %arg13[%swap3A_176], %select_n3A_175 {strides = array<i32>} : memref<128xi32, #tpu.memory_space<vmem>>, vector<16xi32>,
        %add3A_178 = arith.constant 16 : i32
        %add3A_179 = vector.broadcast %add3A_178 : i32 to vector<16xi32>
        %add3A_180 = arith.addi %add3A_179, %iota3A : vector<16xi32>
        %ge3A_181 = vector.broadcast %get3A_59 : i32 to vector<16xi32>
        %ge3A_182 = arith.cmpi sge, %add3A_180, %ge3A_181 : vector<16xi32>
        %sub3A_183 = vector.broadcast %get3A_59 : i32 to vector<16xi32>
        %sub3A_184 = arith.subi %add3A_180, %sub3A_183 : vector<16xi32>
        %jit3A_185 = arith.constant 0 : i32
        %broadcast_in_dim3A_186 = vector.broadcast %jit3A_185 : i32 to vector<16xi32>
        %select_n3A_187 = arith.select %ge3A_182, %sub3A_184, %broadcast_in_dim3A_186 : vector<16xi1>, vector<16xi32>
        %gather3A_188 = tpu.vector_load_idx %arg11[%select_n3A_187] masked %ge3A_182 : memref<272xi32, #tpu.memory_space<vmem>>[vector<16xi32>], vector<16xi32>, vector<16xi1>
        %get3A_189 = arith.constant 16 : index
        %get3A_190 = tpu.vector_load %arg12[%get3A_189] {strides = array<i32>} : memref<128xi32, #tpu.memory_space<vmem>>, vector<16xi32>,
        %get3A_191 = arith.constant 16 : index
        %get3A_192 = tpu.vector_load %arg13[%get3A_191] {strides = array<i32>} : memref<128xi32, #tpu.memory_space<vmem>>, vector<16xi32>,
        %broadcast_in_dim3A_193 = vector.broadcast %get3A_62 : i32 to vector<16xi32>
        %select_n3A_194 = arith.select %ge3A_182, %broadcast_in_dim3A_193, %get3A_190 : vector<16xi1>, vector<16xi32>
        %swap3A_195 = arith.constant 16 : index
        %swap3A_196 = tpu.vector_load %arg12[%swap3A_195] {strides = array<i32>} : memref<128xi32, #tpu.memory_space<vmem>>, vector<16xi32>,
        tpu.vector_store %arg12[%swap3A_195], %select_n3A_194 {strides = array<i32>} : memref<128xi32, #tpu.memory_space<vmem>>, vector<16xi32>,
        %select_n3A_197 = arith.select %ge3A_182, %gather3A_188, %get3A_192 : vector<16xi1>, vector<16xi32>
        %swap3A_198 = arith.constant 16 : index
        %swap3A_199 = tpu.vector_load %arg13[%swap3A_198] {strides = array<i32>} : memref<128xi32, #tpu.memory_space<vmem>>, vector<16xi32>,
        tpu.vector_store %arg13[%swap3A_198], %select_n3A_197 {strides = array<i32>} : memref<128xi32, #tpu.memory_space<vmem>>, vector<16xi32>,
        %add3A_200 = arith.constant 32 : i32
        %add3A_201 = vector.broadcast %add3A_200 : i32 to vector<16xi32>
        %add3A_202 = arith.addi %add3A_201, %iota3A : vector<16xi32>
        %ge3A_203 = vector.broadcast %get3A_59 : i32 to vector<16xi32>
        %ge3A_204 = arith.cmpi sge, %add3A_202, %ge3A_203 : vector<16xi32>
        %sub3A_205 = vector.broadcast %get3A_59 : i32 to vector<16xi32>
        %sub3A_206 = arith.subi %add3A_202, %sub3A_205 : vector<16xi32>
        %jit3A_207 = arith.constant 0 : i32
        %broadcast_in_dim3A_208 = vector.broadcast %jit3A_207 : i32 to vector<16xi32>
        %select_n3A_209 = arith.select %ge3A_204, %sub3A_206, %broadcast_in_dim3A_208 : vector<16xi1>, vector<16xi32>
        %gather3A_210 = tpu.vector_load_idx %arg11[%select_n3A_209] masked %ge3A_204 : memref<272xi32, #tpu.memory_space<vmem>>[vector<16xi32>], vector<16xi32>, vector<16xi1>
        %get3A_211 = arith.constant 32 : index
        %get3A_212 = tpu.vector_load %arg12[%get3A_211] {strides = array<i32>} : memref<128xi32, #tpu.memory_space<vmem>>, vector<16xi32>,
        %get3A_213 = arith.constant 32 : index
        %get3A_214 = tpu.vector_load %arg13[%get3A_213] {strides = array<i32>} : memref<128xi32, #tpu.memory_space<vmem>>, vector<16xi32>,
        %broadcast_in_dim3A_215 = vector.broadcast %get3A_62 : i32 to vector<16xi32>
        %select_n3A_216 = arith.select %ge3A_204, %broadcast_in_dim3A_215, %get3A_212 : vector<16xi1>, vector<16xi32>
        %swap3A_217 = arith.constant 32 : index
        %swap3A_218 = tpu.vector_load %arg12[%swap3A_217] {strides = array<i32>} : memref<128xi32, #tpu.memory_space<vmem>>, vector<16xi32>,
        tpu.vector_store %arg12[%swap3A_217], %select_n3A_216 {strides = array<i32>} : memref<128xi32, #tpu.memory_space<vmem>>, vector<16xi32>,
        %select_n3A_219 = arith.select %ge3A_204, %gather3A_210, %get3A_214 : vector<16xi1>, vector<16xi32>
        %swap3A_220 = arith.constant 32 : index
        %swap3A_221 = tpu.vector_load %arg13[%swap3A_220] {strides = array<i32>} : memref<128xi32, #tpu.memory_space<vmem>>, vector<16xi32>,
        tpu.vector_store %arg13[%swap3A_220], %select_n3A_219 {strides = array<i32>} : memref<128xi32, #tpu.memory_space<vmem>>, vector<16xi32>,
        %add3A_222 = arith.constant 48 : i32
        %add3A_223 = vector.broadcast %add3A_222 : i32 to vector<16xi32>
        %add3A_224 = arith.addi %add3A_223, %iota3A : vector<16xi32>
        %ge3A_225 = vector.broadcast %get3A_59 : i32 to vector<16xi32>
        %ge3A_226 = arith.cmpi sge, %add3A_224, %ge3A_225 : vector<16xi32>
        %sub3A_227 = vector.broadcast %get3A_59 : i32 to vector<16xi32>
        %sub3A_228 = arith.subi %add3A_224, %sub3A_227 : vector<16xi32>
        %jit3A_229 = arith.constant 0 : i32
        %broadcast_in_dim3A_230 = vector.broadcast %jit3A_229 : i32 to vector<16xi32>
        %select_n3A_231 = arith.select %ge3A_226, %sub3A_228, %broadcast_in_dim3A_230 : vector<16xi1>, vector<16xi32>
        %gather3A_232 = tpu.vector_load_idx %arg11[%select_n3A_231] masked %ge3A_226 : memref<272xi32, #tpu.memory_space<vmem>>[vector<16xi32>], vector<16xi32>, vector<16xi1>
        %get3A_233 = arith.constant 48 : index
        %get3A_234 = tpu.vector_load %arg12[%get3A_233] {strides = array<i32>} : memref<128xi32, #tpu.memory_space<vmem>>, vector<16xi32>,
        %get3A_235 = arith.constant 48 : index
        %get3A_236 = tpu.vector_load %arg13[%get3A_235] {strides = array<i32>} : memref<128xi32, #tpu.memory_space<vmem>>, vector<16xi32>,
        %broadcast_in_dim3A_237 = vector.broadcast %get3A_62 : i32 to vector<16xi32>
        %select_n3A_238 = arith.select %ge3A_226, %broadcast_in_dim3A_237, %get3A_234 : vector<16xi1>, vector<16xi32>
        %swap3A_239 = arith.constant 48 : index
        %swap3A_240 = tpu.vector_load %arg12[%swap3A_239] {strides = array<i32>} : memref<128xi32, #tpu.memory_space<vmem>>, vector<16xi32>,
        tpu.vector_store %arg12[%swap3A_239], %select_n3A_238 {strides = array<i32>} : memref<128xi32, #tpu.memory_space<vmem>>, vector<16xi32>,
        %select_n3A_241 = arith.select %ge3A_226, %gather3A_232, %get3A_236 : vector<16xi1>, vector<16xi32>
        %swap3A_242 = arith.constant 48 : index
        %swap3A_243 = tpu.vector_load %arg13[%swap3A_242] {strides = array<i32>} : memref<128xi32, #tpu.memory_space<vmem>>, vector<16xi32>,
        tpu.vector_store %arg13[%swap3A_242], %select_n3A_241 {strides = array<i32>} : memref<128xi32, #tpu.memory_space<vmem>>, vector<16xi32>,
        %add3A_244 = arith.constant 64 : i32
        %add3A_245 = vector.broadcast %add3A_244 : i32 to vector<16xi32>
        %add3A_246 = arith.addi %add3A_245, %iota3A : vector<16xi32>
        %ge3A_247 = vector.broadcast %get3A_59 : i32 to vector<16xi32>
        %ge3A_248 = arith.cmpi sge, %add3A_246, %ge3A_247 : vector<16xi32>
        %sub3A_249 = vector.broadcast %get3A_59 : i32 to vector<16xi32>
        %sub3A_250 = arith.subi %add3A_246, %sub3A_249 : vector<16xi32>
        %jit3A_251 = arith.constant 0 : i32
        %broadcast_in_dim3A_252 = vector.broadcast %jit3A_251 : i32 to vector<16xi32>
        %select_n3A_253 = arith.select %ge3A_248, %sub3A_250, %broadcast_in_dim3A_252 : vector<16xi1>, vector<16xi32>
        %gather3A_254 = tpu.vector_load_idx %arg11[%select_n3A_253] masked %ge3A_248 : memref<272xi32, #tpu.memory_space<vmem>>[vector<16xi32>], vector<16xi32>, vector<16xi1>
        %get3A_255 = arith.constant 64 : index
        %get3A_256 = tpu.vector_load %arg12[%get3A_255] {strides = array<i32>} : memref<128xi32, #tpu.memory_space<vmem>>, vector<16xi32>,
        %get3A_257 = arith.constant 64 : index
        %get3A_258 = tpu.vector_load %arg13[%get3A_257] {strides = array<i32>} : memref<128xi32, #tpu.memory_space<vmem>>, vector<16xi32>,
        %broadcast_in_dim3A_259 = vector.broadcast %get3A_62 : i32 to vector<16xi32>
        %select_n3A_260 = arith.select %ge3A_248, %broadcast_in_dim3A_259, %get3A_256 : vector<16xi1>, vector<16xi32>
        %swap3A_261 = arith.constant 64 : index
        %swap3A_262 = tpu.vector_load %arg12[%swap3A_261] {strides = array<i32>} : memref<128xi32, #tpu.memory_space<vmem>>, vector<16xi32>,
        tpu.vector_store %arg12[%swap3A_261], %select_n3A_260 {strides = array<i32>} : memref<128xi32, #tpu.memory_space<vmem>>, vector<16xi32>,
        %select_n3A_263 = arith.select %ge3A_248, %gather3A_254, %get3A_258 : vector<16xi1>, vector<16xi32>
        %swap3A_264 = arith.constant 64 : index
        %swap3A_265 = tpu.vector_load %arg13[%swap3A_264] {strides = array<i32>} : memref<128xi32, #tpu.memory_space<vmem>>, vector<16xi32>,
        tpu.vector_store %arg13[%swap3A_264], %select_n3A_263 {strides = array<i32>} : memref<128xi32, #tpu.memory_space<vmem>>, vector<16xi32>,
        %add3A_266 = arith.constant 80 : i32
        %add3A_267 = vector.broadcast %add3A_266 : i32 to vector<16xi32>
        %add3A_268 = arith.addi %add3A_267, %iota3A : vector<16xi32>
        %ge3A_269 = vector.broadcast %get3A_59 : i32 to vector<16xi32>
        %ge3A_270 = arith.cmpi sge, %add3A_268, %ge3A_269 : vector<16xi32>
        %sub3A_271 = vector.broadcast %get3A_59 : i32 to vector<16xi32>
        %sub3A_272 = arith.subi %add3A_268, %sub3A_271 : vector<16xi32>
        %jit3A_273 = arith.constant 0 : i32
        %broadcast_in_dim3A_274 = vector.broadcast %jit3A_273 : i32 to vector<16xi32>
        %select_n3A_275 = arith.select %ge3A_270, %sub3A_272, %broadcast_in_dim3A_274 : vector<16xi1>, vector<16xi32>
        %gather3A_276 = tpu.vector_load_idx %arg11[%select_n3A_275] masked %ge3A_270 : memref<272xi32, #tpu.memory_space<vmem>>[vector<16xi32>], vector<16xi32>, vector<16xi1>
        %get3A_277 = arith.constant 80 : index
        %get3A_278 = tpu.vector_load %arg12[%get3A_277] {strides = array<i32>} : memref<128xi32, #tpu.memory_space<vmem>>, vector<16xi32>,
        %get3A_279 = arith.constant 80 : index
        %get3A_280 = tpu.vector_load %arg13[%get3A_279] {strides = array<i32>} : memref<128xi32, #tpu.memory_space<vmem>>, vector<16xi32>,
        %broadcast_in_dim3A_281 = vector.broadcast %get3A_62 : i32 to vector<16xi32>
        %select_n3A_282 = arith.select %ge3A_270, %broadcast_in_dim3A_281, %get3A_278 : vector<16xi1>, vector<16xi32>
        %swap3A_283 = arith.constant 80 : index
        %swap3A_284 = tpu.vector_load %arg12[%swap3A_283] {strides = array<i32>} : memref<128xi32, #tpu.memory_space<vmem>>, vector<16xi32>,
        tpu.vector_store %arg12[%swap3A_283], %select_n3A_282 {strides = array<i32>} : memref<128xi32, #tpu.memory_space<vmem>>, vector<16xi32>,
        %select_n3A_285 = arith.select %ge3A_270, %gather3A_276, %get3A_280 : vector<16xi1>, vector<16xi32>
        %swap3A_286 = arith.constant 80 : index
        %swap3A_287 = tpu.vector_load %arg13[%swap3A_286] {strides = array<i32>} : memref<128xi32, #tpu.memory_space<vmem>>, vector<16xi32>,
        tpu.vector_store %arg13[%swap3A_286], %select_n3A_285 {strides = array<i32>} : memref<128xi32, #tpu.memory_space<vmem>>, vector<16xi32>,
        %add3A_288 = arith.constant 96 : i32
        %add3A_289 = vector.broadcast %add3A_288 : i32 to vector<16xi32>
        %add3A_290 = arith.addi %add3A_289, %iota3A : vector<16xi32>
        %ge3A_291 = vector.broadcast %get3A_59 : i32 to vector<16xi32>
        %ge3A_292 = arith.cmpi sge, %add3A_290, %ge3A_291 : vector<16xi32>
        %sub3A_293 = vector.broadcast %get3A_59 : i32 to vector<16xi32>
        %sub3A_294 = arith.subi %add3A_290, %sub3A_293 : vector<16xi32>
        %jit3A_295 = arith.constant 0 : i32
        %broadcast_in_dim3A_296 = vector.broadcast %jit3A_295 : i32 to vector<16xi32>
        %select_n3A_297 = arith.select %ge3A_292, %sub3A_294, %broadcast_in_dim3A_296 : vector<16xi1>, vector<16xi32>
        %gather3A_298 = tpu.vector_load_idx %arg11[%select_n3A_297] masked %ge3A_292 : memref<272xi32, #tpu.memory_space<vmem>>[vector<16xi32>], vector<16xi32>, vector<16xi1>
        %get3A_299 = arith.constant 96 : index
        %get3A_300 = tpu.vector_load %arg12[%get3A_299] {strides = array<i32>} : memref<128xi32, #tpu.memory_space<vmem>>, vector<16xi32>,
        %get3A_301 = arith.constant 96 : index
        %get3A_302 = tpu.vector_load %arg13[%get3A_301] {strides = array<i32>} : memref<128xi32, #tpu.memory_space<vmem>>, vector<16xi32>,
        %broadcast_in_dim3A_303 = vector.broadcast %get3A_62 : i32 to vector<16xi32>
        %select_n3A_304 = arith.select %ge3A_292, %broadcast_in_dim3A_303, %get3A_300 : vector<16xi1>, vector<16xi32>
        %swap3A_305 = arith.constant 96 : index
        %swap3A_306 = tpu.vector_load %arg12[%swap3A_305] {strides = array<i32>} : memref<128xi32, #tpu.memory_space<vmem>>, vector<16xi32>,
        tpu.vector_store %arg12[%swap3A_305], %select_n3A_304 {strides = array<i32>} : memref<128xi32, #tpu.memory_space<vmem>>, vector<16xi32>,
        %select_n3A_307 = arith.select %ge3A_292, %gather3A_298, %get3A_302 : vector<16xi1>, vector<16xi32>
        %swap3A_308 = arith.constant 96 : index
        %swap3A_309 = tpu.vector_load %arg13[%swap3A_308] {strides = array<i32>} : memref<128xi32, #tpu.memory_space<vmem>>, vector<16xi32>,
        tpu.vector_store %arg13[%swap3A_308], %select_n3A_307 {strides = array<i32>} : memref<128xi32, #tpu.memory_space<vmem>>, vector<16xi32>,
        %add3A_310 = arith.constant 112 : i32
        %add3A_311 = vector.broadcast %add3A_310 : i32 to vector<16xi32>
        %add3A_312 = arith.addi %add3A_311, %iota3A : vector<16xi32>
        %ge3A_313 = vector.broadcast %get3A_59 : i32 to vector<16xi32>
        %ge3A_314 = arith.cmpi sge, %add3A_312, %ge3A_313 : vector<16xi32>
        %sub3A_315 = vector.broadcast %get3A_59 : i32 to vector<16xi32>
        %sub3A_316 = arith.subi %add3A_312, %sub3A_315 : vector<16xi32>
        %jit3A_317 = arith.constant 0 : i32
        %broadcast_in_dim3A_318 = vector.broadcast %jit3A_317 : i32 to vector<16xi32>
        %select_n3A_319 = arith.select %ge3A_314, %sub3A_316, %broadcast_in_dim3A_318 : vector<16xi1>, vector<16xi32>
        %gather3A_320 = tpu.vector_load_idx %arg11[%select_n3A_319] masked %ge3A_314 : memref<272xi32, #tpu.memory_space<vmem>>[vector<16xi32>], vector<16xi32>, vector<16xi1>
        %get3A_321 = arith.constant 112 : index
        %get3A_322 = tpu.vector_load %arg12[%get3A_321] {strides = array<i32>} : memref<128xi32, #tpu.memory_space<vmem>>, vector<16xi32>,
        %get3A_323 = arith.constant 112 : index
        %get3A_324 = tpu.vector_load %arg13[%get3A_323] {strides = array<i32>} : memref<128xi32, #tpu.memory_space<vmem>>, vector<16xi32>,
        %broadcast_in_dim3A_325 = vector.broadcast %get3A_62 : i32 to vector<16xi32>
        %select_n3A_326 = arith.select %ge3A_314, %broadcast_in_dim3A_325, %get3A_322 : vector<16xi1>, vector<16xi32>
        %swap3A_327 = arith.constant 112 : index
        %swap3A_328 = tpu.vector_load %arg12[%swap3A_327] {strides = array<i32>} : memref<128xi32, #tpu.memory_space<vmem>>, vector<16xi32>,
        tpu.vector_store %arg12[%swap3A_327], %select_n3A_326 {strides = array<i32>} : memref<128xi32, #tpu.memory_space<vmem>>, vector<16xi32>,
        %select_n3A_329 = arith.select %ge3A_314, %gather3A_320, %get3A_324 : vector<16xi1>, vector<16xi32>
        %swap3A_330 = arith.constant 112 : index
        %swap3A_331 = tpu.vector_load %arg13[%swap3A_330] {strides = array<i32>} : memref<128xi32, #tpu.memory_space<vmem>>, vector<16xi32>,
        tpu.vector_store %arg13[%swap3A_330], %select_n3A_329 {strides = array<i32>} : memref<128xi32, #tpu.memory_space<vmem>>, vector<16xi32>,
      } else {
      }
      "tpu.region"() ({
        %run_scoped3A = tpu.sem_alloc : memref<!tpu.dma_semaphore, #tpu.memory_space<semaphore_mem>>
        %dma_start3A = arith.constant 0 : i32
        %dma_start3A_160 = tpu.memref_slice %arg3[%while3A_18, %dma_start3A] : memref<64x128xi32, #tpu.memory_space<hbm>> -> memref<1x128xi32, #tpu.memory_space<hbm>>
        %dma_start3A_161 = tpu.memref_squeeze %dma_start3A_160 : memref<1x128xi32, #tpu.memory_space<hbm>> -> memref<128xi32, #tpu.memory_space<hbm>>
        %dma_start3A_162 = arith.constant 0 : i32
        %dma_start3A_163 = tpu.memref_slice %arg3[%while3A_18, %dma_start3A_162] : memref<64x128xi32, #tpu.memory_space<hbm>> -> memref<1x128xi32, #tpu.memory_space<hbm>>
        %dma_start3A_164 = tpu.memref_squeeze %dma_start3A_163 : memref<1x128xi32, #tpu.memory_space<hbm>> -> memref<128xi32, #tpu.memory_space<hbm>>
        tpu.enqueue_dma source(%arg12 : memref<128xi32, #tpu.memory_space<vmem>>) target(%dma_start3A_164 : memref<128xi32, #tpu.memory_space<hbm>>) target_semaphore(%run_scoped3A : memref<!tpu.dma_semaphore, #tpu.memory_space<semaphore_mem>>)
        %dma_wait3A = arith.constant 0 : i32
        %dma_wait3A_165 = tpu.memref_slice %arg3[%while3A_18, %dma_wait3A] : memref<64x128xi32, #tpu.memory_space<hbm>> -> memref<1x128xi32, #tpu.memory_space<hbm>>
        %dma_wait3A_166 = tpu.memref_squeeze %dma_wait3A_165 : memref<1x128xi32, #tpu.memory_space<hbm>> -> memref<128xi32, #tpu.memory_space<hbm>>
        %dma_wait3A_167 = arith.constant 0 : i32
        %dma_wait3A_168 = tpu.memref_slice %arg3[%while3A_18, %dma_wait3A_167] : memref<64x128xi32, #tpu.memory_space<hbm>> -> memref<1x128xi32, #tpu.memory_space<hbm>>
        %dma_wait3A_169 = tpu.memref_squeeze %dma_wait3A_168 : memref<1x128xi32, #tpu.memory_space<hbm>> -> memref<128xi32, #tpu.memory_space<hbm>>
        tpu.wait_dma2 semaphore(%run_scoped3A : memref<!tpu.dma_semaphore, #tpu.memory_space<semaphore_mem>>) src(%arg12 : memref<128xi32, #tpu.memory_space<vmem>>) dst(%dma_wait3A_169 : memref<128xi32, #tpu.memory_space<hbm>>)
        tpu.yield
      }) : () -> ()
      "tpu.region"() ({
        %run_scoped3A = tpu.sem_alloc : memref<!tpu.dma_semaphore, #tpu.memory_space<semaphore_mem>>
        %dma_start3A = arith.constant 0 : i32
        %dma_start3A_160 = tpu.memref_slice %arg4[%while3A_18, %dma_start3A] : memref<64x128xi32, #tpu.memory_space<hbm>> -> memref<1x128xi32, #tpu.memory_space<hbm>>
        %dma_start3A_161 = tpu.memref_squeeze %dma_start3A_160 : memref<1x128xi32, #tpu.memory_space<hbm>> -> memref<128xi32, #tpu.memory_space<hbm>>
        %dma_start3A_162 = arith.constant 0 : i32
        %dma_start3A_163 = tpu.memref_slice %arg4[%while3A_18, %dma_start3A_162] : memref<64x128xi32, #tpu.memory_space<hbm>> -> memref<1x128xi32, #tpu.memory_space<hbm>>
        %dma_start3A_164 = tpu.memref_squeeze %dma_start3A_163 : memref<1x128xi32, #tpu.memory_space<hbm>> -> memref<128xi32, #tpu.memory_space<hbm>>
        tpu.enqueue_dma source(%arg13 : memref<128xi32, #tpu.memory_space<vmem>>) target(%dma_start3A_164 : memref<128xi32, #tpu.memory_space<hbm>>) target_semaphore(%run_scoped3A : memref<!tpu.dma_semaphore, #tpu.memory_space<semaphore_mem>>)
        %dma_wait3A = arith.constant 0 : i32
        %dma_wait3A_165 = tpu.memref_slice %arg4[%while3A_18, %dma_wait3A] : memref<64x128xi32, #tpu.memory_space<hbm>> -> memref<1x128xi32, #tpu.memory_space<hbm>>
        %dma_wait3A_166 = tpu.memref_squeeze %dma_wait3A_165 : memref<1x128xi32, #tpu.memory_space<hbm>> -> memref<128xi32, #tpu.memory_space<hbm>>
        %dma_wait3A_167 = arith.constant 0 : i32
        %dma_wait3A_168 = tpu.memref_slice %arg4[%while3A_18, %dma_wait3A_167] : memref<64x128xi32, #tpu.memory_space<hbm>> -> memref<1x128xi32, #tpu.memory_space<hbm>>
        %dma_wait3A_169 = tpu.memref_squeeze %dma_wait3A_168 : memref<1x128xi32, #tpu.memory_space<hbm>> -> memref<128xi32, #tpu.memory_space<hbm>>
        tpu.wait_dma2 semaphore(%run_scoped3A : memref<!tpu.dma_semaphore, #tpu.memory_space<semaphore_mem>>) src(%arg13 : memref<128xi32, #tpu.memory_space<vmem>>) dst(%dma_wait3A_169 : memref<128xi32, #tpu.memory_space<hbm>>)
        tpu.yield
      }) : () -> ()
      %while3A_159 = arith.constant 0 : i32
      scf.yield %while3A_159 : i32
    }
    %while3A_16 = arith.constant 1 : i32
    %while3A_17 = scf.for %while3A_18 = %while3A_13 to %while3A_9 step %while3A_16 iter_args(%while3A_19 = %while3A_15) -> (i32)  : i32 {
      "tpu.region"() ({
        %run_scoped3A = tpu.sem_alloc : memref<!tpu.dma_semaphore, #tpu.memory_space<semaphore_mem>>
        %dma_start3A = arith.constant 0 : i32
        %dma_start3A_160 = tpu.memref_slice %arg2[%while3A_18, %dma_start3A] : memref<64x8192xi32, #tpu.memory_space<hbm>> -> memref<1x8192xi32, #tpu.memory_space<hbm>>
        %dma_start3A_161 = tpu.memref_squeeze %dma_start3A_160 : memref<1x8192xi32, #tpu.memory_space<hbm>> -> memref<8192xi32, #tpu.memory_space<hbm>>
        %dma_start3A_162 = arith.constant 0 : i32
        %dma_start3A_163 = tpu.memref_slice %arg2[%while3A_18, %dma_start3A_162] : memref<64x8192xi32, #tpu.memory_space<hbm>> -> memref<1x8192xi32, #tpu.memory_space<hbm>>
        %dma_start3A_164 = tpu.memref_squeeze %dma_start3A_163 : memref<1x8192xi32, #tpu.memory_space<hbm>> -> memref<8192xi32, #tpu.memory_space<hbm>>
        tpu.enqueue_dma source(%dma_start3A_164 : memref<8192xi32, #tpu.memory_space<hbm>>) target(%arg5 : memref<8192xi32, #tpu.memory_space<vmem>>) target_semaphore(%run_scoped3A : memref<!tpu.dma_semaphore, #tpu.memory_space<semaphore_mem>>)
        %dma_wait3A = arith.constant 0 : i32
        %dma_wait3A_165 = tpu.memref_slice %arg2[%while3A_18, %dma_wait3A] : memref<64x8192xi32, #tpu.memory_space<hbm>> -> memref<1x8192xi32, #tpu.memory_space<hbm>>
        %dma_wait3A_166 = tpu.memref_squeeze %dma_wait3A_165 : memref<1x8192xi32, #tpu.memory_space<hbm>> -> memref<8192xi32, #tpu.memory_space<hbm>>
        %dma_wait3A_167 = arith.constant 0 : i32
        %dma_wait3A_168 = tpu.memref_slice %arg2[%while3A_18, %dma_wait3A_167] : memref<64x8192xi32, #tpu.memory_space<hbm>> -> memref<1x8192xi32, #tpu.memory_space<hbm>>
        %dma_wait3A_169 = tpu.memref_squeeze %dma_wait3A_168 : memref<1x8192xi32, #tpu.memory_space<hbm>> -> memref<8192xi32, #tpu.memory_space<hbm>>
        tpu.wait_dma2 semaphore(%run_scoped3A : memref<!tpu.dma_semaphore, #tpu.memory_space<semaphore_mem>>) src(%dma_wait3A_169 : memref<8192xi32, #tpu.memory_space<hbm>>) dst(%arg5 : memref<8192xi32, #tpu.memory_space<vmem>>)
        tpu.yield
      }) : () -> ()
      %parallel_loop3A = arith.constant 0 : i32
      %parallel_loop3A_20 = arith.constant 256 : i32
      %parallel_loop3A_21 = arith.constant 1 : i32
      scf.for %parallel_loop3A_160 = %parallel_loop3A to %parallel_loop3A_20 step %parallel_loop3A_21  : i32 {
        %parallel_loop3A_161 = arith.constant 16 : i32
        %parallel_loop3A_162 = arith.muli %parallel_loop3A_160, %parallel_loop3A_161 : i32
        %parallel_loop3A_163 = arith.index_cast %parallel_loop3A_162 : i32 to index
        %parallel_loop3A_164 = tpu.vector_load %arg6[%parallel_loop3A_163] {strides = array<i32>} : memref<4096xi32, #tpu.memory_space<vmem>>, vector<16xi32>,
        tpu.vector_store %arg6[%parallel_loop3A_163], %broadcast_in_dim3A_1 {strides = array<i32>} : memref<4096xi32, #tpu.memory_space<vmem>>, vector<16xi32>,
      } {sc.loop_unroll_factor = 8 : i64, sc.parallel_access}
      %parallel_loop3A_22 = arith.constant 0 : i32
      %parallel_loop3A_23 = arith.constant 512 : i32
      %parallel_loop3A_24 = arith.constant 1 : i32
      scf.for %parallel_loop3A_160 = %parallel_loop3A_22 to %parallel_loop3A_23 step %parallel_loop3A_24  : i32 {
        %parallel_loop3A_161 = arith.constant 16 : i32
        %parallel_loop3A_162 = arith.muli %parallel_loop3A_160, %parallel_loop3A_161 : i32
        %parallel_loop3A_163 = arith.index_cast %parallel_loop3A_162 : i32 to index
        %parallel_loop3A_164 = tpu.vector_load %arg5[%parallel_loop3A_163] {strides = array<i32>} : memref<8192xi32, #tpu.memory_space<vmem>>, vector<16xi32>,
        %parallel_loop3A_165 = arith.constant 0 : i32
        %parallel_loop3A_166 = vector.broadcast %parallel_loop3A_165 : i32 to vector<16xi32>
        %parallel_loop3A_167 = arith.cmpi eq, %parallel_loop3A_164, %parallel_loop3A_166 : vector<16xi32>
        %parallel_loop3A_168 = arith.constant 16 : i32
        %parallel_loop3A_169 = vector.broadcast %parallel_loop3A_168 : i32 to vector<16xi32>
        %parallel_loop3A_170 = arith.shrsi %parallel_loop3A_164, %parallel_loop3A_169 : vector<16xi32>
        %parallel_loop3A_171 = arith.constant 255 : i32
        %parallel_loop3A_172 = vector.broadcast %parallel_loop3A_171 : i32 to vector<16xi32>
        %parallel_loop3A_173 = arith.andi %parallel_loop3A_170, %parallel_loop3A_172 : vector<16xi32>
        %parallel_loop3A_174 = arith.constant 1 : i32
        %parallel_loop3A_175 = vector.broadcast %parallel_loop3A_174 : i32 to vector<16xi32>
        %parallel_loop3A_176 = arith.addi %parallel_loop3A_173, %parallel_loop3A_175 : vector<16xi32>
        %parallel_loop3A_177 = arith.constant 0 : i32
        %parallel_loop3A_178 = vector.broadcast %parallel_loop3A_177 : i32 to vector<16xi32>
        %parallel_loop3A_179 = arith.select %parallel_loop3A_167, %parallel_loop3A_178, %parallel_loop3A_176 : vector<16xi1>, vector<16xi32>
        %parallel_loop3A_180 = arith.constant 1 : i32
        %parallel_loop3A_181 = vector.broadcast %parallel_loop3A_180 : i32 to vector<16xi32>
        %parallel_loop3A_182 = arith.constant 256 : i32
        %parallel_loop3A_183 = vector.broadcast %parallel_loop3A_182 : i32 to vector<16xi32>
        %parallel_loop3A_184 = arith.muli %iota3A, %parallel_loop3A_183 : vector<16xi32>
        %parallel_loop3A_185 = arith.addi %parallel_loop3A_184, %parallel_loop3A_179 : vector<16xi32>
        tpu.vector_store_idx %arg6[%parallel_loop3A_185], %parallel_loop3A_181 {add = true} : memref<4096xi32, #tpu.memory_space<vmem>>[vector<16xi32>], vector<16xi32>,
      } {sc.loop_unroll_factor = 8 : i64, sc.parallel_access}
      %parallel_loop3A_25 = arith.constant 0 : i32
      %parallel_loop3A_26 = arith.constant 16 : i32
      %parallel_loop3A_27 = arith.constant 1 : i32
      scf.for %parallel_loop3A_160 = %parallel_loop3A_25 to %parallel_loop3A_26 step %parallel_loop3A_27  : i32 {
        %parallel_loop3A_161 = arith.constant 16 : i32
        %parallel_loop3A_162 = arith.muli %parallel_loop3A_160, %parallel_loop3A_161 : i32
        %parallel_loop3A_163 = arith.constant 0 : i32
        %parallel_loop3A_164 = arith.addi %parallel_loop3A_163, %parallel_loop3A_162 : i32
        %parallel_loop3A_165 = arith.index_cast %parallel_loop3A_164 : i32 to index
        %parallel_loop3A_166 = tpu.vector_load %arg6[%parallel_loop3A_165] {strides = array<i32>} : memref<4096xi32, #tpu.memory_space<vmem>>, vector<16xi32>,
        %parallel_loop3A_167 = arith.addi %broadcast_in_dim3A_1, %parallel_loop3A_166 : vector<16xi32>
        %parallel_loop3A_168 = arith.constant 16 : i32
        %parallel_loop3A_169 = arith.muli %parallel_loop3A_160, %parallel_loop3A_168 : i32
        %parallel_loop3A_170 = arith.constant 256 : i32
        %parallel_loop3A_171 = arith.addi %parallel_loop3A_170, %parallel_loop3A_169 : i32
        %parallel_loop3A_172 = arith.index_cast %parallel_loop3A_171 : i32 to index
        %parallel_loop3A_173 = tpu.vector_load %arg6[%parallel_loop3A_172] {strides = array<i32>} : memref<4096xi32, #tpu.memory_space<vmem>>, vector<16xi32>,
        %parallel_loop3A_174 = arith.addi %parallel_loop3A_167, %parallel_loop3A_173 : vector<16xi32>
        %parallel_loop3A_175 = arith.constant 16 : i32
        %parallel_loop3A_176 = arith.muli %parallel_loop3A_160, %parallel_loop3A_175 : i32
        %parallel_loop3A_177 = arith.constant 512 : i32
        %parallel_loop3A_178 = arith.addi %parallel_loop3A_177, %parallel_loop3A_176 : i32
        %parallel_loop3A_179 = arith.index_cast %parallel_loop3A_178 : i32 to index
        %parallel_loop3A_180 = tpu.vector_load %arg6[%parallel_loop3A_179] {strides = array<i32>} : memref<4096xi32, #tpu.memory_space<vmem>>, vector<16xi32>,
        %parallel_loop3A_181 = arith.addi %parallel_loop3A_174, %parallel_loop3A_180 : vector<16xi32>
        %parallel_loop3A_182 = arith.constant 16 : i32
        %parallel_loop3A_183 = arith.muli %parallel_loop3A_160, %parallel_loop3A_182 : i32
        %parallel_loop3A_184 = arith.constant 768 : i32
        %parallel_loop3A_185 = arith.addi %parallel_loop3A_184, %parallel_loop3A_183 : i32
        %parallel_loop3A_186 = arith.index_cast %parallel_loop3A_185 : i32 to index
        %parallel_loop3A_187 = tpu.vector_load %arg6[%parallel_loop3A_186] {strides = array<i32>} : memref<4096xi32, #tpu.memory_space<vmem>>, vector<16xi32>,
        %parallel_loop3A_188 = arith.addi %parallel_loop3A_181, %parallel_loop3A_187 : vector<16xi32>
        %parallel_loop3A_189 = arith.constant 16 : i32
        %parallel_loop3A_190 = arith.muli %parallel_loop3A_160, %parallel_loop3A_189 : i32
        %parallel_loop3A_191 = arith.constant 1024 : i32
        %parallel_loop3A_192 = arith.addi %parallel_loop3A_191, %parallel_loop3A_190 : i32
        %parallel_loop3A_193 = arith.index_cast %parallel_loop3A_192 : i32 to index
        %parallel_loop3A_194 = tpu.vector_load %arg6[%parallel_loop3A_193] {strides = array<i32>} : memref<4096xi32, #tpu.memory_space<vmem>>, vector<16xi32>,
        %parallel_loop3A_195 = arith.addi %parallel_loop3A_188, %parallel_loop3A_194 : vector<16xi32>
        %parallel_loop3A_196 = arith.constant 16 : i32
        %parallel_loop3A_197 = arith.muli %parallel_loop3A_160, %parallel_loop3A_196 : i32
        %parallel_loop3A_198 = arith.constant 1280 : i32
        %parallel_loop3A_199 = arith.addi %parallel_loop3A_198, %parallel_loop3A_197 : i32
        %parallel_loop3A_200 = arith.index_cast %parallel_loop3A_199 : i32 to index
        %parallel_loop3A_201 = tpu.vector_load %arg6[%parallel_loop3A_200] {strides = array<i32>} : memref<4096xi32, #tpu.memory_space<vmem>>, vector<16xi32>,
        %parallel_loop3A_202 = arith.addi %parallel_loop3A_195, %parallel_loop3A_201 : vector<16xi32>
        %parallel_loop3A_203 = arith.constant 16 : i32
        %parallel_loop3A_204 = arith.muli %parallel_loop3A_160, %parallel_loop3A_203 : i32
        %parallel_loop3A_205 = arith.constant 1536 : i32
        %parallel_loop3A_206 = arith.addi %parallel_loop3A_205, %parallel_loop3A_204 : i32
        %parallel_loop3A_207 = arith.index_cast %parallel_loop3A_206 : i32 to index
        %parallel_loop3A_208 = tpu.vector_load %arg6[%parallel_loop3A_207] {strides = array<i32>} : memref<4096xi32, #tpu.memory_space<vmem>>, vector<16xi32>,
        %parallel_loop3A_209 = arith.addi %parallel_loop3A_202, %parallel_loop3A_208 : vector<16xi32>
        %parallel_loop3A_210 = arith.constant 16 : i32
        %parallel_loop3A_211 = arith.muli %parallel_loop3A_160, %parallel_loop3A_210 : i32
        %parallel_loop3A_212 = arith.constant 1792 : i32
        %parallel_loop3A_213 = arith.addi %parallel_loop3A_212, %parallel_loop3A_211 : i32
        %parallel_loop3A_214 = arith.index_cast %parallel_loop3A_213 : i32 to index
        %parallel_loop3A_215 = tpu.vector_load %arg6[%parallel_loop3A_214] {strides = array<i32>} : memref<4096xi32, #tpu.memory_space<vmem>>, vector<16xi32>,
        %parallel_loop3A_216 = arith.addi %parallel_loop3A_209, %parallel_loop3A_215 : vector<16xi32>
        %parallel_loop3A_217 = arith.constant 16 : i32
        %parallel_loop3A_218 = arith.muli %parallel_loop3A_160, %parallel_loop3A_217 : i32
        %parallel_loop3A_219 = arith.constant 2048 : i32
        %parallel_loop3A_220 = arith.addi %parallel_loop3A_219, %parallel_loop3A_218 : i32
        %parallel_loop3A_221 = arith.index_cast %parallel_loop3A_220 : i32 to index
        %parallel_loop3A_222 = tpu.vector_load %arg6[%parallel_loop3A_221] {strides = array<i32>} : memref<4096xi32, #tpu.memory_space<vmem>>, vector<16xi32>,
        %parallel_loop3A_223 = arith.addi %parallel_loop3A_216, %parallel_loop3A_222 : vector<16xi32>
        %parallel_loop3A_224 = arith.constant 16 : i32
        %parallel_loop3A_225 = arith.muli %parallel_loop3A_160, %parallel_loop3A_224 : i32
        %parallel_loop3A_226 = arith.constant 2304 : i32
        %parallel_loop3A_227 = arith.addi %parallel_loop3A_226, %parallel_loop3A_225 : i32
        %parallel_loop3A_228 = arith.index_cast %parallel_loop3A_227 : i32 to index
        %parallel_loop3A_229 = tpu.vector_load %arg6[%parallel_loop3A_228] {strides = array<i32>} : memref<4096xi32, #tpu.memory_space<vmem>>, vector<16xi32>,
        %parallel_loop3A_230 = arith.addi %parallel_loop3A_223, %parallel_loop3A_229 : vector<16xi32>
        %parallel_loop3A_231 = arith.constant 16 : i32
        %parallel_loop3A_232 = arith.muli %parallel_loop3A_160, %parallel_loop3A_231 : i32
        %parallel_loop3A_233 = arith.constant 2560 : i32
        %parallel_loop3A_234 = arith.addi %parallel_loop3A_233, %parallel_loop3A_232 : i32
        %parallel_loop3A_235 = arith.index_cast %parallel_loop3A_234 : i32 to index
        %parallel_loop3A_236 = tpu.vector_load %arg6[%parallel_loop3A_235] {strides = array<i32>} : memref<4096xi32, #tpu.memory_space<vmem>>, vector<16xi32>,
        %parallel_loop3A_237 = arith.addi %parallel_loop3A_230, %parallel_loop3A_236 : vector<16xi32>
        %parallel_loop3A_238 = arith.constant 16 : i32
        %parallel_loop3A_239 = arith.muli %parallel_loop3A_160, %parallel_loop3A_238 : i32
        %parallel_loop3A_240 = arith.constant 2816 : i32
        %parallel_loop3A_241 = arith.addi %parallel_loop3A_240, %parallel_loop3A_239 : i32
        %parallel_loop3A_242 = arith.index_cast %parallel_loop3A_241 : i32 to index
        %parallel_loop3A_243 = tpu.vector_load %arg6[%parallel_loop3A_242] {strides = array<i32>} : memref<4096xi32, #tpu.memory_space<vmem>>, vector<16xi32>,
        %parallel_loop3A_244 = arith.addi %parallel_loop3A_237, %parallel_loop3A_243 : vector<16xi32>
        %parallel_loop3A_245 = arith.constant 16 : i32
        %parallel_loop3A_246 = arith.muli %parallel_loop3A_160, %parallel_loop3A_245 : i32
        %parallel_loop3A_247 = arith.constant 3072 : i32
        %parallel_loop3A_248 = arith.addi %parallel_loop3A_247, %parallel_loop3A_246 : i32
        %parallel_loop3A_249 = arith.index_cast %parallel_loop3A_248 : i32 to index
        %parallel_loop3A_250 = tpu.vector_load %arg6[%parallel_loop3A_249] {strides = array<i32>} : memref<4096xi32, #tpu.memory_space<vmem>>, vector<16xi32>,
        %parallel_loop3A_251 = arith.addi %parallel_loop3A_244, %parallel_loop3A_250 : vector<16xi32>
        %parallel_loop3A_252 = arith.constant 16 : i32
        %parallel_loop3A_253 = arith.muli %parallel_loop3A_160, %parallel_loop3A_252 : i32
        %parallel_loop3A_254 = arith.constant 3328 : i32
        %parallel_loop3A_255 = arith.addi %parallel_loop3A_254, %parallel_loop3A_253 : i32
        %parallel_loop3A_256 = arith.index_cast %parallel_loop3A_255 : i32 to index
        %parallel_loop3A_257 = tpu.vector_load %arg6[%parallel_loop3A_256] {strides = array<i32>} : memref<4096xi32, #tpu.memory_space<vmem>>, vector<16xi32>,
        %parallel_loop3A_258 = arith.addi %parallel_loop3A_251, %parallel_loop3A_257 : vector<16xi32>
        %parallel_loop3A_259 = arith.constant 16 : i32
        %parallel_loop3A_260 = arith.muli %parallel_loop3A_160, %parallel_loop3A_259 : i32
        %parallel_loop3A_261 = arith.constant 3584 : i32
        %parallel_loop3A_262 = arith.addi %parallel_loop3A_261, %parallel_loop3A_260 : i32
        %parallel_loop3A_263 = arith.index_cast %parallel_loop3A_262 : i32 to index
        %parallel_loop3A_264 = tpu.vector_load %arg6[%parallel_loop3A_263] {strides = array<i32>} : memref<4096xi32, #tpu.memory_space<vmem>>, vector<16xi32>,
        %parallel_loop3A_265 = arith.addi %parallel_loop3A_258, %parallel_loop3A_264 : vector<16xi32>
        %parallel_loop3A_266 = arith.constant 16 : i32
        %parallel_loop3A_267 = arith.muli %parallel_loop3A_160, %parallel_loop3A_266 : i32
        %parallel_loop3A_268 = arith.constant 3840 : i32
        %parallel_loop3A_269 = arith.addi %parallel_loop3A_268, %parallel_loop3A_267 : i32
        %parallel_loop3A_270 = arith.index_cast %parallel_loop3A_269 : i32 to index
        %parallel_loop3A_271 = tpu.vector_load %arg6[%parallel_loop3A_270] {strides = array<i32>} : memref<4096xi32, #tpu.memory_space<vmem>>, vector<16xi32>,
        %parallel_loop3A_272 = arith.addi %parallel_loop3A_265, %parallel_loop3A_271 : vector<16xi32>
        %parallel_loop3A_273 = arith.constant 16 : i32
        %parallel_loop3A_274 = arith.muli %parallel_loop3A_160, %parallel_loop3A_273 : i32
        %parallel_loop3A_275 = arith.index_cast %parallel_loop3A_274 : i32 to index
        %parallel_loop3A_276 = tpu.vector_load %arg7[%parallel_loop3A_275] {strides = array<i32>} : memref<256xi32, #tpu.memory_space<vmem>>, vector<16xi32>,
        tpu.vector_store %arg7[%parallel_loop3A_275], %parallel_loop3A_272 {strides = array<i32>} : memref<256xi32, #tpu.memory_space<vmem>>, vector<16xi32>,
      } {sc.loop_unroll_factor = 2 : i64, sc.parallel_access}
      %scan3A = arith.constant 0 : i32
      %scan3A_28 = arith.constant -1 : i32
      %scan3A_29 = arith.constant 0 : i32
      %scan3A_30 = arith.constant 0 : i32
      %scan3A_31 = arith.constant 16 : i32
      %scan3A_32 = arith.addi %scan3A_30, %scan3A_31 : i32
      %scan3A_33 = arith.constant 1 : i32
      %scan3A_34:3 = scf.for %scan3A_160 = %scan3A_30 to %scan3A_32 step %scan3A_33 iter_args(%scan3A_161 = %scan3A, %scan3A_162 = %scan3A_28, %scan3A_163 = %scan3A_29) -> (i32, i32, i32)  : i32 {
        %sub3A_164 = arith.constant 15 : i32
        %sub3A_165 = arith.subi %sub3A_164, %scan3A_160 : i32
        %mul3A_166 = arith.constant 16 : i32
        %mul3A_167 = arith.muli %sub3A_165, %mul3A_166 : i32
        %get3A_168 = arith.index_cast %mul3A_167 : i32 to index
        %get3A_169 = tpu.vector_load %arg7[%get3A_168] {strides = array<i32>} : memref<256xi32, #tpu.memory_space<vmem>>, vector<16xi32>,
        %reduce_sum3A = arith.constant true
        %reduce_sum3A_170 = vector.broadcast %reduce_sum3A : i1 to vector<16xi1>
        %reduce_sum3A_171 = tpu.scan <sum>, %get3A_169 masked %reduce_sum3A_170 : vector<16xi32>, vector<16xi1> -> vector<16xi32>
        %reduce_sum3A_172 = vector.extract %reduce_sum3A_171[15] : i32 from vector<16xi32>
        %broadcast_in_dim3A_173 = arith.constant true
        %broadcast_in_dim3A_174 = vector.broadcast %broadcast_in_dim3A_173 : i1 to vector<16xi1>
        %masked_cumsum3A = tpu.scan <sum>, %get3A_169 masked %broadcast_in_dim3A_174 : vector<16xi32>, vector<16xi1> -> vector<16xi32>
        %sub3A_175 = vector.broadcast %reduce_sum3A_172 : i32 to vector<16xi32>
        %sub3A_176 = arith.subi %sub3A_175, %masked_cumsum3A : vector<16xi32>
        %add3A_177 = vector.broadcast %scan3A_161 : i32 to vector<16xi32>
        %add3A_178 = arith.addi %add3A_177, %sub3A_176 : vector<16xi32>
        %add3A_179 = arith.addi %add3A_178, %get3A_169 : vector<16xi32>
        %ge3A = arith.constant 128 : i32
        %ge3A_180 = vector.broadcast %ge3A : i32 to vector<16xi32>
        %ge3A_181 = arith.cmpi sge, %add3A_179, %ge3A_180 : vector<16xi32>
        %jit3A = arith.constant -1 : i32
        %broadcast_in_dim3A_182 = vector.broadcast %jit3A : i32 to vector<16xi32>
        %select_n3A = arith.select %ge3A_181, %iota3A, %broadcast_in_dim3A_182 : vector<16xi1>, vector<16xi32>
        %reduce_max3A_183 = arith.constant true
        %reduce_max3A_184 = vector.broadcast %reduce_max3A_183 : i1 to vector<16xi1>
        %reduce_max3A_185 = arith.constant -2147483648 : i32
        %reduce_max3A_186 = vector.broadcast %reduce_max3A_185 : i32 to vector<16xi32>
        %reduce_max3A_187 = arith.xori %select_n3A, %reduce_max3A_186 : vector<16xi32>
        %reduce_max3A_188 = tpu.scan <max>, %reduce_max3A_187 masked %reduce_max3A_184 : vector<16xi32>, vector<16xi1> -> vector<16xi32>
        %reduce_max3A_189 = arith.xori %reduce_max3A_188, %reduce_max3A_186 : vector<16xi32>
        %reduce_max3A_190 = vector.extract %reduce_max3A_189[15] : i32 from vector<16xi32>
        %lt3A_191 = arith.constant 0 : i32
        %lt3A_192 = arith.cmpi slt, %scan3A_162, %lt3A_191 : i32
        %ge3A_193 = arith.constant 0 : i32
        %ge3A_194 = arith.cmpi sge, %reduce_max3A_190, %ge3A_193 : i32
        %and3A_195 = arith.andi %lt3A_192, %ge3A_194 : i1
        %gt3A_196 = vector.broadcast %reduce_max3A_190 : i32 to vector<16xi32>
        %gt3A_197 = arith.cmpi sgt, %iota3A, %gt3A_196 : vector<16xi32>
        %jit3A_198 = arith.constant 0 : i32
        %broadcast_in_dim3A_199 = vector.broadcast %jit3A_198 : i32 to vector<16xi32>
        %select_n3A_200 = arith.select %gt3A_197, %get3A_169, %broadcast_in_dim3A_199 : vector<16xi1>, vector<16xi32>
        %reduce_sum3A_201 = arith.constant true
        %reduce_sum3A_202 = vector.broadcast %reduce_sum3A_201 : i1 to vector<16xi1>
        %reduce_sum3A_203 = tpu.scan <sum>, %select_n3A_200 masked %reduce_sum3A_202 : vector<16xi32>, vector<16xi1> -> vector<16xi32>
        %reduce_sum3A_204 = vector.extract %reduce_sum3A_203[15] : i32 from vector<16xi32>
        %add3A_205 = arith.addi %scan3A_161, %reduce_sum3A_204 : i32
        %mul3A_206 = arith.constant 16 : i32
        %mul3A_207 = arith.muli %sub3A_165, %mul3A_206 : i32
        %add3A_208 = arith.addi %mul3A_207, %reduce_max3A_190 : i32
        %select_n3A_209 = arith.select %and3A_195, %add3A_208, %scan3A_162 : i32
        %select_n3A_210 = arith.select %and3A_195, %add3A_205, %scan3A_163 : i32
        %add3A_211 = arith.addi %scan3A_161, %reduce_sum3A_172 : i32
        scf.yield %add3A_211, %select_n3A_209, %select_n3A_210 : i32, i32, i32
      }
      %scan3A_35 = arith.constant 16 : i32
      %sub3A = arith.constant 128 : i32
      %sub3A_36 = arith.subi %sub3A, %scan3A_34#2 : i32
      %parallel_loop3A_37 = arith.constant 0 : i32
      %parallel_loop3A_38 = arith.constant 512 : i32
      %parallel_loop3A_39 = arith.constant 1 : i32
      %parallel_loop3A_40:2 = scf.for %parallel_loop3A_160 = %parallel_loop3A_37 to %parallel_loop3A_38 step %parallel_loop3A_39 iter_args(%parallel_loop3A_161 = %broadcast_in_dim3A_1, %parallel_loop3A_162 = %broadcast_in_dim3A_1) -> (vector<16xi32>, vector<16xi32>)  : i32 {
        %parallel_loop3A_163 = arith.constant 16 : i32
        %parallel_loop3A_164 = arith.muli %parallel_loop3A_160, %parallel_loop3A_163 : i32
        %parallel_loop3A_165 = arith.index_cast %parallel_loop3A_164 : i32 to index
        %parallel_loop3A_166 = tpu.vector_load %arg5[%parallel_loop3A_165] {strides = array<i32>} : memref<8192xi32, #tpu.memory_space<vmem>>, vector<16xi32>,
        %parallel_loop3A_167 = arith.constant 16 : i32
        %parallel_loop3A_168 = arith.muli %parallel_loop3A_160, %parallel_loop3A_167 : i32
        %parallel_loop3A_169 = vector.broadcast %parallel_loop3A_168 : i32 to vector<16xi32>
        %parallel_loop3A_170 = arith.addi %parallel_loop3A_169, %iota3A : vector<16xi32>
        %parallel_loop3A_171 = arith.constant 0 : i32
        %parallel_loop3A_172 = vector.broadcast %parallel_loop3A_171 : i32 to vector<16xi32>
        %parallel_loop3A_173 = arith.cmpi eq, %parallel_loop3A_166, %parallel_loop3A_172 : vector<16xi32>
        %parallel_loop3A_174 = arith.constant 16 : i32
        %parallel_loop3A_175 = vector.broadcast %parallel_loop3A_174 : i32 to vector<16xi32>
        %parallel_loop3A_176 = arith.shrsi %parallel_loop3A_166, %parallel_loop3A_175 : vector<16xi32>
        %parallel_loop3A_177 = arith.constant 255 : i32
        %parallel_loop3A_178 = vector.broadcast %parallel_loop3A_177 : i32 to vector<16xi32>
        %parallel_loop3A_179 = arith.andi %parallel_loop3A_176, %parallel_loop3A_178 : vector<16xi32>
        %parallel_loop3A_180 = arith.constant 1 : i32
        %parallel_loop3A_181 = vector.broadcast %parallel_loop3A_180 : i32 to vector<16xi32>
        %parallel_loop3A_182 = arith.addi %parallel_loop3A_179, %parallel_loop3A_181 : vector<16xi32>
        %parallel_loop3A_183 = arith.constant 0 : i32
        %parallel_loop3A_184 = vector.broadcast %parallel_loop3A_183 : i32 to vector<16xi32>
        %parallel_loop3A_185 = arith.select %parallel_loop3A_173, %parallel_loop3A_184, %parallel_loop3A_182 : vector<16xi1>, vector<16xi32>
        %parallel_loop3A_186 = vector.broadcast %scan3A_34#1 : i32 to vector<16xi32>
        %parallel_loop3A_187 = arith.cmpi sgt, %parallel_loop3A_185, %parallel_loop3A_186 : vector<16xi32>
        %parallel_loop3A_188 = vector.broadcast %scan3A_34#1 : i32 to vector<16xi32>
        %parallel_loop3A_189 = arith.cmpi eq, %parallel_loop3A_185, %parallel_loop3A_188 : vector<16xi32>
        %parallel_loop3A_190 = arith.extui %parallel_loop3A_187 : vector<16xi1> to vector<16xi32>
        %parallel_loop3A_191 = arith.constant true
        %parallel_loop3A_192 = vector.broadcast %parallel_loop3A_191 : i1 to vector<16xi1>
        %parallel_loop3A_193 = tpu.scan <sum>, %parallel_loop3A_190 masked %parallel_loop3A_192 : vector<16xi32>, vector<16xi1> -> vector<16xi32>
        %parallel_loop3A_194 = arith.addi %parallel_loop3A_161, %parallel_loop3A_193 : vector<16xi32>
        %parallel_loop3A_195 = arith.constant 1 : i32
        %parallel_loop3A_196 = vector.broadcast %parallel_loop3A_195 : i32 to vector<16xi32>
        %parallel_loop3A_197 = arith.subi %parallel_loop3A_194, %parallel_loop3A_196 : vector<16xi32>
        %parallel_loop3A_198 = arith.extui %parallel_loop3A_189 : vector<16xi1> to vector<16xi32>
        %parallel_loop3A_199 = arith.constant true
        %parallel_loop3A_200 = vector.broadcast %parallel_loop3A_199 : i1 to vector<16xi1>
        %parallel_loop3A_201 = tpu.scan <sum>, %parallel_loop3A_198 masked %parallel_loop3A_200 : vector<16xi32>, vector<16xi1> -> vector<16xi32>
        %parallel_loop3A_202 = arith.addi %parallel_loop3A_162, %parallel_loop3A_201 : vector<16xi32>
        %parallel_loop3A_203 = arith.constant 1 : i32
        %parallel_loop3A_204 = vector.broadcast %parallel_loop3A_203 : i32 to vector<16xi32>
        %parallel_loop3A_205 = arith.subi %parallel_loop3A_202, %parallel_loop3A_204 : vector<16xi32>
        %parallel_loop3A_206 = arith.constant 256 : i32
        %parallel_loop3A_207 = vector.broadcast %parallel_loop3A_206 : i32 to vector<16xi32>
        %parallel_loop3A_208 = arith.cmpi slt, %parallel_loop3A_205, %parallel_loop3A_207 : vector<16xi32>
        %parallel_loop3A_209 = arith.andi %parallel_loop3A_189, %parallel_loop3A_208 : vector<16xi1>
        tpu.vector_store_idx %arg8[%parallel_loop3A_197], %parallel_loop3A_166 masked %parallel_loop3A_187 : memref<144xi32, #tpu.memory_space<vmem>>[vector<16xi32>], vector<16xi32>, vector<16xi1>
        tpu.vector_store_idx %arg9[%parallel_loop3A_197], %parallel_loop3A_170 masked %parallel_loop3A_187 : memref<144xi32, #tpu.memory_space<vmem>>[vector<16xi32>], vector<16xi32>, vector<16xi1>
        tpu.vector_store_idx %arg10[%parallel_loop3A_205], %parallel_loop3A_166 masked %parallel_loop3A_209 : memref<272xi32, #tpu.memory_space<vmem>>[vector<16xi32>], vector<16xi32>, vector<16xi1>
        tpu.vector_store_idx %arg11[%parallel_loop3A_205], %parallel_loop3A_170 masked %parallel_loop3A_209 : memref<272xi32, #tpu.memory_space<vmem>>[vector<16xi32>], vector<16xi32>, vector<16xi1>
        %parallel_loop3A_210 = tpu.all_reduce %parallel_loop3A_187 {dim = 0 : i64, kind = #tpu.reduction_kind<sum>} : vector<16xi1> -> vector<16xi32>
        %parallel_loop3A_211 = arith.addi %parallel_loop3A_161, %parallel_loop3A_210 : vector<16xi32>
        %parallel_loop3A_212 = tpu.all_reduce %parallel_loop3A_189 {dim = 0 : i64, kind = #tpu.reduction_kind<sum>} : vector<16xi1> -> vector<16xi32>
        %parallel_loop3A_213 = arith.addi %parallel_loop3A_162, %parallel_loop3A_212 : vector<16xi32>
        scf.yield %parallel_loop3A_211, %parallel_loop3A_213 : vector<16xi32>, vector<16xi32>
      } {sc.loop_unroll_factor = 4 : i64, sc.parallel_access}
      %reduce_max3A = arith.constant true
      %reduce_max3A_41 = vector.broadcast %reduce_max3A : i1 to vector<16xi1>
      %reduce_max3A_42 = arith.constant -2147483648 : i32
      %reduce_max3A_43 = vector.broadcast %reduce_max3A_42 : i32 to vector<16xi32>
      %reduce_max3A_44 = arith.xori %parallel_loop3A_40#1, %reduce_max3A_43 : vector<16xi32>
      %reduce_max3A_45 = tpu.scan <max>, %reduce_max3A_44 masked %reduce_max3A_41 : vector<16xi32>, vector<16xi1> -> vector<16xi32>
      %reduce_max3A_46 = arith.xori %reduce_max3A_45, %reduce_max3A_43 : vector<16xi32>
      %reduce_max3A_47 = vector.extract %reduce_max3A_46[15] : i32 from vector<16xi32>
      %swap3A = arith.constant 0 : i32
      %swap3A_48 = arith.index_cast %swap3A : i32 to index
      %swap3A_49 = memref.load %arg14[%swap3A_48] : memref<2xi32, #tpu.memory_space<smem>>
      memref.store %scan3A_34#2, %arg14[%swap3A_48] : memref<2xi32, #tpu.memory_space<smem>>
      %swap3A_50 = arith.constant 0 : i32
      %swap3A_51 = arith.constant 1 : i32
      %swap3A_52 = arith.index_cast %swap3A_51 : i32 to index
      %swap3A_53 = memref.load %arg14[%swap3A_52] : memref<2xi32, #tpu.memory_space<smem>>
      memref.store %swap3A_50, %arg14[%swap3A_52] : memref<2xi32, #tpu.memory_space<smem>>
      %gt3A = arith.constant 0 : i32
      %gt3A_54 = arith.cmpi sgt, %scan3A_34#1, %gt3A : i32
      %gt3A_55 = arith.constant 256 : i32
      %gt3A_56 = arith.cmpi sgt, %reduce_max3A_47, %gt3A_55 : i32
      %and3A = arith.andi %gt3A_54, %gt3A_56 : i1
      %convert_element_type3A = arith.extui %and3A : i1 to i32
      %cond3A = arith.constant 0 : i32
      %cond3A_57 = arith.cmpi ne, %convert_element_type3A, %cond3A : i32
      scf.if %cond3A_57 {
        %parallel_loop3A_160 = arith.constant 0 : i32
        %parallel_loop3A_161 = arith.constant 256 : i32
        %parallel_loop3A_162 = arith.constant 1 : i32
        scf.for %parallel_loop3A_220 = %parallel_loop3A_160 to %parallel_loop3A_161 step %parallel_loop3A_162  : i32 {
          %parallel_loop3A_221 = arith.constant 16 : i32
          %parallel_loop3A_222 = arith.muli %parallel_loop3A_220, %parallel_loop3A_221 : i32
          %parallel_loop3A_223 = arith.index_cast %parallel_loop3A_222 : i32 to index
          %parallel_loop3A_224 = tpu.vector_load %arg6[%parallel_loop3A_223] {strides = array<i32>} : memref<4096xi32, #tpu.memory_space<vmem>>, vector<16xi32>,
          tpu.vector_store %arg6[%parallel_loop3A_223], %broadcast_in_dim3A_1 {strides = array<i32>} : memref<4096xi32, #tpu.memory_space<vmem>>, vector<16xi32>,
        } {sc.loop_unroll_factor = 8 : i64, sc.parallel_access}
        %parallel_loop3A_163 = arith.constant 0 : i32
        %parallel_loop3A_164 = arith.constant 512 : i32
        %parallel_loop3A_165 = arith.constant 1 : i32
        scf.for %parallel_loop3A_220 = %parallel_loop3A_163 to %parallel_loop3A_164 step %parallel_loop3A_165  : i32 {
          %parallel_loop3A_221 = arith.constant 16 : i32
          %parallel_loop3A_222 = arith.muli %parallel_loop3A_220, %parallel_loop3A_221 : i32
          %parallel_loop3A_223 = arith.index_cast %parallel_loop3A_222 : i32 to index
          %parallel_loop3A_224 = tpu.vector_load %arg5[%parallel_loop3A_223] {strides = array<i32>} : memref<8192xi32, #tpu.memory_space<vmem>>, vector<16xi32>,
          %parallel_loop3A_225 = arith.constant 0 : i32
          %parallel_loop3A_226 = vector.broadcast %parallel_loop3A_225 : i32 to vector<16xi32>
          %parallel_loop3A_227 = arith.cmpi eq, %parallel_loop3A_224, %parallel_loop3A_226 : vector<16xi32>
          %parallel_loop3A_228 = arith.constant 16 : i32
          %parallel_loop3A_229 = vector.broadcast %parallel_loop3A_228 : i32 to vector<16xi32>
          %parallel_loop3A_230 = arith.shrsi %parallel_loop3A_224, %parallel_loop3A_229 : vector<16xi32>
          %parallel_loop3A_231 = arith.constant 255 : i32
          %parallel_loop3A_232 = vector.broadcast %parallel_loop3A_231 : i32 to vector<16xi32>
          %parallel_loop3A_233 = arith.andi %parallel_loop3A_230, %parallel_loop3A_232 : vector<16xi32>
          %parallel_loop3A_234 = arith.constant 1 : i32
          %parallel_loop3A_235 = vector.broadcast %parallel_loop3A_234 : i32 to vector<16xi32>
          %parallel_loop3A_236 = arith.addi %parallel_loop3A_233, %parallel_loop3A_235 : vector<16xi32>
          %parallel_loop3A_237 = arith.constant 0 : i32
          %parallel_loop3A_238 = vector.broadcast %parallel_loop3A_237 : i32 to vector<16xi32>
          %parallel_loop3A_239 = arith.select %parallel_loop3A_227, %parallel_loop3A_238, %parallel_loop3A_236 : vector<16xi1>, vector<16xi32>
          %parallel_loop3A_240 = arith.constant 8 : i32
          %parallel_loop3A_241 = vector.broadcast %parallel_loop3A_240 : i32 to vector<16xi32>
          %parallel_loop3A_242 = arith.shrsi %parallel_loop3A_224, %parallel_loop3A_241 : vector<16xi32>
          %parallel_loop3A_243 = arith.constant 255 : i32
          %parallel_loop3A_244 = vector.broadcast %parallel_loop3A_243 : i32 to vector<16xi32>
          %parallel_loop3A_245 = arith.andi %parallel_loop3A_242, %parallel_loop3A_244 : vector<16xi32>
          %parallel_loop3A_246 = vector.broadcast %scan3A_34#1 : i32 to vector<16xi32>
          %parallel_loop3A_247 = arith.cmpi eq, %parallel_loop3A_239, %parallel_loop3A_246 : vector<16xi32>
          %parallel_loop3A_248 = arith.constant 1 : i32
          %parallel_loop3A_249 = arith.constant 0 : i32
          %parallel_loop3A_250 = vector.broadcast %parallel_loop3A_248 : i32 to vector<16xi32>
          %parallel_loop3A_251 = vector.broadcast %parallel_loop3A_249 : i32 to vector<16xi32>
          %parallel_loop3A_252 = arith.select %parallel_loop3A_247, %parallel_loop3A_250, %parallel_loop3A_251 : vector<16xi1>, vector<16xi32>
          %parallel_loop3A_253 = arith.constant 256 : i32
          %parallel_loop3A_254 = vector.broadcast %parallel_loop3A_253 : i32 to vector<16xi32>
          %parallel_loop3A_255 = arith.muli %iota3A, %parallel_loop3A_254 : vector<16xi32>
          %parallel_loop3A_256 = arith.addi %parallel_loop3A_255, %parallel_loop3A_245 : vector<16xi32>
          tpu.vector_store_idx %arg6[%parallel_loop3A_256], %parallel_loop3A_252 {add = true} : memref<4096xi32, #tpu.memory_space<vmem>>[vector<16xi32>], vector<16xi32>,
        } {sc.loop_unroll_factor = 8 : i64, sc.parallel_access}
        %parallel_loop3A_166 = arith.constant 0 : i32
        %parallel_loop3A_167 = arith.constant 16 : i32
        %parallel_loop3A_168 = arith.constant 1 : i32
        scf.for %parallel_loop3A_220 = %parallel_loop3A_166 to %parallel_loop3A_167 step %parallel_loop3A_168  : i32 {
          %parallel_loop3A_221 = arith.constant 16 : i32
          %parallel_loop3A_222 = arith.muli %parallel_loop3A_220, %parallel_loop3A_221 : i32
          %parallel_loop3A_223 = arith.constant 0 : i32
          %parallel_loop3A_224 = arith.addi %parallel_loop3A_223, %parallel_loop3A_222 : i32
          %parallel_loop3A_225 = arith.index_cast %parallel_loop3A_224 : i32 to index
          %parallel_loop3A_226 = tpu.vector_load %arg6[%parallel_loop3A_225] {strides = array<i32>} : memref<4096xi32, #tpu.memory_space<vmem>>, vector<16xi32>,
          %parallel_loop3A_227 = arith.addi %broadcast_in_dim3A_1, %parallel_loop3A_226 : vector<16xi32>
          %parallel_loop3A_228 = arith.constant 16 : i32
          %parallel_loop3A_229 = arith.muli %parallel_loop3A_220, %parallel_loop3A_228 : i32
          %parallel_loop3A_230 = arith.constant 256 : i32
          %parallel_loop3A_231 = arith.addi %parallel_loop3A_230, %parallel_loop3A_229 : i32
          %parallel_loop3A_232 = arith.index_cast %parallel_loop3A_231 : i32 to index
          %parallel_loop3A_233 = tpu.vector_load %arg6[%parallel_loop3A_232] {strides = array<i32>} : memref<4096xi32, #tpu.memory_space<vmem>>, vector<16xi32>,
          %parallel_loop3A_234 = arith.addi %parallel_loop3A_227, %parallel_loop3A_233 : vector<16xi32>
          %parallel_loop3A_235 = arith.constant 16 : i32
          %parallel_loop3A_236 = arith.muli %parallel_loop3A_220, %parallel_loop3A_235 : i32
          %parallel_loop3A_237 = arith.constant 512 : i32
          %parallel_loop3A_238 = arith.addi %parallel_loop3A_237, %parallel_loop3A_236 : i32
          %parallel_loop3A_239 = arith.index_cast %parallel_loop3A_238 : i32 to index
          %parallel_loop3A_240 = tpu.vector_load %arg6[%parallel_loop3A_239] {strides = array<i32>} : memref<4096xi32, #tpu.memory_space<vmem>>, vector<16xi32>,
          %parallel_loop3A_241 = arith.addi %parallel_loop3A_234, %parallel_loop3A_240 : vector<16xi32>
          %parallel_loop3A_242 = arith.constant 16 : i32
          %parallel_loop3A_243 = arith.muli %parallel_loop3A_220, %parallel_loop3A_242 : i32
          %parallel_loop3A_244 = arith.constant 768 : i32
          %parallel_loop3A_245 = arith.addi %parallel_loop3A_244, %parallel_loop3A_243 : i32
          %parallel_loop3A_246 = arith.index_cast %parallel_loop3A_245 : i32 to index
          %parallel_loop3A_247 = tpu.vector_load %arg6[%parallel_loop3A_246] {strides = array<i32>} : memref<4096xi32, #tpu.memory_space<vmem>>, vector<16xi32>,
          %parallel_loop3A_248 = arith.addi %parallel_loop3A_241, %parallel_loop3A_247 : vector<16xi32>
          %parallel_loop3A_249 = arith.constant 16 : i32
          %parallel_loop3A_250 = arith.muli %parallel_loop3A_220, %parallel_loop3A_249 : i32
          %parallel_loop3A_251 = arith.constant 1024 : i32
          %parallel_loop3A_252 = arith.addi %parallel_loop3A_251, %parallel_loop3A_250 : i32
          %parallel_loop3A_253 = arith.index_cast %parallel_loop3A_252 : i32 to index
          %parallel_loop3A_254 = tpu.vector_load %arg6[%parallel_loop3A_253] {strides = array<i32>} : memref<4096xi32, #tpu.memory_space<vmem>>, vector<16xi32>,
          %parallel_loop3A_255 = arith.addi %parallel_loop3A_248, %parallel_loop3A_254 : vector<16xi32>
          %parallel_loop3A_256 = arith.constant 16 : i32
          %parallel_loop3A_257 = arith.muli %parallel_loop3A_220, %parallel_loop3A_256 : i32
          %parallel_loop3A_258 = arith.constant 1280 : i32
          %parallel_loop3A_259 = arith.addi %parallel_loop3A_258, %parallel_loop3A_257 : i32
          %parallel_loop3A_260 = arith.index_cast %parallel_loop3A_259 : i32 to index
          %parallel_loop3A_261 = tpu.vector_load %arg6[%parallel_loop3A_260] {strides = array<i32>} : memref<4096xi32, #tpu.memory_space<vmem>>, vector<16xi32>,
          %parallel_loop3A_262 = arith.addi %parallel_loop3A_255, %parallel_loop3A_261 : vector<16xi32>
          %parallel_loop3A_263 = arith.constant 16 : i32
          %parallel_loop3A_264 = arith.muli %parallel_loop3A_220, %parallel_loop3A_263 : i32
          %parallel_loop3A_265 = arith.constant 1536 : i32
          %parallel_loop3A_266 = arith.addi %parallel_loop3A_265, %parallel_loop3A_264 : i32
          %parallel_loop3A_267 = arith.index_cast %parallel_loop3A_266 : i32 to index
          %parallel_loop3A_268 = tpu.vector_load %arg6[%parallel_loop3A_267] {strides = array<i32>} : memref<4096xi32, #tpu.memory_space<vmem>>, vector<16xi32>,
          %parallel_loop3A_269 = arith.addi %parallel_loop3A_262, %parallel_loop3A_268 : vector<16xi32>
          %parallel_loop3A_270 = arith.constant 16 : i32
          %parallel_loop3A_271 = arith.muli %parallel_loop3A_220, %parallel_loop3A_270 : i32
          %parallel_loop3A_272 = arith.constant 1792 : i32
          %parallel_loop3A_273 = arith.addi %parallel_loop3A_272, %parallel_loop3A_271 : i32
          %parallel_loop3A_274 = arith.index_cast %parallel_loop3A_273 : i32 to index
          %parallel_loop3A_275 = tpu.vector_load %arg6[%parallel_loop3A_274] {strides = array<i32>} : memref<4096xi32, #tpu.memory_space<vmem>>, vector<16xi32>,
          %parallel_loop3A_276 = arith.addi %parallel_loop3A_269, %parallel_loop3A_275 : vector<16xi32>
          %parallel_loop3A_277 = arith.constant 16 : i32
          %parallel_loop3A_278 = arith.muli %parallel_loop3A_220, %parallel_loop3A_277 : i32
          %parallel_loop3A_279 = arith.constant 2048 : i32
          %parallel_loop3A_280 = arith.addi %parallel_loop3A_279, %parallel_loop3A_278 : i32
          %parallel_loop3A_281 = arith.index_cast %parallel_loop3A_280 : i32 to index
          %parallel_loop3A_282 = tpu.vector_load %arg6[%parallel_loop3A_281] {strides = array<i32>} : memref<4096xi32, #tpu.memory_space<vmem>>, vector<16xi32>,
          %parallel_loop3A_283 = arith.addi %parallel_loop3A_276, %parallel_loop3A_282 : vector<16xi32>
          %parallel_loop3A_284 = arith.constant 16 : i32
          %parallel_loop3A_285 = arith.muli %parallel_loop3A_220, %parallel_loop3A_284 : i32
          %parallel_loop3A_286 = arith.constant 2304 : i32
          %parallel_loop3A_287 = arith.addi %parallel_loop3A_286, %parallel_loop3A_285 : i32
          %parallel_loop3A_288 = arith.index_cast %parallel_loop3A_287 : i32 to index
          %parallel_loop3A_289 = tpu.vector_load %arg6[%parallel_loop3A_288] {strides = array<i32>} : memref<4096xi32, #tpu.memory_space<vmem>>, vector<16xi32>,
          %parallel_loop3A_290 = arith.addi %parallel_loop3A_283, %parallel_loop3A_289 : vector<16xi32>
          %parallel_loop3A_291 = arith.constant 16 : i32
          %parallel_loop3A_292 = arith.muli %parallel_loop3A_220, %parallel_loop3A_291 : i32
          %parallel_loop3A_293 = arith.constant 2560 : i32
          %parallel_loop3A_294 = arith.addi %parallel_loop3A_293, %parallel_loop3A_292 : i32
          %parallel_loop3A_295 = arith.index_cast %parallel_loop3A_294 : i32 to index
          %parallel_loop3A_296 = tpu.vector_load %arg6[%parallel_loop3A_295] {strides = array<i32>} : memref<4096xi32, #tpu.memory_space<vmem>>, vector<16xi32>,
          %parallel_loop3A_297 = arith.addi %parallel_loop3A_290, %parallel_loop3A_296 : vector<16xi32>
          %parallel_loop3A_298 = arith.constant 16 : i32
          %parallel_loop3A_299 = arith.muli %parallel_loop3A_220, %parallel_loop3A_298 : i32
          %parallel_loop3A_300 = arith.constant 2816 : i32
          %parallel_loop3A_301 = arith.addi %parallel_loop3A_300, %parallel_loop3A_299 : i32
          %parallel_loop3A_302 = arith.index_cast %parallel_loop3A_301 : i32 to index
          %parallel_loop3A_303 = tpu.vector_load %arg6[%parallel_loop3A_302] {strides = array<i32>} : memref<4096xi32, #tpu.memory_space<vmem>>, vector<16xi32>,
          %parallel_loop3A_304 = arith.addi %parallel_loop3A_297, %parallel_loop3A_303 : vector<16xi32>
          %parallel_loop3A_305 = arith.constant 16 : i32
          %parallel_loop3A_306 = arith.muli %parallel_loop3A_220, %parallel_loop3A_305 : i32
          %parallel_loop3A_307 = arith.constant 3072 : i32
          %parallel_loop3A_308 = arith.addi %parallel_loop3A_307, %parallel_loop3A_306 : i32
          %parallel_loop3A_309 = arith.index_cast %parallel_loop3A_308 : i32 to index
          %parallel_loop3A_310 = tpu.vector_load %arg6[%parallel_loop3A_309] {strides = array<i32>} : memref<4096xi32, #tpu.memory_space<vmem>>, vector<16xi32>,
          %parallel_loop3A_311 = arith.addi %parallel_loop3A_304, %parallel_loop3A_310 : vector<16xi32>
          %parallel_loop3A_312 = arith.constant 16 : i32
          %parallel_loop3A_313 = arith.muli %parallel_loop3A_220, %parallel_loop3A_312 : i32
          %parallel_loop3A_314 = arith.constant 3328 : i32
          %parallel_loop3A_315 = arith.addi %parallel_loop3A_314, %parallel_loop3A_313 : i32
          %parallel_loop3A_316 = arith.index_cast %parallel_loop3A_315 : i32 to index
          %parallel_loop3A_317 = tpu.vector_load %arg6[%parallel_loop3A_316] {strides = array<i32>} : memref<4096xi32, #tpu.memory_space<vmem>>, vector<16xi32>,
          %parallel_loop3A_318 = arith.addi %parallel_loop3A_311, %parallel_loop3A_317 : vector<16xi32>
          %parallel_loop3A_319 = arith.constant 16 : i32
          %parallel_loop3A_320 = arith.muli %parallel_loop3A_220, %parallel_loop3A_319 : i32
          %parallel_loop3A_321 = arith.constant 3584 : i32
          %parallel_loop3A_322 = arith.addi %parallel_loop3A_321, %parallel_loop3A_320 : i32
          %parallel_loop3A_323 = arith.index_cast %parallel_loop3A_322 : i32 to index
          %parallel_loop3A_324 = tpu.vector_load %arg6[%parallel_loop3A_323] {strides = array<i32>} : memref<4096xi32, #tpu.memory_space<vmem>>, vector<16xi32>,
          %parallel_loop3A_325 = arith.addi %parallel_loop3A_318, %parallel_loop3A_324 : vector<16xi32>
          %parallel_loop3A_326 = arith.constant 16 : i32
          %parallel_loop3A_327 = arith.muli %parallel_loop3A_220, %parallel_loop3A_326 : i32
          %parallel_loop3A_328 = arith.constant 3840 : i32
          %parallel_loop3A_329 = arith.addi %parallel_loop3A_328, %parallel_loop3A_327 : i32
          %parallel_loop3A_330 = arith.index_cast %parallel_loop3A_329 : i32 to index
          %parallel_loop3A_331 = tpu.vector_load %arg6[%parallel_loop3A_330] {strides = array<i32>} : memref<4096xi32, #tpu.memory_space<vmem>>, vector<16xi32>,
          %parallel_loop3A_332 = arith.addi %parallel_loop3A_325, %parallel_loop3A_331 : vector<16xi32>
          %parallel_loop3A_333 = arith.constant 16 : i32
          %parallel_loop3A_334 = arith.muli %parallel_loop3A_220, %parallel_loop3A_333 : i32
          %parallel_loop3A_335 = arith.index_cast %parallel_loop3A_334 : i32 to index
          %parallel_loop3A_336 = tpu.vector_load %arg7[%parallel_loop3A_335] {strides = array<i32>} : memref<256xi32, #tpu.memory_space<vmem>>, vector<16xi32>,
          tpu.vector_store %arg7[%parallel_loop3A_335], %parallel_loop3A_332 {strides = array<i32>} : memref<256xi32, #tpu.memory_space<vmem>>, vector<16xi32>,
        } {sc.loop_unroll_factor = 2 : i64, sc.parallel_access}
        %scan3A_169 = arith.constant 0 : i32
        %scan3A_170 = arith.constant -1 : i32
        %scan3A_171 = arith.constant 0 : i32
        %scan3A_172 = arith.constant 0 : i32
        %scan3A_173 = arith.constant 16 : i32
        %scan3A_174 = arith.addi %scan3A_172, %scan3A_173 : i32
        %scan3A_175 = arith.constant 1 : i32
        %scan3A_176:3 = scf.for %scan3A_220 = %scan3A_172 to %scan3A_174 step %scan3A_175 iter_args(%scan3A_221 = %scan3A_169, %scan3A_222 = %scan3A_170, %scan3A_223 = %scan3A_171) -> (i32, i32, i32)  : i32 {
          %sub3A_224 = arith.constant 15 : i32
          %sub3A_225 = arith.subi %sub3A_224, %scan3A_220 : i32
          %mul3A_226 = arith.constant 16 : i32
          %mul3A_227 = arith.muli %sub3A_225, %mul3A_226 : i32
          %get3A_228 = arith.index_cast %mul3A_227 : i32 to index
          %get3A_229 = tpu.vector_load %arg7[%get3A_228] {strides = array<i32>} : memref<256xi32, #tpu.memory_space<vmem>>, vector<16xi32>,
          %reduce_sum3A = arith.constant true
          %reduce_sum3A_230 = vector.broadcast %reduce_sum3A : i1 to vector<16xi1>
          %reduce_sum3A_231 = tpu.scan <sum>, %get3A_229 masked %reduce_sum3A_230 : vector<16xi32>, vector<16xi1> -> vector<16xi32>
          %reduce_sum3A_232 = vector.extract %reduce_sum3A_231[15] : i32 from vector<16xi32>
          %broadcast_in_dim3A_233 = arith.constant true
          %broadcast_in_dim3A_234 = vector.broadcast %broadcast_in_dim3A_233 : i1 to vector<16xi1>
          %masked_cumsum3A = tpu.scan <sum>, %get3A_229 masked %broadcast_in_dim3A_234 : vector<16xi32>, vector<16xi1> -> vector<16xi32>
          %sub3A_235 = vector.broadcast %reduce_sum3A_232 : i32 to vector<16xi32>
          %sub3A_236 = arith.subi %sub3A_235, %masked_cumsum3A : vector<16xi32>
          %add3A_237 = vector.broadcast %scan3A_221 : i32 to vector<16xi32>
          %add3A_238 = arith.addi %add3A_237, %sub3A_236 : vector<16xi32>
          %add3A_239 = arith.addi %add3A_238, %get3A_229 : vector<16xi32>
          %ge3A = vector.broadcast %sub3A_36 : i32 to vector<16xi32>
          %ge3A_240 = arith.cmpi sge, %add3A_239, %ge3A : vector<16xi32>
          %jit3A = arith.constant -1 : i32
          %broadcast_in_dim3A_241 = vector.broadcast %jit3A : i32 to vector<16xi32>
          %select_n3A = arith.select %ge3A_240, %iota3A, %broadcast_in_dim3A_241 : vector<16xi1>, vector<16xi32>
          %reduce_max3A_242 = arith.constant true
          %reduce_max3A_243 = vector.broadcast %reduce_max3A_242 : i1 to vector<16xi1>
          %reduce_max3A_244 = arith.constant -2147483648 : i32
          %reduce_max3A_245 = vector.broadcast %reduce_max3A_244 : i32 to vector<16xi32>
          %reduce_max3A_246 = arith.xori %select_n3A, %reduce_max3A_245 : vector<16xi32>
          %reduce_max3A_247 = tpu.scan <max>, %reduce_max3A_246 masked %reduce_max3A_243 : vector<16xi32>, vector<16xi1> -> vector<16xi32>
          %reduce_max3A_248 = arith.xori %reduce_max3A_247, %reduce_max3A_245 : vector<16xi32>
          %reduce_max3A_249 = vector.extract %reduce_max3A_248[15] : i32 from vector<16xi32>
          %lt3A_250 = arith.constant 0 : i32
          %lt3A_251 = arith.cmpi slt, %scan3A_222, %lt3A_250 : i32
          %ge3A_252 = arith.constant 0 : i32
          %ge3A_253 = arith.cmpi sge, %reduce_max3A_249, %ge3A_252 : i32
          %and3A_254 = arith.andi %lt3A_251, %ge3A_253 : i1
          %gt3A_255 = vector.broadcast %reduce_max3A_249 : i32 to vector<16xi32>
          %gt3A_256 = arith.cmpi sgt, %iota3A, %gt3A_255 : vector<16xi32>
          %jit3A_257 = arith.constant 0 : i32
          %broadcast_in_dim3A_258 = vector.broadcast %jit3A_257 : i32 to vector<16xi32>
          %select_n3A_259 = arith.select %gt3A_256, %get3A_229, %broadcast_in_dim3A_258 : vector<16xi1>, vector<16xi32>
          %reduce_sum3A_260 = arith.constant true
          %reduce_sum3A_261 = vector.broadcast %reduce_sum3A_260 : i1 to vector<16xi1>
          %reduce_sum3A_262 = tpu.scan <sum>, %select_n3A_259 masked %reduce_sum3A_261 : vector<16xi32>, vector<16xi1> -> vector<16xi32>
          %reduce_sum3A_263 = vector.extract %reduce_sum3A_262[15] : i32 from vector<16xi32>
          %add3A_264 = arith.addi %scan3A_221, %reduce_sum3A_263 : i32
          %mul3A_265 = arith.constant 16 : i32
          %mul3A_266 = arith.muli %sub3A_225, %mul3A_265 : i32
          %add3A_267 = arith.addi %mul3A_266, %reduce_max3A_249 : i32
          %select_n3A_268 = arith.select %and3A_254, %add3A_267, %scan3A_222 : i32
          %select_n3A_269 = arith.select %and3A_254, %add3A_264, %scan3A_223 : i32
          %add3A_270 = arith.addi %scan3A_221, %reduce_sum3A_232 : i32
          scf.yield %add3A_270, %select_n3A_268, %select_n3A_269 : i32, i32, i32
        }
        %scan3A_177 = arith.constant 16 : i32
        %parallel_loop3A_178 = arith.constant 0 : i32
        %parallel_loop3A_179 = arith.constant 256 : i32
        %parallel_loop3A_180 = arith.constant 1 : i32
        scf.for %parallel_loop3A_220 = %parallel_loop3A_178 to %parallel_loop3A_179 step %parallel_loop3A_180  : i32 {
          %parallel_loop3A_221 = arith.constant 16 : i32
          %parallel_loop3A_222 = arith.muli %parallel_loop3A_220, %parallel_loop3A_221 : i32
          %parallel_loop3A_223 = arith.index_cast %parallel_loop3A_222 : i32 to index
          %parallel_loop3A_224 = tpu.vector_load %arg6[%parallel_loop3A_223] {strides = array<i32>} : memref<4096xi32, #tpu.memory_space<vmem>>, vector<16xi32>,
          tpu.vector_store %arg6[%parallel_loop3A_223], %broadcast_in_dim3A_1 {strides = array<i32>} : memref<4096xi32, #tpu.memory_space<vmem>>, vector<16xi32>,
        } {sc.loop_unroll_factor = 8 : i64, sc.parallel_access}
        %parallel_loop3A_181 = arith.constant 0 : i32
        %parallel_loop3A_182 = arith.constant 512 : i32
        %parallel_loop3A_183 = arith.constant 1 : i32
        scf.for %parallel_loop3A_220 = %parallel_loop3A_181 to %parallel_loop3A_182 step %parallel_loop3A_183  : i32 {
          %parallel_loop3A_221 = arith.constant 16 : i32
          %parallel_loop3A_222 = arith.muli %parallel_loop3A_220, %parallel_loop3A_221 : i32
          %parallel_loop3A_223 = arith.index_cast %parallel_loop3A_222 : i32 to index
          %parallel_loop3A_224 = tpu.vector_load %arg5[%parallel_loop3A_223] {strides = array<i32>} : memref<8192xi32, #tpu.memory_space<vmem>>, vector<16xi32>,
          %parallel_loop3A_225 = arith.constant 0 : i32
          %parallel_loop3A_226 = vector.broadcast %parallel_loop3A_225 : i32 to vector<16xi32>
          %parallel_loop3A_227 = arith.cmpi eq, %parallel_loop3A_224, %parallel_loop3A_226 : vector<16xi32>
          %parallel_loop3A_228 = arith.constant 16 : i32
          %parallel_loop3A_229 = vector.broadcast %parallel_loop3A_228 : i32 to vector<16xi32>
          %parallel_loop3A_230 = arith.shrsi %parallel_loop3A_224, %parallel_loop3A_229 : vector<16xi32>
          %parallel_loop3A_231 = arith.constant 255 : i32
          %parallel_loop3A_232 = vector.broadcast %parallel_loop3A_231 : i32 to vector<16xi32>
          %parallel_loop3A_233 = arith.andi %parallel_loop3A_230, %parallel_loop3A_232 : vector<16xi32>
          %parallel_loop3A_234 = arith.constant 1 : i32
          %parallel_loop3A_235 = vector.broadcast %parallel_loop3A_234 : i32 to vector<16xi32>
          %parallel_loop3A_236 = arith.addi %parallel_loop3A_233, %parallel_loop3A_235 : vector<16xi32>
          %parallel_loop3A_237 = arith.constant 0 : i32
          %parallel_loop3A_238 = vector.broadcast %parallel_loop3A_237 : i32 to vector<16xi32>
          %parallel_loop3A_239 = arith.select %parallel_loop3A_227, %parallel_loop3A_238, %parallel_loop3A_236 : vector<16xi1>, vector<16xi32>
          %parallel_loop3A_240 = arith.constant 255 : i32
          %parallel_loop3A_241 = vector.broadcast %parallel_loop3A_240 : i32 to vector<16xi32>
          %parallel_loop3A_242 = arith.andi %parallel_loop3A_224, %parallel_loop3A_241 : vector<16xi32>
          %parallel_loop3A_243 = vector.broadcast %scan3A_34#1 : i32 to vector<16xi32>
          %parallel_loop3A_244 = arith.cmpi eq, %parallel_loop3A_239, %parallel_loop3A_243 : vector<16xi32>
          %parallel_loop3A_245 = arith.constant 8 : i32
          %parallel_loop3A_246 = vector.broadcast %parallel_loop3A_245 : i32 to vector<16xi32>
          %parallel_loop3A_247 = arith.shrsi %parallel_loop3A_224, %parallel_loop3A_246 : vector<16xi32>
          %parallel_loop3A_248 = arith.constant 255 : i32
          %parallel_loop3A_249 = vector.broadcast %parallel_loop3A_248 : i32 to vector<16xi32>
          %parallel_loop3A_250 = arith.andi %parallel_loop3A_247, %parallel_loop3A_249 : vector<16xi32>
          %parallel_loop3A_251 = vector.broadcast %scan3A_176#1 : i32 to vector<16xi32>
          %parallel_loop3A_252 = arith.cmpi eq, %parallel_loop3A_250, %parallel_loop3A_251 : vector<16xi32>
          %parallel_loop3A_253 = arith.andi %parallel_loop3A_244, %parallel_loop3A_252 : vector<16xi1>
          %parallel_loop3A_254 = arith.constant 1 : i32
          %parallel_loop3A_255 = arith.constant 0 : i32
          %parallel_loop3A_256 = vector.broadcast %parallel_loop3A_254 : i32 to vector<16xi32>
          %parallel_loop3A_257 = vector.broadcast %parallel_loop3A_255 : i32 to vector<16xi32>
          %parallel_loop3A_258 = arith.select %parallel_loop3A_253, %parallel_loop3A_256, %parallel_loop3A_257 : vector<16xi1>, vector<16xi32>
          %parallel_loop3A_259 = arith.constant 256 : i32
          %parallel_loop3A_260 = vector.broadcast %parallel_loop3A_259 : i32 to vector<16xi32>
          %parallel_loop3A_261 = arith.muli %iota3A, %parallel_loop3A_260 : vector<16xi32>
          %parallel_loop3A_262 = arith.addi %parallel_loop3A_261, %parallel_loop3A_242 : vector<16xi32>
          tpu.vector_store_idx %arg6[%parallel_loop3A_262], %parallel_loop3A_258 {add = true} : memref<4096xi32, #tpu.memory_space<vmem>>[vector<16xi32>], vector<16xi32>,
        } {sc.loop_unroll_factor = 8 : i64, sc.parallel_access}
        %parallel_loop3A_184 = arith.constant 0 : i32
        %parallel_loop3A_185 = arith.constant 16 : i32
        %parallel_loop3A_186 = arith.constant 1 : i32
        scf.for %parallel_loop3A_220 = %parallel_loop3A_184 to %parallel_loop3A_185 step %parallel_loop3A_186  : i32 {
          %parallel_loop3A_221 = arith.constant 16 : i32
          %parallel_loop3A_222 = arith.muli %parallel_loop3A_220, %parallel_loop3A_221 : i32
          %parallel_loop3A_223 = arith.constant 0 : i32
          %parallel_loop3A_224 = arith.addi %parallel_loop3A_223, %parallel_loop3A_222 : i32
          %parallel_loop3A_225 = arith.index_cast %parallel_loop3A_224 : i32 to index
          %parallel_loop3A_226 = tpu.vector_load %arg6[%parallel_loop3A_225] {strides = array<i32>} : memref<4096xi32, #tpu.memory_space<vmem>>, vector<16xi32>,
          %parallel_loop3A_227 = arith.addi %broadcast_in_dim3A_1, %parallel_loop3A_226 : vector<16xi32>
          %parallel_loop3A_228 = arith.constant 16 : i32
          %parallel_loop3A_229 = arith.muli %parallel_loop3A_220, %parallel_loop3A_228 : i32
          %parallel_loop3A_230 = arith.constant 256 : i32
          %parallel_loop3A_231 = arith.addi %parallel_loop3A_230, %parallel_loop3A_229 : i32
          %parallel_loop3A_232 = arith.index_cast %parallel_loop3A_231 : i32 to index
          %parallel_loop3A_233 = tpu.vector_load %arg6[%parallel_loop3A_232] {strides = array<i32>} : memref<4096xi32, #tpu.memory_space<vmem>>, vector<16xi32>,
          %parallel_loop3A_234 = arith.addi %parallel_loop3A_227, %parallel_loop3A_233 : vector<16xi32>
          %parallel_loop3A_235 = arith.constant 16 : i32
          %parallel_loop3A_236 = arith.muli %parallel_loop3A_220, %parallel_loop3A_235 : i32
          %parallel_loop3A_237 = arith.constant 512 : i32
          %parallel_loop3A_238 = arith.addi %parallel_loop3A_237, %parallel_loop3A_236 : i32
          %parallel_loop3A_239 = arith.index_cast %parallel_loop3A_238 : i32 to index
          %parallel_loop3A_240 = tpu.vector_load %arg6[%parallel_loop3A_239] {strides = array<i32>} : memref<4096xi32, #tpu.memory_space<vmem>>, vector<16xi32>,
          %parallel_loop3A_241 = arith.addi %parallel_loop3A_234, %parallel_loop3A_240 : vector<16xi32>
          %parallel_loop3A_242 = arith.constant 16 : i32
          %parallel_loop3A_243 = arith.muli %parallel_loop3A_220, %parallel_loop3A_242 : i32
          %parallel_loop3A_244 = arith.constant 768 : i32
          %parallel_loop3A_245 = arith.addi %parallel_loop3A_244, %parallel_loop3A_243 : i32
          %parallel_loop3A_246 = arith.index_cast %parallel_loop3A_245 : i32 to index
          %parallel_loop3A_247 = tpu.vector_load %arg6[%parallel_loop3A_246] {strides = array<i32>} : memref<4096xi32, #tpu.memory_space<vmem>>, vector<16xi32>,
          %parallel_loop3A_248 = arith.addi %parallel_loop3A_241, %parallel_loop3A_247 : vector<16xi32>
          %parallel_loop3A_249 = arith.constant 16 : i32
          %parallel_loop3A_250 = arith.muli %parallel_loop3A_220, %parallel_loop3A_249 : i32
          %parallel_loop3A_251 = arith.constant 1024 : i32
          %parallel_loop3A_252 = arith.addi %parallel_loop3A_251, %parallel_loop3A_250 : i32
          %parallel_loop3A_253 = arith.index_cast %parallel_loop3A_252 : i32 to index
          %parallel_loop3A_254 = tpu.vector_load %arg6[%parallel_loop3A_253] {strides = array<i32>} : memref<4096xi32, #tpu.memory_space<vmem>>, vector<16xi32>,
          %parallel_loop3A_255 = arith.addi %parallel_loop3A_248, %parallel_loop3A_254 : vector<16xi32>
          %parallel_loop3A_256 = arith.constant 16 : i32
          %parallel_loop3A_257 = arith.muli %parallel_loop3A_220, %parallel_loop3A_256 : i32
          %parallel_loop3A_258 = arith.constant 1280 : i32
          %parallel_loop3A_259 = arith.addi %parallel_loop3A_258, %parallel_loop3A_257 : i32
          %parallel_loop3A_260 = arith.index_cast %parallel_loop3A_259 : i32 to index
          %parallel_loop3A_261 = tpu.vector_load %arg6[%parallel_loop3A_260] {strides = array<i32>} : memref<4096xi32, #tpu.memory_space<vmem>>, vector<16xi32>,
          %parallel_loop3A_262 = arith.addi %parallel_loop3A_255, %parallel_loop3A_261 : vector<16xi32>
          %parallel_loop3A_263 = arith.constant 16 : i32
          %parallel_loop3A_264 = arith.muli %parallel_loop3A_220, %parallel_loop3A_263 : i32
          %parallel_loop3A_265 = arith.constant 1536 : i32
          %parallel_loop3A_266 = arith.addi %parallel_loop3A_265, %parallel_loop3A_264 : i32
          %parallel_loop3A_267 = arith.index_cast %parallel_loop3A_266 : i32 to index
          %parallel_loop3A_268 = tpu.vector_load %arg6[%parallel_loop3A_267] {strides = array<i32>} : memref<4096xi32, #tpu.memory_space<vmem>>, vector<16xi32>,
          %parallel_loop3A_269 = arith.addi %parallel_loop3A_262, %parallel_loop3A_268 : vector<16xi32>
          %parallel_loop3A_270 = arith.constant 16 : i32
          %parallel_loop3A_271 = arith.muli %parallel_loop3A_220, %parallel_loop3A_270 : i32
          %parallel_loop3A_272 = arith.constant 1792 : i32
          %parallel_loop3A_273 = arith.addi %parallel_loop3A_272, %parallel_loop3A_271 : i32
          %parallel_loop3A_274 = arith.index_cast %parallel_loop3A_273 : i32 to index
          %parallel_loop3A_275 = tpu.vector_load %arg6[%parallel_loop3A_274] {strides = array<i32>} : memref<4096xi32, #tpu.memory_space<vmem>>, vector<16xi32>,
          %parallel_loop3A_276 = arith.addi %parallel_loop3A_269, %parallel_loop3A_275 : vector<16xi32>
          %parallel_loop3A_277 = arith.constant 16 : i32
          %parallel_loop3A_278 = arith.muli %parallel_loop3A_220, %parallel_loop3A_277 : i32
          %parallel_loop3A_279 = arith.constant 2048 : i32
          %parallel_loop3A_280 = arith.addi %parallel_loop3A_279, %parallel_loop3A_278 : i32
          %parallel_loop3A_281 = arith.index_cast %parallel_loop3A_280 : i32 to index
          %parallel_loop3A_282 = tpu.vector_load %arg6[%parallel_loop3A_281] {strides = array<i32>} : memref<4096xi32, #tpu.memory_space<vmem>>, vector<16xi32>,
          %parallel_loop3A_283 = arith.addi %parallel_loop3A_276, %parallel_loop3A_282 : vector<16xi32>
          %parallel_loop3A_284 = arith.constant 16 : i32
          %parallel_loop3A_285 = arith.muli %parallel_loop3A_220, %parallel_loop3A_284 : i32
          %parallel_loop3A_286 = arith.constant 2304 : i32
          %parallel_loop3A_287 = arith.addi %parallel_loop3A_286, %parallel_loop3A_285 : i32
          %parallel_loop3A_288 = arith.index_cast %parallel_loop3A_287 : i32 to index
          %parallel_loop3A_289 = tpu.vector_load %arg6[%parallel_loop3A_288] {strides = array<i32>} : memref<4096xi32, #tpu.memory_space<vmem>>, vector<16xi32>,
          %parallel_loop3A_290 = arith.addi %parallel_loop3A_283, %parallel_loop3A_289 : vector<16xi32>
          %parallel_loop3A_291 = arith.constant 16 : i32
          %parallel_loop3A_292 = arith.muli %parallel_loop3A_220, %parallel_loop3A_291 : i32
          %parallel_loop3A_293 = arith.constant 2560 : i32
          %parallel_loop3A_294 = arith.addi %parallel_loop3A_293, %parallel_loop3A_292 : i32
          %parallel_loop3A_295 = arith.index_cast %parallel_loop3A_294 : i32 to index
          %parallel_loop3A_296 = tpu.vector_load %arg6[%parallel_loop3A_295] {strides = array<i32>} : memref<4096xi32, #tpu.memory_space<vmem>>, vector<16xi32>,
          %parallel_loop3A_297 = arith.addi %parallel_loop3A_290, %parallel_loop3A_296 : vector<16xi32>
          %parallel_loop3A_298 = arith.constant 16 : i32
          %parallel_loop3A_299 = arith.muli %parallel_loop3A_220, %parallel_loop3A_298 : i32
          %parallel_loop3A_300 = arith.constant 2816 : i32
          %parallel_loop3A_301 = arith.addi %parallel_loop3A_300, %parallel_loop3A_299 : i32
          %parallel_loop3A_302 = arith.index_cast %parallel_loop3A_301 : i32 to index
          %parallel_loop3A_303 = tpu.vector_load %arg6[%parallel_loop3A_302] {strides = array<i32>} : memref<4096xi32, #tpu.memory_space<vmem>>, vector<16xi32>,
          %parallel_loop3A_304 = arith.addi %parallel_loop3A_297, %parallel_loop3A_303 : vector<16xi32>
          %parallel_loop3A_305 = arith.constant 16 : i32
          %parallel_loop3A_306 = arith.muli %parallel_loop3A_220, %parallel_loop3A_305 : i32
          %parallel_loop3A_307 = arith.constant 3072 : i32
          %parallel_loop3A_308 = arith.addi %parallel_loop3A_307, %parallel_loop3A_306 : i32
          %parallel_loop3A_309 = arith.index_cast %parallel_loop3A_308 : i32 to index
          %parallel_loop3A_310 = tpu.vector_load %arg6[%parallel_loop3A_309] {strides = array<i32>} : memref<4096xi32, #tpu.memory_space<vmem>>, vector<16xi32>,
          %parallel_loop3A_311 = arith.addi %parallel_loop3A_304, %parallel_loop3A_310 : vector<16xi32>
          %parallel_loop3A_312 = arith.constant 16 : i32
          %parallel_loop3A_313 = arith.muli %parallel_loop3A_220, %parallel_loop3A_312 : i32
          %parallel_loop3A_314 = arith.constant 3328 : i32
          %parallel_loop3A_315 = arith.addi %parallel_loop3A_314, %parallel_loop3A_313 : i32
          %parallel_loop3A_316 = arith.index_cast %parallel_loop3A_315 : i32 to index
          %parallel_loop3A_317 = tpu.vector_load %arg6[%parallel_loop3A_316] {strides = array<i32>} : memref<4096xi32, #tpu.memory_space<vmem>>, vector<16xi32>,
          %parallel_loop3A_318 = arith.addi %parallel_loop3A_311, %parallel_loop3A_317 : vector<16xi32>
          %parallel_loop3A_319 = arith.constant 16 : i32
          %parallel_loop3A_320 = arith.muli %parallel_loop3A_220, %parallel_loop3A_319 : i32
          %parallel_loop3A_321 = arith.constant 3584 : i32
          %parallel_loop3A_322 = arith.addi %parallel_loop3A_321, %parallel_loop3A_320 : i32
          %parallel_loop3A_323 = arith.index_cast %parallel_loop3A_322 : i32 to index
          %parallel_loop3A_324 = tpu.vector_load %arg6[%parallel_loop3A_323] {strides = array<i32>} : memref<4096xi32, #tpu.memory_space<vmem>>, vector<16xi32>,
          %parallel_loop3A_325 = arith.addi %parallel_loop3A_318, %parallel_loop3A_324 : vector<16xi32>
          %parallel_loop3A_326 = arith.constant 16 : i32
          %parallel_loop3A_327 = arith.muli %parallel_loop3A_220, %parallel_loop3A_326 : i32
          %parallel_loop3A_328 = arith.constant 3840 : i32
          %parallel_loop3A_329 = arith.addi %parallel_loop3A_328, %parallel_loop3A_327 : i32
          %parallel_loop3A_330 = arith.index_cast %parallel_loop3A_329 : i32 to index
          %parallel_loop3A_331 = tpu.vector_load %arg6[%parallel_loop3A_330] {strides = array<i32>} : memref<4096xi32, #tpu.memory_space<vmem>>, vector<16xi32>,
          %parallel_loop3A_332 = arith.addi %parallel_loop3A_325, %parallel_loop3A_331 : vector<16xi32>
          %parallel_loop3A_333 = arith.constant 16 : i32
          %parallel_loop3A_334 = arith.muli %parallel_loop3A_220, %parallel_loop3A_333 : i32
          %parallel_loop3A_335 = arith.index_cast %parallel_loop3A_334 : i32 to index
          %parallel_loop3A_336 = tpu.vector_load %arg7[%parallel_loop3A_335] {strides = array<i32>} : memref<256xi32, #tpu.memory_space<vmem>>, vector<16xi32>,
          tpu.vector_store %arg7[%parallel_loop3A_335], %parallel_loop3A_332 {strides = array<i32>} : memref<256xi32, #tpu.memory_space<vmem>>, vector<16xi32>,
        } {sc.loop_unroll_factor = 2 : i64, sc.parallel_access}
        %sub3A_187 = arith.subi %sub3A_36, %scan3A_176#2 : i32
        %scan3A_188 = arith.constant 0 : i32
        %scan3A_189 = arith.constant -1 : i32
        %scan3A_190 = arith.constant 0 : i32
        %scan3A_191 = arith.constant 0 : i32
        %scan3A_192 = arith.constant 16 : i32
        %scan3A_193 = arith.addi %scan3A_191, %scan3A_192 : i32
        %scan3A_194 = arith.constant 1 : i32
        %scan3A_195:3 = scf.for %scan3A_220 = %scan3A_191 to %scan3A_193 step %scan3A_194 iter_args(%scan3A_221 = %scan3A_188, %scan3A_222 = %scan3A_189, %scan3A_223 = %scan3A_190) -> (i32, i32, i32)  : i32 {
          %sub3A_224 = arith.constant 15 : i32
          %sub3A_225 = arith.subi %sub3A_224, %scan3A_220 : i32
          %mul3A_226 = arith.constant 16 : i32
          %mul3A_227 = arith.muli %sub3A_225, %mul3A_226 : i32
          %get3A_228 = arith.index_cast %mul3A_227 : i32 to index
          %get3A_229 = tpu.vector_load %arg7[%get3A_228] {strides = array<i32>} : memref<256xi32, #tpu.memory_space<vmem>>, vector<16xi32>,
          %reduce_sum3A = arith.constant true
          %reduce_sum3A_230 = vector.broadcast %reduce_sum3A : i1 to vector<16xi1>
          %reduce_sum3A_231 = tpu.scan <sum>, %get3A_229 masked %reduce_sum3A_230 : vector<16xi32>, vector<16xi1> -> vector<16xi32>
          %reduce_sum3A_232 = vector.extract %reduce_sum3A_231[15] : i32 from vector<16xi32>
          %broadcast_in_dim3A_233 = arith.constant true
          %broadcast_in_dim3A_234 = vector.broadcast %broadcast_in_dim3A_233 : i1 to vector<16xi1>
          %masked_cumsum3A = tpu.scan <sum>, %get3A_229 masked %broadcast_in_dim3A_234 : vector<16xi32>, vector<16xi1> -> vector<16xi32>
          %sub3A_235 = vector.broadcast %reduce_sum3A_232 : i32 to vector<16xi32>
          %sub3A_236 = arith.subi %sub3A_235, %masked_cumsum3A : vector<16xi32>
          %add3A_237 = vector.broadcast %scan3A_221 : i32 to vector<16xi32>
          %add3A_238 = arith.addi %add3A_237, %sub3A_236 : vector<16xi32>
          %add3A_239 = arith.addi %add3A_238, %get3A_229 : vector<16xi32>
          %ge3A = vector.broadcast %sub3A_187 : i32 to vector<16xi32>
          %ge3A_240 = arith.cmpi sge, %add3A_239, %ge3A : vector<16xi32>
          %jit3A = arith.constant -1 : i32
          %broadcast_in_dim3A_241 = vector.broadcast %jit3A : i32 to vector<16xi32>
          %select_n3A = arith.select %ge3A_240, %iota3A, %broadcast_in_dim3A_241 : vector<16xi1>, vector<16xi32>
          %reduce_max3A_242 = arith.constant true
          %reduce_max3A_243 = vector.broadcast %reduce_max3A_242 : i1 to vector<16xi1>
          %reduce_max3A_244 = arith.constant -2147483648 : i32
          %reduce_max3A_245 = vector.broadcast %reduce_max3A_244 : i32 to vector<16xi32>
          %reduce_max3A_246 = arith.xori %select_n3A, %reduce_max3A_245 : vector<16xi32>
          %reduce_max3A_247 = tpu.scan <max>, %reduce_max3A_246 masked %reduce_max3A_243 : vector<16xi32>, vector<16xi1> -> vector<16xi32>
          %reduce_max3A_248 = arith.xori %reduce_max3A_247, %reduce_max3A_245 : vector<16xi32>
          %reduce_max3A_249 = vector.extract %reduce_max3A_248[15] : i32 from vector<16xi32>
          %lt3A_250 = arith.constant 0 : i32
          %lt3A_251 = arith.cmpi slt, %scan3A_222, %lt3A_250 : i32
          %ge3A_252 = arith.constant 0 : i32
          %ge3A_253 = arith.cmpi sge, %reduce_max3A_249, %ge3A_252 : i32
          %and3A_254 = arith.andi %lt3A_251, %ge3A_253 : i1
          %gt3A_255 = vector.broadcast %reduce_max3A_249 : i32 to vector<16xi32>
          %gt3A_256 = arith.cmpi sgt, %iota3A, %gt3A_255 : vector<16xi32>
          %jit3A_257 = arith.constant 0 : i32
          %broadcast_in_dim3A_258 = vector.broadcast %jit3A_257 : i32 to vector<16xi32>
          %select_n3A_259 = arith.select %gt3A_256, %get3A_229, %broadcast_in_dim3A_258 : vector<16xi1>, vector<16xi32>
          %reduce_sum3A_260 = arith.constant true
          %reduce_sum3A_261 = vector.broadcast %reduce_sum3A_260 : i1 to vector<16xi1>
          %reduce_sum3A_262 = tpu.scan <sum>, %select_n3A_259 masked %reduce_sum3A_261 : vector<16xi32>, vector<16xi1> -> vector<16xi32>
          %reduce_sum3A_263 = vector.extract %reduce_sum3A_262[15] : i32 from vector<16xi32>
          %add3A_264 = arith.addi %scan3A_221, %reduce_sum3A_263 : i32
          %mul3A_265 = arith.constant 16 : i32
          %mul3A_266 = arith.muli %sub3A_225, %mul3A_265 : i32
          %add3A_267 = arith.addi %mul3A_266, %reduce_max3A_249 : i32
          %select_n3A_268 = arith.select %and3A_254, %add3A_267, %scan3A_222 : i32
          %select_n3A_269 = arith.select %and3A_254, %add3A_264, %scan3A_223 : i32
          %add3A_270 = arith.addi %scan3A_221, %reduce_sum3A_232 : i32
          scf.yield %add3A_270, %select_n3A_268, %select_n3A_269 : i32, i32, i32
        }
        %scan3A_196 = arith.constant 16 : i32
        %sub3A_197 = arith.constant 1 : i32
        %sub3A_198 = arith.subi %scan3A_34#1, %sub3A_197 : i32
        %shift_left3A = arith.constant 16 : i32
        %shift_left3A_199 = arith.shli %sub3A_198, %shift_left3A : i32
        %or3A_200 = arith.constant 1056964608 : i32
        %or3A_201 = arith.ori %or3A_200, %shift_left3A_199 : i32
        %shift_left3A_202 = arith.constant 8 : i32
        %shift_left3A_203 = arith.shli %scan3A_176#1, %shift_left3A_202 : i32
        %or3A_204 = arith.ori %or3A_201, %shift_left3A_203 : i32
        %or3A_205 = arith.ori %or3A_204, %scan3A_195#1 : i32
        %add3A_206 = vector.broadcast %scan3A_34#2 : i32 to vector<16xi32>
        %add3A_207 = arith.addi %broadcast_in_dim3A_1, %add3A_206 : vector<16xi32>
        %parallel_loop3A_208 = arith.constant 0 : i32
        %parallel_loop3A_209 = arith.constant 512 : i32
        %parallel_loop3A_210 = arith.constant 1 : i32
        %parallel_loop3A_211:2 = scf.for %parallel_loop3A_220 = %parallel_loop3A_208 to %parallel_loop3A_209 step %parallel_loop3A_210 iter_args(%parallel_loop3A_221 = %add3A_207, %parallel_loop3A_222 = %broadcast_in_dim3A_1) -> (vector<16xi32>, vector<16xi32>)  : i32 {
          %parallel_loop3A_223 = arith.constant 16 : i32
          %parallel_loop3A_224 = arith.muli %parallel_loop3A_220, %parallel_loop3A_223 : i32
          %parallel_loop3A_225 = arith.index_cast %parallel_loop3A_224 : i32 to index
          %parallel_loop3A_226 = tpu.vector_load %arg5[%parallel_loop3A_225] {strides = array<i32>} : memref<8192xi32, #tpu.memory_space<vmem>>, vector<16xi32>,
          %parallel_loop3A_227 = arith.constant 16 : i32
          %parallel_loop3A_228 = arith.muli %parallel_loop3A_220, %parallel_loop3A_227 : i32
          %parallel_loop3A_229 = vector.broadcast %parallel_loop3A_228 : i32 to vector<16xi32>
          %parallel_loop3A_230 = arith.addi %parallel_loop3A_229, %iota3A : vector<16xi32>
          %parallel_loop3A_231 = arith.constant 0 : i32
          %parallel_loop3A_232 = vector.broadcast %parallel_loop3A_231 : i32 to vector<16xi32>
          %parallel_loop3A_233 = arith.cmpi eq, %parallel_loop3A_226, %parallel_loop3A_232 : vector<16xi32>
          %parallel_loop3A_234 = arith.constant 16 : i32
          %parallel_loop3A_235 = vector.broadcast %parallel_loop3A_234 : i32 to vector<16xi32>
          %parallel_loop3A_236 = arith.shrsi %parallel_loop3A_226, %parallel_loop3A_235 : vector<16xi32>
          %parallel_loop3A_237 = arith.constant 255 : i32
          %parallel_loop3A_238 = vector.broadcast %parallel_loop3A_237 : i32 to vector<16xi32>
          %parallel_loop3A_239 = arith.andi %parallel_loop3A_236, %parallel_loop3A_238 : vector<16xi32>
          %parallel_loop3A_240 = arith.constant 1 : i32
          %parallel_loop3A_241 = vector.broadcast %parallel_loop3A_240 : i32 to vector<16xi32>
          %parallel_loop3A_242 = arith.addi %parallel_loop3A_239, %parallel_loop3A_241 : vector<16xi32>
          %parallel_loop3A_243 = arith.constant 0 : i32
          %parallel_loop3A_244 = vector.broadcast %parallel_loop3A_243 : i32 to vector<16xi32>
          %parallel_loop3A_245 = arith.select %parallel_loop3A_233, %parallel_loop3A_244, %parallel_loop3A_242 : vector<16xi1>, vector<16xi32>
          %parallel_loop3A_246 = vector.broadcast %scan3A_34#1 : i32 to vector<16xi32>
          %parallel_loop3A_247 = arith.cmpi eq, %parallel_loop3A_245, %parallel_loop3A_246 : vector<16xi32>
          %parallel_loop3A_248 = vector.broadcast %or3A_205 : i32 to vector<16xi32>
          %parallel_loop3A_249 = arith.cmpi sgt, %parallel_loop3A_226, %parallel_loop3A_248 : vector<16xi32>
          %parallel_loop3A_250 = arith.andi %parallel_loop3A_247, %parallel_loop3A_249 : vector<16xi1>
          %parallel_loop3A_251 = vector.broadcast %or3A_205 : i32 to vector<16xi32>
          %parallel_loop3A_252 = arith.cmpi eq, %parallel_loop3A_226, %parallel_loop3A_251 : vector<16xi32>
          %parallel_loop3A_253 = arith.extui %parallel_loop3A_250 : vector<16xi1> to vector<16xi32>
          %parallel_loop3A_254 = arith.constant true
          %parallel_loop3A_255 = vector.broadcast %parallel_loop3A_254 : i1 to vector<16xi1>
          %parallel_loop3A_256 = tpu.scan <sum>, %parallel_loop3A_253 masked %parallel_loop3A_255 : vector<16xi32>, vector<16xi1> -> vector<16xi32>
          %parallel_loop3A_257 = arith.addi %parallel_loop3A_221, %parallel_loop3A_256 : vector<16xi32>
          %parallel_loop3A_258 = arith.constant 1 : i32
          %parallel_loop3A_259 = vector.broadcast %parallel_loop3A_258 : i32 to vector<16xi32>
          %parallel_loop3A_260 = arith.subi %parallel_loop3A_257, %parallel_loop3A_259 : vector<16xi32>
          %parallel_loop3A_261 = arith.extui %parallel_loop3A_252 : vector<16xi1> to vector<16xi32>
          %parallel_loop3A_262 = arith.constant true
          %parallel_loop3A_263 = vector.broadcast %parallel_loop3A_262 : i1 to vector<16xi1>
          %parallel_loop3A_264 = tpu.scan <sum>, %parallel_loop3A_261 masked %parallel_loop3A_263 : vector<16xi32>, vector<16xi1> -> vector<16xi32>
          %parallel_loop3A_265 = arith.addi %parallel_loop3A_222, %parallel_loop3A_264 : vector<16xi32>
          %parallel_loop3A_266 = arith.constant 1 : i32
          %parallel_loop3A_267 = vector.broadcast %parallel_loop3A_266 : i32 to vector<16xi32>
          %parallel_loop3A_268 = arith.subi %parallel_loop3A_265, %parallel_loop3A_267 : vector<16xi32>
          tpu.vector_store_idx %arg8[%parallel_loop3A_260], %parallel_loop3A_226 masked %parallel_loop3A_250 : memref<144xi32, #tpu.memory_space<vmem>>[vector<16xi32>], vector<16xi32>, vector<16xi1>
          tpu.vector_store_idx %arg9[%parallel_loop3A_260], %parallel_loop3A_230 masked %parallel_loop3A_250 : memref<144xi32, #tpu.memory_space<vmem>>[vector<16xi32>], vector<16xi32>, vector<16xi1>
          %parallel_loop3A_269 = arith.constant 256 : i32
          %parallel_loop3A_270 = vector.broadcast %parallel_loop3A_269 : i32 to vector<16xi32>
          %parallel_loop3A_271 = arith.cmpi slt, %parallel_loop3A_268, %parallel_loop3A_270 : vector<16xi32>
          %parallel_loop3A_272 = arith.andi %parallel_loop3A_252, %parallel_loop3A_271 : vector<16xi1>
          tpu.vector_store_idx %arg11[%parallel_loop3A_268], %parallel_loop3A_230 masked %parallel_loop3A_272 : memref<272xi32, #tpu.memory_space<vmem>>[vector<16xi32>], vector<16xi32>, vector<16xi1>
          %parallel_loop3A_273 = tpu.all_reduce %parallel_loop3A_250 {dim = 0 : i64, kind = #tpu.reduction_kind<sum>} : vector<16xi1> -> vector<16xi32>
          %parallel_loop3A_274 = arith.addi %parallel_loop3A_221, %parallel_loop3A_273 : vector<16xi32>
          %parallel_loop3A_275 = tpu.all_reduce %parallel_loop3A_252 {dim = 0 : i64, kind = #tpu.reduction_kind<sum>} : vector<16xi1> -> vector<16xi32>
          %parallel_loop3A_276 = arith.addi %parallel_loop3A_222, %parallel_loop3A_275 : vector<16xi32>
          scf.yield %parallel_loop3A_274, %parallel_loop3A_276 : vector<16xi32>, vector<16xi32>
        } {sc.loop_unroll_factor = 4 : i64, sc.parallel_access}
        %add3A_212 = arith.addi %scan3A_34#2, %scan3A_176#2 : i32
        %add3A_213 = arith.addi %add3A_212, %scan3A_195#2 : i32
        %swap3A_214 = arith.constant 0 : i32
        %swap3A_215 = arith.index_cast %swap3A_214 : i32 to index
        %swap3A_216 = memref.load %arg14[%swap3A_215] : memref<2xi32, #tpu.memory_space<smem>>
        memref.store %add3A_213, %arg14[%swap3A_215] : memref<2xi32, #tpu.memory_space<smem>>
        %swap3A_217 = arith.constant 1 : i32
        %swap3A_218 = arith.index_cast %swap3A_217 : i32 to index
        %swap3A_219 = memref.load %arg14[%swap3A_218] : memref<2xi32, #tpu.memory_space<smem>>
        memref.store %or3A_205, %arg14[%swap3A_218] : memref<2xi32, #tpu.memory_space<smem>>
      } else {
      }
      %get3A = arith.constant 0 : i32
      %get3A_58 = arith.index_cast %get3A : i32 to index
      %get3A_59 = memref.load %arg14[%get3A_58] : memref<2xi32, #tpu.memory_space<smem>>
      %get3A_60 = arith.constant 1 : i32
      %get3A_61 = arith.index_cast %get3A_60 : i32 to index
      %get3A_62 = memref.load %arg14[%get3A_61] : memref<2xi32, #tpu.memory_space<smem>>
      %get3A_63 = arith.constant 0 : index
      %get3A_64 = tpu.vector_load %arg8[%get3A_63] {strides = array<i32>} : memref<144xi32, #tpu.memory_space<vmem>>, vector<16xi32>,
      %get3A_65 = arith.constant 16 : index
      %get3A_66 = tpu.vector_load %arg8[%get3A_65] {strides = array<i32>} : memref<144xi32, #tpu.memory_space<vmem>>, vector<16xi32>,
      %get3A_67 = arith.constant 32 : index
      %get3A_68 = tpu.vector_load %arg8[%get3A_67] {strides = array<i32>} : memref<144xi32, #tpu.memory_space<vmem>>, vector<16xi32>,
      %get3A_69 = arith.constant 48 : index
      %get3A_70 = tpu.vector_load %arg8[%get3A_69] {strides = array<i32>} : memref<144xi32, #tpu.memory_space<vmem>>, vector<16xi32>,
      %get3A_71 = arith.constant 64 : index
      %get3A_72 = tpu.vector_load %arg8[%get3A_71] {strides = array<i32>} : memref<144xi32, #tpu.memory_space<vmem>>, vector<16xi32>,
      %get3A_73 = arith.constant 80 : index
      %get3A_74 = tpu.vector_load %arg8[%get3A_73] {strides = array<i32>} : memref<144xi32, #tpu.memory_space<vmem>>, vector<16xi32>,
      %get3A_75 = arith.constant 96 : index
      %get3A_76 = tpu.vector_load %arg8[%get3A_75] {strides = array<i32>} : memref<144xi32, #tpu.memory_space<vmem>>, vector<16xi32>,
      %get3A_77 = arith.constant 112 : index
      %get3A_78 = tpu.vector_load %arg8[%get3A_77] {strides = array<i32>} : memref<144xi32, #tpu.memory_space<vmem>>, vector<16xi32>,
      %get3A_79 = arith.constant 128 : index
      %get3A_80 = tpu.vector_load %arg8[%get3A_79] {strides = array<i32>} : memref<144xi32, #tpu.memory_space<vmem>>, vector<16xi32>,
      %add3A_81 = arith.constant 0 : i32
      %add3A_82 = vector.broadcast %add3A_81 : i32 to vector<16xi32>
      %add3A_83 = arith.addi %add3A_82, %iota3A : vector<16xi32>
      %add3A_84 = arith.constant 16 : i32
      %add3A_85 = vector.broadcast %add3A_84 : i32 to vector<16xi32>
      %add3A_86 = arith.addi %add3A_85, %iota3A : vector<16xi32>
      %add3A_87 = arith.constant 32 : i32
      %add3A_88 = vector.broadcast %add3A_87 : i32 to vector<16xi32>
      %add3A_89 = arith.addi %add3A_88, %iota3A : vector<16xi32>
      %add3A_90 = arith.constant 48 : i32
      %add3A_91 = vector.broadcast %add3A_90 : i32 to vector<16xi32>
      %add3A_92 = arith.addi %add3A_91, %iota3A : vector<16xi32>
      %add3A_93 = arith.constant 64 : i32
      %add3A_94 = vector.broadcast %add3A_93 : i32 to vector<16xi32>
      %add3A_95 = arith.addi %add3A_94, %iota3A : vector<16xi32>
      %add3A_96 = arith.constant 80 : i32
      %add3A_97 = vector.broadcast %add3A_96 : i32 to vector<16xi32>
      %add3A_98 = arith.addi %add3A_97, %iota3A : vector<16xi32>
      %add3A_99 = arith.constant 96 : i32
      %add3A_100 = vector.broadcast %add3A_99 : i32 to vector<16xi32>
      %add3A_101 = arith.addi %add3A_100, %iota3A : vector<16xi32>
      %add3A_102 = arith.constant 112 : i32
      %add3A_103 = vector.broadcast %add3A_102 : i32 to vector<16xi32>
      %add3A_104 = arith.addi %add3A_103, %iota3A : vector<16xi32>
      %add3A_105 = arith.constant 128 : i32
      %add3A_106 = vector.broadcast %add3A_105 : i32 to vector<16xi32>
      %add3A_107 = arith.addi %add3A_106, %iota3A : vector<16xi32>
      %parallel_loop3A_108 = arith.constant 0 : i32
      %parallel_loop3A_109 = arith.constant 1 : i32
      %parallel_loop3A_110:9 = scf.for %parallel_loop3A_160 = %parallel_loop3A_108 to %get3A_59 step %parallel_loop3A_109 iter_args(%parallel_loop3A_161 = %broadcast_in_dim3A_1, %parallel_loop3A_162 = %broadcast_in_dim3A_1, %parallel_loop3A_163 = %broadcast_in_dim3A_1, %parallel_loop3A_164 = %broadcast_in_dim3A_1, %parallel_loop3A_165 = %broadcast_in_dim3A_1, %parallel_loop3A_166 = %broadcast_in_dim3A_1, %parallel_loop3A_167 = %broadcast_in_dim3A_1, %parallel_loop3A_168 = %broadcast_in_dim3A_1, %parallel_loop3A_169 = %broadcast_in_dim3A_1) -> (vector<16xi32>, vector<16xi32>, vector<16xi32>, vector<16xi32>, vector<16xi32>, vector<16xi32>, vector<16xi32>, vector<16xi32>, vector<16xi32>)  : i32 {
        %parallel_loop3A_170 = vector.broadcast %parallel_loop3A_160 : i32 to vector<16xi32>
        %parallel_loop3A_171 = arith.addi %broadcast_in_dim3A_1, %parallel_loop3A_170 : vector<16xi32>
        %parallel_loop3A_172 = tpu.vector_load_idx %arg8[%parallel_loop3A_171] : memref<144xi32, #tpu.memory_space<vmem>>[vector<16xi32>], vector<16xi32>,
        %parallel_loop3A_173 = arith.cmpi sgt, %parallel_loop3A_172, %get3A_64 : vector<16xi32>
        %parallel_loop3A_174 = arith.cmpi eq, %parallel_loop3A_172, %get3A_64 : vector<16xi32>
        %parallel_loop3A_175 = vector.broadcast %parallel_loop3A_160 : i32 to vector<16xi32>
        %parallel_loop3A_176 = arith.cmpi slt, %parallel_loop3A_175, %add3A_83 : vector<16xi32>
        %parallel_loop3A_177 = arith.andi %parallel_loop3A_174, %parallel_loop3A_176 : vector<16xi1>
        %parallel_loop3A_178 = arith.ori %parallel_loop3A_173, %parallel_loop3A_177 : vector<16xi1>
        %parallel_loop3A_179 = arith.extui %parallel_loop3A_178 : vector<16xi1> to vector<16xi32>
        %parallel_loop3A_180 = arith.addi %parallel_loop3A_161, %parallel_loop3A_179 : vector<16xi32>
        %parallel_loop3A_181 = arith.cmpi sgt, %parallel_loop3A_172, %get3A_66 : vector<16xi32>
        %parallel_loop3A_182 = arith.cmpi eq, %parallel_loop3A_172, %get3A_66 : vector<16xi32>
        %parallel_loop3A_183 = vector.broadcast %parallel_loop3A_160 : i32 to vector<16xi32>
        %parallel_loop3A_184 = arith.cmpi slt, %parallel_loop3A_183, %add3A_86 : vector<16xi32>
        %parallel_loop3A_185 = arith.andi %parallel_loop3A_182, %parallel_loop3A_184 : vector<16xi1>
        %parallel_loop3A_186 = arith.ori %parallel_loop3A_181, %parallel_loop3A_185 : vector<16xi1>
        %parallel_loop3A_187 = arith.extui %parallel_loop3A_186 : vector<16xi1> to vector<16xi32>
        %parallel_loop3A_188 = arith.addi %parallel_loop3A_162, %parallel_loop3A_187 : vector<16xi32>
        %parallel_loop3A_189 = arith.cmpi sgt, %parallel_loop3A_172, %get3A_68 : vector<16xi32>
        %parallel_loop3A_190 = arith.cmpi eq, %parallel_loop3A_172, %get3A_68 : vector<16xi32>
        %parallel_loop3A_191 = vector.broadcast %parallel_loop3A_160 : i32 to vector<16xi32>
        %parallel_loop3A_192 = arith.cmpi slt, %parallel_loop3A_191, %add3A_89 : vector<16xi32>
        %parallel_loop3A_193 = arith.andi %parallel_loop3A_190, %parallel_loop3A_192 : vector<16xi1>
        %parallel_loop3A_194 = arith.ori %parallel_loop3A_189, %parallel_loop3A_193 : vector<16xi1>
        %parallel_loop3A_195 = arith.extui %parallel_loop3A_194 : vector<16xi1> to vector<16xi32>
        %parallel_loop3A_196 = arith.addi %parallel_loop3A_163, %parallel_loop3A_195 : vector<16xi32>
        %parallel_loop3A_197 = arith.cmpi sgt, %parallel_loop3A_172, %get3A_70 : vector<16xi32>
        %parallel_loop3A_198 = arith.cmpi eq, %parallel_loop3A_172, %get3A_70 : vector<16xi32>
        %parallel_loop3A_199 = vector.broadcast %parallel_loop3A_160 : i32 to vector<16xi32>
        %parallel_loop3A_200 = arith.cmpi slt, %parallel_loop3A_199, %add3A_92 : vector<16xi32>
        %parallel_loop3A_201 = arith.andi %parallel_loop3A_198, %parallel_loop3A_200 : vector<16xi1>
        %parallel_loop3A_202 = arith.ori %parallel_loop3A_197, %parallel_loop3A_201 : vector<16xi1>
        %parallel_loop3A_203 = arith.extui %parallel_loop3A_202 : vector<16xi1> to vector<16xi32>
        %parallel_loop3A_204 = arith.addi %parallel_loop3A_164, %parallel_loop3A_203 : vector<16xi32>
        %parallel_loop3A_205 = arith.cmpi sgt, %parallel_loop3A_172, %get3A_72 : vector<16xi32>
        %parallel_loop3A_206 = arith.cmpi eq, %parallel_loop3A_172, %get3A_72 : vector<16xi32>
        %parallel_loop3A_207 = vector.broadcast %parallel_loop3A_160 : i32 to vector<16xi32>
        %parallel_loop3A_208 = arith.cmpi slt, %parallel_loop3A_207, %add3A_95 : vector<16xi32>
        %parallel_loop3A_209 = arith.andi %parallel_loop3A_206, %parallel_loop3A_208 : vector<16xi1>
        %parallel_loop3A_210 = arith.ori %parallel_loop3A_205, %parallel_loop3A_209 : vector<16xi1>
        %parallel_loop3A_211 = arith.extui %parallel_loop3A_210 : vector<16xi1> to vector<16xi32>
        %parallel_loop3A_212 = arith.addi %parallel_loop3A_165, %parallel_loop3A_211 : vector<16xi32>
        %parallel_loop3A_213 = arith.cmpi sgt, %parallel_loop3A_172, %get3A_74 : vector<16xi32>
        %parallel_loop3A_214 = arith.cmpi eq, %parallel_loop3A_172, %get3A_74 : vector<16xi32>
        %parallel_loop3A_215 = vector.broadcast %parallel_loop3A_160 : i32 to vector<16xi32>
        %parallel_loop3A_216 = arith.cmpi slt, %parallel_loop3A_215, %add3A_98 : vector<16xi32>
        %parallel_loop3A_217 = arith.andi %parallel_loop3A_214, %parallel_loop3A_216 : vector<16xi1>
        %parallel_loop3A_218 = arith.ori %parallel_loop3A_213, %parallel_loop3A_217 : vector<16xi1>
        %parallel_loop3A_219 = arith.extui %parallel_loop3A_218 : vector<16xi1> to vector<16xi32>
        %parallel_loop3A_220 = arith.addi %parallel_loop3A_166, %parallel_loop3A_219 : vector<16xi32>
        %parallel_loop3A_221 = arith.cmpi sgt, %parallel_loop3A_172, %get3A_76 : vector<16xi32>
        %parallel_loop3A_222 = arith.cmpi eq, %parallel_loop3A_172, %get3A_76 : vector<16xi32>
        %parallel_loop3A_223 = vector.broadcast %parallel_loop3A_160 : i32 to vector<16xi32>
        %parallel_loop3A_224 = arith.cmpi slt, %parallel_loop3A_223, %add3A_101 : vector<16xi32>
        %parallel_loop3A_225 = arith.andi %parallel_loop3A_222, %parallel_loop3A_224 : vector<16xi1>
        %parallel_loop3A_226 = arith.ori %parallel_loop3A_221, %parallel_loop3A_225 : vector<16xi1>
        %parallel_loop3A_227 = arith.extui %parallel_loop3A_226 : vector<16xi1> to vector<16xi32>
        %parallel_loop3A_228 = arith.addi %parallel_loop3A_167, %parallel_loop3A_227 : vector<16xi32>
        %parallel_loop3A_229 = arith.cmpi sgt, %parallel_loop3A_172, %get3A_78 : vector<16xi32>
        %parallel_loop3A_230 = arith.cmpi eq, %parallel_loop3A_172, %get3A_78 : vector<16xi32>
        %parallel_loop3A_231 = vector.broadcast %parallel_loop3A_160 : i32 to vector<16xi32>
        %parallel_loop3A_232 = arith.cmpi slt, %parallel_loop3A_231, %add3A_104 : vector<16xi32>
        %parallel_loop3A_233 = arith.andi %parallel_loop3A_230, %parallel_loop3A_232 : vector<16xi1>
        %parallel_loop3A_234 = arith.ori %parallel_loop3A_229, %parallel_loop3A_233 : vector<16xi1>
        %parallel_loop3A_235 = arith.extui %parallel_loop3A_234 : vector<16xi1> to vector<16xi32>
        %parallel_loop3A_236 = arith.addi %parallel_loop3A_168, %parallel_loop3A_235 : vector<16xi32>
        %parallel_loop3A_237 = arith.cmpi sgt, %parallel_loop3A_172, %get3A_80 : vector<16xi32>
        %parallel_loop3A_238 = arith.cmpi eq, %parallel_loop3A_172, %get3A_80 : vector<16xi32>
        %parallel_loop3A_239 = vector.broadcast %parallel_loop3A_160 : i32 to vector<16xi32>
        %parallel_loop3A_240 = arith.cmpi slt, %parallel_loop3A_239, %add3A_107 : vector<16xi32>
        %parallel_loop3A_241 = arith.andi %parallel_loop3A_238, %parallel_loop3A_240 : vector<16xi1>
        %parallel_loop3A_242 = arith.ori %parallel_loop3A_237, %parallel_loop3A_241 : vector<16xi1>
        %parallel_loop3A_243 = arith.extui %parallel_loop3A_242 : vector<16xi1> to vector<16xi32>
        %parallel_loop3A_244 = arith.addi %parallel_loop3A_169, %parallel_loop3A_243 : vector<16xi32>
        scf.yield %parallel_loop3A_180, %parallel_loop3A_188, %parallel_loop3A_196, %parallel_loop3A_204, %parallel_loop3A_212, %parallel_loop3A_220, %parallel_loop3A_228, %parallel_loop3A_236, %parallel_loop3A_244 : vector<16xi32>, vector<16xi32>, vector<16xi32>, vector<16xi32>, vector<16xi32>, vector<16xi32>, vector<16xi32>, vector<16xi32>, vector<16xi32>
      } {sc.loop_unroll_factor = 2 : i64, sc.parallel_access}
      %lt3A = vector.broadcast %get3A_59 : i32 to vector<16xi32>
      %lt3A_111 = arith.cmpi slt, %add3A_83, %lt3A : vector<16xi32>
      tpu.vector_store_idx %arg12[%parallel_loop3A_110#0], %get3A_64 masked %lt3A_111 : memref<128xi32, #tpu.memory_space<vmem>>[vector<16xi32>], vector<16xi32>, vector<16xi1>
      %get3A_112 = arith.constant 0 : index
      %get3A_113 = tpu.vector_load %arg9[%get3A_112] {strides = array<i32>} : memref<144xi32, #tpu.memory_space<vmem>>, vector<16xi32>,
      tpu.vector_store_idx %arg13[%parallel_loop3A_110#0], %get3A_113 masked %lt3A_111 : memref<128xi32, #tpu.memory_space<vmem>>[vector<16xi32>], vector<16xi32>, vector<16xi1>
      %lt3A_114 = vector.broadcast %get3A_59 : i32 to vector<16xi32>
      %lt3A_115 = arith.cmpi slt, %add3A_86, %lt3A_114 : vector<16xi32>
      tpu.vector_store_idx %arg12[%parallel_loop3A_110#1], %get3A_66 masked %lt3A_115 : memref<128xi32, #tpu.memory_space<vmem>>[vector<16xi32>], vector<16xi32>, vector<16xi1>
      %get3A_116 = arith.constant 16 : index
      %get3A_117 = tpu.vector_load %arg9[%get3A_116] {strides = array<i32>} : memref<144xi32, #tpu.memory_space<vmem>>, vector<16xi32>,
      tpu.vector_store_idx %arg13[%parallel_loop3A_110#1], %get3A_117 masked %lt3A_115 : memref<128xi32, #tpu.memory_space<vmem>>[vector<16xi32>], vector<16xi32>, vector<16xi1>
      %lt3A_118 = vector.broadcast %get3A_59 : i32 to vector<16xi32>
      %lt3A_119 = arith.cmpi slt, %add3A_89, %lt3A_118 : vector<16xi32>
      tpu.vector_store_idx %arg12[%parallel_loop3A_110#2], %get3A_68 masked %lt3A_119 : memref<128xi32, #tpu.memory_space<vmem>>[vector<16xi32>], vector<16xi32>, vector<16xi1>
      %get3A_120 = arith.constant 32 : index
      %get3A_121 = tpu.vector_load %arg9[%get3A_120] {strides = array<i32>} : memref<144xi32, #tpu.memory_space<vmem>>, vector<16xi32>,
      tpu.vector_store_idx %arg13[%parallel_loop3A_110#2], %get3A_121 masked %lt3A_119 : memref<128xi32, #tpu.memory_space<vmem>>[vector<16xi32>], vector<16xi32>, vector<16xi1>
      %lt3A_122 = vector.broadcast %get3A_59 : i32 to vector<16xi32>
      %lt3A_123 = arith.cmpi slt, %add3A_92, %lt3A_122 : vector<16xi32>
      tpu.vector_store_idx %arg12[%parallel_loop3A_110#3], %get3A_70 masked %lt3A_123 : memref<128xi32, #tpu.memory_space<vmem>>[vector<16xi32>], vector<16xi32>, vector<16xi1>
      %get3A_124 = arith.constant 48 : index
      %get3A_125 = tpu.vector_load %arg9[%get3A_124] {strides = array<i32>} : memref<144xi32, #tpu.memory_space<vmem>>, vector<16xi32>,
      tpu.vector_store_idx %arg13[%parallel_loop3A_110#3], %get3A_125 masked %lt3A_123 : memref<128xi32, #tpu.memory_space<vmem>>[vector<16xi32>], vector<16xi32>, vector<16xi1>
      %lt3A_126 = vector.broadcast %get3A_59 : i32 to vector<16xi32>
      %lt3A_127 = arith.cmpi slt, %add3A_95, %lt3A_126 : vector<16xi32>
      tpu.vector_store_idx %arg12[%parallel_loop3A_110#4], %get3A_72 masked %lt3A_127 : memref<128xi32, #tpu.memory_space<vmem>>[vector<16xi32>], vector<16xi32>, vector<16xi1>
      %get3A_128 = arith.constant 64 : index
      %get3A_129 = tpu.vector_load %arg9[%get3A_128] {strides = array<i32>} : memref<144xi32, #tpu.memory_space<vmem>>, vector<16xi32>,
      tpu.vector_store_idx %arg13[%parallel_loop3A_110#4], %get3A_129 masked %lt3A_127 : memref<128xi32, #tpu.memory_space<vmem>>[vector<16xi32>], vector<16xi32>, vector<16xi1>
      %lt3A_130 = vector.broadcast %get3A_59 : i32 to vector<16xi32>
      %lt3A_131 = arith.cmpi slt, %add3A_98, %lt3A_130 : vector<16xi32>
      tpu.vector_store_idx %arg12[%parallel_loop3A_110#5], %get3A_74 masked %lt3A_131 : memref<128xi32, #tpu.memory_space<vmem>>[vector<16xi32>], vector<16xi32>, vector<16xi1>
      %get3A_132 = arith.constant 80 : index
      %get3A_133 = tpu.vector_load %arg9[%get3A_132] {strides = array<i32>} : memref<144xi32, #tpu.memory_space<vmem>>, vector<16xi32>,
      tpu.vector_store_idx %arg13[%parallel_loop3A_110#5], %get3A_133 masked %lt3A_131 : memref<128xi32, #tpu.memory_space<vmem>>[vector<16xi32>], vector<16xi32>, vector<16xi1>
      %lt3A_134 = vector.broadcast %get3A_59 : i32 to vector<16xi32>
      %lt3A_135 = arith.cmpi slt, %add3A_101, %lt3A_134 : vector<16xi32>
      tpu.vector_store_idx %arg12[%parallel_loop3A_110#6], %get3A_76 masked %lt3A_135 : memref<128xi32, #tpu.memory_space<vmem>>[vector<16xi32>], vector<16xi32>, vector<16xi1>
      %get3A_136 = arith.constant 96 : index
      %get3A_137 = tpu.vector_load %arg9[%get3A_136] {strides = array<i32>} : memref<144xi32, #tpu.memory_space<vmem>>, vector<16xi32>,
      tpu.vector_store_idx %arg13[%parallel_loop3A_110#6], %get3A_137 masked %lt3A_135 : memref<128xi32, #tpu.memory_space<vmem>>[vector<16xi32>], vector<16xi32>, vector<16xi1>
      %lt3A_138 = vector.broadcast %get3A_59 : i32 to vector<16xi32>
      %lt3A_139 = arith.cmpi slt, %add3A_104, %lt3A_138 : vector<16xi32>
      tpu.vector_store_idx %arg12[%parallel_loop3A_110#7], %get3A_78 masked %lt3A_139 : memref<128xi32, #tpu.memory_space<vmem>>[vector<16xi32>], vector<16xi32>, vector<16xi1>
      %get3A_140 = arith.constant 112 : index
      %get3A_141 = tpu.vector_load %arg9[%get3A_140] {strides = array<i32>} : memref<144xi32, #tpu.memory_space<vmem>>, vector<16xi32>,
      tpu.vector_store_idx %arg13[%parallel_loop3A_110#7], %get3A_141 masked %lt3A_139 : memref<128xi32, #tpu.memory_space<vmem>>[vector<16xi32>], vector<16xi32>, vector<16xi1>
      %lt3A_142 = vector.broadcast %get3A_59 : i32 to vector<16xi32>
      %lt3A_143 = arith.cmpi slt, %add3A_107, %lt3A_142 : vector<16xi32>
      tpu.vector_store_idx %arg12[%parallel_loop3A_110#8], %get3A_80 masked %lt3A_143 : memref<128xi32, #tpu.memory_space<vmem>>[vector<16xi32>], vector<16xi32>, vector<16xi1>
      %get3A_144 = arith.constant 128 : index
      %get3A_145 = tpu.vector_load %arg9[%get3A_144] {strides = array<i32>} : memref<144xi32, #tpu.memory_space<vmem>>, vector<16xi32>,
      tpu.vector_store_idx %arg13[%parallel_loop3A_110#8], %get3A_145 masked %lt3A_143 : memref<128xi32, #tpu.memory_space<vmem>>[vector<16xi32>], vector<16xi32>, vector<16xi1>
      %gt3A_146 = arith.constant 0 : i32
      %gt3A_147 = arith.cmpi sgt, %scan3A_34#1, %gt3A_146 : i32
      %le3A = arith.constant 256 : i32
      %le3A_148 = arith.cmpi sle, %reduce_max3A_47, %le3A : i32
      %and3A_149 = arith.andi %gt3A_147, %le3A_148 : i1
      %convert_element_type3A_150 = arith.extui %and3A_149 : i1 to i32
      %cond3A_151 = arith.constant 0 : i32
      %cond3A_152 = arith.cmpi ne, %convert_element_type3A_150, %cond3A_151 : i32
      scf.if %cond3A_152 {
        %add3A_160 = arith.constant 15 : i32
        %add3A_161 = arith.addi %reduce_max3A_47, %add3A_160 : i32
        %jit3A = arith.constant 16 : i32
        %div3A = arith.divsi %add3A_161, %jit3A : i32
        %sign3A = arith.constant 0 : i32
        %sign3A_162 = arith.cmpi sgt, %add3A_161, %sign3A : i32
        %sign3A_163 = arith.extui %sign3A_162 : i1 to i32
        %sign3A_164 = arith.constant 0 : i32
        %sign3A_165 = arith.cmpi slt, %add3A_161, %sign3A_164 : i32
        %sign3A_166 = arith.extui %sign3A_165 : i1 to i32
        %sign3A_167 = arith.subi %sign3A_163, %sign3A_166 : i32
        %sign3A_168 = arith.constant 0 : i32
        %sign3A_169 = arith.cmpi sgt, %jit3A, %sign3A_168 : i32
        %sign3A_170 = arith.extui %sign3A_169 : i1 to i32
        %sign3A_171 = arith.constant 0 : i32
        %sign3A_172 = arith.cmpi slt, %jit3A, %sign3A_171 : i32
        %sign3A_173 = arith.extui %sign3A_172 : i1 to i32
        %sign3A_174 = arith.subi %sign3A_170, %sign3A_173 : i32
        %ne3A = arith.cmpi ne, %sign3A_167, %sign3A_174 : i32
        %rem3A = arith.remsi %add3A_161, %jit3A : i32
        %ne3A_175 = arith.constant 0 : i32
        %ne3A_176 = arith.cmpi ne, %rem3A, %ne3A_175 : i32
        %and3A_177 = arith.andi %ne3A, %ne3A_176 : i1
        %sub3A_178 = arith.constant 1 : i32
        %sub3A_179 = arith.subi %div3A, %sub3A_178 : i32
        %select_n3A = arith.select %and3A_177, %sub3A_179, %div3A : i32
        %while3A_180 = arith.constant 0 : i32
        %while3A_181 = arith.constant 0 : i32
        %while3A_182 = arith.subi %select_n3A, %while3A_180 : i32
        %while3A_183 = arith.addi %while3A_180, %while3A_182 : i32
        %while3A_184 = arith.constant 1 : i32
        %while3A_185 = arith.divsi %while3A_182, %while3A_184 : i32
        %while3A_186 = arith.muli %while3A_185, %while3A_184 : i32
        %while3A_187 = arith.addi %while3A_180, %while3A_186 : i32
        %while3A_188 = arith.constant 1 : i32
        %while3A_189 = scf.for %while3A_192 = %while3A_180 to %while3A_187 step %while3A_188 iter_args(%while3A_193 = %while3A_181) -> (i32)  : i32 {
          %mul3A_194 = arith.constant 16 : i32
          %mul3A_195 = arith.muli %while3A_192, %mul3A_194 : i32
          %get3A_196 = arith.index_cast %mul3A_195 : i32 to index
          %get3A_197 = tpu.vector_load %arg10[%get3A_196] {strides = array<i32>} : memref<272xi32, #tpu.memory_space<vmem>>, vector<16xi32>,
          %mul3A_198 = arith.constant 16 : i32
          %mul3A_199 = arith.muli %while3A_192, %mul3A_198 : i32
          %add3A_200 = vector.broadcast %mul3A_199 : i32 to vector<16xi32>
          %add3A_201 = arith.addi %add3A_200, %iota3A : vector<16xi32>
          %while3A_202 = arith.constant 0 : i32
          %while3A_203 = arith.subi %reduce_max3A_47, %while3A_202 : i32
          %while3A_204 = arith.addi %while3A_202, %while3A_203 : i32
          %while3A_205 = arith.constant 1 : i32
          %while3A_206 = arith.divsi %while3A_203, %while3A_205 : i32
          %while3A_207 = arith.muli %while3A_206, %while3A_205 : i32
          %while3A_208 = arith.addi %while3A_202, %while3A_207 : i32
          %while3A_209 = arith.constant 1 : i32
          %while3A_210 = scf.for %while3A_227 = %while3A_202 to %while3A_208 step %while3A_209 iter_args(%while3A_228 = %broadcast_in_dim3A_1) -> (vector<16xi32>)  : i32 {
            %add3A_229 = vector.broadcast %while3A_227 : i32 to vector<16xi32>
            %add3A_230 = arith.addi %broadcast_in_dim3A_1, %add3A_229 : vector<16xi32>
            %gather3A = tpu.vector_load_idx %arg10[%add3A_230] : memref<272xi32, #tpu.memory_space<vmem>>[vector<16xi32>], vector<16xi32>,
            %gt3A_231 = arith.cmpi sgt, %gather3A, %get3A_197 : vector<16xi32>
            %eq3A_232 = arith.cmpi eq, %gather3A, %get3A_197 : vector<16xi32>
            %lt3A_233 = vector.broadcast %while3A_227 : i32 to vector<16xi32>
            %lt3A_234 = arith.cmpi slt, %lt3A_233, %add3A_201 : vector<16xi32>
            %and3A_235 = arith.andi %eq3A_232, %lt3A_234 : vector<16xi1>
            %or3A_236 = arith.ori %gt3A_231, %and3A_235 : vector<16xi1>
            %convert_element_type3A_237 = arith.extui %or3A_236 : vector<16xi1> to vector<16xi32>
            %add3A_238 = arith.addi %while3A_228, %convert_element_type3A_237 : vector<16xi32>
            scf.yield %add3A_238 : vector<16xi32>
          }
          %while3A_211 = arith.constant 1 : i32
          %while3A_212 = scf.for %while3A_227 = %while3A_208 to %while3A_204 step %while3A_211 iter_args(%while3A_228 = %while3A_210) -> (vector<16xi32>)  : i32 {
            %add3A_229 = vector.broadcast %while3A_227 : i32 to vector<16xi32>
            %add3A_230 = arith.addi %broadcast_in_dim3A_1, %add3A_229 : vector<16xi32>
            %gather3A = tpu.vector_load_idx %arg10[%add3A_230] : memref<272xi32, #tpu.memory_space<vmem>>[vector<16xi32>], vector<16xi32>,
            %gt3A_231 = arith.cmpi sgt, %gather3A, %get3A_197 : vector<16xi32>
            %eq3A_232 = arith.cmpi eq, %gather3A, %get3A_197 : vector<16xi32>
            %lt3A_233 = vector.broadcast %while3A_227 : i32 to vector<16xi32>
            %lt3A_234 = arith.cmpi slt, %lt3A_233, %add3A_201 : vector<16xi32>
            %and3A_235 = arith.andi %eq3A_232, %lt3A_234 : vector<16xi1>
            %or3A_236 = arith.ori %gt3A_231, %and3A_235 : vector<16xi1>
            %convert_element_type3A_237 = arith.extui %or3A_236 : vector<16xi1> to vector<16xi32>
            %add3A_238 = arith.addi %while3A_228, %convert_element_type3A_237 : vector<16xi32>
            scf.yield %add3A_238 : vector<16xi32>
          }
          %lt3A_213 = vector.broadcast %reduce_max3A_47 : i32 to vector<16xi32>
          %lt3A_214 = arith.cmpi slt, %add3A_201, %lt3A_213 : vector<16xi32>
          %lt3A_215 = vector.broadcast %sub3A_36 : i32 to vector<16xi32>
          %lt3A_216 = arith.cmpi slt, %while3A_212, %lt3A_215 : vector<16xi32>
          %and3A_217 = arith.andi %lt3A_214, %lt3A_216 : vector<16xi1>
          %add3A_218 = vector.broadcast %scan3A_34#2 : i32 to vector<16xi32>
          %add3A_219 = arith.addi %add3A_218, %while3A_212 : vector<16xi32>
          tpu.vector_store_idx %arg12[%add3A_219], %get3A_197 masked %and3A_217 : memref<128xi32, #tpu.memory_space<vmem>>[vector<16xi32>], vector<16xi32>, vector<16xi1>
          %add3A_220 = vector.broadcast %scan3A_34#2 : i32 to vector<16xi32>
          %add3A_221 = arith.addi %add3A_220, %while3A_212 : vector<16xi32>
          %mul3A_222 = arith.constant 16 : i32
          %mul3A_223 = arith.muli %while3A_192, %mul3A_222 : i32
          %get3A_224 = arith.index_cast %mul3A_223 : i32 to index
          %get3A_225 = tpu.vector_load %arg11[%get3A_224] {strides = array<i32>} : memref<272xi32, #tpu.memory_space<vmem>>, vector<16xi32>,
          tpu.vector_store_idx %arg13[%add3A_221], %get3A_225 masked %and3A_217 : memref<128xi32, #tpu.memory_space<vmem>>[vector<16xi32>], vector<16xi32>, vector<16xi1>
          %while3A_226 = arith.constant 0 : i32
          scf.yield %while3A_226 : i32
        }
        %while3A_190 = arith.constant 1 : i32
        %while3A_191 = scf.for %while3A_192 = %while3A_187 to %while3A_183 step %while3A_190 iter_args(%while3A_193 = %while3A_189) -> (i32)  : i32 {
          %mul3A_194 = arith.constant 16 : i32
          %mul3A_195 = arith.muli %while3A_192, %mul3A_194 : i32
          %get3A_196 = arith.index_cast %mul3A_195 : i32 to index
          %get3A_197 = tpu.vector_load %arg10[%get3A_196] {strides = array<i32>} : memref<272xi32, #tpu.memory_space<vmem>>, vector<16xi32>,
          %mul3A_198 = arith.constant 16 : i32
          %mul3A_199 = arith.muli %while3A_192, %mul3A_198 : i32
          %add3A_200 = vector.broadcast %mul3A_199 : i32 to vector<16xi32>
          %add3A_201 = arith.addi %add3A_200, %iota3A : vector<16xi32>
          %while3A_202 = arith.constant 0 : i32
          %while3A_203 = arith.subi %reduce_max3A_47, %while3A_202 : i32
          %while3A_204 = arith.addi %while3A_202, %while3A_203 : i32
          %while3A_205 = arith.constant 1 : i32
          %while3A_206 = arith.divsi %while3A_203, %while3A_205 : i32
          %while3A_207 = arith.muli %while3A_206, %while3A_205 : i32
          %while3A_208 = arith.addi %while3A_202, %while3A_207 : i32
          %while3A_209 = arith.constant 1 : i32
          %while3A_210 = scf.for %while3A_227 = %while3A_202 to %while3A_208 step %while3A_209 iter_args(%while3A_228 = %broadcast_in_dim3A_1) -> (vector<16xi32>)  : i32 {
            %add3A_229 = vector.broadcast %while3A_227 : i32 to vector<16xi32>
            %add3A_230 = arith.addi %broadcast_in_dim3A_1, %add3A_229 : vector<16xi32>
            %gather3A = tpu.vector_load_idx %arg10[%add3A_230] : memref<272xi32, #tpu.memory_space<vmem>>[vector<16xi32>], vector<16xi32>,
            %gt3A_231 = arith.cmpi sgt, %gather3A, %get3A_197 : vector<16xi32>
            %eq3A_232 = arith.cmpi eq, %gather3A, %get3A_197 : vector<16xi32>
            %lt3A_233 = vector.broadcast %while3A_227 : i32 to vector<16xi32>
            %lt3A_234 = arith.cmpi slt, %lt3A_233, %add3A_201 : vector<16xi32>
            %and3A_235 = arith.andi %eq3A_232, %lt3A_234 : vector<16xi1>
            %or3A_236 = arith.ori %gt3A_231, %and3A_235 : vector<16xi1>
            %convert_element_type3A_237 = arith.extui %or3A_236 : vector<16xi1> to vector<16xi32>
            %add3A_238 = arith.addi %while3A_228, %convert_element_type3A_237 : vector<16xi32>
            scf.yield %add3A_238 : vector<16xi32>
          }
          %while3A_211 = arith.constant 1 : i32
          %while3A_212 = scf.for %while3A_227 = %while3A_208 to %while3A_204 step %while3A_211 iter_args(%while3A_228 = %while3A_210) -> (vector<16xi32>)  : i32 {
            %add3A_229 = vector.broadcast %while3A_227 : i32 to vector<16xi32>
            %add3A_230 = arith.addi %broadcast_in_dim3A_1, %add3A_229 : vector<16xi32>
            %gather3A = tpu.vector_load_idx %arg10[%add3A_230] : memref<272xi32, #tpu.memory_space<vmem>>[vector<16xi32>], vector<16xi32>,
            %gt3A_231 = arith.cmpi sgt, %gather3A, %get3A_197 : vector<16xi32>
            %eq3A_232 = arith.cmpi eq, %gather3A, %get3A_197 : vector<16xi32>
            %lt3A_233 = vector.broadcast %while3A_227 : i32 to vector<16xi32>
            %lt3A_234 = arith.cmpi slt, %lt3A_233, %add3A_201 : vector<16xi32>
            %and3A_235 = arith.andi %eq3A_232, %lt3A_234 : vector<16xi1>
            %or3A_236 = arith.ori %gt3A_231, %and3A_235 : vector<16xi1>
            %convert_element_type3A_237 = arith.extui %or3A_236 : vector<16xi1> to vector<16xi32>
            %add3A_238 = arith.addi %while3A_228, %convert_element_type3A_237 : vector<16xi32>
            scf.yield %add3A_238 : vector<16xi32>
          }
          %lt3A_213 = vector.broadcast %reduce_max3A_47 : i32 to vector<16xi32>
          %lt3A_214 = arith.cmpi slt, %add3A_201, %lt3A_213 : vector<16xi32>
          %lt3A_215 = vector.broadcast %sub3A_36 : i32 to vector<16xi32>
          %lt3A_216 = arith.cmpi slt, %while3A_212, %lt3A_215 : vector<16xi32>
          %and3A_217 = arith.andi %lt3A_214, %lt3A_216 : vector<16xi1>
          %add3A_218 = vector.broadcast %scan3A_34#2 : i32 to vector<16xi32>
          %add3A_219 = arith.addi %add3A_218, %while3A_212 : vector<16xi32>
          tpu.vector_store_idx %arg12[%add3A_219], %get3A_197 masked %and3A_217 : memref<128xi32, #tpu.memory_space<vmem>>[vector<16xi32>], vector<16xi32>, vector<16xi1>
          %add3A_220 = vector.broadcast %scan3A_34#2 : i32 to vector<16xi32>
          %add3A_221 = arith.addi %add3A_220, %while3A_212 : vector<16xi32>
          %mul3A_222 = arith.constant 16 : i32
          %mul3A_223 = arith.muli %while3A_192, %mul3A_222 : i32
          %get3A_224 = arith.index_cast %mul3A_223 : i32 to index
          %get3A_225 = tpu.vector_load %arg11[%get3A_224] {strides = array<i32>} : memref<272xi32, #tpu.memory_space<vmem>>, vector<16xi32>,
          tpu.vector_store_idx %arg13[%add3A_221], %get3A_225 masked %and3A_217 : memref<128xi32, #tpu.memory_space<vmem>>[vector<16xi32>], vector<16xi32>, vector<16xi1>
          %while3A_226 = arith.constant 0 : i32
          scf.yield %while3A_226 : i32
        }
      } else {
      }
      %eq3A = arith.constant 0 : i32
      %eq3A_153 = arith.cmpi eq, %scan3A_34#1, %eq3A : i32
      %gt3A_154 = arith.constant 256 : i32
      %gt3A_155 = arith.cmpi sgt, %reduce_max3A_47, %gt3A_154 : i32
      %or3A = arith.ori %eq3A_153, %gt3A_155 : i1
      %convert_element_type3A_156 = arith.extui %or3A : i1 to i32
      %cond3A_157 = arith.constant 0 : i32
      %cond3A_158 = arith.cmpi ne, %convert_element_type3A_156, %cond3A_157 : i32
      scf.if %cond3A_158 {
        %add3A_160 = arith.constant 0 : i32
        %add3A_161 = vector.broadcast %add3A_160 : i32 to vector<16xi32>
        %add3A_162 = arith.addi %add3A_161, %iota3A : vector<16xi32>
        %ge3A = vector.broadcast %get3A_59 : i32 to vector<16xi32>
        %ge3A_163 = arith.cmpi sge, %add3A_162, %ge3A : vector<16xi32>
        %sub3A_164 = vector.broadcast %get3A_59 : i32 to vector<16xi32>
        %sub3A_165 = arith.subi %add3A_162, %sub3A_164 : vector<16xi32>
        %jit3A = arith.constant 0 : i32
        %broadcast_in_dim3A_166 = vector.broadcast %jit3A : i32 to vector<16xi32>
        %select_n3A = arith.select %ge3A_163, %sub3A_165, %broadcast_in_dim3A_166 : vector<16xi1>, vector<16xi32>
        %gather3A = tpu.vector_load_idx %arg11[%select_n3A] masked %ge3A_163 : memref<272xi32, #tpu.memory_space<vmem>>[vector<16xi32>], vector<16xi32>, vector<16xi1>
        %get3A_167 = arith.constant 0 : index
        %get3A_168 = tpu.vector_load %arg12[%get3A_167] {strides = array<i32>} : memref<128xi32, #tpu.memory_space<vmem>>, vector<16xi32>,
        %get3A_169 = arith.constant 0 : index
        %get3A_170 = tpu.vector_load %arg13[%get3A_169] {strides = array<i32>} : memref<128xi32, #tpu.memory_space<vmem>>, vector<16xi32>,
        %broadcast_in_dim3A_171 = vector.broadcast %get3A_62 : i32 to vector<16xi32>
        %select_n3A_172 = arith.select %ge3A_163, %broadcast_in_dim3A_171, %get3A_168 : vector<16xi1>, vector<16xi32>
        %swap3A_173 = arith.constant 0 : index
        %swap3A_174 = tpu.vector_load %arg12[%swap3A_173] {strides = array<i32>} : memref<128xi32, #tpu.memory_space<vmem>>, vector<16xi32>,
        tpu.vector_store %arg12[%swap3A_173], %select_n3A_172 {strides = array<i32>} : memref<128xi32, #tpu.memory_space<vmem>>, vector<16xi32>,
        %select_n3A_175 = arith.select %ge3A_163, %gather3A, %get3A_170 : vector<16xi1>, vector<16xi32>
        %swap3A_176 = arith.constant 0 : index
        %swap3A_177 = tpu.vector_load %arg13[%swap3A_176] {strides = array<i32>} : memref<128xi32, #tpu.memory_space<vmem>>, vector<16xi32>,
        tpu.vector_store %arg13[%swap3A_176], %select_n3A_175 {strides = array<i32>} : memref<128xi32, #tpu.memory_space<vmem>>, vector<16xi32>,
        %add3A_178 = arith.constant 16 : i32
        %add3A_179 = vector.broadcast %add3A_178 : i32 to vector<16xi32>
        %add3A_180 = arith.addi %add3A_179, %iota3A : vector<16xi32>
        %ge3A_181 = vector.broadcast %get3A_59 : i32 to vector<16xi32>
        %ge3A_182 = arith.cmpi sge, %add3A_180, %ge3A_181 : vector<16xi32>
        %sub3A_183 = vector.broadcast %get3A_59 : i32 to vector<16xi32>
        %sub3A_184 = arith.subi %add3A_180, %sub3A_183 : vector<16xi32>
        %jit3A_185 = arith.constant 0 : i32
        %broadcast_in_dim3A_186 = vector.broadcast %jit3A_185 : i32 to vector<16xi32>
        %select_n3A_187 = arith.select %ge3A_182, %sub3A_184, %broadcast_in_dim3A_186 : vector<16xi1>, vector<16xi32>
        %gather3A_188 = tpu.vector_load_idx %arg11[%select_n3A_187] masked %ge3A_182 : memref<272xi32, #tpu.memory_space<vmem>>[vector<16xi32>], vector<16xi32>, vector<16xi1>
        %get3A_189 = arith.constant 16 : index
        %get3A_190 = tpu.vector_load %arg12[%get3A_189] {strides = array<i32>} : memref<128xi32, #tpu.memory_space<vmem>>, vector<16xi32>,
        %get3A_191 = arith.constant 16 : index
        %get3A_192 = tpu.vector_load %arg13[%get3A_191] {strides = array<i32>} : memref<128xi32, #tpu.memory_space<vmem>>, vector<16xi32>,
        %broadcast_in_dim3A_193 = vector.broadcast %get3A_62 : i32 to vector<16xi32>
        %select_n3A_194 = arith.select %ge3A_182, %broadcast_in_dim3A_193, %get3A_190 : vector<16xi1>, vector<16xi32>
        %swap3A_195 = arith.constant 16 : index
        %swap3A_196 = tpu.vector_load %arg12[%swap3A_195] {strides = array<i32>} : memref<128xi32, #tpu.memory_space<vmem>>, vector<16xi32>,
        tpu.vector_store %arg12[%swap3A_195], %select_n3A_194 {strides = array<i32>} : memref<128xi32, #tpu.memory_space<vmem>>, vector<16xi32>,
        %select_n3A_197 = arith.select %ge3A_182, %gather3A_188, %get3A_192 : vector<16xi1>, vector<16xi32>
        %swap3A_198 = arith.constant 16 : index
        %swap3A_199 = tpu.vector_load %arg13[%swap3A_198] {strides = array<i32>} : memref<128xi32, #tpu.memory_space<vmem>>, vector<16xi32>,
        tpu.vector_store %arg13[%swap3A_198], %select_n3A_197 {strides = array<i32>} : memref<128xi32, #tpu.memory_space<vmem>>, vector<16xi32>,
        %add3A_200 = arith.constant 32 : i32
        %add3A_201 = vector.broadcast %add3A_200 : i32 to vector<16xi32>
        %add3A_202 = arith.addi %add3A_201, %iota3A : vector<16xi32>
        %ge3A_203 = vector.broadcast %get3A_59 : i32 to vector<16xi32>
        %ge3A_204 = arith.cmpi sge, %add3A_202, %ge3A_203 : vector<16xi32>
        %sub3A_205 = vector.broadcast %get3A_59 : i32 to vector<16xi32>
        %sub3A_206 = arith.subi %add3A_202, %sub3A_205 : vector<16xi32>
        %jit3A_207 = arith.constant 0 : i32
        %broadcast_in_dim3A_208 = vector.broadcast %jit3A_207 : i32 to vector<16xi32>
        %select_n3A_209 = arith.select %ge3A_204, %sub3A_206, %broadcast_in_dim3A_208 : vector<16xi1>, vector<16xi32>
        %gather3A_210 = tpu.vector_load_idx %arg11[%select_n3A_209] masked %ge3A_204 : memref<272xi32, #tpu.memory_space<vmem>>[vector<16xi32>], vector<16xi32>, vector<16xi1>
        %get3A_211 = arith.constant 32 : index
        %get3A_212 = tpu.vector_load %arg12[%get3A_211] {strides = array<i32>} : memref<128xi32, #tpu.memory_space<vmem>>, vector<16xi32>,
        %get3A_213 = arith.constant 32 : index
        %get3A_214 = tpu.vector_load %arg13[%get3A_213] {strides = array<i32>} : memref<128xi32, #tpu.memory_space<vmem>>, vector<16xi32>,
        %broadcast_in_dim3A_215 = vector.broadcast %get3A_62 : i32 to vector<16xi32>
        %select_n3A_216 = arith.select %ge3A_204, %broadcast_in_dim3A_215, %get3A_212 : vector<16xi1>, vector<16xi32>
        %swap3A_217 = arith.constant 32 : index
        %swap3A_218 = tpu.vector_load %arg12[%swap3A_217] {strides = array<i32>} : memref<128xi32, #tpu.memory_space<vmem>>, vector<16xi32>,
        tpu.vector_store %arg12[%swap3A_217], %select_n3A_216 {strides = array<i32>} : memref<128xi32, #tpu.memory_space<vmem>>, vector<16xi32>,
        %select_n3A_219 = arith.select %ge3A_204, %gather3A_210, %get3A_214 : vector<16xi1>, vector<16xi32>
        %swap3A_220 = arith.constant 32 : index
        %swap3A_221 = tpu.vector_load %arg13[%swap3A_220] {strides = array<i32>} : memref<128xi32, #tpu.memory_space<vmem>>, vector<16xi32>,
        tpu.vector_store %arg13[%swap3A_220], %select_n3A_219 {strides = array<i32>} : memref<128xi32, #tpu.memory_space<vmem>>, vector<16xi32>,
        %add3A_222 = arith.constant 48 : i32
        %add3A_223 = vector.broadcast %add3A_222 : i32 to vector<16xi32>
        %add3A_224 = arith.addi %add3A_223, %iota3A : vector<16xi32>
        %ge3A_225 = vector.broadcast %get3A_59 : i32 to vector<16xi32>
        %ge3A_226 = arith.cmpi sge, %add3A_224, %ge3A_225 : vector<16xi32>
        %sub3A_227 = vector.broadcast %get3A_59 : i32 to vector<16xi32>
        %sub3A_228 = arith.subi %add3A_224, %sub3A_227 : vector<16xi32>
        %jit3A_229 = arith.constant 0 : i32
        %broadcast_in_dim3A_230 = vector.broadcast %jit3A_229 : i32 to vector<16xi32>
        %select_n3A_231 = arith.select %ge3A_226, %sub3A_228, %broadcast_in_dim3A_230 : vector<16xi1>, vector<16xi32>
        %gather3A_232 = tpu.vector_load_idx %arg11[%select_n3A_231] masked %ge3A_226 : memref<272xi32, #tpu.memory_space<vmem>>[vector<16xi32>], vector<16xi32>, vector<16xi1>
        %get3A_233 = arith.constant 48 : index
        %get3A_234 = tpu.vector_load %arg12[%get3A_233] {strides = array<i32>} : memref<128xi32, #tpu.memory_space<vmem>>, vector<16xi32>,
        %get3A_235 = arith.constant 48 : index
        %get3A_236 = tpu.vector_load %arg13[%get3A_235] {strides = array<i32>} : memref<128xi32, #tpu.memory_space<vmem>>, vector<16xi32>,
        %broadcast_in_dim3A_237 = vector.broadcast %get3A_62 : i32 to vector<16xi32>
        %select_n3A_238 = arith.select %ge3A_226, %broadcast_in_dim3A_237, %get3A_234 : vector<16xi1>, vector<16xi32>
        %swap3A_239 = arith.constant 48 : index
        %swap3A_240 = tpu.vector_load %arg12[%swap3A_239] {strides = array<i32>} : memref<128xi32, #tpu.memory_space<vmem>>, vector<16xi32>,
        tpu.vector_store %arg12[%swap3A_239], %select_n3A_238 {strides = array<i32>} : memref<128xi32, #tpu.memory_space<vmem>>, vector<16xi32>,
        %select_n3A_241 = arith.select %ge3A_226, %gather3A_232, %get3A_236 : vector<16xi1>, vector<16xi32>
        %swap3A_242 = arith.constant 48 : index
        %swap3A_243 = tpu.vector_load %arg13[%swap3A_242] {strides = array<i32>} : memref<128xi32, #tpu.memory_space<vmem>>, vector<16xi32>,
        tpu.vector_store %arg13[%swap3A_242], %select_n3A_241 {strides = array<i32>} : memref<128xi32, #tpu.memory_space<vmem>>, vector<16xi32>,
        %add3A_244 = arith.constant 64 : i32
        %add3A_245 = vector.broadcast %add3A_244 : i32 to vector<16xi32>
        %add3A_246 = arith.addi %add3A_245, %iota3A : vector<16xi32>
        %ge3A_247 = vector.broadcast %get3A_59 : i32 to vector<16xi32>
        %ge3A_248 = arith.cmpi sge, %add3A_246, %ge3A_247 : vector<16xi32>
        %sub3A_249 = vector.broadcast %get3A_59 : i32 to vector<16xi32>
        %sub3A_250 = arith.subi %add3A_246, %sub3A_249 : vector<16xi32>
        %jit3A_251 = arith.constant 0 : i32
        %broadcast_in_dim3A_252 = vector.broadcast %jit3A_251 : i32 to vector<16xi32>
        %select_n3A_253 = arith.select %ge3A_248, %sub3A_250, %broadcast_in_dim3A_252 : vector<16xi1>, vector<16xi32>
        %gather3A_254 = tpu.vector_load_idx %arg11[%select_n3A_253] masked %ge3A_248 : memref<272xi32, #tpu.memory_space<vmem>>[vector<16xi32>], vector<16xi32>, vector<16xi1>
        %get3A_255 = arith.constant 64 : index
        %get3A_256 = tpu.vector_load %arg12[%get3A_255] {strides = array<i32>} : memref<128xi32, #tpu.memory_space<vmem>>, vector<16xi32>,
        %get3A_257 = arith.constant 64 : index
        %get3A_258 = tpu.vector_load %arg13[%get3A_257] {strides = array<i32>} : memref<128xi32, #tpu.memory_space<vmem>>, vector<16xi32>,
        %broadcast_in_dim3A_259 = vector.broadcast %get3A_62 : i32 to vector<16xi32>
        %select_n3A_260 = arith.select %ge3A_248, %broadcast_in_dim3A_259, %get3A_256 : vector<16xi1>, vector<16xi32>
        %swap3A_261 = arith.constant 64 : index
        %swap3A_262 = tpu.vector_load %arg12[%swap3A_261] {strides = array<i32>} : memref<128xi32, #tpu.memory_space<vmem>>, vector<16xi32>,
        tpu.vector_store %arg12[%swap3A_261], %select_n3A_260 {strides = array<i32>} : memref<128xi32, #tpu.memory_space<vmem>>, vector<16xi32>,
        %select_n3A_263 = arith.select %ge3A_248, %gather3A_254, %get3A_258 : vector<16xi1>, vector<16xi32>
        %swap3A_264 = arith.constant 64 : index
        %swap3A_265 = tpu.vector_load %arg13[%swap3A_264] {strides = array<i32>} : memref<128xi32, #tpu.memory_space<vmem>>, vector<16xi32>,
        tpu.vector_store %arg13[%swap3A_264], %select_n3A_263 {strides = array<i32>} : memref<128xi32, #tpu.memory_space<vmem>>, vector<16xi32>,
        %add3A_266 = arith.constant 80 : i32
        %add3A_267 = vector.broadcast %add3A_266 : i32 to vector<16xi32>
        %add3A_268 = arith.addi %add3A_267, %iota3A : vector<16xi32>
        %ge3A_269 = vector.broadcast %get3A_59 : i32 to vector<16xi32>
        %ge3A_270 = arith.cmpi sge, %add3A_268, %ge3A_269 : vector<16xi32>
        %sub3A_271 = vector.broadcast %get3A_59 : i32 to vector<16xi32>
        %sub3A_272 = arith.subi %add3A_268, %sub3A_271 : vector<16xi32>
        %jit3A_273 = arith.constant 0 : i32
        %broadcast_in_dim3A_274 = vector.broadcast %jit3A_273 : i32 to vector<16xi32>
        %select_n3A_275 = arith.select %ge3A_270, %sub3A_272, %broadcast_in_dim3A_274 : vector<16xi1>, vector<16xi32>
        %gather3A_276 = tpu.vector_load_idx %arg11[%select_n3A_275] masked %ge3A_270 : memref<272xi32, #tpu.memory_space<vmem>>[vector<16xi32>], vector<16xi32>, vector<16xi1>
        %get3A_277 = arith.constant 80 : index
        %get3A_278 = tpu.vector_load %arg12[%get3A_277] {strides = array<i32>} : memref<128xi32, #tpu.memory_space<vmem>>, vector<16xi32>,
        %get3A_279 = arith.constant 80 : index
        %get3A_280 = tpu.vector_load %arg13[%get3A_279] {strides = array<i32>} : memref<128xi32, #tpu.memory_space<vmem>>, vector<16xi32>,
        %broadcast_in_dim3A_281 = vector.broadcast %get3A_62 : i32 to vector<16xi32>
        %select_n3A_282 = arith.select %ge3A_270, %broadcast_in_dim3A_281, %get3A_278 : vector<16xi1>, vector<16xi32>
        %swap3A_283 = arith.constant 80 : index
        %swap3A_284 = tpu.vector_load %arg12[%swap3A_283] {strides = array<i32>} : memref<128xi32, #tpu.memory_space<vmem>>, vector<16xi32>,
        tpu.vector_store %arg12[%swap3A_283], %select_n3A_282 {strides = array<i32>} : memref<128xi32, #tpu.memory_space<vmem>>, vector<16xi32>,
        %select_n3A_285 = arith.select %ge3A_270, %gather3A_276, %get3A_280 : vector<16xi1>, vector<16xi32>
        %swap3A_286 = arith.constant 80 : index
        %swap3A_287 = tpu.vector_load %arg13[%swap3A_286] {strides = array<i32>} : memref<128xi32, #tpu.memory_space<vmem>>, vector<16xi32>,
        tpu.vector_store %arg13[%swap3A_286], %select_n3A_285 {strides = array<i32>} : memref<128xi32, #tpu.memory_space<vmem>>, vector<16xi32>,
        %add3A_288 = arith.constant 96 : i32
        %add3A_289 = vector.broadcast %add3A_288 : i32 to vector<16xi32>
        %add3A_290 = arith.addi %add3A_289, %iota3A : vector<16xi32>
        %ge3A_291 = vector.broadcast %get3A_59 : i32 to vector<16xi32>
        %ge3A_292 = arith.cmpi sge, %add3A_290, %ge3A_291 : vector<16xi32>
        %sub3A_293 = vector.broadcast %get3A_59 : i32 to vector<16xi32>
        %sub3A_294 = arith.subi %add3A_290, %sub3A_293 : vector<16xi32>
        %jit3A_295 = arith.constant 0 : i32
        %broadcast_in_dim3A_296 = vector.broadcast %jit3A_295 : i32 to vector<16xi32>
        %select_n3A_297 = arith.select %ge3A_292, %sub3A_294, %broadcast_in_dim3A_296 : vector<16xi1>, vector<16xi32>
        %gather3A_298 = tpu.vector_load_idx %arg11[%select_n3A_297] masked %ge3A_292 : memref<272xi32, #tpu.memory_space<vmem>>[vector<16xi32>], vector<16xi32>, vector<16xi1>
        %get3A_299 = arith.constant 96 : index
        %get3A_300 = tpu.vector_load %arg12[%get3A_299] {strides = array<i32>} : memref<128xi32, #tpu.memory_space<vmem>>, vector<16xi32>,
        %get3A_301 = arith.constant 96 : index
        %get3A_302 = tpu.vector_load %arg13[%get3A_301] {strides = array<i32>} : memref<128xi32, #tpu.memory_space<vmem>>, vector<16xi32>,
        %broadcast_in_dim3A_303 = vector.broadcast %get3A_62 : i32 to vector<16xi32>
        %select_n3A_304 = arith.select %ge3A_292, %broadcast_in_dim3A_303, %get3A_300 : vector<16xi1>, vector<16xi32>
        %swap3A_305 = arith.constant 96 : index
        %swap3A_306 = tpu.vector_load %arg12[%swap3A_305] {strides = array<i32>} : memref<128xi32, #tpu.memory_space<vmem>>, vector<16xi32>,
        tpu.vector_store %arg12[%swap3A_305], %select_n3A_304 {strides = array<i32>} : memref<128xi32, #tpu.memory_space<vmem>>, vector<16xi32>,
        %select_n3A_307 = arith.select %ge3A_292, %gather3A_298, %get3A_302 : vector<16xi1>, vector<16xi32>
        %swap3A_308 = arith.constant 96 : index
        %swap3A_309 = tpu.vector_load %arg13[%swap3A_308] {strides = array<i32>} : memref<128xi32, #tpu.memory_space<vmem>>, vector<16xi32>,
        tpu.vector_store %arg13[%swap3A_308], %select_n3A_307 {strides = array<i32>} : memref<128xi32, #tpu.memory_space<vmem>>, vector<16xi32>,
        %add3A_310 = arith.constant 112 : i32
        %add3A_311 = vector.broadcast %add3A_310 : i32 to vector<16xi32>
        %add3A_312 = arith.addi %add3A_311, %iota3A : vector<16xi32>
        %ge3A_313 = vector.broadcast %get3A_59 : i32 to vector<16xi32>
        %ge3A_314 = arith.cmpi sge, %add3A_312, %ge3A_313 : vector<16xi32>
        %sub3A_315 = vector.broadcast %get3A_59 : i32 to vector<16xi32>
        %sub3A_316 = arith.subi %add3A_312, %sub3A_315 : vector<16xi32>
        %jit3A_317 = arith.constant 0 : i32
        %broadcast_in_dim3A_318 = vector.broadcast %jit3A_317 : i32 to vector<16xi32>
        %select_n3A_319 = arith.select %ge3A_314, %sub3A_316, %broadcast_in_dim3A_318 : vector<16xi1>, vector<16xi32>
        %gather3A_320 = tpu.vector_load_idx %arg11[%select_n3A_319] masked %ge3A_314 : memref<272xi32, #tpu.memory_space<vmem>>[vector<16xi32>], vector<16xi32>, vector<16xi1>
        %get3A_321 = arith.constant 112 : index
        %get3A_322 = tpu.vector_load %arg12[%get3A_321] {strides = array<i32>} : memref<128xi32, #tpu.memory_space<vmem>>, vector<16xi32>,
        %get3A_323 = arith.constant 112 : index
        %get3A_324 = tpu.vector_load %arg13[%get3A_323] {strides = array<i32>} : memref<128xi32, #tpu.memory_space<vmem>>, vector<16xi32>,
        %broadcast_in_dim3A_325 = vector.broadcast %get3A_62 : i32 to vector<16xi32>
        %select_n3A_326 = arith.select %ge3A_314, %broadcast_in_dim3A_325, %get3A_322 : vector<16xi1>, vector<16xi32>
        %swap3A_327 = arith.constant 112 : index
        %swap3A_328 = tpu.vector_load %arg12[%swap3A_327] {strides = array<i32>} : memref<128xi32, #tpu.memory_space<vmem>>, vector<16xi32>,
        tpu.vector_store %arg12[%swap3A_327], %select_n3A_326 {strides = array<i32>} : memref<128xi32, #tpu.memory_space<vmem>>, vector<16xi32>,
        %select_n3A_329 = arith.select %ge3A_314, %gather3A_320, %get3A_324 : vector<16xi1>, vector<16xi32>
        %swap3A_330 = arith.constant 112 : index
        %swap3A_331 = tpu.vector_load %arg13[%swap3A_330] {strides = array<i32>} : memref<128xi32, #tpu.memory_space<vmem>>, vector<16xi32>,
        tpu.vector_store %arg13[%swap3A_330], %select_n3A_329 {strides = array<i32>} : memref<128xi32, #tpu.memory_space<vmem>>, vector<16xi32>,
      } else {
      }
      "tpu.region"() ({
        %run_scoped3A = tpu.sem_alloc : memref<!tpu.dma_semaphore, #tpu.memory_space<semaphore_mem>>
        %dma_start3A = arith.constant 0 : i32
        %dma_start3A_160 = tpu.memref_slice %arg3[%while3A_18, %dma_start3A] : memref<64x128xi32, #tpu.memory_space<hbm>> -> memref<1x128xi32, #tpu.memory_space<hbm>>
        %dma_start3A_161 = tpu.memref_squeeze %dma_start3A_160 : memref<1x128xi32, #tpu.memory_space<hbm>> -> memref<128xi32, #tpu.memory_space<hbm>>
        %dma_start3A_162 = arith.constant 0 : i32
        %dma_start3A_163 = tpu.memref_slice %arg3[%while3A_18, %dma_start3A_162] : memref<64x128xi32, #tpu.memory_space<hbm>> -> memref<1x128xi32, #tpu.memory_space<hbm>>
        %dma_start3A_164 = tpu.memref_squeeze %dma_start3A_163 : memref<1x128xi32, #tpu.memory_space<hbm>> -> memref<128xi32, #tpu.memory_space<hbm>>
        tpu.enqueue_dma source(%arg12 : memref<128xi32, #tpu.memory_space<vmem>>) target(%dma_start3A_164 : memref<128xi32, #tpu.memory_space<hbm>>) target_semaphore(%run_scoped3A : memref<!tpu.dma_semaphore, #tpu.memory_space<semaphore_mem>>)
        %dma_wait3A = arith.constant 0 : i32
        %dma_wait3A_165 = tpu.memref_slice %arg3[%while3A_18, %dma_wait3A] : memref<64x128xi32, #tpu.memory_space<hbm>> -> memref<1x128xi32, #tpu.memory_space<hbm>>
        %dma_wait3A_166 = tpu.memref_squeeze %dma_wait3A_165 : memref<1x128xi32, #tpu.memory_space<hbm>> -> memref<128xi32, #tpu.memory_space<hbm>>
        %dma_wait3A_167 = arith.constant 0 : i32
        %dma_wait3A_168 = tpu.memref_slice %arg3[%while3A_18, %dma_wait3A_167] : memref<64x128xi32, #tpu.memory_space<hbm>> -> memref<1x128xi32, #tpu.memory_space<hbm>>
        %dma_wait3A_169 = tpu.memref_squeeze %dma_wait3A_168 : memref<1x128xi32, #tpu.memory_space<hbm>> -> memref<128xi32, #tpu.memory_space<hbm>>
        tpu.wait_dma2 semaphore(%run_scoped3A : memref<!tpu.dma_semaphore, #tpu.memory_space<semaphore_mem>>) src(%arg12 : memref<128xi32, #tpu.memory_space<vmem>>) dst(%dma_wait3A_169 : memref<128xi32, #tpu.memory_space<hbm>>)
        tpu.yield
      }) : () -> ()
      "tpu.region"() ({
        %run_scoped3A = tpu.sem_alloc : memref<!tpu.dma_semaphore, #tpu.memory_space<semaphore_mem>>
        %dma_start3A = arith.constant 0 : i32
        %dma_start3A_160 = tpu.memref_slice %arg4[%while3A_18, %dma_start3A] : memref<64x128xi32, #tpu.memory_space<hbm>> -> memref<1x128xi32, #tpu.memory_space<hbm>>
        %dma_start3A_161 = tpu.memref_squeeze %dma_start3A_160 : memref<1x128xi32, #tpu.memory_space<hbm>> -> memref<128xi32, #tpu.memory_space<hbm>>
        %dma_start3A_162 = arith.constant 0 : i32
        %dma_start3A_163 = tpu.memref_slice %arg4[%while3A_18, %dma_start3A_162] : memref<64x128xi32, #tpu.memory_space<hbm>> -> memref<1x128xi32, #tpu.memory_space<hbm>>
        %dma_start3A_164 = tpu.memref_squeeze %dma_start3A_163 : memref<1x128xi32, #tpu.memory_space<hbm>> -> memref<128xi32, #tpu.memory_space<hbm>>
        tpu.enqueue_dma source(%arg13 : memref<128xi32, #tpu.memory_space<vmem>>) target(%dma_start3A_164 : memref<128xi32, #tpu.memory_space<hbm>>) target_semaphore(%run_scoped3A : memref<!tpu.dma_semaphore, #tpu.memory_space<semaphore_mem>>)
        %dma_wait3A = arith.constant 0 : i32
        %dma_wait3A_165 = tpu.memref_slice %arg4[%while3A_18, %dma_wait3A] : memref<64x128xi32, #tpu.memory_space<hbm>> -> memref<1x128xi32, #tpu.memory_space<hbm>>
        %dma_wait3A_166 = tpu.memref_squeeze %dma_wait3A_165 : memref<1x128xi32, #tpu.memory_space<hbm>> -> memref<128xi32, #tpu.memory_space<hbm>>
        %dma_wait3A_167 = arith.constant 0 : i32
        %dma_wait3A_168 = tpu.memref_slice %arg4[%while3A_18, %dma_wait3A_167] : memref<64x128xi32, #tpu.memory_space<hbm>> -> memref<1x128xi32, #tpu.memory_space<hbm>>
        %dma_wait3A_169 = tpu.memref_squeeze %dma_wait3A_168 : memref<1x128xi32, #tpu.memory_space<hbm>> -> memref<128xi32, #tpu.memory_space<hbm>>
        tpu.wait_dma2 semaphore(%run_scoped3A : memref<!tpu.dma_semaphore, #tpu.memory_space<semaphore_mem>>) src(%arg13 : memref<128xi32, #tpu.memory_space<vmem>>) dst(%dma_wait3A_169 : memref<128xi32, #tpu.memory_space<hbm>>)
        tpu.yield
      }) : () -> ()
      %while3A_159 = arith.constant 0 : i32
      scf.yield %while3A_159 : i32
    }
    return
  }
}

module attributes {stable_mosaic.version = 14 : i64} {
  func.func @_mask_body(%arg0: memref<64x8192xf32, #tpu.memory_space<vmem>>, %arg1: memref<64x8192xi32, #tpu.memory_space<vmem>>) attributes {dimension_semantics = [], scalar_prefetch = 0 : i64, scratch_operands = 0 : i64, tpu.core_type = #tpu.core_type<tc>} {
    %get3A = arith.constant 0 : index
    %get3A_0 = arith.constant 0 : index
    %get3A_1 = vector.load %arg0[%get3A, %get3A_0] : memref<64x8192xf32, #tpu.memory_space<vmem>>, vector<64x8192xf32>
    %mul3A = arith.constant 5.000000e-01 : f32
    %mul3A_2 = vector.broadcast %mul3A : f32 to vector<64x8192xf32>
    %mul3A_3 = arith.mulf %mul3A_2, %get3A_1 : vector<64x8192xf32>
    %tanh3A = math.tanh %mul3A_3 : vector<64x8192xf32>
    %mul3A_4 = arith.constant 5.000000e-01 : f32
    %mul3A_5 = vector.broadcast %mul3A_4 : f32 to vector<64x8192xf32>
    %mul3A_6 = arith.mulf %mul3A_5, %tanh3A : vector<64x8192xf32>
    %add3A = arith.constant 5.000000e-01 : f32
    %add3A_7 = vector.broadcast %add3A : f32 to vector<64x8192xf32>
    %add3A_8 = arith.addf %add3A_7, %mul3A_6 : vector<64x8192xf32>
    %gt3A = arith.constant 5.000000e-01 : f32
    %gt3A_9 = vector.broadcast %gt3A : f32 to vector<64x8192xf32>
    %gt3A_10 = arith.cmpf ogt, %add3A_8, %gt3A_9 : vector<64x8192xf32>
    %jit3A = arith.constant 0.000000e+00 : f32
    %broadcast_in_dim3A = vector.broadcast %jit3A : f32 to vector<64x8192xf32>
    %select_n3A = arith.select %gt3A_10, %add3A_8, %broadcast_in_dim3A : vector<64x8192xi1>, vector<64x8192xf32>
    %bitcast_convert_type3A = tpu.bitcast %select_n3A : vector<64x8192xf32> -> vector<64x8192xi32>
    %swap3A = arith.constant 0 : index
    %swap3A_11 = arith.constant 0 : index
    %swap3A_12 = vector.load %arg1[%swap3A, %swap3A_11] : memref<64x8192xi32, #tpu.memory_space<vmem>>, vector<64x8192xi32>
    tpu.vector_store %arg1[%swap3A, %swap3A_11], %bitcast_convert_type3A {strides = array<i32>} : memref<64x8192xi32, #tpu.memory_space<vmem>>, vector<64x8192xi32>,
    return
  }
}

module attributes {stable_mosaic.version = 14 : i64} {
  func.func @_score_body(%arg0: memref<64x128xi32, #tpu.memory_space<vmem>>, %arg1: memref<1xf32, #tpu.memory_space<smem>>, %arg2: memref<1xi32, #tpu.memory_space<smem>>, %arg3: memref<64x128xf32, #tpu.memory_space<vmem>>, %arg4: memref<64x128xf32, #tpu.memory_space<vmem>>) attributes {dimension_semantics = [], scalar_prefetch = 0 : i64, scratch_operands = 0 : i64, tpu.core_type = #tpu.core_type<tc>} {
    %get3A = arith.constant 0 : index
    %get3A_0 = arith.constant 0 : index
    %get3A_1 = vector.load %arg0[%get3A, %get3A_0] : memref<64x128xi32, #tpu.memory_space<vmem>>, vector<64x128xi32>
    %bitcast_convert_type3A = tpu.bitcast %get3A_1 : vector<64x128xi32> -> vector<64x128xf32>
    %swap3A = arith.constant 0 : index
    %swap3A_2 = arith.constant 0 : index
    %swap3A_3 = vector.load %arg4[%swap3A, %swap3A_2] : memref<64x128xf32, #tpu.memory_space<vmem>>, vector<64x128xf32>
    tpu.vector_store %arg4[%swap3A, %swap3A_2], %bitcast_convert_type3A {strides = array<i32>} : memref<64x128xf32, #tpu.memory_space<vmem>>, vector<64x128xf32>,
    %iota3A = tpu.iota {dimensions = array<i32: 1>} : vector<64x128xi32>
    %gt3A = arith.constant 5.000000e-01 : f32
    %gt3A_4 = vector.broadcast %gt3A : f32 to vector<64x128xf32>
    %gt3A_5 = arith.cmpf ogt, %bitcast_convert_type3A, %gt3A_4 : vector<64x128xf32>
    %get3A_6 = arith.constant 0 : index
    %get3A_7 = memref.load %arg2[%get3A_6] : memref<1xi32, #tpu.memory_space<smem>>
    %lt3A = vector.broadcast %get3A_7 : i32 to vector<64x128xi32>
    %lt3A_8 = arith.cmpi slt, %iota3A, %lt3A : vector<64x128xi32>
    %and3A = arith.andi %gt3A_5, %lt3A_8 : vector<64x128xi1>
    %convert_element_type3A = arith.extui %and3A : vector<64x128xi1> to vector<64x128xi32>
    %convert_element_type3A_9 = arith.sitofp %convert_element_type3A : vector<64x128xi32> to vector<64x128xf32>
    %get3A_10 = arith.constant 0 : index
    %get3A_11 = memref.load %arg1[%get3A_10] : memref<1xf32, #tpu.memory_space<smem>>
    %add3A = arith.constant 9.99999971E-10 : f32
    %add3A_12 = vector.broadcast %add3A : f32 to vector<64x128xf32>
    %add3A_13 = arith.addf %bitcast_convert_type3A, %add3A_12 : vector<64x128xf32>
    %log3A = math.log %add3A_13 : vector<64x128xf32>
    %mul3A = vector.broadcast %get3A_11 : f32 to vector<64x128xf32>
    %mul3A_14 = arith.mulf %mul3A, %log3A : vector<64x128xf32>
    %mul3A_15 = arith.mulf %mul3A_14, %convert_element_type3A_9 : vector<64x128xf32>
    %swap3A_16 = arith.constant 0 : index
    %swap3A_17 = arith.constant 0 : index
    %swap3A_18 = vector.load %arg3[%swap3A_16, %swap3A_17] : memref<64x128xf32, #tpu.memory_space<vmem>>, vector<64x128xf32>
    tpu.vector_store %arg3[%swap3A_16, %swap3A_17], %mul3A_15 {strides = array<i32>} : memref<64x128xf32, #tpu.memory_space<vmem>>, vector<64x128xf32>,
    return
  }
}

</mosaic_0001>

<sc_bundles>
// kernel: kernel.5.cloned.1.call-start
scs
__scs_entry_jumppad:
0x0: {  	(pc) =	sbr.rel $0x88, $3  }
0x1: {  	(tag) =	ssettag $0x0;
	lr =	simm.s32 $0x1  }
0x2: {  	[smem:$0x3F9E] =	sst lr;
	_ =	strace $0xD0000000  }
0x3: {  	_ = 	snop  }
0x4: {  	_ = 	snop  }
0x5: {  	_ = 	snop  }
0x6: {  	_ = 	snop  }
0x7: {  	_ = 	snop  }
__scs_overlays_trampoline_lowered:
0x8: {  	[smem:$0x3FAD] =	sst s0  }
0x9: {  	[smem:$0x3FAE] =	sst s1  }
0xa: {  	[smem:$0x3FAF] =	sst s2  }
0xb: {  	[smem:$0x3FB0] =	sst s3  }
0xc: {  	[smem:$0x3FB1] =	sst s4  }
0xd: {  	[smem:$0x3FB2] =	sst s5  }
0xe: {  	[smem:$0x3FB3] =	sst s6  }
0xf: {  	[smem:$0x3FB4] =	sst s7  }
0x10: {  	[smem:$0x3FB5] =	sst s8  }
0x11: {  	[smem:$0x3FB6] =	sst s9;
	s0 =	simm.s32 @!p0 $0x0  }
0x12: {  	s1 =	sld [smem:$0x3F9C];
	s0 =	simm.s32 @p0 $0x1  }
0x13: {  	[smem:$0x3FB7] =	sst s0;
	s0 =	simm.s32 @!p1 $0x0  }
0x14: {  	s2 =	sld [smem:$0x3F9B];
	s0 =	simm.s32 @p1 $0x1  }
0x15: {  	[smem:$0x3FB8] =	sst s0;
	s0 =	simm.s32 @!p2 $0x0  }
0x16: {  	s3 =	sld [smem:$0x3FDB];
	s0 =	simm.s32 @p2 $0x1  }
0x17: {  	s4 =	simm.s32 $0x1BF5;
	[smem:$0x3FBA] =	sst s0  }
0x18: {  	s0 =	sld [smem:$0x3F9D];
	_ =	swait.ge [sflag:s4], $0x0  }
0x19: {  	s7 =	sld [smem:$0x3F9E]  }
0x1a: {  	s8 =	sadd.s32 $0xFFFFE003, lr  }
0x1b: {  	s9 =	sadd.s32 $0xFFFFFEF7, lr;
	s5 =	simm.s32 $0xFFFFFFFF;
	p2 =	slt.u32 s8, $0xFFFFF086  }
0x1c: {  	p1 =	slt.u32 s9, $0xF7A;
	s5 =	simm.s32 @!p2 $0x0  }
0x1d: {  	s5 =	simm.s32 @p1 $0x1;
	p0 =	seq.s32 s7, s2  }
0x1e: {  	s7 =	smul.u32 @!p0 $0xF7A, s2;
	p2 =	seq.s32 @!p0 s5, $0x0  }
0x1f: {  	s9 =	smul.u32 $0xF7A, s1;
	s8 =	simm.s32 @!p0 $0x1BF5;
	p2 =	por !p2, p0  }
0x20: {  	[sflag:s8] =	ssyncset.s32 @!p0 $0xFFFFF086;
	s6 =	sadd.s32 @!p0 s3, s7;
	s7 =	simm.s32 @!p0 $0x108  }
0x21: {  	s3 =	sadd.s32 s3, s9;
	s6 =	sadd.s32 @!p0 $0x88, s6;
	s7 =	simm.s32 @p2 $0x1082  }
0x22: {  	[simem:s7], [sflag:s8] =	dma.local @!p0 [hbm:s6], $0xF7A  }
0x23: {  	s9 =	sor.u32 $0xD0000000, s2;
	s6 =	simm.s32 $0x108;
	_ =	swait.ge @!p0 [sflag:s8], $0x0  }
0x24: {  	s3 =	sadd.s32 $0x88, s3;
	s6 =	simm.s32 @!p1 $0x1082;
	[sflag:s4] =	ssyncset.s32 $0xFFFFF086  }
0x25: {  	[simem:s6], [sflag:s4] =	dma.local [hbm:s3], $0xF7A  }
0x26: {  	[smem:$0x3F9E] =	sst s1;
	(tag) =	ssettag s2;
	_ =	strace s9  }
0x27: {  	s1 =	sld [smem:$0x3FAE]  }
0x28: {  	s2 =	sld [smem:$0x3FAF]  }
0x29: {  	s4 =	sld [smem:$0x3FB1]  }
0x2a: {  	p0 =	seq.s32 s5, $0x0;
	s5 =	sld [smem:$0x3FB2]  }
0x2b: {  	s6 =	sld [smem:$0x3FB3]  }
0x2c: {  	s7 =	sld [smem:$0x3FB4]  }
0x2d: {  	s3 =	simm.s32 $0x108;
	s8 =	sld [smem:$0x3FB5]  }
0x2e: {  	s3 =	simm.s32 @!p0 $0x1082;
	s9 =	sld [smem:$0x3FB6]  }
0x2f: {  	lr =	sadd.s32 s0, s3;
	s0 =	sld [smem:$0x3FAD]  }
0x30: {  	s3 =	sld [smem:$0x3FB0]  }
0x31: {  	[smem:$0x3FB9] =	sst s10  }
0x32: {  	s10 =	sld [smem:$0x3FB7];
	_ =	sdelay $0x3  }
0x33: {  	p0 =	seq.s32 s10, $0x1;
	s10 =	sld [smem:$0x3FB9];
	_ =	sdelay $0x3  }
0x34: {  	[smem:$0x3FB9] =	sst s10  }
0x35: {  	s10 =	sld [smem:$0x3FB8];
	_ =	sdelay $0x3  }
0x36: {  	p1 =	seq.s32 s10, $0x1;
	s10 =	sld [smem:$0x3FB9];
	_ =	sdelay $0x3  }
0x37: {  	[smem:$0x3FB9] =	sst s10  }
0x38: {  	s10 =	sld [smem:$0x3FBA]  }
0x39: {  	_ = 	snop;
	(pc) =	sbr.ind lr, $3  }
0x3a: {  	_ = 	snop  }
0x3b: {  	_ = 	snop  }
0x3c: {  	p2 =	seq.s32 s10, $0x1;
	s10 =	sld [smem:$0x3FB9]  }
0x3d: {  	_ =	shalt  }
0x3e: {  	_ =	shalt  }
0x3f: {  	_ =	shalt  }
0x40: {  	_ =	shalt  }
0x41: {  	_ =	shalt  }
0x42: {  	_ =	shalt  }
0x43: {  	_ =	shalt  }
0x44: {  	_ =	shalt  }
0x45: {  	_ =	shalt  }
0x46: {  	_ =	shalt  }
0x47: {  	_ =	shalt  }
0x48: {  	_ =	shalt  }
0x49: {  	_ =	shalt  }
0x4a: {  	_ =	shalt  }
0x4b: {  	_ =	shalt  }
0x4c: {  	_ =	shalt  }
0x4d: {  	_ =	shalt  }
0x4e: {  	_ =	shalt  }
0x4f: {  	_ =	shalt  }
0x50: {  	_ =	shalt  }
0x51: {  	_ =	shalt  }
0x52: {  	_ =	shalt  }
0x53: {  	_ =	shalt  }
0x54: {  	_ =	shalt  }
0x55: {  	_ =	shalt  }
0x56: {  	_ =	shalt  }
0x57: {  	_ =	shalt  }
0x58: {  	_ =	shalt  }
0x59: {  	_ =	shalt  }
0x5a: {  	_ =	shalt  }
0x5b: {  	_ =	shalt  }
0x5c: {  	_ =	shalt  }
0x5d: {  	_ =	shalt  }
0x5e: {  	_ =	shalt  }
0x5f: {  	_ =	shalt  }
0x60: {  	_ =	shalt  }
0x61: {  	_ =	shalt  }
0x62: {  	_ =	shalt  }
0x63: {  	_ =	shalt  }
0x64: {  	_ =	shalt  }
0x65: {  	_ =	shalt  }
0x66: {  	_ =	shalt  }
0x67: {  	_ =	shalt  }
0x68: {  	_ =	shalt  }
0x69: {  	_ =	shalt  }
0x6a: {  	_ =	shalt  }
0x6b: {  	_ =	shalt  }
0x6c: {  	_ =	shalt  }
0x6d: {  	_ =	shalt  }
0x6e: {  	_ =	shalt  }
0x6f: {  	_ =	shalt  }
0x70: {  	_ =	shalt  }
0x71: {  	_ =	shalt  }
0x72: {  	_ =	shalt  }
0x73: {  	_ =	shalt  }
0x74: {  	_ =	shalt  }
0x75: {  	_ =	shalt  }
0x76: {  	_ =	shalt  }
0x77: {  	_ =	shalt  }
0x78: {  	_ =	shalt  }
0x79: {  	_ =	shalt  }
0x7a: {  	_ =	shalt  }
0x7b: {  	_ =	shalt  }
0x7c: {  	_ =	shalt  }
0x7d: {  	_ =	shalt  }
0x7e: {  	_ =	shalt  }
0x7f: {  	_ =	shalt  }
0x80: {  	_ =	shalt  }
0x81: {  	_ =	shalt  }
0x82: {  	_ =	shalt  }
0x83: {  	_ =	shalt  }
0x84: {  	_ =	shalt  }
0x85: {  	_ =	shalt  }
0x86: {  	_ =	shalt  }
0x87: {  	_ =	shalt  }
.Lfunc_end0:
.L_simem_size_0:
called_computation_lowered:
.L_overlay_start_0:
0x88: {  	s2 =	sld [smem:$0x3FD9]  }
0x89: {  	s3 =	sld [smem:$0x3FFE];
	_ =	sdelay $0x1  }
0x8a: {  	s1 =	srdreg.scid  }
0x8b: {  	s0 =	sand.u32 $0x1, s1  }
0x8c: {  	s14 =	sshll.u32 s0, $0xA;
	s2 =	sadd.s32 s3, s2  }
0x8d: {  	s2 =	sadd.s32 s2, s14  }
0x8e: {  	[smem:$0x3FC5] =	sst s2  }
0x8f: {  	_ = 	snop  }
0x90: {  	s2 =	sld [smem:$0x3FD0];
	_ =	sdelay $0x2  }
0x91: {  	s15 =	simm.s32 $0xA;
	s4 =	simm.s32 $0x10  }
0x92: {  	[smem:s4], [sflag:s15] =	dma.local [hbm:s2], $0x1  }
0x93: {  	_ =	swait.eq [sflag:s15], $0x1  }
0x94: {  	[sflag:s15] =	ssyncset.done $0x0  }
0x95: {  	s16 =	sld [smem:$0x11];
	[sflag:s15] =	ssyncadd.s32 $0xFFFFFFFF  }
0x96: {  	s17 =	sld [smem:$0x12];
	(tm) =	ssettm $0x1  }
0x97: {  	s18 =	sld [smem:$0x3FFB];
	_ =	sdelay $0x3  }
0x98: {  	_ =	strace s18  }
0x99: {  	s4 =	sld [smem:$0x3FFC];
	_ =	sdelay $0x3  }
0x9a: {  	_ =	strace s4  }
0x9b: {  	s4 =	sld [smem:$0x3FFD];
	_ =	sdelay $0x3  }
0x9c: {  	_ =	strace s4  }
0x9d: {  	_ =	strace $0x8FFFFFFF  }
0x9e: {  	s19 =	sld [smem:$0x3FDB];
	_ =	sdelay $0x1  }
0x9f: {  	s5 =	simm.s32 $_scs_section_size  }
0xa0: {  	s6 =	simm.s32 $_size__tile_overlayer_lowered;
	s7 =	simm.s32 $_tile_overlayer_lowered  }
0xa1: {  	s22 =	simm.s32 $0x1BFF;
	s21 =	sshll.u32 s7, $0x1;
	s4 =	sadd.s32 s5, s19  }
0xa2: {  	s8 =	simm.s32 $0x0;
	s20 =	sshll.u32 s6, $0x1;
	s6 =	sadd.s32 s21, s4  }
0xa3: {  	[timem:s8], [sflag:s22] =	dma.local [hbm:s6], s20  }
0xa4: {  	_ =	swait.ge [sflag:s22], s20  }
0xa5: {  	s5 =	ssub.s32 $0x0, s20;
	[sflag:s22] =	ssyncset.done $0x0  }
0xa6: {  	[sflag:s22] =	ssyncadd.s32 s5;
	_ =	sdelay $0x1  }
0xa7: {  	s23 =	simm.s32 $0x1B8B  }
0xa8: {  	_ =	swait.ge [sflag:s23], $0x1  }
0xa9: {  	[sflag:s23] =	ssyncset.done $0x0  }
0xaa: {  	s25 =	simm.s32 $0x1B8E;
	s24 =	sld [smem:$0x3FFE];
	[sflag:s23] =	ssyncadd.s32 $0xFFFFFFFF  }
0xab: {  	s26 =	simm.s32 $execute0_lowered;
	[smem:$0x3FD2] =	sst s25  }
0xac: {  	s6 =	sshll.u32 s26, $0x1;
	_ =	strace $0x80000046;
	[dreg:$0x1] =	wrdreg $0xFFFFFFFF  }
0xad: {  	s28 =	simm.s32 $_size_execute0_lowered;
	s4 =	sadd.s32 s4, s6;
	[dreg:$0x0] =	wrdreg $0x0  }
0xae: {  	s6 =	sshll.u32 s28, $0x1;
	[dreg:$0x2] =	wrdreg s4  }
0xaf: {  	[dreg:$0x3] =	wrdreg s6  }
0xb0: {  	[dreg:$0x4] =	wrdreg $0xC0  }
0xb1: {  	_ =	task [dreg:s8], $0x5FFFF  }
0xb2: {  	[dreg:$0x1] =	wrdreg $0xFFFFFFFF  }
0xb3: {  	[dreg:$0x0] =	wrdreg $0x60  }
0xb4: {  	[dreg:$0x2] =	wrdreg s24  }
0xb5: {  	[dreg:$0x3] =	wrdreg s16  }
0xb6: {  	[dreg:$0x4] =	wrdreg s17  }
0xb7: {  	[dreg:$0x5] =	wrdreg $0x9  }
0xb8: {  	_ =	task.clear_ibuf [dreg:s8], $0x6FFFF;
	_ =	strace $0x90000046  }
0xb9: {  	s29 =	simm.s32 $0x9;
	_ =	strace $0x80000048  }
0xba: {  	_ =	swait.ge [sflag:s29], $0x1  }
0xbb: {  	[sflag:s29] =	ssyncadd.s32 $0xFFFFFFFF  }
0xbc: {  	_ =	strace $0x90000048  }
0xbd: {  	_ =	sfence  }
0xbe: {  	s30 =	sld [smem:$0x0];
	_ =	sdelay $0x2  }
0xbf: {  	s31 =	sshll.u32 s1, $0xD;
	s1 =	sshrl.u32 s1, $0x2  }
0xc0: {  	s3 =	sand.u32 $0x4000, s31;
	s1 =	sadd.s32 s1, s30  }
0xc1: {  	s0 =	sor.u32 s3, s0;
	s1 =	sshll.u32 s1, $0x11  }
0xc2: {  	s0 =	sor.u32 s1, s0  }
0xc3: {  	s0 =	sadd.s32 $0x8F2B, s0  }
0xc4: {  	[sflag:s0] =	ssyncadd.remote.s32 $0x1  }
0xc5: {  	_ =	sfence.sel $0xFFFF  }
0xc6: {  	[dreg:$0x0] =	wrdreg $0xFFFFFFFF;
	(pc) =	sbr.abs _section_cstart, $3  }
0xc7: {  	[dreg:$0x1] =	wrdreg $0xFFFFFFFF  }
0xc8: {  	_ =	task.clear_ibuf [dreg:s8], $0x2FFFF;
	_ =	strace $0x9FFFFFFF  }
0xc9: {  	(tm) =	ssettm $0x7FFFFFFF  }
tec
execute0_lowered:
.L_overlay_start_1:
0x0: {  	(tag) =	ssettag $0x1  }
0x1: {  	s0 =	rddreg [dreg:$0x0]  }
0x2: {  	s6 =	simm.s32 $0x0;
	s1 =	srdreg.scid;
	s3 =	stileid.u32  }
0x3: {  	s8 =	simm.s32 $0x1;
	s12 =	simm.s32 $0x2000;
	s13 =	simm.s32 $0x3100  }
0x4: {  	s14 =	simm.s32 $0x3200;
	[smem:$0x7FF] =	sst s6;
	s1 =	sand.u32 $0x1, s1  }
0x5: {  	s3 =	sshll.u32 s3, $0x2;
	s0 =	sadd.s32 $0x1000, s0;
	s2 =	ssub.s32 $0x2, s1  }
.Ltmp0:
0x6: {  	s1 =	sshll.u32 s1, $0x1;
	_ =	strace $0x80000047;
	(pc) =	sbr.rel .LBB2_1-.Ltmp0, $4  }
0x7: {  	v0 =	vlaneseq.u32;
	[dreg:$0x5] =	wrdreg s0;
	s4 =	sshrl.u32 s2, $0x1;
	s1 =	sor.u32 s1, s3  }
0x8: {  	v1 =	vmul.u32 $0x100, v0;
	s31 =	ssub.s32 s2, s4;
	[dreg:$0x4] =	wrdreg s1;
	s1 =	sadd.s32 $0x2, s1  }
0x9: {  	v2 =	vimm.s32 $0x0;
	s15 =	simm.s32 $0x3300;
	[dreg:$0x6] =	wrdreg s1;
	s0 =	smax.u32 s31, $0x1  }
0xa: {  	s16 =	simm.s32 $0x3480;
	v4 =	vimm.s32 $0x1;
	v5 =	vor.u32 $0x80000000, v0;
	v3 =	vor.u32 $0x1, v1;
	s1 =	simm.s32 $0x0;
	[dreg:$0x7] =	wrdreg s0  }
.LBB2_81:
0xb: {  	s1 =	rddreg [dreg:$0x8]  }
0xc: {  	s0 =	rddreg [dreg:$0x7];
	s1 =	sadd.s32 $0x1, s1  }
0xd: {  	p0 =	sne.s32 s1, s0  }
.Ltmp1:
0xe: {  	_ = 	snop;
	(pc) =	sbr.rel @!p0 .LBB2_82-.Ltmp1, $1  }
0xf: {  	_ =	sdelay $0x3  }
.LBB2_1:
.Ltmp2:
0x10: {  	(pc) =	sbr.rel .LBB2_2-.Ltmp2, $3  }
0x11: {  	_ =	sdelay $0x1  }
0x12: {  	[dreg:$0x8] =	wrdreg s1  }
0x13: {  	s11 =	rddreg [dreg:$0x4]  }
.LBB2_78:
0x14: {  	p0 =	seq.s32 s22, $0x0  }
0x15: {  	p1 =	slt.s32 @!p0 s25, $0x101  }
0x16: {  	p0 =	por p0, !p1  }
.Ltmp3:
0x17: {  	_ = 	snop;
	(pc) =	sbr.rel @p0 .LBB2_79-.Ltmp3, $1  }
0x18: {  	_ =	sdelay $0x3  }
.LBB2_80:
0x19: {  	s0 =	sshll.u32 s17, $0xA  }
0x1a: {  	s0 =	sor.u32 s18, s0  }
0x1b: {  	s1 =	rddreg [dreg:$0x1];
	s0 =	sshrl.u32 s0, $0x3  }
0x1c: {  	s1 =	sadd.s32 s1, s0  }
0x1d: {  	[hbm4b:s1+s6] =	stream.linear.scatter [tilespmem:s9], [sflag:$0x1], $0x80, $0x38;
	[tilespmem:$0x3700] =	vst v63  }
0x1e: {  	_ =	swait.ge [sflag:s8], $0x80  }
0x1f: {  	[sflag:s8] =	ssyncset.done $0x0  }
0x20: {  	[sflag:s8] =	ssyncadd.s32 $0xFFFFFF80  }
0x21: {  	s30 =	rddreg [dreg:$0x2]  }
0x22: {  	s0 =	sadd.s32 s30, s0  }
0x23: {  	[hbm4b:s0+s6] =	stream.linear.scatter [tilespmem:s10], [sflag:$0x1], $0x80, $0x38;
	[tilespmem:$0x3700] =	vst v63  }
0x24: {  	_ =	swait.ge [sflag:s8], $0x80  }
0x25: {  	s11 =	sadd.s32 $0x1, s11;
	s31 =	rddreg [dreg:$0x6]  }
0x26: {  	p0 =	slt.u32 s11, s31  }
.Ltmp4:
0x27: {  	_ = 	snop;
	(pc) =	sbr.rel @!p0 .LBB2_81-.Ltmp4, $3  }
0x28: {  	_ =	sdelay $0x1  }
0x29: {  	[sflag:s8] =	ssyncset.done $0x0  }
0x2a: {  	[sflag:s8] =	ssyncadd.s32 $0xFFFFFF80  }
.LBB2_2:
0x2b: {  	s5 =	sshrl.u32 s11, $0x3;
	s0 =	sshll.u32 s11, $0x7  }
0x2c: {  	s7 =	sand.u32 $0x380, s0;
	s30 =	sshll.u32 s5, $0x10  }
0x2d: {  	s0 =	sor.u32 s7, s30  }
0x2e: {  	s1 =	rddreg [dreg:$0x5];
	s0 =	sshrl.u32 s0, $0x3  }
0x2f: {  	s31 =	simm.s32 $0x80;
	s2 =	simm.s32 $0x400;
	s0 =	sadd.s32 s1, s0  }
0x30: {  	[tilespmem:s6], [sflag:$0x1] =	stream.strided.gather [hbm4b:s0+s31], $0x2000, s2, s31, $0x38;
	[tilespmem:$0x3700] =	vst v63  }
0x31: {  	_ =	swait.ge [sflag:s8], $0x2000  }
0x32: {  	[sflag:s8] =	ssyncset.done $0x0  }
0x33: {  	s0 =	simm.s32 $0x2040;
	[sflag:s8] =	ssyncadd.s32 $0xFFFFE000  }
0x34: {  	[tilespmem:s0+$0xFFFFFFC0] =	vst v2  }
0x35: {  	[tilespmem:s0+$0x30] =	vst v2  }
0x36: {  	[tilespmem:s0+$0x20] =	vst v2  }
0x37: {  	[tilespmem:s0+$0x10] =	vst v2  }
0x38: {  	[tilespmem:s0+$0x0] =	vst v2  }
0x39: {  	[tilespmem:s0+$0xFFFFFFF0] =	vst v2  }
0x3a: {  	s2 =	simm.s32 $0x0;
	[tilespmem:s0+$0xFFFFFFE0] =	vst v2  }
.LBB2_3:
0x3b: {  	s2 =	sadd.s32 $0x8, s2;
	[tilespmem:s0+$0xFFFFFFD0] =	vst v2;
	s0 =	sadd.s32 $0x80, s0;
	s1 =	simm.s32 $0x40  }
0x3c: {  	[tilespmem:s0+$0xFFFFFFC0] =	vst v2;
	p0 =	slt.u32 s2, $0xF8  }
0x3d: {  	[tilespmem:s0+$0x30] =	vst v2  }
.Ltmp5:
0x3e: {  	[tilespmem:s0+$0x20] =	vst v2;
	(pc) =	sbr.rel @p0 .LBB2_3-.Ltmp5, $4  }
0x3f: {  	[tilespmem:s0+$0x10] =	vst v2  }
0x40: {  	[tilespmem:s0+$0x0] =	vst v2  }
0x41: {  	[tilespmem:s0+$0xFFFFFFF0] =	vst v2  }
0x42: {  	[tilespmem:s0+$0xFFFFFFE0] =	vst v2  }
0x43: {  	[tilespmem:s0+$0xFFFFFFD0] =	vst v2  }
0x44: {  	v8 =	vld [tilespmem:s1+$0x30]  }
0x45: {  	v7 =	vld [tilespmem:s1+$0xFFFFFFD0]  }
0x46: {  	v15 =	vld [tilespmem:s1+$0xFFFFFFE0]  }
0x47: {  	v17 =	vld [tilespmem:s1+$0x0]  }
0x48: {  	v6 =	vld [tilespmem:s1+$0x10]  }
0x49: {  	v13 =	vld [tilespmem:s1+$0xFFFFFFC0]  }
0x4a: {  	v16 =	vld [tilespmem:s1+$0xFFFFFFF0]  }
0x4b: {  	v9 =	vshrl.u32 v8, $0x10  }
0x4c: {  	vm0 =	veq.s32 v7, $0x0;
	v10 =	vshrl.u32 v7, $0x10;
	v11 =	vshrl.u32 v15, $0x10  }
0x4d: {  	vm1 =	veq.s32 v8, $0x0;
	v12 =	vshrl.u32 v17, $0x10;
	v14 =	vshrl.u32 v6, $0x10  }
0x4e: {  	v7 =	vld [tilespmem:s1+$0x20];
	v19 =	vshrl.u32 v13, $0x10;
	vm2 =	veq.s32 v13, $0x0;
	v9 =	vand.u32 $0xFF, v9  }
0x4f: {  	vm3 =	veq.s32 v15, $0x0;
	vm4 =	veq.s32 v16, $0x0;
	v8 =	vadd.s32 v3, v9  }
0x50: {  	v11 =	vand.u32 $0xFF, v11;
	v12 =	vand.u32 $0xFF, v12;
	v18 =	vsel vm1, v1, v8  }
0x51: {  	v9 =	vand.u32 $0xFF, v10;
	v10 =	vshrl.u32 v16, $0x10;
	v12 =	vadd.s32 v3, v12  }
0x52: {  	v10 =	vand.u32 $0xFF, v10;
	v8 =	vadd.s32 v3, v9;
	v9 =	vadd.s32 v3, v11  }
0x53: {  	v11 =	vand.u32 $0xFF, v14;
	v10 =	vadd.s32 v3, v10;
	v14 =	vshrl.u32 v7, $0x10  }
0x54: {  	s3 =	simm.s32 $0x0;
	v11 =	vadd.s32 v3, v11;
	v20 =	vand.u32 $0xFF, v14;
	v14 =	vand.u32 $0xFF, v19  }
0x55: {  	s2 =	simm.s32 $0x2810;
	s4 =	simm.s32 $0xC0;
	s1 =	simm.s32 $0x3010;
	vm1 =	veq.s32 v17, $0x0;
	v14 =	vadd.s32 v3, v14;
	v13 =	vadd.s32 v3, v20;
	[tilespmem:v18+s12+$0x0] =	vst.idx.add.s32.msk $0xffff, v4  }
.LBB2_5:
0x56: {  	v15 =	vld [tilespmem:s4+$0x30];
	s3 =	sadd.s32 $0x8, s3;
	v14 =	vsel vm2, v1, v14;
	vm2 =	veq.s32 v6, $0x0;
	vm5 =	veq.s32 v7, $0x0  }
0x57: {  	v8 =	vsel vm0, v1, v8;
	v9 =	vsel vm3, v1, v9;
	v10 =	vsel vm4, v1, v10;
	v7 =	vld [tilespmem:s4+$0xFFFFFFD0];
	p0 =	slt.u32 s3, $0x1F8  }
0x58: {  	v12 =	vsel vm1, v1, v12;
	v17 =	vsel vm2, v1, v11;
	v18 =	vsel vm5, v1, v13;
	v16 =	vld [tilespmem:s4+$0xFFFFFFE0]  }
0x59: {  	v19 =	vld [tilespmem:s4+$0xFFFFFFF0]  }
0x5a: {  	v20 =	vld [tilespmem:s4+$0x0]  }
0x5b: {  	v6 =	vld [tilespmem:s4+$0x10];
	v11 =	vshrl.u32 v15, $0x10  }
0x5c: {  	vm0 =	veq.s32 v7, $0x0;
	v13 =	vshrl.u32 v7, $0x10;
	v7 =	vld [tilespmem:s4+$0x20];
	v11 =	vand.u32 $0xFF, v11  }
0x5d: {  	vm1 =	veq.s32 v15, $0x0;
	v21 =	vld [tilespmem:s4+$0xFFFFFFC0];
	v22 =	vshrl.u32 v16, $0x10;
	v11 =	vadd.s32 v3, v11  }
0x5e: {  	v13 =	vand.u32 $0xFF, v13;
	v15 =	vshrl.u32 v19, $0x10;
	v23 =	vsel vm1, v1, v11;
	[tilespmem:v14+s12+$0x0] =	vst.idx.add.s32.msk $0xffff, v4  }
0x5f: {  	v11 =	vand.u32 $0xFF, v22;
	v14 =	vand.u32 $0xFF, v15;
	v15 =	vshrl.u32 v20, $0x10;
	[tilespmem:v8+s12+$0x0] =	vst.idx.add.s32.msk $0xffff, v4  }
0x60: {  	v8 =	vadd.s32 v3, v13;
	v13 =	vand.u32 $0xFF, v15;
	v15 =	vshrl.u32 v6, $0x10;
	[tilespmem:v9+s12+$0x0] =	vst.idx.add.s32.msk $0xffff, v4  }
.Ltmp6:
0x61: {  	v9 =	vadd.s32 v3, v11;
	v11 =	vand.u32 $0xFF, v15;
	v15 =	vshrl.u32 v7, $0x10;
	[tilespmem:v10+s12+$0x0] =	vst.idx.add.s32.msk $0xffff, v4;
	(pc) =	sbr.rel @p0 .LBB2_5-.Ltmp6, $4  }
0x62: {  	s0 =	simm.s32 $0x0;
	v10 =	vadd.s32 v3, v14;
	v22 =	vshrl.u32 v21, $0x10;
	v15 =	vand.u32 $0xFF, v15;
	[tilespmem:v12+s12+$0x0] =	vst.idx.add.s32.msk $0xffff, v4  }
0x63: {  	v12 =	vadd.s32 v3, v13;
	v11 =	vadd.s32 v3, v11;
	v14 =	vand.u32 $0xFF, v22;
	[tilespmem:v23+s12+$0x0] =	vst.idx.add.s32.msk $0xffff, v4  }
0x64: {  	vm2 =	veq.s32 v21, $0x0;
	v13 =	vadd.s32 v3, v15;
	v14 =	vadd.s32 v3, v14;
	[tilespmem:v17+s12+$0x0] =	vst.idx.add.s32.msk $0xffff, v4  }
0x65: {  	vm3 =	veq.s32 v16, $0x0;
	s4 =	sadd.s32 $0x80, s4;
	vm4 =	veq.s32 v19, $0x0;
	vm1 =	veq.s32 v20, $0x0;
	[tilespmem:v18+s12+$0x0] =	vst.idx.add.s32.msk $0xffff, v4  }
0x66: {  	v14 =	vsel vm2, v1, v14  }
0x67: {  	v8 =	vsel vm0, v1, v8  }
0x68: {  	[dreg:$0xb] =	wrdreg s7;
	v9 =	vsel vm3, v1, v9  }
0x69: {  	[dreg:$0xa] =	wrdreg s5;
	v10 =	vsel vm4, v1, v10  }
0x6a: {  	[dreg:$0x9] =	wrdreg s11;
	vm14 =	veq.s32 v6, $0x0;
	v6 =	vsel vm1, v1, v12  }
0x6b: {  	vm15 =	veq.s32 v7, $0x0;
	v7 =	vsel vm14, v1, v11;
	[tilespmem:v14+s12+$0x0] =	vst.idx.add.s32.msk $0xffff, v4  }
0x6c: {  	v11 =	vsel vm15, v1, v13;
	[tilespmem:v8+s12+$0x0] =	vst.idx.add.s32.msk $0xffff, v4  }
0x6d: {  	[tilespmem:v9+s12+$0x0] =	vst.idx.add.s32.msk $0xffff, v4  }
0x6e: {  	[tilespmem:v10+s12+$0x0] =	vst.idx.add.s32.msk $0xffff, v4  }
0x6f: {  	[tilespmem:v6+s12+$0x0] =	vst.idx.add.s32.msk $0xffff, v4  }
0x70: {  	[tilespmem:v7+s12+$0x0] =	vst.idx.add.s32.msk $0xffff, v4  }
0x71: {  	[tilespmem:v11+s12+$0x0] =	vst.idx.add.s32.msk $0xffff, v4  }
0x72: {  	s3 =	sand.u32 $0xE0, s0;
	v6 =	vld [tilespmem:s2+$0xFFFFF7F0]  }
0x73: {  	v7 =	vld [tilespmem:s3+$0x2100]  }
0x74: {  	v8 =	vld [tilespmem:s3+$0x2200]  }
0x75: {  	v9 =	vld [tilespmem:s3+$0x2300]  }
0x76: {  	v10 =	vld [tilespmem:s3+$0x2400]  }
0x77: {  	v11 =	vld [tilespmem:s3+$0x2500]  }
0x78: {  	v59 =	vld [tilespmem:s3+$0x2600]  }
0x79: {  	v60 =	vld [tilespmem:s3+$0x2700]  }
0x7a: {  	v14 =	vld [tilespmem:s3+$0x2800]  }
0x7b: {  	v15 =	vld [tilespmem:s3+$0x2900]  }
0x7c: {  	v16 =	vld [tilespmem:s3+$0x2A00]  }
0x7d: {  	v17 =	vld [tilespmem:s3+$0x2B00]  }
0x7e: {  	v18 =	vld [tilespmem:s3+$0x2C00]  }
0x7f: {  	v19 =	vld [tilespmem:s3+$0x2D00]  }
0x80: {  	v20 =	vld [tilespmem:s3+$0x2E00]  }
0x81: {  	v21 =	vld [tilespmem:s3+$0x2F00]  }
0x82: {  	v6 =	vadd.s32 v6, v7;
	v7 =	vld [tilespmem:s2+$0xFFFFF800]  }
0x83: {  	v6 =	vadd.s32 v8, v6;
	v8 =	vld [tilespmem:s2+$0xFFFFF900]  }
0x84: {  	v6 =	vadd.s32 v9, v6;
	v9 =	vld [tilespmem:s2+$0xFFFFFA00]  }
0x85: {  	v6 =	vadd.s32 v10, v6;
	v10 =	vld [tilespmem:s2+$0xFFFFFB00]  }
0x86: {  	v6 =	vadd.s32 v11, v6;
	v11 =	vld [tilespmem:s2+$0xFFFFFC00]  }
0x87: {  	v61 =	vld [tilespmem:s2+$0xFFFFFD00];
	v6 =	vadd.s32 v59, v6  }
0x88: {  	v6 =	vadd.s32 v60, v6;
	v7 =	vadd.s32 v7, v8;
	v8 =	vld [tilespmem:s2+$0xFFFFFE00]  }
0x89: {  	v6 =	vadd.s32 v14, v6;
	v7 =	vadd.s32 v9, v7;
	v9 =	vld [tilespmem:s2+$0xFFFFFF00]  }
0x8a: {  	v6 =	vadd.s32 v15, v6;
	v7 =	vadd.s32 v10, v7;
	v10 =	vld [tilespmem:s2+$0x0]  }
0x8b: {  	v6 =	vadd.s32 v16, v6;
	v7 =	vadd.s32 v11, v7;
	v11 =	vld [tilespmem:s2+$0x100]  }
0x8c: {  	v62 =	vld [tilespmem:s2+$0x200];
	v6 =	vadd.s32 v17, v6;
	v7 =	vadd.s32 v61, v7  }
0x8d: {  	v63 =	vadd.s32 v18, v6;
	v7 =	vadd.s32 v8, v7;
	v6 =	vld [tilespmem:s2+$0x300]  }
0x8e: {  	v8 =	vadd.s32 v19, v63;
	v9 =	vadd.s32 v9, v7;
	v7 =	vld [tilespmem:s2+$0x400]  }
0x8f: {  	v13 =	vadd.s32 v20, v8;
	v9 =	vadd.s32 v10, v9;
	v8 =	vld [tilespmem:s2+$0x500]  }
0x90: {  	s4 =	simm.s32 $0x0;
	s5 =	simm.s32 $0xFFFFFFFF;
	v10 =	vadd.s32 v21, v13;
	v11 =	vadd.s32 v11, v9;
	v9 =	vld [tilespmem:s2+$0x600]  }
0x91: {  	s6 =	simm.s32 $0x20;
	s3 =	simm.s32 $0x30F0;
	[tilespmem:s1+$0xFFFFFFF0] =	vst v10;
	v11 =	vadd.s32 v62, v11;
	v10 =	vld [tilespmem:s2+$0x700];
	s2 =	simm.s32 $0x2830  }
.LBB2_7:
0x92: {  	v12 =	vld [tilespmem:s2+$0xFFFFF7F0];
	s7 =	sand.u32 $0xE0, s6;
	s4 =	sadd.s32 $0x2, s4;
	v6 =	vadd.s32 v6, v11  }
0x93: {  	v11 =	vld [tilespmem:s7+$0x2100];
	p0 =	slt.u32 s4, $0xE;
	v6 =	vadd.s32 v7, v6  }
0x94: {  	v7 =	vld [tilespmem:s7+$0x2200];
	v6 =	vadd.s32 v8, v6  }
0x95: {  	v8 =	vld [tilespmem:s7+$0x2300];
	v6 =	vadd.s32 v9, v6  }
0x96: {  	v9 =	vld [tilespmem:s7+$0x2400];
	v6 =	vadd.s32 v10, v6  }
0x97: {  	v10 =	vld [tilespmem:s7+$0x2500];
	[tilespmem:s1+$0x0] =	vst v6  }
0x98: {  	v6 =	vadd.s32 v12, v11;
	v11 =	vld [tilespmem:s7+$0x2600]  }
0x99: {  	v6 =	vadd.s32 v7, v6;
	v7 =	vld [tilespmem:s7+$0x2700]  }
0x9a: {  	v6 =	vadd.s32 v8, v6;
	v8 =	vld [tilespmem:s7+$0x2800]  }
0x9b: {  	v6 =	vadd.s32 v9, v6;
	v9 =	vld [tilespmem:s7+$0x2900]  }
0x9c: {  	v6 =	vadd.s32 v10, v6;
	v10 =	vld [tilespmem:s7+$0x2A00]  }
0x9d: {  	v6 =	vadd.s32 v11, v6;
	v11 =	vld [tilespmem:s7+$0x2B00]  }
0x9e: {  	v6 =	vadd.s32 v7, v6;
	v7 =	vld [tilespmem:s7+$0x2C00]  }
0x9f: {  	v6 =	vadd.s32 v8, v6;
	v8 =	vld [tilespmem:s7+$0x2D00]  }
0xa0: {  	v6 =	vadd.s32 v9, v6;
	v9 =	vld [tilespmem:s7+$0x2E00]  }
0xa1: {  	v6 =	vadd.s32 v10, v6;
	v10 =	vld [tilespmem:s7+$0x2F00]  }
0xa2: {  	v6 =	vadd.s32 v11, v6;
	v11 =	vld [tilespmem:s2+$0xFFFFF800]  }
0xa3: {  	v6 =	vadd.s32 v7, v6;
	v7 =	vld [tilespmem:s2+$0xFFFFF900]  }
0xa4: {  	v6 =	vadd.s32 v8, v6;
	v8 =	vld [tilespmem:s2+$0xFFFFFA00]  }
0xa5: {  	v6 =	vadd.s32 v9, v6;
	v9 =	vld [tilespmem:s2+$0xFFFFFB00]  }
0xa6: {  	s1 =	sadd.s32 $0x20, s1;
	v6 =	vadd.s32 v10, v6;
	v10 =	vld [tilespmem:s2+$0xFFFFFC00]  }
0xa7: {  	[tilespmem:s1+$0xFFFFFFF0] =	vst v6;
	v6 =	vld [tilespmem:s2+$0xFFFFFD00]  }
0xa8: {  	v7 =	vadd.s32 v11, v7;
	v11 =	vld [tilespmem:s2+$0xFFFFFE00]  }
0xa9: {  	v7 =	vadd.s32 v8, v7;
	v8 =	vld [tilespmem:s2+$0xFFFFFF00]  }
0xaa: {  	v7 =	vadd.s32 v9, v7;
	v9 =	vld [tilespmem:s2+$0x0]  }
0xab: {  	v7 =	vadd.s32 v10, v7;
	v10 =	vld [tilespmem:s2+$0x100]  }
0xac: {  	v6 =	vadd.s32 v6, v7;
	v12 =	vld [tilespmem:s2+$0x200]  }
.Ltmp7:
0xad: {  	v7 =	vadd.s32 v11, v6;
	v6 =	vld [tilespmem:s2+$0x300];
	(pc) =	sbr.rel @p0 .LBB2_7-.Ltmp7, $4  }
0xae: {  	v8 =	vadd.s32 v8, v7;
	v7 =	vld [tilespmem:s2+$0x400]  }
0xaf: {  	v9 =	vadd.s32 v9, v8;
	v8 =	vld [tilespmem:s2+$0x500]  }
0xb0: {  	v10 =	vadd.s32 v10, v9;
	v9 =	vld [tilespmem:s2+$0x600]  }
0xb1: {  	s6 =	sadd.s32 $0x20, s6;
	v11 =	vadd.s32 v12, v10;
	v10 =	vld [tilespmem:s2+$0x700];
	s2 =	sadd.s32 $0x20, s2  }
0xb2: {  	v6 =	vadd.s32 v6, v11  }
0xb3: {  	v6 =	vadd.s32 v7, v6  }
0xb4: {  	v6 =	vadd.s32 v8, v6  }
0xb5: {  	v6 =	vadd.s32 v9, v6  }
0xb6: {  	v6 =	vadd.s32 v10, v6  }
0xb7: {  	[tilespmem:s1+$0x0] =	vst v6  }
0xb8: {  	v6 =	vld [tilespmem:s3+$0x0];
	_ =	sdelay $0x4  }
0xb9: {  	(xrf0) =	vadd.scan.msk.s32 $0xffff, v6  }
0xba: {  	s6 =	simm.s32 $0x30E0  }
0xbb: {  	v12 =	vld [tilespmem:s6+$0x0];
	_ =	sdelay $0x3  }
0xbc: {  	v7, _, _ =	vpop (xrf0)  }
0xbd: {  	(xrf0) =	vadd.scan.msk.s32 $0xffff, v12;
	(v2sf) =	vpush v7, $0xF;
	_ =	sdelay $0x5  }
0xbe: {  	v8, _, _ =	vpop (xrf0)  }
0xbf: {  	(v2sf) =	vpush v8, $0xF;
	_ =	sdelay $0x1  }
0xc0: {  	s7 =	simm.s32 $0x30D0  }
0xc1: {  	v11 =	vld [tilespmem:s7+$0x0];
	_ =	sdelay $0x2  }
0xc2: {  	v10 =	vadd.s32 s0, v6;
	v9 =	vbroadcast v7, $0xF  }
0xc3: {  	v7 =	vsub.s32 v10, v7  }
0xc4: {  	s8 =	simm.s32 $0x30C0;
	(xrf0) =	vadd.scan.msk.s32 $0xffff, v11;
	v7 =	vadd.s32 v9, v7;
	s9 =	spop (v2sf)  }
0xc5: {  	v10 =	vld [tilespmem:s8+$0x0];
	vm0 =	vgt.s32 v7, $0x7F;
	s1 =	sadd.s32 $0x0, s9  }
0xc6: {  	v9 =	vbroadcast v8, $0xF;
	v7 =	vnsel vm0, $0x7FFFFFFF, v5;
	v13 =	vadd.s32 s1, v12  }
0xc7: {  	(xrf0) =	vmax.scan.msk.u32 $0xffff, v7;
	v7 =	vsub.s32 v13, v8  }
0xc8: {  	v7 =	vadd.s32 v9, v7  }
0xc9: {  	vm9 =	vgt.s32 v7, $0x7F  }
0xca: {  	s2 =	simm.s32 $0x30B0;
	(xrf0) =	vadd.scan.msk.s32 $0xffff, v10;
	v9, _, _ =	vpop (xrf0);
	v7 =	vnsel vm9, $0x7FFFFFFF, v5  }
0xcb: {  	s10 =	spop (v2sf);
	v8 =	vld [tilespmem:s2+$0x0];
	(v2sf) =	vpush v9, $0xF;
	_ =	sdelay $0x1  }
0xcc: {  	s2 =	sadd.s32 s1, s10;
	(xrf0) =	vmax.scan.msk.u32 $0xffff, v7;
	v7, _, _ =	vpop (xrf0)  }
0xcd: {  	v14 =	vadd.s32 s2, v11;
	v13 =	vbroadcast v9, $0xF;
	(v2sf) =	vpush v7, $0xF  }
0xce: {  	v9 =	vsub.s32 v14, v9  }
0xcf: {  	v9 =	vadd.s32 v13, v9;
	v7, _, _ =	vpop (xrf0);
	(xrf0) =	vadd.scan.msk.s32 $0xffff, v8  }
0xd0: {  	(v2sf) =	vpush v7, $0xF  }
0xd1: {  	vm10 =	vgt.s32 v9, $0x7F  }
0xd2: {  	v13 =	vnsel vm10, $0x7FFFFFFF, v5;
	v9, _, _ =	vpop (xrf0)  }
0xd3: {  	(v2sf) =	vpush v9, $0xF  }
0xd4: {  	(xrf0) =	vmax.scan.msk.u32 $0xffff, v13  }
0xd5: {  	s11 =	simm.s32 $0x30A0;
	v13, _, _ =	vpop (xrf0)  }
0xd6: {  	v9 =	vld [tilespmem:s11+$0x0];
	(v2sf) =	vpush v13, $0xF;
	_ =	sdelay $0x2  }
0xd7: {  	s17 =	spop (v2sf)  }
0xd8: {  	v14, _, _ =	vpop (xrf0);
	s4 =	sadd.s32 s2, s17  }
0xd9: {  	(v2sf) =	vpush v14, $0xF;
	v14 =	vbroadcast v7, $0xF;
	(xrf0) =	vadd.scan.msk.s32 $0xffff, v9;
	v15 =	vadd.s32 s4, v10  }
0xda: {  	v7 =	vsub.s32 v15, v7;
	s6 =	spop (v2sf)  }
0xdb: {  	v14 =	vadd.s32 v14, v7;
	s18 =	sxor.u32 $0x80000000, s6  }
0xdc: {  	vm11 =	vgt.s32 v14, $0x7F;
	v15 =	vmov s18  }
0xdd: {  	s7 =	simm.s32 $0x3090;
	s8 =	spop (v2sf);
	vm1 =	vlt.s32 v15, v0;
	v15 =	vnsel vm11, $0x7FFFFFFF, v5  }
0xde: {  	v7 =	vld [tilespmem:s7+$0x0];
	s3 =	sadd.s32 s4, s8;
	(xrf0) =	vmax.scan.msk.u32 $0xffff, v15;
	v6 =	vnsel vm1, $0x0, v6  }
0xdf: {  	v16, _, _ =	vpop (xrf0);
	v14 =	vbroadcast v13, $0xF;
	v17 =	vadd.s32 s3, v8;
	(xrf0) =	vadd.scan.msk.s32 $0xffff, v6  }
0xe0: {  	(v2sf) =	vpush v16, $0xF;
	v13 =	vsub.s32 v17, v13;
	s19 =	spop (v2sf)  }
0xe1: {  	s20 =	sxor.u32 $0x80000000, s19;
	v13 =	vadd.s32 v14, v13  }
0xe2: {  	v6 =	vmov s20;
	vm12 =	vgt.s32 v13, $0x7F  }
0xe3: {  	(xrf0) =	vadd.scan.msk.s32 $0xffff, v7;
	vm13 =	vlt.s32 v6, v0;
	v6 =	vnsel vm12, $0x7FFFFFFF, v5;
	s22 =	spop (v2sf)  }
0xe4: {  	s9 =	sand.u32 s5, s6;
	s8 =	sadd.s32 $0x800000F0, s6;
	v12 =	vnsel vm13, $0x0, v12;
	(xrf0) =	vmax.scan.msk.u32 $0xffff, v6;
	s6 =	sadd.s32 s3, s22;
	v14, _, _ =	vpop (xrf0)  }
0xe5: {  	s29 =	simm.s32 $0x800000C0;
	(xrf0) =	vadd.scan.msk.s32 $0xffff, v12;
	v12 =	vbroadcast v16, $0xF;
	v13 =	vadd.s32 s6, v9;
	v15, _, _ =	vpop (xrf0);
	(v2sf) =	vpush v14, $0xF  }
0xe6: {  	s26 =	simm.s32 $0x800000B0;
	s25 =	simm.s32 $0x800000A0;
	v13 =	vsub.s32 v13, v16;
	(v2sf) =	vpush v15, $0xF  }
0xe7: {  	s21 =	simm.s32 $0x3080;
	s24 =	simm.s32 $0x80000090;
	v13 =	vadd.s32 v12, v13  }
0xe8: {  	s10 =	simm.s32 $0x0;
	s11 =	simm.s32 $0x80000050;
	p0 =	sgt.s32 s9, $0xFFFFFFFF;
	v6 =	vld [tilespmem:s21+$0x0]  }
0xe9: {  	s7 =	simm.s32 $0x3070;
	s18 =	simm.s32 $0x80000070;
	s8 =	smov.u32 @p0 s5;
	v12, _, _ =	vpop (xrf0)  }
0xea: {  	p0 =	por p0, p0;
	s5 =	sand.u32 s8, s19;
	s23 =	spop (v2sf);
	vm14 =	vgt.s32 v13, $0x7F;
	(v2sf) =	vpush v12, $0xF;
	v13, _, _ =	vpop (xrf0)  }
0xeb: {  	p1 =	sgt.s32 s5, $0xFFFFFFFF;
	s5 =	sadd.s32 $0x800000E0, s19;
	s28 =	sxor.u32 $0x80000000, s23;
	(v2sf) =	vpush v13, $0xF;
	v13, _, _ =	vpop (xrf0)  }
0xec: {  	p0 =	por p0, p0;
	s5 =	smov.u32 @p1 s8;
	p1 =	por p1, p1;
	v14 =	vmov s28;
	(v2sf) =	vpush v13, $0xF  }
0xed: {  	s8 =	simm.s32 $0x80000040;
	s22 =	simm.s32 $0x80000080;
	s31 =	sand.u32 s5, s23;
	vm15 =	vlt.s32 v14, v0;
	(xrf0) =	vadd.scan.msk.s32 $0xffff, v6;
	v14 =	vnsel vm14, $0x7FFFFFFF, v5  }
0xee: {  	s21 =	simm.s32 $0x80000060;
	s30 =	sadd.s32 $0x800000D0, s23;
	p2 =	sgt.s32 s31, $0xFFFFFFFF;
	v11 =	vnsel vm15, $0x0, v11;
	(xrf0) =	vmax.scan.msk.u32 $0xffff, v14  }
0xef: {  	s30 =	smov.u32 @p2 s5;
	s5 =	smov.u32 s6;
	(xrf0) =	vadd.scan.msk.s32 $0xffff, v11;
	v11 =	vld [tilespmem:s7+$0x0];
	s9 =	spop (v2sf)  }
.LBB2_9:
0xf0: {  	s17 =	smov.u32 s0;
	s19 =	smov.u32 s30  }
0xf1: {  	p3 =	sne.s32 s8, $0x80000000;
	s6 =	sadd.s32 s6, s9;
	s20 =	smov.u32 s24  }
0xf2: {  	s24 =	smov.u32 s22;
	s22 =	smov.u32 s18;
	s18 =	smov.u32 s21  }
0xf3: {  	p4 =	por p0, p0;
	p0 =	por p1, p1;
	p1 =	por p2, p2  }
0xf4: {  	v16 =	vbroadcast v12, $0xF;
	s21 =	smov.u32 s11;
	s11 =	smov.u32 s8;
	v15 =	vadd.s32 s6, v7;
	v13, _, _ =	vpop (xrf0);
	s0 =	spop (v2sf)  }
0xf5: {  	v15 =	vsub.s32 v15, v12;
	(v2sf) =	vpush v13, $0xF;
	s9 =	sxor.u32 $0x80000000, s0;
	s23 =	sand.u32 s30, s0;
	s28 =	spop (v2sf);
	v12 =	vmov v13  }
0xf6: {  	v16 =	vadd.s32 v16, v15;
	s30 =	sadd.s32 s29, s0;
	v14, _, _ =	vpop (xrf0);
	p2 =	sgt.s32 s23, $0xFFFFFFFF;
	v15 =	vmov s9;
	s0 =	sadd.s32 s10, s28  }
.Ltmp8:
0xf7: {  	vm0 =	vgt.s32 v16, $0x7F;
	(xrf0) =	vadd.scan.msk.s32 $0xffff, v11;
	(v2sf) =	vpush v14, $0xF;
	vm1 =	vlt.s32 v15, v0;
	s30 =	smov.u32 @p2 s19;
	v13, _, _ =	vpop (xrf0);
	s0 =	smov.u32 @p4 s17;
	(pc) =	sbr.rel @p3 .LBB2_9-.Ltmp8, $4  }
0xf8: {  	s10 =	smov.u32 s1;
	s1 =	smov.u32 s2;
	s2 =	smov.u32 s4;
	v14 =	vnsel vm0, $0x7FFFFFFF, v5;
	v15 =	vnsel vm1, $0x0, v10;
	(v2sf) =	vpush v13, $0xF;
	v10 =	vmovc v8;
	v8 =	vmovc v9  }
0xf9: {  	s4 =	smov.u32 s3;
	s3 =	smov.u32 s5;
	s5 =	smov.u32 s6;
	v9 =	vmovc v7;
	v7 =	vmov v6;
	v6 =	vmov v11;
	(xrf0) =	vmax.scan.msk.u32 $0xffff, v14  }
0xfa: {  	s7 =	sadd.s32 $0xFFFFFFF0, s7;
	s29 =	smov.u32 s26;
	s26 =	smov.u32 s25;
	(xrf0) =	vadd.scan.msk.s32 $0xffff, v15  }
0xfb: {  	s8 =	sadd.s32 $0xFFFFFFF0, s8;
	s25 =	smov.u32 s20;
	v11 =	vld [tilespmem:s7+$0x0];
	s9 =	spop (v2sf)  }
0xfc: {  	_ =	sdelay $0x1  }
0xfd: {  	s23 =	sadd.s32 s6, s9  }
0xfe: {  	v14 =	vadd.s32 s23, v7  }
0xff: {  	v13 =	vbroadcast v12, $0xF;
	(xrf0) =	vadd.scan.msk.s32 $0xffff, v11  }
0x100: {  	s31 =	spop (v2sf);
	s17 =	sadd.s32 $0xFFFFFFF0, s7;
	v12 =	vsub.s32 v14, v12  }
0x101: {  	s19 =	sxor.u32 $0x80000000, s31;
	v13 =	vadd.s32 v13, v12;
	v12 =	vld [tilespmem:s17+$0x0];
	v14, _, _ =	vpop (xrf0)  }
0x102: {  	v16 =	vmov s19;
	vm0 =	vgt.s32 v13, $0x7F;
	(v2sf) =	vpush v14, $0xF;
	v15, _, _ =	vpop (xrf0)  }
0x103: {  	vm1 =	vlt.s32 v16, v0;
	(v2sf) =	vpush v15, $0xF;
	v15 =	vnsel vm0, $0x7FFFFFFF, v5  }
0x104: {  	v10 =	vnsel vm1, $0x0, v10;
	v13, _, _ =	vpop (xrf0);
	(xrf0) =	vmax.scan.msk.u32 $0xffff, v15  }
0x105: {  	(v2sf) =	vpush v13, $0xF;
	v13, _, _ =	vpop (xrf0);
	(xrf0) =	vadd.scan.msk.s32 $0xffff, v10  }
0x106: {  	(v2sf) =	vpush v13, $0xF;
	(xrf0) =	vadd.scan.msk.s32 $0xffff, v12;
	_ =	sdelay $0x3  }
0x107: {  	v10, _, _ =	vpop (xrf0)  }
0x108: {  	(v2sf) =	vpush v10, $0xF;
	v10, _, _ =	vpop (xrf0)  }
0x109: {  	(v2sf) =	vpush v10, $0xF;
	v15, _, _ =	vpop (xrf0)  }
0x10a: {  	s20 =	spop (v2sf);
	(v2sf) =	vpush v15, $0xF  }
0x10b: {  	s8 =	spop (v2sf)  }
0x10c: {  	s19 =	sadd.s32 s23, s8  }
0x10d: {  	s9 =	spop (v2sf);
	v16 =	vadd.s32 s19, v6;
	v10 =	vbroadcast v14, $0xF  }
0x10e: {  	s28 =	spop (v2sf);
	s7 =	sxor.u32 $0x80000000, s9;
	v14 =	vsub.s32 v16, v14  }
0x10f: {  	s6 =	sadd.s32 $0xFFFFFFF0, s17;
	v16 =	vmov s7;
	v14 =	vadd.s32 v10, v14;
	s17 =	spop (v2sf)  }
0x110: {  	vm1 =	vlt.s32 v16, v0;
	vm0 =	vgt.s32 v14, $0x7F;
	s7 =	spop (v2sf);
	s8 =	sadd.s32 s19, s17  }
0x111: {  	v16 =	vbroadcast v13, $0xF;
	v10 =	vld [tilespmem:s6+$0x0];
	v14 =	vnsel vm0, $0x7FFFFFFF, v5;
	s17 =	spop (v2sf);
	v17 =	vadd.s32 s8, v11  }
0x112: {  	[smem:$0x7F6] =	sst s20;
	v8 =	vnsel vm1, $0x0, v8;
	(xrf0) =	vmax.scan.msk.u32 $0xffff, v14;
	v13 =	vsub.s32 v17, v13;
	s20 =	spop (v2sf)  }
0x113: {  	[smem:$0x7F8] =	sst s17;
	(xrf0) =	vadd.scan.msk.s32 $0xffff, v8;
	v8 =	vadd.s32 v16, v13;
	s17 =	sadd.s32 s8, s20;
	s20 =	sxor.u32 $0x80000000, s7  }
0x114: {  	v13 =	vbroadcast v15, $0xF;
	v14 =	vadd.s32 s17, v12;
	v16 =	vmov s20  }
0x115: {  	vm0 =	vgt.s32 v8, $0x7F;
	v8 =	vsub.s32 v14, v15;
	vm1 =	vlt.s32 v16, v0  }
0x116: {  	(xrf0) =	vadd.scan.msk.s32 $0xffff, v10;
	v14 =	vnsel vm0, $0x7FFFFFFF, v5;
	v8 =	vadd.s32 v13, v8;
	v9 =	vnsel vm1, $0x0, v9  }
0x117: {  	s6 =	spop (v2sf);
	(xrf0) =	vmax.scan.msk.u32 $0xffff, v14;
	vm0 =	vgt.s32 v8, $0x7F  }
0x118: {  	[smem:$0x7F7] =	sst s28;
	(xrf0) =	vadd.scan.msk.s32 $0xffff, v9;
	v8 =	vnsel vm0, $0x7FFFFFFF, v5;
	s28 =	spop (v2sf)  }
0x119: {  	v9, _, _ =	vpop (xrf0);
	[smem:$0x7F9] =	sst s28;
	s28 =	spop (v2sf)  }
0x11a: {  	(xrf0) =	vmax.scan.msk.u32 $0xffff, v8;
	(v2sf) =	vpush v9, $0xF;
	s20 =	sadd.s32 s17, s28  }
0x11b: {  	s28 =	sxor.u32 $0x80000000, s6;
	v8, _, _ =	vpop (xrf0);
	v13 =	vadd.s32 s20, v10  }
0x11c: {  	v14 =	vmov s28;
	v9, _, _ =	vpop (xrf0);
	(v2sf) =	vpush v8, $0xF  }
0x11d: {  	s28 =	sand.u32 s30, s31;
	v8 =	vbroadcast v9, $0xF;
	(v2sf) =	vpush v9, $0xF;
	v15, _, _ =	vpop (xrf0);
	v9 =	vsub.s32 v13, v9  }
0x11e: {  	p4 =	sgt.s32 s28, $0xFFFFFFFF;
	s28 =	sadd.s32 s29, s31;
	(v2sf) =	vpush v15, $0xF;
	v13, _, _ =	vpop (xrf0)  }
0x11f: {  	vm0 =	vlt.s32 v14, v0;
	s28 =	smov.u32 @p4 s30;
	v8 =	vadd.s32 v8, v9;
	(v2sf) =	vpush v13, $0xF  }
0x120: {  	v7 =	vnsel vm0, $0x0, v7;
	s31 =	sand.u32 s28, s9;
	v9, _, _ =	vpop (xrf0);
	vm0 =	vgt.s32 v8, $0x7F  }
0x121: {  	(xrf0) =	vadd.scan.msk.s32 $0xffff, v7;
	s9 =	sadd.s32 s26, s9;
	p5 =	sgt.s32 s31, $0xFFFFFFFF;
	(v2sf) =	vpush v9, $0xF;
	v7 =	vnsel vm0, $0x7FFFFFFF, v5  }
0x122: {  	s9 =	smov.u32 @p5 s28;
	(xrf0) =	vmax.scan.msk.u32 $0xffff, v7  }
0x123: {  	s30 =	sand.u32 s9, s7  }
0x124: {  	s7 =	sadd.s32 s25, s7;
	p6 =	sgt.s32 s30, $0xFFFFFFFF  }
0x125: {  	s7 =	smov.u32 @p6 s9  }
0x126: {  	s9 =	sand.u32 s7, s6  }
0x127: {  	v7, _, _ =	vpop (xrf0);
	p3 =	sgt.s32 s9, $0xFFFFFFFF  }
0x128: {  	s6 =	sadd.s32 s24, s6;
	(v2sf) =	vpush v7, $0xF;
	s9 =	simm.s32 @!p3 $0x0;
	v7, _, _ =	vpop (xrf0)  }
0x129: {  	s6 =	smov.u32 @p3 s7;
	s9 =	simm.s32 @p3 $0x1;
	(v2sf) =	vpush v7, $0xF;
	s26 =	spop (v2sf)  }
0x12a: {  	[smem:$0x7FA] =	sst s9;
	s30 =	sand.u32 s6, s26  }
0x12b: {  	s28 =	sxor.u32 $0x80000000, s26;
	s25 =	spop (v2sf);
	p3 =	sgt.s32 s30, $0xFFFFFFFF  }
0x12c: {  	s22 =	sadd.s32 s22, s26;
	s31 =	spop (v2sf);
	s7 =	simm.s32 @!p3 $0x0  }
0x12d: {  	s22 =	smov.u32 @p3 s6;
	s9 =	spop (v2sf);
	s7 =	simm.s32 @p3 $0x1  }
0x12e: {  	s24 =	spop (v2sf);
	s29 =	sxor.u32 $0x80000000, s9;
	s6 =	sand.u32 s22, s9  }
0x12f: {  	v7 =	vmov s28;
	[smem:$0x7FB] =	sst s7;
	s7 =	sadd.s32 s18, s9;
	p3 =	sgt.s32 s6, $0xFFFFFFFF  }
0x130: {  	vm0 =	vlt.s32 v7, v0;
	v8 =	vmov s29;
	s28 =	spop (v2sf);
	s7 =	smov.u32 @p3 s22  }
0x131: {  	v6 =	vnsel vm0, $0x0, v6;
	vm0 =	vlt.s32 v8, v0;
	s6 =	simm.s32 @!p3 $0x0;
	s31 =	sxor.u32 $0x80000000, s28;
	s29 =	sand.u32 s7, s28  }
0x132: {  	(xrf0) =	vadd.scan.msk.s32 $0xffff, v6;
	v6 =	vnsel vm0, $0x0, v11;
	s6 =	simm.s32 @p3 $0x1;
	v7 =	vmov s31;
	p3 =	sgt.s32 s29, $0xFFFFFFFF  }
0x133: {  	s26 =	simm.s32 $0x20;
	(xrf0) =	vadd.scan.msk.s32 $0xffff, v6;
	[smem:$0x7FC] =	sst s6;
	vm0 =	vlt.s32 v7, v0;
	s9 =	simm.s32 @!p3 $0x0  }
0x134: {  	v18 =	vld [tilespmem:s26+$0xFFFFFFE0];
	v6 =	vnsel vm0, $0x0, v12;
	s9 =	simm.s32 @p3 $0x1  }
0x135: {  	v14 =	vld [tilespmem:s26+$0x10];
	(xrf0) =	vadd.scan.msk.s32 $0xffff, v6;
	[smem:$0x7FD] =	sst s9  }
0x136: {  	v16 =	vld [tilespmem:s26+$0x0]  }
0x137: {  	s18 =	spop (v2sf);
	v15 =	vld [tilespmem:s26+$0xFFFFFFF0]  }
0x138: {  	s21 =	sadd.s32 s21, s28;
	v6, _, _ =	vpop (xrf0);
	s30 =	spop (v2sf)  }
0x139: {  	s21 =	smov.u32 @p3 s7;
	(v2sf) =	vpush v6, $0xF;
	v6, _, _ =	vpop (xrf0);
	vm2 =	veq.s32 v18, $0x0;
	v8 =	vshrl.u32 v18, $0x10;
	s31 =	sxor.u32 $0x80000000, s30  }
0x13a: {  	v9 =	vshrl.u32 v14, $0x10;
	s9 =	sand.u32 s21, s30;
	(v2sf) =	vpush v6, $0xF;
	v7 =	vmov s31  }
0x13b: {  	s22 =	sadd.s32 s11, s30;
	v8 =	vand.u32 $0xFF, v8;
	p3 =	sgt.s32 s9, $0xFFFFFFFF;
	vm0 =	vlt.s32 v7, v0;
	v6, _, _ =	vpop (xrf0);
	vm3 =	veq.s32 v16, $0x0  }
0x13c: {  	s22 =	smov.u32 @p3 s21;
	vm1 =	veq.s32 v15, $0x0;
	v7 =	vnsel vm0, $0x0, v10;
	(v2sf) =	vpush v6, $0xF  }
0x13d: {  	v6 =	vmov s22;
	(xrf0) =	vadd.scan.msk.s32 $0xffff, v7;
	v7 =	vand.u32 $0xFF, v9;
	v9 =	vshrl.u32 v15, $0x10  }
0x13e: {  	vm0 =	veq.s32 v14, $0x0;
	v7 =	vadd.s32 $0x1, v7;
	v9 =	vand.u32 $0xFF, v9  }
0x13f: {  	v10 =	vshrl.u32 v16, $0x10;
	v7 =	vsel vm0, $0x0, v7;
	v9 =	vadd.s32 $0x1, v9  }
0x140: {  	v10 =	vand.u32 $0xFF, v10;
	vm0 =	veq.s32 v7, v6;
	v9 =	vsel vm1, $0x0, v9  }
0x141: {  	v10 =	vadd.s32 $0x1, v10;
	v11 =	vsel vm0, $0x1, v2;
	vm5 =	veq.s32 v9, v6  }
0x142: {  	vm1 =	vgt.s32 v9, v6;
	v9 =	vsel vm3, $0x0, v10;
	(xrf0) =	vadd.scan.msk.s32 $0xffff, v11;
	v10 =	vsel vm5, $0x1, v2  }
0x143: {  	v8 =	vadd.s32 $0x1, v8;
	vm7 =	veq.s32 v9, v6;
	v12 =	vsel vm1, $0x1, v2;
	(xrf0) =	vadd.scan.msk.s32 $0xffff, v10  }
0x144: {  	s29 =	simm.s32 $0x20;
	v8 =	vsel vm2, $0x0, v8;
	vm2 =	vgt.s32 v9, v6;
	v10 =	vsel vm7, $0x1, v2;
	v11, _, _ =	vpop (xrf0);
	(xrf0) =	vadd.scan.msk.s32 $0xffff, v12  }
0x145: {  	v27 =	vor.u32 s29, v0;
	vm4 =	veq.s32 v8, v6;
	(xrf0) =	vadd.scan.msk.s32 $0xffff, v10;
	v10 =	vsel vm2, $0x1, v2  }
0x146: {  	vm6 =	vgt.s32 v7, v6;
	vm3 =	vgt.s32 v8, v6;
	v9 =	vmpcnt.ones.xlane vm4  }
0x147: {  	v22 =	vmpcnt.ones.xlane vm0;
	(v2sf) =	vpush v11, $0xF;
	v11 =	vimm.s32 $0x0  }
0x148: {  	v7 =	vsel vm3, $0x1, v2;
	v13 =	vmpcnt.ones.xlane vm1;
	(xrf0) =	vadd.scan.msk.s32 $0xffff, v10;
	v9 =	vadd.s32 v11, v9;
	v10, _, _ =	vpop (xrf0)  }
0x149: {  	v8 =	vsel vm4, $0x1, v2;
	v12 =	vmpcnt.ones.xlane vm3;
	(xrf0) =	vadd.scan.msk.s32 $0xffff, v7;
	v7 =	vmpcnt.ones.xlane vm5;
	v17, _, _ =	vpop (xrf0)  }
0x14a: {  	v19 =	vsel vm6, $0x1, v2;
	v20 =	vmpcnt.ones.xlane vm2;
	v21 =	vmpcnt.ones.xlane vm7;
	v23, _, _ =	vpop (xrf0);
	(xrf0) =	vadd.scan.msk.s32 $0xffff, v8  }
0x14b: {  	v12 =	vadd.s32 v11, v12;
	v8 =	vadd.s32 v17, v9;
	v7 =	vadd.s32 v9, v7;
	v9, _, _ =	vpop (xrf0)  }
0x14c: {  	v13 =	vadd.s32 v12, v13;
	v21 =	vadd.s32 v7, v21;
	v7 =	vadd.s32 v9, v7  }
0x14d: {  	v20 =	vadd.s32 v13, v20;
	v23 =	vadd.s32 v23, v12;
	v17 =	vadd.s32 $0xFFFFFFFF, v8  }
0x14e: {  	vm8 =	vlt.s32 v17, $0x100;
	v8 =	vadd.s32 v10, v21;
	v10, _, _ =	vpop (xrf0);
	v23 =	vadd.s32 $0xFFFFFFFF, v23  }
0x14f: {  	s26 =	simm.s32 $0x60;
	v12 =	vadd.s32 v21, v22;
	v24 =	vadd.s32 $0xFFFFFFFF, v7;
	vm5 =	vmand vm5, vm8;
	v7, _, _ =	vpop (xrf0)  }
0x150: {  	v9 =	vadd.s32 $0xFFFFFFFF, v8;
	v8 =	vld [tilespmem:s26+$0xFFFFFFE0];
	v13 =	vadd.s32 v10, v13;
	v25 =	vadd.s32 v7, v11;
	v26, _, _ =	vpop (xrf0)  }
0x151: {  	v10 =	vld [tilespmem:s26+$0x0];
	vm8 =	vlt.s32 v24, $0x100;
	v21 =	vadd.s32 $0xFFFFFFFF, v25;
	v11 =	vadd.s32 v26, v11  }
0x152: {  	vm10 =	vlt.s32 v9, $0x100;
	vm9 =	vmand vm7, vm8;
	v7 =	vld [tilespmem:s26+$0x10];
	v22 =	vadd.s32 $0xFFFFFFFF, v11  }
0x153: {  	vm7 =	vmmov vm6;
	v25 =	vadd.s32 $0xFFFFFFFF, v13;
	v11 =	vld [tilespmem:s26+$0xFFFFFFF0];
	vm6 =	vlt.s32 v22, $0x100  }
0x154: {  	s11 =	simm.s32 $0x0;
	s30 =	sld [smem:$0x7F6];
	vm0 =	vmand vm0, vm10;
	vm10 =	vmmov vm1;
	(xrf0) =	vadd.scan.msk.s32 $0xffff, v19;
	vm4 =	vmand vm4, vm6  }
0x155: {  	p0 =	por p0, p0;
	p1 =	por p1, p1;
	vm0 =	vmmov vm0;
	v26 =	vor.u32 s11, v0;
	[tilespmem:v23+s13+$0x0] =	vst.idx.msk vm1, v15;
	v28 =	vshrl.u32 v8, $0x10  }
0x156: {  	p2 =	por p2, p2;
	p5 =	por p5, p5;
	s28 =	simm.s32 $0x30;
	vm8 =	veq.s32 v8, $0x0;
	v62 =	vshrl.u32 v10, $0x10;
	v28 =	vand.u32 $0xFF, v28;
	[tilespmem:v21+s13+$0x0] =	vst.idx.msk vm3, v18  }
0x157: {  	s21 =	simm.s32 $0x10;
	s6 =	sadd.s32 s10, s30;
	v28 =	vadd.s32 $0x1, v28;
	vm6 =	veq.s32 v10, $0x0;
	v30 =	vshrl.u32 v7, $0x10;
	s31 =	sld [smem:$0x7F7];
	[tilespmem:v21+s14+$0x0] =	vst.idx.msk vm3, v26  }
0x158: {  	s6 =	smov.u32 @p0 s0;
	p0 =	por p1, p1;
	p1 =	por p2, p2;
	vm11 =	veq.s32 v7, $0x0;
	v30 =	vand.u32 $0xFF, v30;
	[tilespmem:v25+s13+$0x0] =	vst.idx.msk vm2, v16;
	v61 =	vshrl.u32 v11, $0x10  }
0x159: {  	p2 =	por p4, p4;
	s26 =	spop (v2sf);
	v21 =	vsel vm8, $0x0, v28;
	v28 =	vadd.s32 $0x1, v30;
	s7 =	sld [smem:$0x7F8];
	[tilespmem:v25+s14+$0x0] =	vst.idx.msk vm2, v27;
	v25 =	vand.u32 $0xFF, v61  }
0x15a: {  	p4 =	por p2, p2;
	p2 =	por p6, p6;
	s29 =	spop (v2sf);
	vm3 =	veq.s32 v11, $0x0;
	v28 =	vsel vm11, $0x0, v28;
	[tilespmem:v22+s15+$0x0] =	vst.idx.msk vm4, v18;
	v18 =	vadd.s32 $0x1, v25  }
0x15b: {  	s30 =	spop (v2sf);
	vm8 =	veq.s32 v28, v6;
	s0 =	sadd.s32 s1, s31;
	v25 =	vand.u32 $0xFF, v62;
	s9 =	sld [smem:$0x7F9];
	v18 =	vsel vm3, $0x0, v18;
	[tilespmem:v22+s16+$0x0] =	vst.idx.msk vm4, v26  }
0x15c: {  	v63 =	vsel vm8, $0x1, v2;
	s31 =	spop (v2sf);
	s0 =	smov.u32 @p0 s6;
	p0 =	por p1, p1;
	v19 =	vadd.s32 $0x1, v25;
	[tilespmem:v24+s15+$0x0] =	vst.idx.msk vm9, v16;
	vm12 =	veq.s32 v18, v6  }
0x15d: {  	s1 =	sadd.s32 s2, s7;
	p1 =	por p5, p5;
	(xrf0) =	vadd.scan.msk.s32 $0xffff, v63;
	vm3 =	vgt.s32 v18, v6;
	v18 =	vsel vm6, $0x0, v19;
	s10 =	sld [smem:$0x7FA];
	v19 =	vsel vm12, $0x1, v2  }
0x15e: {  	v29 =	vmpcnt.ones.xlane vm7;
	v13 =	vor.u32 s28, v0;
	s1 =	smov.u32 @p0 s0;
	p0 =	por p4, p4;
	vm11 =	veq.s32 v18, v6;
	s0 =	sadd.s32 s4, s9;
	(xrf0) =	vadd.scan.msk.s32 $0xffff, v19  }
0x15f: {  	vm1 =	veq.s32 v21, v6;
	s2 =	sadd.s32 s23, s18;
	p4 =	por p2, p2;
	v16 =	vsel vm3, $0x1, v2;
	v19 =	vsel vm11, $0x1, v2;
	s0 =	smov.u32 @p0 s1  }
0x160: {  	v31 =	vmpcnt.ones.xlane vm1;
	vm4 =	vgt.s32 v21, v6;
	vm2 =	vgt.s32 v18, v6;
	p0 =	por p1, p1;
	s1 =	sadd.s32 s3, s25;
	p5 =	seq.s32 s10, $0x1;
	(xrf0) =	vadd.scan.msk.s32 $0xffff, v16  }
0x161: {  	v21 =	vsel vm1, $0x1, v2;
	v18 =	vsel vm2, $0x1, v2;
	s1 =	smov.u32 @p0 s0;
	s0 =	sadd.s32 s5, s24;
	(xrf0) =	vadd.scan.msk.s32 $0xffff, v19;
	s24 =	sld [smem:$0x7FB];
	[tilespmem:v24+s16+$0x0] =	vst.idx.msk vm9, v27  }
0x162: {  	vm6 =	vgt.s32 v28, v6;
	v22 =	vsel vm4, $0x1, v2;
	p1 =	por p5, p5;
	p0 =	por p4, p4;
	v19, _, _ =	vpop (xrf0);
	(xrf0) =	vadd.scan.msk.s32 $0xffff, v18;
	v18 =	vor.u32 s21, v0;
	s25 =	sld [smem:$0x7FC]  }
0x163: {  	s0 =	smov.u32 @p0 s1;
	p6 =	por p1, p1;
	s1 =	sadd.s32 s8, s29;
	(xrf0) =	vadd.scan.msk.s32 $0xffff, v22;
	v22 =	vadd.s32 v19, v20;
	v19 =	vadd.s32 v20, v29;
	v20, _, _ =	vpop (xrf0);
	[tilespmem:v23+s14+$0x0] =	vst.idx.msk vm10, v18  }
0x164: {  	p0 =	por p6, p6;
	v23 =	vmpcnt.ones.xlane vm12;
	p2 =	seq.s32 s24, $0x1;
	v29 =	vadd.s32 $0xFFFFFFFF, v22;
	s28 =	sld [smem:$0x7FD];
	v22 =	vadd.s32 v12, v31;
	v27, _, _ =	vpop (xrf0)  }
0x165: {  	v25 =	vmpcnt.ones.xlane vm4;
	v24 =	vmpcnt.ones.xlane vm11;
	s2 =	smov.u32 @p0 s0;
	p1 =	por p2, p2;
	p5 =	seq.s32 s25, $0x1;
	v27 =	vadd.s32 v27, v22  }
0x166: {  	v26 =	vmpcnt.ones.xlane vm3;
	v28 =	vmpcnt.ones.xlane vm2;
	s0 =	sadd.s32 s19, s26;
	(xrf0) =	vadd.scan.msk.s32 $0xffff, v21;
	v23 =	vadd.s32 v22, v23;
	p4 =	por p1, p1;
	p1 =	por p5, p5  }
0x167: {  	v16 =	vsel vm6, $0x1, v2;
	v21 =	vmpcnt.ones.xlane vm8;
	[tilespmem:v17+s15+$0x0] =	vst.idx.msk vm5, v15;
	p5 =	por p3, p3;
	v24 =	vadd.s32 v23, v24;
	p0 =	por p4, p4;
	p6 =	seq.s32 s28, $0x1;
	v22, _, _ =	vpop (xrf0)  }
0x168: {  	v25 =	vadd.s32 v19, v25;
	[tilespmem:v17+s16+$0x0] =	vst.idx.msk vm5, v18;
	p1 =	por p1, p1;
	v15 =	vadd.s32 $0xFFFFFFFF, v27;
	v18 =	vadd.s32 v20, v24;
	p2 =	por p6, p6;
	s0 =	smov.u32 @p0 s2;
	v27, _, _ =	vpop (xrf0)  }
0x169: {  	p0 =	por p1, p1;
	v22 =	vadd.s32 v22, v25;
	vm5 =	vlt.s32 v15, $0x100;
	p6 =	por p5, p5;
	p4 =	por p2, p2;
	v17 =	vadd.s32 v27, v23  }
0x16a: {  	v20 =	vadd.s32 $0xFFFFFFFF, v18;
	v25 =	vadd.s32 v25, v26;
	s1 =	smov.u32 @p0 s0;
	s0 =	sadd.s32 s17, s30;
	[tilespmem:v29+s13+$0x0] =	vst.idx.msk vm7, v14;
	p0 =	por p4, p4;
	v23, _, _ =	vpop (xrf0);
	v17 =	vadd.s32 $0xFFFFFFFF, v17  }
0x16b: {  	s24 =	sadd.s32 s20, s31;
	vm5 =	vmand vm12, vm5;
	vm10 =	vlt.s32 v20, $0x100;
	[tilespmem:v29+s14+$0x0] =	vst.idx.msk vm7, v13;
	s0 =	smov.u32 @p0 s1;
	p0 =	por p6, p6;
	v27, _, _ =	vpop (xrf0);
	vm9 =	vlt.s32 v17, $0x100  }
0x16c: {  	v18 =	vadd.s32 v25, v28;
	vm10 =	vmand vm8, vm10;
	s1 =	simm.s32 $0xA0;
	[tilespmem:v9+s15+$0x0] =	vst.idx.msk vm0, v14;
	s24 =	smov.u32 @p0 s0;
	s0 =	simm.s32 $0x4;
	v26, _, _ =	vpop (xrf0);
	vm7 =	vmand vm11, vm9  }
.LBB2_11:
0x16d: {  	v19 =	vadd.s32 v27, v19;
	v22 =	vadd.s32 $0xFFFFFFFF, v22  }
0x16e: {  	v28 =	vld [tilespmem:s1+$0xFFFFFFE0];
	s0 =	sadd.s32 $0x4, s0;
	v21 =	vadd.s32 v24, v21;
	[tilespmem:v9+s16+$0x0] =	vst.idx.msk vm0, v13;
	s11 =	sadd.s32 $0x40, s11;
	v24 =	vmovc v11;
	v9 =	vmov v20;
	vm9 =	vmmov vm3  }
0x16f: {  	v11 =	vadd.s32 v26, v12;
	v13 =	vadd.s32 v23, v25;
	v14 =	vld [tilespmem:s1+$0x10];
	p0 =	slt.u32 s0, $0x1FC;
	v19 =	vadd.s32 $0xFFFFFFFF, v19;
	v12 =	vmovc v21  }
0x170: {  	vm8 =	vmmov vm6;
	v23 =	vadd.s32 $0xFFFFFFFF, v11;
	v25 =	vadd.s32 $0xFFFFFFFF, v13;
	s2 =	sadd.s32 $0x30, s11;
	v20 =	vld [tilespmem:s1+$0x0]  }
0x171: {  	vm0 =	vmmov vm10;
	s3 =	sadd.s32 $0x20, s11;
	vm6 =	vlt.s32 v23, $0x100;
	v13 =	vor.u32 s2, v0;
	v11 =	vld [tilespmem:s1+$0xFFFFFFF0]  }
0x172: {  	v26 =	vor.u32 s11, v0;
	v27 =	vor.u32 s3, v0;
	vm6 =	vmand vm1, vm6  }
0x173: {  	v30 =	vmpcnt.ones.xlane vm8;
	vm1 =	veq.s32 v28, $0x0;
	v29 =	vshrl.u32 v28, $0x10;
	[tilespmem:v22+s13+$0x0] =	vst.idx.msk vm3, v24  }
0x174: {  	v29 =	vand.u32 $0xFF, v29;
	vm3 =	veq.s32 v14, $0x0;
	v31 =	vshrl.u32 v14, $0x10;
	[tilespmem:v19+s13+$0x0] =	vst.idx.msk vm4, v8  }
0x175: {  	v29 =	vadd.s32 $0x1, v29;
	vm11 =	veq.s32 v20, $0x0;
	v31 =	vand.u32 $0xFF, v31;
	[tilespmem:v19+s14+$0x0] =	vst.idx.msk vm4, v26  }
0x176: {  	v19 =	vsel vm1, $0x0, v29;
	vm4 =	veq.s32 v11, $0x0;
	v29 =	vadd.s32 $0x1, v31;
	[tilespmem:v25+s13+$0x0] =	vst.idx.msk vm2, v10  }
0x177: {  	v31 =	vshrl.u32 v11, $0x10;
	vm1 =	veq.s32 v19, v6;
	v29 =	vsel vm3, $0x0, v29;
	[tilespmem:v25+s14+$0x0] =	vst.idx.msk vm2, v27  }
0x178: {  	v25 =	vand.u32 $0xFF, v31;
	v31 =	vshrl.u32 v20, $0x10;
	vm10 =	veq.s32 v29, v6;
	[tilespmem:v23+s15+$0x0] =	vst.idx.msk vm6, v8;
	v8 =	vmovc v28  }
0x179: {  	v25 =	vadd.s32 $0x1, v25;
	v28 =	vand.u32 $0xFF, v31;
	v31 =	vsel vm10, $0x1, v2;
	(xrf0) =	vadd.scan.msk.s32 $0xffff, v16  }
0x17a: {  	v32 =	vmpcnt.ones.xlane vm1;
	v16 =	vsel vm4, $0x0, v25;
	v25 =	vadd.s32 $0x1, v28;
	(xrf0) =	vadd.scan.msk.s32 $0xffff, v31  }
0x17b: {  	vm3 =	vgt.s32 v16, v6;
	vm12 =	veq.s32 v16, v6;
	v16 =	vsel vm11, $0x0, v25;
	[tilespmem:v23+s16+$0x0] =	vst.idx.msk vm6, v26  }
0x17c: {  	v23 =	vsel vm12, $0x1, v2;
	vm2 =	vgt.s32 v16, v6;
	vm11 =	veq.s32 v16, v6;
	[tilespmem:v17+s15+$0x0] =	vst.idx.msk vm7, v10  }
0x17d: {  	v16 =	vsel vm3, $0x1, v2;
	v25 =	vsel vm2, $0x1, v2;
	v31 =	vsel vm11, $0x1, v2;
	v10 =	vmovc v20;
	(xrf0) =	vadd.scan.msk.s32 $0xffff, v23  }
0x17e: {  	vm4 =	vgt.s32 v19, v6;
	vm6 =	vgt.s32 v29, v6;
	v20 =	vsel vm1, $0x1, v2;
	(xrf0) =	vadd.scan.msk.s32 $0xffff, v16  }
0x17f: {  	s2 =	sadd.s32 $0x10, s11;
	v19 =	vsel vm4, $0x1, v2;
	v28 =	vmpcnt.ones.xlane vm3;
	v23 =	vmpcnt.ones.xlane vm4;
	(xrf0) =	vadd.scan.msk.s32 $0xffff, v31;
	v26, _, _ =	vpop (xrf0)  }
0x180: {  	v29 =	vor.u32 s2, v0;
	v16 =	vsel vm6, $0x1, v2;
	(xrf0) =	vadd.scan.msk.s32 $0xffff, v25;
	v25, _, _ =	vpop (xrf0);
	[tilespmem:v17+s16+$0x0] =	vst.idx.msk vm7, v27  }
0x181: {  	v17 =	vadd.s32 v26, v18;
	(xrf0) =	vadd.scan.msk.s32 $0xffff, v19;
	[tilespmem:v22+s14+$0x0] =	vst.idx.msk vm9, v29;
	v19 =	vadd.s32 v18, v30  }
0x182: {  	v27 =	vmpcnt.ones.xlane vm12;
	v30 =	vmpcnt.ones.xlane vm2;
	v31 =	vadd.s32 $0xFFFFFFFF, v17;
	(xrf0) =	vadd.scan.msk.s32 $0xffff, v20  }
0x183: {  	v17 =	vadd.s32 v21, v32;
	v21 =	vmpcnt.ones.xlane vm10;
	v20 =	vmpcnt.ones.xlane vm11;
	v22, _, _ =	vpop (xrf0);
	[tilespmem:v15+s15+$0x0] =	vst.idx.msk vm5, v24  }
0x184: {  	v26 =	vadd.s32 v19, v23;
	v32 =	vadd.s32 v22, v17;
	v17 =	vadd.s32 v17, v27;
	v18, _, _ =	vpop (xrf0)  }
.Ltmp9:
0x185: {  	v22 =	vadd.s32 v18, v26;
	v24 =	vadd.s32 v17, v20;
	v18, _, _ =	vpop (xrf0);
	[tilespmem:v15+s16+$0x0] =	vst.idx.msk vm5, v29;
	v15 =	vadd.s32 $0xFFFFFFFF, v32;
	(pc) =	sbr.rel @p0 .LBB2_11-.Ltmp9, $4  }
0x186: {  	vm5 =	vlt.s32 v15, $0x100;
	v17 =	vadd.s32 v18, v17;
	v18 =	vadd.s32 v25, v24;
	v23, _, _ =	vpop (xrf0)  }
0x187: {  	vm5 =	vmand vm12, vm5;
	v17 =	vadd.s32 $0xFFFFFFFF, v17;
	v20 =	vadd.s32 $0xFFFFFFFF, v18;
	v27, _, _ =	vpop (xrf0);
	[tilespmem:v31+s13+$0x0] =	vst.idx.msk vm8, v7  }
0x188: {  	v25 =	vadd.s32 v26, v28;
	vm7 =	vlt.s32 v17, $0x100;
	vm9 =	vlt.s32 v20, $0x100;
	v26, _, _ =	vpop (xrf0);
	[tilespmem:v31+s14+$0x0] =	vst.idx.msk vm8, v13  }
0x189: {  	s1 =	sadd.s32 $0x40, s1;
	v18 =	vadd.s32 v25, v30;
	vm7 =	vmand vm11, vm7;
	vm10 =	vmand vm10, vm9;
	[tilespmem:v9+s15+$0x0] =	vst.idx.msk vm0, v7;
	v7 =	vmovc v14  }
0x18a: {  	v14 =	vadd.s32 v24, v21  }
0x18b: {  	(xrf0) =	vadd.scan.msk.s32 $0xffff, v16;
	v14 =	vxor.u32 $0x80000000, v14  }
0x18c: {  	(xrf0) =	vmax.scan.msk.u32 $0xffff, v14;
	_ =	sdelay $0x4  }
0x18d: {  	v55, _, _ =	vpop (xrf0)  }
0x18e: {  	v58, _, _ =	vpop (xrf0)  }
0x18f: {  	(v2sf) =	vpush v58, $0xF;
	_ =	sdelay $0x2  }
0x190: {  	v56 =	vadd.s32 v27, v19;
	v57 =	vadd.s32 $0xFFFFFFFF, v22  }
0x191: {  	v59 =	vadd.s32 v23, v25;
	v16 =	vadd.s32 $0xFFFFFFFF, v56  }
0x192: {  	v12 =	vadd.s32 v26, v12;
	v21 =	vadd.s32 $0xFFFFFFFF, v59  }
0x193: {  	v12 =	vadd.s32 $0xFFFFFFFF, v12  }
0x194: {  	[tilespmem:v9+s16+$0x0] =	vst.idx.msk vm0, v13;
	vm8 =	vlt.s32 v12, $0x100  }
0x195: {  	s0 =	sadd.s32 $0x40, s11;
	vm12 =	vmand vm1, vm8;
	[tilespmem:v57+s13+$0x0] =	vst.idx.msk vm3, v11  }
0x196: {  	s31 =	sadd.s32 $0x10, s0;
	[tilespmem:v16+s13+$0x0] =	vst.idx.msk vm4, v8  }
0x197: {  	v62 =	vor.u32 s31, v0;
	[tilespmem:v21+s13+$0x0] =	vst.idx.msk vm2, v10  }
0x198: {  	v60 =	vor.u32 s0, v0;
	s1 =	sadd.s32 $0x20, s0;
	[tilespmem:v57+s14+$0x0] =	vst.idx.msk vm3, v62  }
0x199: {  	v61 =	vor.u32 s1, v0;
	[tilespmem:v16+s14+$0x0] =	vst.idx.msk vm4, v60  }
0x19a: {  	[tilespmem:v21+s14+$0x0] =	vst.idx.msk vm2, v61  }
0x19b: {  	[tilespmem:v12+s15+$0x0] =	vst.idx.msk vm12, v8;
	v8 =	vadd.s32 v55, v18  }
0x19c: {  	[tilespmem:v15+s15+$0x0] =	vst.idx.msk vm5, v11;
	v8 =	vadd.s32 $0xFFFFFFFF, v8;
	s5 =	spop (v2sf)  }
0x19d: {  	p3 =	slt.s32 s22, $0x1;
	[tilespmem:v17+s15+$0x0] =	vst.idx.msk vm7, v10;
	s25 =	sxor.u32 $0x80000000, s5  }
0x19e: {  	[tilespmem:v15+s16+$0x0] =	vst.idx.msk vm5, v62;
	p0 =	slt.s32 @!p3 s25, $0x101  }
0x19f: {  	[tilespmem:v17+s16+$0x0] =	vst.idx.msk vm7, v61;
	p0 =	por p3, p0  }
.Ltmp10:
0x1a0: {  	s0 =	sadd.s32 $0x30, s0;
	[tilespmem:v12+s16+$0x0] =	vst.idx.msk vm12, v60;
	(pc) =	sbr.rel @p0 .LBB2_13-.Ltmp10, $4  }
0x1a1: {  	v63 =	vor.u32 s0, v0;
	[tilespmem:v8+s13+$0x0] =	vst.idx.msk vm6, v7  }
0x1a2: {  	[tilespmem:v8+s14+$0x0] =	vst.idx.msk vm6, v63  }
0x1a3: {  	s19 =	ssub.s32 $0x80, s24;
	[smem:$0x0] =	sst s24;
	s6 =	simm.s32 $0x0;
	[tilespmem:v20+s15+$0x0] =	vst.idx.msk vm10, v7  }
0x1a4: {  	vm13 =	vmmov vm3;
	vm14 =	vmmov vm6;
	vm15 =	vmmov vm10;
	[smem:$0x1] =	sst s6;
	s1 =	simm.s32 $0xFFFFFFF8;
	s0 =	simm.s32 $0x2040;
	[tilespmem:v20+s16+$0x0] =	vst.idx.msk vm10, v63  }
0x1a5: {  	[tilespmem:s0+$0xFFFFFFC0] =	vst v2  }
0x1a6: {  	[tilespmem:s0+$0x30] =	vst v2  }
0x1a7: {  	[tilespmem:s0+$0x20] =	vst v2  }
0x1a8: {  	[tilespmem:s0+$0x10] =	vst v2  }
0x1a9: {  	[tilespmem:s0+$0x0] =	vst v2  }
0x1aa: {  	[tilespmem:s0+$0xFFFFFFF0] =	vst v2  }
0x1ab: {  	s1 =	sadd.s32 $0x8, s1;
	[tilespmem:s0+$0xFFFFFFE0] =	vst v2  }
.LBB2_15:
0x1ac: {  	s1 =	sadd.s32 $0x8, s1;
	[tilespmem:s0+$0xFFFFFFD0] =	vst v2;
	s0 =	sadd.s32 $0x80, s0  }
0x1ad: {  	[tilespmem:s0+$0xFFFFFFC0] =	vst v2;
	p0 =	slt.u32 s1, $0xF8  }
0x1ae: {  	[tilespmem:s0+$0x30] =	vst v2  }
.Ltmp11:
0x1af: {  	[tilespmem:s0+$0x20] =	vst v2;
	(pc) =	sbr.rel @p0 .LBB2_15-.Ltmp11, $4  }
0x1b0: {  	[tilespmem:s0+$0x10] =	vst v2  }
0x1b1: {  	[tilespmem:s0+$0x0] =	vst v2  }
0x1b2: {  	[tilespmem:s0+$0xFFFFFFF0] =	vst v2  }
0x1b3: {  	[tilespmem:s0+$0xFFFFFFE0] =	vst v2  }
0x1b4: {  	[tilespmem:s0+$0xFFFFFFD0] =	vst v2;
	s31 =	simm.s32 $0x40  }
0x1b5: {  	v7 =	vld [tilespmem:s31+$0x30]  }
0x1b6: {  	v8 =	vld [tilespmem:s31+$0xFFFFFFD0]  }
0x1b7: {  	v9 =	vld [tilespmem:s31+$0xFFFFFFE0]  }
0x1b8: {  	v12 =	vld [tilespmem:s31+$0x10]  }
0x1b9: {  	v17 =	vld [tilespmem:s31+$0xFFFFFFC0]  }
0x1ba: {  	v10 =	vld [tilespmem:s31+$0xFFFFFFF0]  }
0x1bb: {  	v11 =	vld [tilespmem:s31+$0x0]  }
0x1bc: {  	v15 =	vld [tilespmem:s31+$0x20];
	v13 =	vshrl.u32 v7, $0x8  }
0x1bd: {  	v14 =	vshrl.u32 v8, $0x10;
	v16 =	vshrl.u32 v7, $0x10;
	v18 =	vshrl.u32 v9, $0x10  }
0x1be: {  	vm0 =	veq.s32 v7, $0x0;
	v20 =	vshrl.u32 v12, $0x10;
	v22 =	vshrl.u32 v17, $0x10  }
0x1bf: {  	vm1 =	veq.s32 v8, $0x0;
	vm2 =	veq.s32 v9, $0x0;
	vm3 =	veq.s32 v10, $0x0  }
0x1c0: {  	vm4 =	veq.s32 v11, $0x0;
	v23 =	vshrl.u32 v8, $0x8;
	v9 =	vshrl.u32 v9, $0x8  }
0x1c1: {  	v24 =	vshrl.u32 v11, $0x8;
	v25 =	vshrl.u32 v12, $0x8;
	v26 =	vshrl.u32 v15, $0x8  }
0x1c2: {  	v13 =	vand.u32 $0xFF, v13;
	v16 =	vand.u32 $0xFF, v16;
	v14 =	vand.u32 $0xFF, v14  }
0x1c3: {  	v18 =	vand.u32 $0xFF, v18;
	v20 =	vand.u32 $0xFF, v20;
	v22 =	vand.u32 $0xFF, v22  }
0x1c4: {  	v19 =	vor.u32 v1, v13;
	v13 =	vshrl.u32 v10, $0x10;
	v7 =	vadd.s32 $0x1, v16  }
0x1c5: {  	v16 =	vshrl.u32 v11, $0x10;
	v14 =	vadd.s32 $0x1, v14;
	v22 =	vadd.s32 $0x1, v22  }
0x1c6: {  	v18 =	vadd.s32 $0x1, v18;
	v20 =	vadd.s32 $0x1, v20;
	v10 =	vshrl.u32 v10, $0x8  }
0x1c7: {  	v11 =	vand.u32 $0xFF, v23;
	v7 =	vsel vm0, $0x0, v7;
	v16 =	vand.u32 $0xFF, v16  }
0x1c8: {  	v14 =	vsel vm1, $0x0, v14;
	vm1 =	veq.s32 v15, $0x0;
	v18 =	vsel vm2, $0x0, v18  }
0x1c9: {  	vm0 =	veq.s32 v7, v6;
	v7 =	vand.u32 $0xFF, v13;
	v13 =	vshrl.u32 v15, $0x10  }
0x1ca: {  	v16 =	vadd.s32 $0x1, v16;
	vm2 =	veq.s32 v14, v6;
	v14 =	vand.u32 $0xFF, v26  }
0x1cb: {  	v21 =	vsel vm0, $0x1, v2;
	v13 =	vand.u32 $0xFF, v13;
	v7 =	vadd.s32 $0x1, v7  }
0x1cc: {  	vm0 =	veq.s32 v17, $0x0;
	v17 =	vshrl.u32 v17, $0x8;
	v16 =	vsel vm4, $0x0, v16  }
0x1cd: {  	vm4 =	veq.s32 v18, v6;
	v13 =	vadd.s32 $0x1, v13;
	v22 =	vsel vm0, $0x0, v22  }
0x1ce: {  	vm0 =	veq.s32 v12, $0x0;
	v27 =	vsel vm3, $0x0, v7;
	v15 =	vand.u32 $0xFF, v17  }
0x1cf: {  	v12 =	vand.u32 $0xFF, v9;
	v9 =	vand.u32 $0xFF, v25;
	v8 =	vsel vm0, $0x0, v20  }
0x1d0: {  	v7 =	vsel vm1, $0x0, v13;
	v13 =	vand.u32 $0xFF, v10;
	v10 =	vand.u32 $0xFF, v24;
	[tilespmem:v19+s12+$0x0] =	vst.idx.add.s32.msk $0xffff, v21  }
0x1d1: {  	s2 =	simm.s32 $0x0;
	s3 =	simm.s32 $0xC0;
	vm3 =	veq.s32 v22, v6;
	vm1 =	veq.s32 v27, v6;
	vm0 =	veq.s32 v16, v6  }
.LBB2_17:
0x1d2: {  	v16 =	vld [tilespmem:s3+$0x30];
	s2 =	sadd.s32 $0x8, s2;
	v15 =	vor.u32 v1, v15;
	vm5 =	veq.s32 v8, v6;
	vm6 =	veq.s32 v7, v6  }
0x1d3: {  	v8 =	vor.u32 v1, v11;
	v11 =	vor.u32 v1, v12;
	v12 =	vor.u32 v1, v13;
	v7 =	vld [tilespmem:s3+$0xFFFFFFD0];
	p0 =	slt.u32 s2, $0x1F8  }
0x1d4: {  	v10 =	vor.u32 v1, v10;
	v9 =	vor.u32 v1, v9;
	v14 =	vor.u32 v1, v14;
	v13 =	vld [tilespmem:s3+$0xFFFFFFE0]  }
0x1d5: {  	v18 =	vsel vm3, $0x1, v2;
	v19 =	vsel vm2, $0x1, v2;
	v20 =	vsel vm4, $0x1, v2;
	v17 =	vld [tilespmem:s3+$0xFFFFFFF0]  }
0x1d6: {  	v22 =	vsel vm1, $0x1, v2;
	v23 =	vsel vm0, $0x1, v2;
	v24 =	vsel vm5, $0x1, v2;
	v21 =	vld [tilespmem:s3+$0x0]  }
0x1d7: {  	v27 =	vsel vm6, $0x1, v2;
	v25 =	vld [tilespmem:s3+$0x10];
	v26 =	vshrl.u32 v16, $0x8  }
0x1d8: {  	v30 =	vshrl.u32 v16, $0x10;
	v28 =	vshrl.u32 v7, $0x10;
	v29 =	vld [tilespmem:s3+$0x20];
	v26 =	vand.u32 $0xFF, v26  }
0x1d9: {  	v30 =	vand.u32 $0xFF, v30;
	v31 =	vld [tilespmem:s3+$0xFFFFFFC0];
	v32 =	vshrl.u32 v13, $0x10;
	v26 =	vor.u32 v1, v26  }
0x1da: {  	vm0 =	veq.s32 v16, $0x0;
	v16 =	vadd.s32 $0x1, v30;
	v33 =	vshrl.u32 v17, $0x10;
	[tilespmem:v15+s12+$0x0] =	vst.idx.add.s32.msk $0xffff, v18  }
0x1db: {  	v15 =	vand.u32 $0xFF, v28;
	v16 =	vsel vm0, $0x0, v16;
	v18 =	vshrl.u32 v21, $0x10;
	[tilespmem:v8+s12+$0x0] =	vst.idx.add.s32.msk $0xffff, v19  }
0x1dc: {  	v8 =	vand.u32 $0xFF, v32;
	vm0 =	veq.s32 v16, v6;
	v19 =	vshrl.u32 v25, $0x10;
	[tilespmem:v11+s12+$0x0] =	vst.idx.add.s32.msk $0xffff, v20  }
0x1dd: {  	s4 =	simm.s32 $0x0;
	v11 =	vand.u32 $0xFF, v33;
	v20 =	vsel vm0, $0x1, v2;
	v16 =	vshrl.u32 v29, $0x10;
	[tilespmem:v12+s12+$0x0] =	vst.idx.add.s32.msk $0xffff, v22  }
0x1de: {  	s1 =	simm.s32 $0x2810;
	s0 =	simm.s32 $0x3010;
	v18 =	vand.u32 $0xFF, v18;
	v19 =	vand.u32 $0xFF, v19;
	v12 =	vshrl.u32 v31, $0x10;
	[tilespmem:v26+s12+$0x0] =	vst.idx.add.s32.msk $0xffff, v20  }
0x1df: {  	v15 =	vadd.s32 $0x1, v15;
	v16 =	vand.u32 $0xFF, v16;
	v12 =	vand.u32 $0xFF, v12;
	[tilespmem:v10+s12+$0x0] =	vst.idx.add.s32.msk $0xffff, v23  }
0x1e0: {  	v8 =	vadd.s32 $0x1, v8;
	v11 =	vadd.s32 $0x1, v11;
	v10 =	vadd.s32 $0x1, v12;
	[tilespmem:v9+s12+$0x0] =	vst.idx.add.s32.msk $0xffff, v24  }
0x1e1: {  	v16 =	vadd.s32 $0x1, v16;
	v9 =	vadd.s32 $0x1, v18;
	v12 =	vadd.s32 $0x1, v19;
	[tilespmem:v14+s12+$0x0] =	vst.idx.add.s32.msk $0xffff, v27  }
0x1e2: {  	vm1 =	veq.s32 v7, $0x0;
	vm2 =	veq.s32 v13, $0x0;
	vm0 =	veq.s32 v31, $0x0  }
0x1e3: {  	vm3 =	veq.s32 v17, $0x0;
	vm4 =	veq.s32 v21, $0x0;
	vm5 =	veq.s32 v25, $0x0  }
0x1e4: {  	vm6 =	veq.s32 v29, $0x0;
	v18 =	vshrl.u32 v7, $0x8;
	v14 =	vshrl.u32 v31, $0x8  }
0x1e5: {  	v13 =	vshrl.u32 v13, $0x8;
	v17 =	vshrl.u32 v17, $0x8;
	v19 =	vshrl.u32 v21, $0x8  }
0x1e6: {  	v22 =	vshrl.u32 v29, $0x8;
	v21 =	vshrl.u32 v25, $0x8;
	v20 =	vsel vm0, $0x0, v10  }
0x1e7: {  	v23 =	vsel vm1, $0x0, v15;
	v24 =	vsel vm2, $0x0, v8;
	v25 =	vsel vm3, $0x0, v11  }
.Ltmp12:
0x1e8: {  	v7 =	vsel vm6, $0x0, v16;
	v26 =	vsel vm4, $0x0, v9;
	v8 =	vsel vm5, $0x0, v12;
	(pc) =	sbr.rel @p0 .LBB2_17-.Ltmp12, $4  }
0x1e9: {  	v11 =	vand.u32 $0xFF, v18;
	v12 =	vand.u32 $0xFF, v13;
	v15 =	vand.u32 $0xFF, v14  }
0x1ea: {  	v13 =	vand.u32 $0xFF, v17;
	v10 =	vand.u32 $0xFF, v19;
	v9 =	vand.u32 $0xFF, v21  }
0x1eb: {  	vm2 =	veq.s32 v23, v6;
	vm3 =	veq.s32 v20, v6;
	v14 =	vand.u32 $0xFF, v22  }
0x1ec: {  	s3 =	sadd.s32 $0x80, s3;
	vm4 =	veq.s32 v24, v6;
	vm1 =	veq.s32 v25, v6;
	vm0 =	veq.s32 v26, v6  }
0x1ed: {  	v15 =	vor.u32 v1, v15  }
0x1ee: {  	v11 =	vor.u32 v1, v11  }
0x1ef: {  	v10 =	vor.u32 v1, v10  }
0x1f0: {  	v9 =	vor.u32 v1, v9  }
0x1f1: {  	v12 =	vor.u32 v1, v12;
	v16 =	vsel vm3, $0x1, v2  }
0x1f2: {  	v13 =	vor.u32 v1, v13;
	v17 =	vsel vm2, $0x1, v2;
	[tilespmem:v15+s12+$0x0] =	vst.idx.add.s32.msk $0xffff, v16  }
0x1f3: {  	v14 =	vor.u32 v1, v14;
	vm14 =	veq.s32 v8, v6;
	v8 =	vsel vm0, $0x1, v2;
	[tilespmem:v11+s12+$0x0] =	vst.idx.add.s32.msk $0xffff, v17  }
0x1f4: {  	vm15 =	veq.s32 v7, v6;
	v7 =	vsel vm14, $0x1, v2;
	[tilespmem:v10+s12+$0x0] =	vst.idx.add.s32.msk $0xffff, v8  }
0x1f5: {  	v15 =	vsel vm4, $0x1, v2;
	[tilespmem:v9+s12+$0x0] =	vst.idx.add.s32.msk $0xffff, v7  }
0x1f6: {  	v11 =	vsel vm1, $0x1, v2;
	[tilespmem:v12+s12+$0x0] =	vst.idx.add.s32.msk $0xffff, v15  }
0x1f7: {  	v8 =	vsel vm15, $0x1, v2;
	[tilespmem:v13+s12+$0x0] =	vst.idx.add.s32.msk $0xffff, v11  }
0x1f8: {  	[tilespmem:v14+s12+$0x0] =	vst.idx.add.s32.msk $0xffff, v8  }
0x1f9: {  	s2 =	sand.u32 $0xE0, s4;
	v7 =	vld [tilespmem:s1+$0xFFFFF7F0]  }
0x1fa: {  	v8 =	vld [tilespmem:s2+$0x2100]  }
0x1fb: {  	v9 =	vld [tilespmem:s2+$0x2200]  }
0x1fc: {  	v10 =	vld [tilespmem:s2+$0x2300]  }
0x1fd: {  	v11 =	vld [tilespmem:s2+$0x2400]  }
0x1fe: {  	v12 =	vld [tilespmem:s2+$0x2500]  }
0x1ff: {  	v13 =	vld [tilespmem:s2+$0x2600]  }
0x200: {  	v14 =	vld [tilespmem:s2+$0x2700]  }
0x201: {  	v15 =	vld [tilespmem:s2+$0x2800]  }
0x202: {  	v16 =	vld [tilespmem:s2+$0x2900]  }
0x203: {  	v17 =	vld [tilespmem:s2+$0x2A00]  }
0x204: {  	v18 =	vld [tilespmem:s2+$0x2B00]  }
0x205: {  	v19 =	vld [tilespmem:s2+$0x2C00]  }
0x206: {  	v20 =	vld [tilespmem:s2+$0x2D00]  }
0x207: {  	v21 =	vld [tilespmem:s2+$0x2E00]  }
0x208: {  	v22 =	vld [tilespmem:s2+$0x2F00]  }
0x209: {  	v7 =	vadd.s32 v7, v8;
	v8 =	vld [tilespmem:s1+$0xFFFFF800]  }
0x20a: {  	v7 =	vadd.s32 v9, v7;
	v9 =	vld [tilespmem:s1+$0xFFFFF900]  }
0x20b: {  	v7 =	vadd.s32 v10, v7;
	v10 =	vld [tilespmem:s1+$0xFFFFFA00]  }
0x20c: {  	v7 =	vadd.s32 v11, v7;
	v11 =	vld [tilespmem:s1+$0xFFFFFB00]  }
0x20d: {  	v7 =	vadd.s32 v12, v7;
	v12 =	vld [tilespmem:s1+$0xFFFFFC00]  }
0x20e: {  	v7 =	vadd.s32 v13, v7;
	v13 =	vld [tilespmem:s1+$0xFFFFFD00]  }
0x20f: {  	v7 =	vadd.s32 v14, v7;
	v8 =	vadd.s32 v8, v9;
	v9 =	vld [tilespmem:s1+$0xFFFFFE00]  }
0x210: {  	v7 =	vadd.s32 v15, v7;
	v8 =	vadd.s32 v10, v8;
	v10 =	vld [tilespmem:s1+$0xFFFFFF00]  }
0x211: {  	v7 =	vadd.s32 v16, v7;
	v8 =	vadd.s32 v11, v8;
	v11 =	vld [tilespmem:s1+$0x0]  }
0x212: {  	v7 =	vadd.s32 v17, v7;
	v8 =	vadd.s32 v12, v8;
	v12 =	vld [tilespmem:s1+$0x100]  }
0x213: {  	v7 =	vadd.s32 v18, v7;
	v8 =	vadd.s32 v13, v8;
	v13 =	vld [tilespmem:s1+$0x200]  }
0x214: {  	v14 =	vadd.s32 v19, v7;
	v8 =	vadd.s32 v9, v8;
	v7 =	vld [tilespmem:s1+$0x300]  }
0x215: {  	v9 =	vadd.s32 v20, v14;
	v10 =	vadd.s32 v10, v8;
	v8 =	vld [tilespmem:s1+$0x400]  }
0x216: {  	v14 =	vadd.s32 v21, v9;
	v10 =	vadd.s32 v11, v10;
	v9 =	vld [tilespmem:s1+$0x500]  }
0x217: {  	v11 =	vadd.s32 v22, v14;
	v12 =	vadd.s32 v12, v10;
	v10 =	vld [tilespmem:s1+$0x600]  }
0x218: {  	s3 =	simm.s32 $0x20;
	s2 =	simm.s32 $0x0;
	[tilespmem:s0+$0xFFFFFFF0] =	vst v11;
	v12 =	vadd.s32 v13, v12;
	v11 =	vld [tilespmem:s1+$0x700];
	s1 =	simm.s32 $0x2830  }
.LBB2_19:
0x219: {  	v13 =	vld [tilespmem:s1+$0xFFFFF7F0];
	s4 =	sand.u32 $0xE0, s3;
	s2 =	sadd.s32 $0x2, s2;
	v7 =	vadd.s32 v7, v12  }
0x21a: {  	v12 =	vld [tilespmem:s4+$0x2100];
	p0 =	slt.u32 s2, $0xE;
	v7 =	vadd.s32 v8, v7  }
0x21b: {  	v8 =	vld [tilespmem:s4+$0x2200];
	v7 =	vadd.s32 v9, v7  }
0x21c: {  	v9 =	vld [tilespmem:s4+$0x2300];
	v7 =	vadd.s32 v10, v7  }
0x21d: {  	v10 =	vld [tilespmem:s4+$0x2400];
	v7 =	vadd.s32 v11, v7  }
0x21e: {  	v11 =	vld [tilespmem:s4+$0x2500];
	[tilespmem:s0+$0x0] =	vst v7  }
0x21f: {  	v7 =	vadd.s32 v13, v12;
	v12 =	vld [tilespmem:s4+$0x2600]  }
0x220: {  	v7 =	vadd.s32 v8, v7;
	v8 =	vld [tilespmem:s4+$0x2700]  }
0x221: {  	v7 =	vadd.s32 v9, v7;
	v9 =	vld [tilespmem:s4+$0x2800]  }
0x222: {  	v7 =	vadd.s32 v10, v7;
	v10 =	vld [tilespmem:s4+$0x2900]  }
0x223: {  	v7 =	vadd.s32 v11, v7;
	v11 =	vld [tilespmem:s4+$0x2A00]  }
0x224: {  	v7 =	vadd.s32 v12, v7;
	v12 =	vld [tilespmem:s4+$0x2B00]  }
0x225: {  	v7 =	vadd.s32 v8, v7;
	v8 =	vld [tilespmem:s4+$0x2C00]  }
0x226: {  	v7 =	vadd.s32 v9, v7;
	v9 =	vld [tilespmem:s4+$0x2D00]  }
0x227: {  	v7 =	vadd.s32 v10, v7;
	v10 =	vld [tilespmem:s4+$0x2E00]  }
0x228: {  	v7 =	vadd.s32 v11, v7;
	v11 =	vld [tilespmem:s4+$0x2F00]  }
0x229: {  	v7 =	vadd.s32 v12, v7;
	v12 =	vld [tilespmem:s1+$0xFFFFF800]  }
0x22a: {  	v7 =	vadd.s32 v8, v7;
	v8 =	vld [tilespmem:s1+$0xFFFFF900]  }
0x22b: {  	v7 =	vadd.s32 v9, v7;
	v9 =	vld [tilespmem:s1+$0xFFFFFA00]  }
0x22c: {  	v7 =	vadd.s32 v10, v7;
	v10 =	vld [tilespmem:s1+$0xFFFFFB00]  }
0x22d: {  	s0 =	sadd.s32 $0x20, s0;
	v7 =	vadd.s32 v11, v7;
	v11 =	vld [tilespmem:s1+$0xFFFFFC00]  }
0x22e: {  	[tilespmem:s0+$0xFFFFFFF0] =	vst v7;
	v7 =	vld [tilespmem:s1+$0xFFFFFD00]  }
0x22f: {  	v8 =	vadd.s32 v12, v8;
	v12 =	vld [tilespmem:s1+$0xFFFFFE00]  }
0x230: {  	v8 =	vadd.s32 v9, v8;
	v9 =	vld [tilespmem:s1+$0xFFFFFF00]  }
0x231: {  	v8 =	vadd.s32 v10, v8;
	v10 =	vld [tilespmem:s1+$0x0]  }
0x232: {  	v8 =	vadd.s32 v11, v8;
	v11 =	vld [tilespmem:s1+$0x100]  }
0x233: {  	v7 =	vadd.s32 v7, v8;
	v13 =	vld [tilespmem:s1+$0x200]  }
.Ltmp13:
0x234: {  	v8 =	vadd.s32 v12, v7;
	v7 =	vld [tilespmem:s1+$0x300];
	(pc) =	sbr.rel @p0 .LBB2_19-.Ltmp13, $4  }
0x235: {  	v9 =	vadd.s32 v9, v8;
	v8 =	vld [tilespmem:s1+$0x400]  }
0x236: {  	v10 =	vadd.s32 v10, v9;
	v9 =	vld [tilespmem:s1+$0x500]  }
0x237: {  	v11 =	vadd.s32 v11, v10;
	v10 =	vld [tilespmem:s1+$0x600]  }
0x238: {  	s3 =	sadd.s32 $0x20, s3;
	v12 =	vadd.s32 v13, v11;
	v11 =	vld [tilespmem:s1+$0x700];
	s1 =	sadd.s32 $0x20, s1  }
0x239: {  	v7 =	vadd.s32 v7, v12  }
0x23a: {  	v7 =	vadd.s32 v8, v7  }
0x23b: {  	v7 =	vadd.s32 v9, v7  }
0x23c: {  	p1 =	por $0x0, $0x0;
	v7 =	vadd.s32 v10, v7  }
0x23d: {  	s2 =	simm.s32 @!p1 $0x0;
	v7 =	vadd.s32 v11, v7  }
0x23e: {  	s2 =	simm.s32 @p1 $0x1;
	[tilespmem:s0+$0x0] =	vst v7  }
0x23f: {  	p0 =	por $0x0, $0x0;
	[smem:$0x7F4] =	sst s2  }
.Ltmp14:
0x240: {  	[dreg:$0xc] =	wrdreg s22;
	(pc) =	sbr.rel @p0 .LBB2_21-.Ltmp14, $4  }
0x241: {  	[dreg:$0xd] =	wrdreg s24  }
0x242: {  	s3 =	simm.s32 $0xFFFFFFFF;
	[dreg:$0xe] =	wrdreg s19;
	s2 =	simm.s32 @!p3 $0x0  }
0x243: {  	s1 =	simm.s32 $0x30F0;
	[dreg:$0xf] =	wrdreg s5;
	s2 =	simm.s32 @p3 $0x1  }
0x244: {  	p2 =	por $0x0, $0x0;
	v7 =	vmov s19;
	s0 =	simm.s32 $0x0;
	[smem:$0x7F5] =	sst s2  }
0x245: {  	p0 =	por $0x0, $0x0  }
.Ltmp15:
0x246: {  	_ = 	snop;
	(pc) =	sbr.rel @p0 .LBB2_23-.Ltmp15, $1  }
0x247: {  	_ =	sdelay $0x3  }
0x248: {  	p0 =	por $0x0, $0x0  }
.Ltmp16:
0x249: {  	_ = 	snop;
	(pc) =	sbr.rel @p0 .LBB2_25-.Ltmp16, $2  }
0x24a: {  	_ =	sdelay $0x2  }
0x24b: {  	v9 =	vld [tilespmem:s1+$0x0]  }
0x24c: {  	p0 =	por $0x0, $0x0  }
.Ltmp17:
0x24d: {  	_ = 	snop;
	(pc) =	sbr.rel @p0 .LBB2_27-.Ltmp17, $3  }
0x24e: {  	_ =	sdelay $0x1  }
0x24f: {  	s21 =	simm.s32 $0x30E0  }
0x250: {  	p2 =	por $0x1, $0x1;
	v8 =	vld [tilespmem:s21+$0x0];
	(xrf0) =	vadd.scan.msk.s32 $0xffff, v9  }
0x251: {  	_ = 	snop  }
0x252: {  	p0 =	por $0x0, $0x0  }
.Ltmp18:
0x253: {  	_ = 	snop;
	(pc) =	sbr.rel @p0 .LBB2_29-.Ltmp18, $3  }
0x254: {  	_ =	sdelay $0x1  }
0x255: {  	s21 =	simm.s32 $0x30D0;
	v17, _, _ =	vpop (xrf0)  }
0x256: {  	v10 =	vld [tilespmem:s21+$0x0];
	(xrf0) =	vadd.scan.msk.s32 $0xffff, v8;
	(v2sf) =	vpush v17, $0xF  }
0x257: {  	_ =	sdelay $0x8  }
0x258: {  	v11 =	vbroadcast v17, $0xF;
	v12 =	vadd.s32 s0, v9;
	p0 =	por $0x0, $0x0  }
.Ltmp19:
0x259: {  	v12 =	vsub.s32 v12, v17;
	(pc) =	sbr.rel @p0 .LBB2_31-.Ltmp19, $4  }
0x25a: {  	v11 =	vadd.s32 v11, v12  }
0x25b: {  	vm0 =	vlt.s32 v11, v7  }
0x25c: {  	s21 =	simm.s32 $0x30C0;
	v11 =	vsel vm0, $0x7FFFFFFF, v5;
	v17, _, _ =	vpop (xrf0);
	(xrf0) =	vadd.scan.msk.s32 $0xffff, v10  }
0x25d: {  	(v2sf) =	vpush v17, $0xF;
	(xrf0) =	vmax.scan.msk.u32 $0xffff, v11;
	v11 =	vld [tilespmem:s21+$0x0];
	s20 =	spop (v2sf)  }
0x25e: {  	_ =	sdelay $0x7  }
0x25f: {  	s26 =	sadd.s32 $0x0, s20  }
0x260: {  	v12 =	vbroadcast v17, $0xF;
	v13 =	vadd.s32 s26, v8  }
0x261: {  	p0 =	por $0x0, $0x0;
	v13 =	vsub.s32 v13, v17  }
.Ltmp20:
0x262: {  	p1 =	por $0x1, $0x1;
	v12 =	vadd.s32 v12, v13;
	(pc) =	sbr.rel @p0 .LBB2_33-.Ltmp20, $4  }
0x263: {  	s0 =	simm.s32 @!p1 $0x0  }
0x264: {  	[dreg:$0x11] =	wrdreg s26;
	s0 =	simm.s32 @p1 $0x1;
	v17, _, _ =	vpop (xrf0);
	vm0 =	vlt.s32 v12, v7  }
0x265: {  	s21 =	simm.s32 $0x30B0;
	[smem:$0x7F4] =	sst s0;
	(xrf0) =	vadd.scan.msk.s32 $0xffff, v11;
	(v2sf) =	vpush v17, $0xF;
	v13 =	vsel vm0, $0x7FFFFFFF, v5;
	v12, _, _ =	vpop (xrf0);
	s20 =	spop (v2sf)  }
0x266: {  	(xrf0) =	vmax.scan.msk.u32 $0xffff, v13;
	v13 =	vld [tilespmem:s21+$0x0];
	(v2sf) =	vpush v12, $0xF;
	[dreg:$0x1d] =	wrdreg s20  }
0x267: {  	_ =	sdelay $0x6  }
0x268: {  	s7 =	sadd.s32 s26, s20  }
0x269: {  	v12 =	vbroadcast v17, $0xF;
	v14 =	vadd.s32 s7, v10  }
0x26a: {  	p0 =	por $0x0, $0x0;
	v14 =	vsub.s32 v14, v17  }
.Ltmp21:
0x26b: {  	v12 =	vadd.s32 v12, v14;
	(pc) =	sbr.rel @p0 .LBB2_35-.Ltmp21, $4  }
0x26c: {  	_ = 	snop  }
0x26d: {  	v16, _, _ =	vpop (xrf0);
	vm0 =	vlt.s32 v12, v7  }
0x26e: {  	s21 =	simm.s32 $0x30A0;
	[dreg:$0x14] =	wrdreg s7;
	(xrf0) =	vadd.scan.msk.s32 $0xffff, v13;
	(v2sf) =	vpush v16, $0xF;
	v14 =	vsel vm0, $0x7FFFFFFF, v5;
	v12, _, _ =	vpop (xrf0);
	s1 =	spop (v2sf)  }
0x26f: {  	s23 =	simm.s32 $0x80000070;
	v15 =	vld [tilespmem:s21+$0x0];
	(xrf0) =	vmax.scan.msk.u32 $0xffff, v14;
	(v2sf) =	vpush v12, $0xF;
	[smem:$0x7EA] =	sst s1  }
0x270: {  	_ =	sdelay $0x6  }
0x271: {  	s0 =	simm.s32 $0x800000B0;
	s29 =	simm.s32 $0x800000A0;
	s6 =	sadd.s32 s7, s1  }
0x272: {  	v12 =	vbroadcast v16, $0xF;
	s30 =	spop (v2sf);
	p0 =	por $0x0, $0x0;
	[dreg:$0x1b] =	wrdreg s0;
	v14 =	vadd.s32 s6, v11  }
0x273: {  	[dreg:$0x12] =	wrdreg s29;
	s31 =	sxor.u32 $0x80000000, s30;
	s2 =	sand.u32 s3, s30;
	v14 =	vsub.s32 v14, v16  }
.Ltmp22:
0x274: {  	s9 =	sadd.s32 $0x800000F0, s30;
	p4 =	sgt.s32 s2, $0xFFFFFFFF;
	v12 =	vadd.s32 v12, v14;
	(pc) =	sbr.rel @p0 .LBB2_37-.Ltmp22, $4  }
0x275: {  	[dreg:$0x1a] =	wrdreg s6;
	v14 =	vmov s31;
	s9 =	smov.u32 @p4 s3;
	s0 =	simm.s32 @!p4 $0x0;
	vm0 =	vlt.s32 v12, v7  }
0x276: {  	v21, _, _ =	vpop (xrf0);
	(xrf0) =	vadd.scan.msk.s32 $0xffff, v15;
	vm1 =	vlt.s32 v14, v0;
	s0 =	simm.s32 @p4 $0x1;
	[smem:$0x7F3] =	sst s9;
	v14 =	vsel vm0, $0x7FFFFFFF, v5  }
0x277: {  	s21 =	simm.s32 $0x3090;
	(v2sf) =	vpush v21, $0xF;
	v17 =	vnsel vm1, $0x0, v9;
	[smem:$0x7E8] =	sst s0;
	v12, _, _ =	vpop (xrf0);
	(xrf0) =	vmax.scan.msk.u32 $0xffff, v14;
	s1 =	spop (v2sf)  }
0x278: {  	v24 =	vld [tilespmem:s21+$0x0];
	s3 =	simm.s32 $0x80000060;
	(v2sf) =	vpush v12, $0xF;
	(xrf0) =	vadd.scan.msk.s32 $0xffff, v17;
	[smem:$0x7E9] =	sst s1  }
0x279: {  	s0 =	simm.s32 $0x80000090;
	p0 =	por $0x1, $0x1  }
0x27a: {  	[dreg:$0x1c] =	wrdreg s0;
	s0 =	simm.s32 @!p0 $0x0  }
0x27b: {  	s0 =	simm.s32 @p0 $0x1;
	p0 =	por $0x1, $0x1  }
0x27c: {  	[smem:$0x7ED] =	sst s0;
	s0 =	simm.s32 @!p0 $0x0  }
0x27d: {  	s0 =	simm.s32 @p0 $0x1;
	p0 =	por $0x1, $0x1  }
0x27e: {  	[smem:$0x7EE] =	sst s0;
	s0 =	simm.s32 @!p0 $0x0  }
0x27f: {  	s0 =	simm.s32 @p0 $0x1  }
0x280: {  	[smem:$0x7F2] =	sst s0;
	s0 =	sadd.s32 s6, s1  }
0x281: {  	v12 =	vbroadcast v21, $0xF;
	v14 =	vadd.s32 s0, v13  }
0x282: {  	v14 =	vsub.s32 v14, v21  }
0x283: {  	v12 =	vadd.s32 v12, v14;
	_ =	sdelay $0x1  }
0x284: {  	v23, _, _ =	vpop (xrf0)  }
0x285: {  	s21 =	simm.s32 $0x80000080;
	s22 =	simm.s32 $0x800000C0;
	(v2sf) =	vpush v23, $0xF;
	vm0 =	vlt.s32 v12, v7;
	v12, _, _ =	vpop (xrf0)  }
0x286: {  	s24 =	simm.s32 $0x800000F0;
	s28 =	simm.s32 $0x800000D0;
	[dreg:$0x19] =	wrdreg s21;
	(v2sf) =	vpush v12, $0xF;
	v12, _, _ =	vpop (xrf0)  }
0x287: {  	s29 =	simm.s32 $0x800000E0;
	s30 =	spop (v2sf);
	[dreg:$0x18] =	wrdreg s22;
	(v2sf) =	vpush v12, $0xF  }
0x288: {  	p5 =	por p4, p4;
	p3 =	por $0x1, $0x1;
	[dreg:$0x17] =	wrdreg s24  }
0x289: {  	[dreg:$0x16] =	wrdreg s28;
	s4 =	sand.u32 s9, s30;
	s1 =	simm.s32 @!p3 $0x0  }
0x28a: {  	[dreg:$0x15] =	wrdreg s29;
	p6 =	sgt.s32 s4, $0xFFFFFFFF;
	s1 =	simm.s32 @p3 $0x1  }
0x28b: {  	p0 =	por $0x0, $0x0;
	[smem:$0x7EC] =	sst s1;
	s1 =	simm.s32 @!p6 $0x0  }
.Ltmp23:
0x28c: {  	s2 =	sxor.u32 $0x80000000, s30;
	s1 =	simm.s32 @p6 $0x1;
	(pc) =	sbr.rel @p0 .LBB2_39-.Ltmp23, $4  }
0x28d: {  	v14 =	vmov s2;
	[smem:$0x7E5] =	sst s1;
	s1 =	simm.s32 @!p5 $0x0  }
0x28e: {  	s18 =	sadd.s32 $0x800000E0, s30;
	(xrf0) =	vadd.scan.msk.s32 $0xffff, v24;
	[dreg:$0x1e] =	wrdreg s0;
	vm1 =	vlt.s32 v14, v0;
	v14 =	vsel vm0, $0x7FFFFFFF, v5;
	s1 =	simm.s32 @p5 $0x1  }
0x28f: {  	s21 =	simm.s32 $0x3080;
	v17 =	vnsel vm1, $0x0, v8;
	(xrf0) =	vmax.scan.msk.u32 $0xffff, v14;
	s20 =	spop (v2sf);
	[smem:$0x7E7] =	sst s1  }
0x290: {  	s31 =	simm.s32 $0x80000050;
	v25 =	vld [tilespmem:s21+$0x0];
	s18 =	smov.u32 @p6 s9;
	(xrf0) =	vadd.scan.msk.s32 $0xffff, v17;
	[smem:$0x7E6] =	sst s20  }
0x291: {  	s8 =	sadd.s32 s0, s20  }
0x292: {  	p0 =	por $0x1, $0x1;
	p4 =	por $0x0, $0x0;
	v12 =	vbroadcast v23, $0xF;
	s30 =	spop (v2sf);
	v14 =	vadd.s32 s8, v15  }
0x293: {  	p5 =	por p5, p5;
	p6 =	por p6, p6;
	s21 =	simm.s32 $0x3070;
	v14 =	vsub.s32 v14, v23  }
0x294: {  	p1 =	por $0x1, $0x1;
	s10 =	simm.s32 $0x80000090;
	s22 =	simm.s32 $0x80000080;
	v12 =	vadd.s32 v12, v14  }
0x295: {  	s29 =	simm.s32 $0x800000C0;
	s11 =	simm.s32 $0x0;
	s28 =	smov.u32 s26  }
0x296: {  	s19 =	smov.u32 s7;
	s24 =	smov.u32 s0;
	s4 =	sxor.u32 $0x80000000, s30;
	v17, _, _ =	vpop (xrf0)  }
0x297: {  	s5 =	simm.s32 $0x800000A0;
	s1 =	simm.s32 @!p0 $0x0;
	s2 =	sand.u32 s18, s30;
	v14 =	vmov s4;
	vm0 =	vlt.s32 v12, v7;
	(v2sf) =	vpush v17, $0xF;
	v12, _, _ =	vpop (xrf0)  }
.Ltmp24:
0x298: {  	s9 =	sadd.s32 $0x800000D0, s30;
	s26 =	smov.u32 s8;
	vm1 =	vlt.s32 v14, v0;
	(v2sf) =	vpush v12, $0xF;
	v12, _, _ =	vpop (xrf0);
	(pc) =	sbr.rel @p4 .LBB2_41-.Ltmp24, $4  }
0x299: {  	s1 =	simm.s32 @p0 $0x1;
	p0 =	sgt.s32 s2, $0xFFFFFFFF;
	s2 =	simm.s32 $0x80000040;
	v18 =	vnsel vm1, $0x0, v10;
	(v2sf) =	vpush v12, $0xF  }
0x29a: {  	[smem:$0x7F0] =	sst s1;
	s9 =	smov.u32 @p0 s18;
	s1 =	simm.s32 @!p1 $0x0;
	(xrf0) =	vadd.scan.msk.s32 $0xffff, v25;
	v14 =	vsel vm0, $0x7FFFFFFF, v5  }
0x29b: {  	v22 =	vmov v11;
	s20 =	spop (v2sf);
	s4 =	smov.u32 s6;
	s1 =	simm.s32 @p1 $0x1;
	(xrf0) =	vmax.scan.msk.u32 $0xffff, v14  }
0x29c: {  	v20 =	vmovc v13;
	s6 =	simm.s32 $0x800000B0;
	v19 =	vmov v25;
	[smem:$0x7EB] =	sst s1;
	s1 =	simm.s32 $0x0;
	v14 =	vld [tilespmem:s21+$0x0];
	(xrf0) =	vadd.scan.msk.s32 $0xffff, v18;
	v12 =	vmov v24;
	v18 =	vmov v15  }
.LBB2_42:
0x29d: {  	s7 =	smov.u32 s11;
	s17 =	smov.u32 s9  }
0x29e: {  	p4 =	seq.s32 s2, $0x80000000;
	s8 =	sadd.s32 s8, s20;
	s0 =	smov.u32 s10  }
0x29f: {  	s10 =	smov.u32 s22;
	s22 =	smov.u32 s23;
	s23 =	smov.u32 s3  }
0x2a0: {  	p3 =	por p5, p5;
	p5 =	por p6, p6;
	p6 =	por p0, p0  }
0x2a1: {  	v29 =	vbroadcast v17, $0xF;
	s3 =	smov.u32 s31;
	s31 =	smov.u32 s2;
	v28 =	vadd.s32 s8, v12;
	v26, _, _ =	vpop (xrf0);
	s9 =	spop (v2sf)  }
0x2a2: {  	v28 =	vsub.s32 v28, v17;
	(v2sf) =	vpush v26, $0xF;
	s11 =	sxor.u32 $0x80000000, s9;
	s20 =	sand.u32 s17, s9;
	s30 =	spop (v2sf);
	v17 =	vmov v26  }
0x2a3: {  	v29 =	vadd.s32 v29, v28;
	s9 =	sadd.s32 s29, s9;
	v27, _, _ =	vpop (xrf0);
	p0 =	sgt.s32 s20, $0xFFFFFFFF;
	v28 =	vmov s11;
	s11 =	sadd.s32 s1, s30  }
.Ltmp25:
0x2a4: {  	vm0 =	vlt.s32 v29, v7;
	(xrf0) =	vadd.scan.msk.s32 $0xffff, v14;
	(v2sf) =	vpush v27, $0xF;
	vm1 =	vlt.s32 v28, v0;
	s9 =	smov.u32 @p0 s17;
	v26, _, _ =	vpop (xrf0);
	s11 =	smov.u32 @p3 s7;
	(pc) =	sbr.rel @!p4 .LBB2_42-.Ltmp25, $4  }
0x2a5: {  	s1 =	smov.u32 s28;
	s28 =	smov.u32 s19;
	s19 =	smov.u32 s4;
	v27 =	vsel vm0, $0x7FFFFFFF, v5;
	v28 =	vnsel vm1, $0x0, v22;
	(v2sf) =	vpush v26, $0xF;
	v22 =	vmovc v20;
	v20 =	vmovc v18  }
0x2a6: {  	s4 =	smov.u32 s24;
	s24 =	smov.u32 s26;
	s26 =	smov.u32 s8;
	v18 =	vmovc v12;
	v12 =	vmov v19;
	v19 =	vmov v14;
	(xrf0) =	vmax.scan.msk.u32 $0xffff, v27  }
0x2a7: {  	s21 =	sadd.s32 $0xFFFFFFF0, s21;
	s29 =	smov.u32 s6;
	s6 =	smov.u32 s5;
	(xrf0) =	vadd.scan.msk.s32 $0xffff, v28  }
0x2a8: {  	s2 =	sadd.s32 $0xFFFFFFF0, s2;
	s5 =	smov.u32 s0;
	v14 =	vld [tilespmem:s21+$0x0];
	s20 =	spop (v2sf)  }
0x2a9: {  	p1 =	por $0x1, $0x1  }
0x2aa: {  	s0 =	simm.s32 @!p1 $0x0  }
0x2ab: {  	s0 =	simm.s32 @p1 $0x1;
	p1 =	por $0x1, $0x1  }
0x2ac: {  	[smem:$0x7EF] =	sst s0;
	s0 =	simm.s32 @!p1 $0x0  }
0x2ad: {  	[dreg:$0x1f] =	wrdreg s23;
	s0 =	simm.s32 @p1 $0x1  }
0x2ae: {  	s23 =	smov.u32 s31;
	p2 =	por $0x1, $0x1;
	[smem:$0x7F1] =	sst s0  }
.LBB2_44:
0x2af: {  	s0 =	sld [smem:$0x7EE];
	_ =	sdelay $0x2  }
0x2b0: {  	p4 =	seq.s32 s0, $0x1  }
0x2b1: {  	s0 =	spop @p4 (v2sf)  }
0x2b2: {  	s31 =	sld [smem:$0x7EB];
	s2 =	sand.u32 @p4 s9, s0  }
0x2b3: {  	s17 =	sld [smem:$0x7F2];
	s7 =	simm.s32 @!p4 $0x0;
	p1 =	sgt.s32 @p4 s2, $0xFFFFFFFF  }
0x2b4: {  	s30 =	sld [smem:$0x7EF];
	s7 =	simm.s32 @p4 $0x1;
	s2 =	simm.s32 @!p1 $0x0  }
0x2b5: {  	[smem:$0x7EE] =	sst s7;
	s2 =	simm.s32 @p1 $0x1  }
0x2b6: {  	p3 =	por !p1, !p4;
	p1 =	por p4, p4;
	[smem:$0x7DE] =	sst s2  }
0x2b7: {  	s2 =	sadd.s32 @p4 s29, s0;
	p4 =	seq.s32 s31, $0x1;
	s29 =	sld [smem:$0x7F4]  }
0x2b8: {  	s31 =	rddreg [dreg:$0x16];
	s7 =	spop @p4 (v2sf)  }
0x2b9: {  	s9 =	smov.u32 @p3 s2;
	p3 =	seq.s32 s17, $0x1;
	s1 =	sadd.s32 @p4 s1, s7  }
0x2ba: {  	s2 =	simm.s32 @!p3 $0x0;
	s7 =	spop @p3 (v2sf);
	s18 =	smov.u32 @p1 s9  }
0x2bb: {  	s2 =	simm.s32 @p3 $0x1;
	p3 =	por @p4 p5, p5;
	p1 =	seq.s32 s29, $0x1  }
0x2bc: {  	p5 =	por p2, p2;
	[smem:$0x7F2] =	sst s2;
	s2 =	simm.s32 @!p1 $0x0  }
0x2bd: {  	s17 =	spop @p1 (v2sf);
	p3 =	por !p3, !p4;
	s2 =	simm.s32 @p1 $0x1  }
0x2be: {  	s9 =	sand.u32 @p1 s18, s17;
	[smem:$0x7F4] =	sst s2;
	s2 =	simm.s32 @!p2 $0x0  }
0x2bf: {  	v26, _, _ =	vpop @p2 (xrf0);
	s11 =	smov.u32 @p3 s1;
	s2 =	simm.s32 @p2 $0x1;
	p2 =	sgt.s32 @p1 s9, $0xFFFFFFFF  }
0x2c0: {  	[smem:$0x7DD] =	sst s2;
	s2 =	smov.u32 @p1 s6;
	s6 =	smov.u32 s31  }
0x2c1: {  	s1 =	simm.s32 @!p2 $0x0;
	s6 =	smov.u32 @p1 s2;
	s2 =	sld [smem:$0x7ED]  }
0x2c2: {  	(v2sf) =	vpush @p5 v26, $0xF;
	p5 =	seq.s32 s30, $0x1;
	s1 =	simm.s32 @p2 $0x1  }
0x2c3: {  	[smem:$0x7E0] =	sst s1;
	s1 =	simm.s32 @!p5 $0x0  }
0x2c4: {  	s1 =	simm.s32 @p5 $0x1;
	p2 =	seq.s32 s2, $0x1  }
0x2c5: {  	[smem:$0x7EF] =	sst s1;
	s1 =	simm.s32 @!p2 $0x0  }
0x2c6: {  	s1 =	simm.s32 @p2 $0x1  }
0x2c7: {  	s30 =	simm.s32 $0x0;
	[smem:$0x7ED] =	sst s1  }
0x2c8: {  	s29 =	smov.u32 s30;
	s1 =	sadd.s32 @p1 s6, s17;
	s6 =	sld [smem:$0x7E0]  }
0x2c9: {  	s29 =	smov.u32 @p4 s11;
	s11 =	sld [smem:$0x7EE]  }
0x2ca: {  	s2 =	sadd.s32 @p5 s8, s20;
	s8 =	sld [smem:$0x7EC]  }
0x2cb: {  	s9 =	sld [smem:$0x7F2];
	p4 =	seq.s32 s6, $0x1  }
0x2cc: {  	p3 =	por !p4, !p1;
	p1 =	seq.s32 s11, $0x1;
	s11 =	sld [smem:$0x7E6]  }
0x2cd: {  	s20 =	sld [smem:$0x7F1];
	s18 =	smov.u32 @p3 s1;
	p3 =	seq.s32 s8, $0x1  }
0x2ce: {  	s1 =	simm.s32 @!p3 $0x0;
	p4 =	por @p3 p6, p6;
	p6 =	seq.s32 s9, $0x1  }
0x2cf: {  	s1 =	simm.s32 @p3 $0x1;
	s11 =	smov.u32 @p6 s7;
	s7 =	sld [smem:$0x7F4]  }
0x2d0: {  	v27, _, _ =	vpop @p5 (xrf0);
	[smem:$0x7EC] =	sst s1;
	s1 =	smov.u32 s30  }
0x2d1: {  	(v2sf) =	vpush @p5 v27, $0xF;
	v27, _, _ =	vpop @p2 (xrf0);
	s1 =	smov.u32 @p5 s2;
	s2 =	smov.u32 @p3 s28;
	s28 =	sld [smem:$0x7F0]  }
0x2d2: {  	(v2sf) =	vpush @p2 v27, $0xF;
	p2 =	seq.s32 s20, $0x1;
	s8 =	simm.s32 $0x30F0;
	s20 =	sld [smem:$0x7EC]  }
0x2d3: {  	s6 =	spop @p3 (v2sf);
	p4 =	por @!p3 p0, p0;
	[smem:$0x7E2] =	sst s1  }
0x2d4: {  	p5 =	seq.s32 s7, $0x1;
	s7 =	sadd.s32 @p6 s1, s11;
	s11 =	sld [smem:$0x7DD]  }
0x2d5: {  	p4 =	por @p3 p4, p4;
	v28 =	vadd.s32 @p6 s1, v12;
	s2 =	smov.u32 @p3 s2;
	s1 =	sld [smem:$0x7F3]  }
0x2d6: {  	s2 =	sadd.s32 @p3 s2, s6;
	s6 =	sadd.s32 @p2 $0xFFFFFFF0, s21;
	s21 =	sld [smem:$0x7DD]  }
0x2d7: {  	p4 =	por !p4, !p3;
	s8 =	smov.u32 @p2 s6;
	s6 =	rddreg [dreg:$0x12]  }
0x2d8: {  	s29 =	smov.u32 @p4 s2;
	s2 =	rddreg [dreg:$0x1c]  }
0x2d9: {  	p4 =	seq.s32 s28, $0x1;
	s28 =	rddreg [dreg:$0x15]  }
0x2da: {  	v27 =	vbroadcast @p6 v17, $0xF;
	[dreg:$0x12] =	wrdreg s6  }
0x2db: {  	s0 =	sxor.u32 @p1 $0x80000000, s0;
	v17 =	vsub.s32 @p6 v28, v17;
	p3 =	seq.s32 s21, $0x1;
	s21 =	rddreg [dreg:$0x11]  }
0x2dc: {  	v17 =	vadd.s32 @p6 v27, v17;
	v27 =	vmov @p1 s0;
	s0 =	smov.u32 @p3 s22;
	s22 =	sld [smem:$0x7ED]  }
0x2dd: {  	s9 =	smov.u32 s30;
	[dreg:$0x11] =	wrdreg s21  }
0x2de: {  	s1 =	smov.u32 @p5 s18;
	s21 =	smov.u32 @p1 s4;
	s4 =	sld [smem:$0x7EF]  }
0x2df: {  	vm0 =	vlt.s32 @p6 v17, v7;
	s6 =	smov.u32 @p3 s0;
	s0 =	rddreg [dreg:$0x1f];
	p3 =	seq.s32 s22, $0x1  }
0x2e0: {  	(xrf0) =	vadd.scan.msk.s32 @p2 $0xffff, v14;
	vm1 =	vlt.s32 @p1 v27, v0;
	s18 =	sld [smem:$0x7ED];
	v17 =	vsel @p6 vm0, $0x7FFFFFFF, v5;
	s2 =	smov.u32 @p2 s0;
	s0 =	smov.u32 @p3 s19  }
0x2e1: {  	v22 =	vnsel @p1 vm1, $0x0, v22;
	(xrf0) =	vmax.scan.msk.u32 @p6 $0xffff, v17;
	s9 =	smov.u32 @p3 s0;
	p3 =	seq.s32 s4, $0x1;
	s4 =	rddreg [dreg:$0x18]  }
0x2e2: {  	(xrf0) =	vadd.scan.msk.s32 @p1 $0xffff, v22;
	p1 =	seq.s32 s11, $0x1;
	s0 =	smov.u32 @p3 s5;
	s5 =	smov.u32 s4  }
0x2e3: {  	s5 =	smov.u32 @p3 s0;
	s0 =	smov.u32 @p5 s24;
	s24 =	rddreg [dreg:$0x14]  }
0x2e4: {  	v27 =	vld @p4 [tilespmem:s8+$0x0];
	s11 =	smov.u32 s28;
	s22 =	smov.u32 s30;
	s19 =	smov.u32 s24  }
0x2e5: {  	v17 =	vmov @p1 v26;
	s19 =	smov.u32 @p5 s0;
	s0 =	smov.u32 @p3 s5;
	s5 =	sld [smem:$0x7E7]  }
0x2e6: {  	v22 =	vpsel p1, v17, v23;
	v17 =	vpsel p1, v19, v15;
	s22 =	smov.u32 @p6 s7;
	s7 =	smov.u32 s30;
	p5 =	seq.s32 s18, $0x1  }
0x2e7: {  	v26 =	vadd.s32 @p1 s22, v17;
	s18 =	sld [smem:$0x7F4];
	s11 =	smov.u32 @p3 s0;
	p3 =	seq.s32 s20, $0x1  }
0x2e8: {  	p0 =	por @p5 p0, p0;
	s7 =	smov.u32 @p3 s29;
	p3 =	seq.s32 s5, $0x1  }
0x2e9: {  	v23 =	vpsel p4, v27, v25;
	v19, _, _ =	vpop @p2 (xrf0);
	s29 =	sld [smem:$0x7EF];
	p0 =	por @!p5 p3, p3  }
0x2ea: {  	v25 =	vbroadcast @p1 v22, $0xF;
	(v2sf) =	vpush @p2 v19, $0xF;
	v22 =	vsub.s32 @p1 v26, v22;
	v26, _, _ =	vpop @p6 (xrf0);
	s20 =	sld [smem:$0x7EE];
	p3 =	seq.s32 s18, $0x1;
	p0 =	por @p5 p0, p0  }
0x2eb: {  	s0 =	sxor.u32 @p3 $0x80000000, s17;
	s17 =	spop @p1 (v2sf);
	(v2sf) =	vpush @p6 v26, $0xF;
	p6 =	por p5, p5  }
0x2ec: {  	p0 =	por @!p5 p0, p0;
	p5 =	seq.s32 s29, $0x1;
	s29 =	sld [smem:$0x7F4]  }
0x2ed: {  	p3 =	seq.s32 s20, $0x1;
	s5 =	spop @p5 (v2sf)  }
0x2ee: {  	v22 =	vadd.s32 @p1 v25, v22;
	v25, _, _ =	vpop @p3 (xrf0);
	s9 =	smov.u32 @p6 s9;
	s18 =	sand.u32 @p5 s1, s5;
	s20 =	spop @p6 (v2sf)  }
0x2ef: {  	(v2sf) =	vpush @p3 v25, $0xF;
	p6 =	seq.s32 s29, $0x1;
	p3 =	sgt.s32 @p5 s18, $0xFFFFFFFF;
	s18 =	sld [smem:$0x7ED]  }
0x2f0: {  	vm0 =	vlt.s32 @p1 v22, v7;
	v22 =	vmov @p6 s0;
	s0 =	simm.s32 @!p3 $0x0  }
0x2f1: {  	s29 =	sld [smem:$0x7F2];
	s0 =	simm.s32 @p3 $0x1  }
0x2f2: {  	s8 =	sadd.s32 @p4 $0xFFFFFFF0, s8;
	[smem:$0x7E1] =	sst s0;
	p3 =	seq.s32 s18, $0x1  }
0x2f3: {  	s0 =	sadd.s32 @p3 s9, s20;
	p0 =	por @p3 p0, p0;
	s20 =	sld [smem:$0x7E1]  }
0x2f4: {  	s9 =	sadd.s32 @p5 s11, s5;
	s11 =	simm.s32 $0x30F0;
	p0 =	por !p0, !p3  }
0x2f5: {  	s18 =	sld [smem:$0x7F4];
	s11 =	smov.u32 @p4 s8;
	s7 =	smov.u32 @p0 s0  }
0x2f6: {  	v57 =	vld [tilespmem:s11+$0x0];
	s11 =	smov.u32 s4;
	p3 =	seq.s32 s20, $0x1;
	s20 =	rddreg [dreg:$0x17]  }
0x2f7: {  	p3 =	por !p3, !p5;
	p5 =	seq.s32 s29, $0x1;
	s29 =	rddreg [dreg:$0x1b]  }
0x2f8: {  	s1 =	smov.u32 @p3 s9;
	s9 =	sld [smem:$0x7E9];
	s0 =	smov.u32 @p5 s10  }
0x2f9: {  	s10 =	smov.u32 s29;
	s8 =	smov.u32 @p5 s0;
	s0 =	smov.u32 s30  }
0x2fa: {  	s10 =	smov.u32 @p5 s8;
	s8 =	smov.u32 @p2 s2;
	s2 =	smov.u32 s30  }
0x2fb: {  	v14 =	vpsel p2, v14, v24;
	s9 =	smov.u32 @p1 s17;
	s29 =	smov.u32 @p2 s8;
	s8 =	smov.u32 @p1 s6  }
0x2fc: {  	(xrf0) =	vadd.scan.msk.s32 @p4 $0xffff, v23;
	v25 =	vsel @p1 vm0, $0x7FFFFFFF, v5;
	v20 =	vpsel p6, v20, v10;
	vm0 =	vlt.s32 @p6 v22, v0;
	s17 =	sld [smem:$0x7DE];
	s9 =	sadd.s32 @p1 s22, s9;
	s11 =	smov.u32 @p1 s8  }
0x2fd: {  	(xrf0) =	vmax.scan.msk.u32 @p1 $0xffff, v25;
	v20 =	vnsel @p6 vm0, $0x0, v20;
	v22 =	vmov @p2 v14;
	s8 =	sld [smem:$0x7E5];
	s0 =	smov.u32 @p1 s9;
	s9 =	smov.u32 @p6 s19  }
0x2fe: {  	v21 =	vpsel p2, v19, v21;
	(xrf0) =	vadd.scan.msk.s32 @p6 $0xffff, v20;
	v19 =	vpsel p2, v22, v13;
	s2 =	smov.u32 @p6 s9;
	s9 =	smov.u32 @p5 s10;
	s10 =	smov.u32 s31  }
0x2ff: {  	v22 =	vbroadcast @p2 v21, $0xF;
	v24 =	vadd.s32 @p2 s0, v19;
	s10 =	smov.u32 @p5 s9;
	s9 =	sld [smem:$0x7EE]  }
0x300: {  	s19 =	sld [smem:$0x7EF];
	v21 =	vsub.s32 @p2 v24, v21  }
0x301: {  	p6 =	seq.s32 s17, $0x1;
	s17 =	sld [smem:$0x7F4];
	p0 =	seq.s32 s8, $0x1;
	v21 =	vadd.s32 @p2 v22, v21  }
0x302: {  	v20, _, _ =	vpop @p4 (xrf0);
	s8 =	smov.u32 @p5 s10;
	s10 =	smov.u32 s20;
	p3 =	seq.s32 s9, $0x1  }
0x303: {  	v24, _, _ =	vpop @p1 (xrf0);
	s9 =	simm.s32 $0xFFFFFFFF;
	p6 =	por @!p3 p0, p0;
	p0 =	seq.s32 s18, $0x1  }
0x304: {  	vm0 =	vlt.s32 @p2 v21, v7;
	s18 =	sld [smem:$0x7ED];
	v21, _, _ =	vpop @p0 (xrf0);
	p0 =	por p5, p5;
	p5 =	seq.s32 s19, $0x1  }
0x305: {  	(v2sf) =	vpush @p4 v20, $0xF;
	s9 =	smov.u32 @p5 s1;
	s10 =	smov.u32 @p0 s8  }
0x306: {  	(v2sf) =	vpush @p1 v24, $0xF;
	p5 =	por p0, p0;
	p0 =	por @p3 p6, p6;
	p6 =	seq.s32 s17, $0x1  }
0x307: {  	s17 =	smov.u32 s30;
	s8 =	spop @p2 (v2sf);
	(v2sf) =	vpush @p6 v21, $0xF;
	p6 =	seq.s32 s18, $0x1  }
0x308: {  	s6 =	smov.u32 @p3 s21;
	s17 =	smov.u32 @p6 s7;
	s7 =	spop @p5 (v2sf)  }
0x309: {  	s6 =	smov.u32 @p3 s6;
	p0 =	por @!p3 p0, p0;
	s18 =	sand.u32 @p5 s9, s7  }
0x30a: {  	s6 =	smov.u32 @p3 s6;
	p0 =	por @p3 p0, p0;
	p6 =	sgt.s32 @p5 s18, $0xFFFFFFFF  }
0x30b: {  	s19 =	spop @p3 (v2sf);
	p0 =	por @!p3 p0, p0;
	s1 =	simm.s32 @!p6 $0x0  }
0x30c: {  	s6 =	sadd.s32 @p3 s6, s19;
	s19 =	sld [smem:$0x7EF];
	s1 =	simm.s32 @p6 $0x1  }
0x30d: {  	p0 =	por @p3 p0, p0;
	[smem:$0x7E3] =	sst s1  }
0x30e: {  	s1 =	simm.s32 @!p0 $0x0;
	s21 =	sld [smem:$0x7E3]  }
0x30f: {  	(xrf0) =	vadd.scan.msk.s32 $0xffff, v57;
	p6 =	seq.s32 s19, $0x1;
	s19 =	sld [smem:$0x7E8];
	s1 =	simm.s32 @p0 $0x1  }
0x310: {  	[smem:$0x7DF] =	sst s1  }
0x311: {  	s10 =	sadd.s32 @p5 s10, s7;
	s1 =	sld [smem:$0x7EA];
	p6 =	seq.s32 s21, $0x1  }
0x312: {  	p0 =	por p3, p3;
	s18 =	sld [smem:$0x7DF];
	p3 =	por !p6, !p5  }
0x313: {  	s9 =	smov.u32 @p3 s10;
	s10 =	sld [smem:$0x7EF]  }
0x314: {  	s21 =	sld [smem:$0x7E0];
	p6 =	por p5, p5  }
0x315: {  	v58, _, _ =	vpop (xrf0);
	s1 =	smov.u32 @p2 s8;
	p3 =	por p0, p0;
	p0 =	seq.s32 s18, $0x1  }
0x316: {  	(v2sf) =	vpush v58, $0xF;
	s8 =	spop @p4 (v2sf);
	p0 =	por !p0, !p3;
	p5 =	seq.s32 s10, $0x1  }
0x317: {  	s18 =	sld [smem:$0x7EF];
	s17 =	smov.u32 @p0 s6;
	s5 =	sxor.u32 @p5 $0x80000000, s5  }
0x318: {  	v22 =	vsel @p2 vm0, $0x7FFFFFFF, v5;
	s6 =	smov.u32 s30;
	s10 =	smov.u32 s28;
	v24 =	vmov @p5 s5;
	s5 =	smov.u32 @p1 s11  }
0x319: {  	(xrf0) =	vmax.scan.msk.u32 @p2 $0xffff, v22;
	p0 =	por p5, p5;
	s11 =	smov.u32 s30;
	s10 =	smov.u32 @p1 s5  }
0x31a: {  	v18 =	vpsel p5, v18, v11;
	s5 =	sadd.s32 @p2 s0, s1;
	s1 =	rddreg [dreg:$0x1d];
	s11 =	smov.u32 @p3 s17  }
0x31b: {  	v18 =	vpsel p5, v18, v8;
	vm0 =	vlt.s32 @p5 v24, v0;
	p3 =	seq.s32 s21, $0x1;
	s17 =	sld [smem:$0x7F4];
	s6 =	smov.u32 @p2 s5  }
0x31c: {  	s1 =	smov.u32 @p4 s8;
	v18 =	vnsel @p5 vm0, $0x0, v18;
	s8 =	simm.s32 $0xFFFFFFFF;
	p5 =	por p6, p6  }
0x31d: {  	v22 =	vmov @p4 v23;
	s5 =	smov.u32 s30;
	s8 =	smov.u32 @p6 s9;
	s9 =	sadd.s32 @p4 s6, s1  }
0x31e: {  	v59 =	vpsel p4, v22, v15;
	(xrf0) =	vadd.scan.msk.s32 @p0 $0xffff, v18;
	p0 =	seq.s32 s19, $0x1;
	s5 =	smov.u32 @p4 s9;
	p6 =	seq.s32 s17, $0x1  }
0x31f: {  	v16 =	vpsel p4, v20, v16;
	v15 =	vpsel p4, v59, v11;
	v23, _, _ =	vpop @p2 (xrf0);
	p3 =	por @!p6 p0, p0;
	s9 =	smov.u32 @p6 s2;
	s2 =	spop @p1 (v2sf)  }
0x320: {  	(v2sf) =	vpush @p2 v23, $0xF;
	s10 =	smov.u32 @p1 s10;
	v18 =	vbroadcast @p4 v16, $0xF;
	v20 =	vadd.s32 @p4 s6, v15;
	p0 =	por @p6 p3, p3;
	s17 =	sand.u32 @p1 s8, s2  }
0x321: {  	v16 =	vsub.s32 @p4 v20, v16;
	s9 =	smov.u32 @p6 s9;
	p3 =	sgt.s32 @p1 s17, $0xFFFFFFFF;
	s17 =	spop @p6 (v2sf)  }
0x322: {  	v16 =	vadd.s32 @p4 v18, v16;
	s10 =	sadd.s32 @p1 s10, s2;
	s1 =	simm.s32 @!p3 $0x0;
	s9 =	sadd.s32 @p6 s9, s17  }
0x323: {  	vm0 =	vlt.s32 @p4 v16, v7;
	s17 =	smov.u32 @p2 s29;
	s29 =	sld [smem:$0x7EF];
	s1 =	simm.s32 @p3 $0x1  }
0x324: {  	s2 =	sxor.u32 @p1 $0x80000000, s2;
	p0 =	por @!p6 p0, p0;
	v16 =	vsel @p4 vm0, $0x7FFFFFFF, v5;
	[smem:$0x7E4] =	sst s1  }
0x325: {  	p0 =	por @p6 p0, p0;
	s21 =	spop (v2sf);
	s19 =	sld [smem:$0x7E4]  }
0x326: {  	p3 =	seq.s32 s18, $0x1;
	p0 =	por @!p6 p0, p0;
	s18 =	rddreg [dreg:$0x19]  }
0x327: {  	(xrf0) =	vmax.scan.msk.u32 @p4 $0xffff, v16;
	s21 =	sld [smem:$0x7E3];
	v16, _, _ =	vpop @p3 (xrf0);
	p0 =	por @p6 p0, p0;
	s18 =	smov.u32 @p4 s3  }
0x328: {  	s1 =	rddreg [dreg:$0x12];
	(v2sf) =	vpush @p3 v16, $0xF;
	p0 =	por !p0, !p6;
	p3 =	seq.s32 s19, $0x1  }
0x329: {  	v60 =	vpsel p5, v12, v13;
	v62 =	vadd.s32 s5, v57;
	s11 =	smov.u32 @p0 s9;
	s9 =	sxor.u32 @p5 $0x80000000, s7;
	p3 =	por !p3, !p1  }
0x32a: {  	v12 =	vpsel p5, v60, v10;
	v16 =	vsub.s32 v62, v58;
	s7 =	smov.u32 s30;
	v18 =	vmov @p5 s9;
	s19 =	rddreg [dreg:$0x1a];
	s8 =	smov.u32 @p3 s10  }
0x32b: {  	v61 =	vbroadcast v58, $0xF;
	v12 =	vpsel p5, v12, v9;
	vm0 =	vlt.s32 @p5 v18, v0;
	s10 =	smov.u32 @p2 s17;
	p3 =	por p5, p5;
	p5 =	seq.s32 s29, $0x1  }
0x32c: {  	s3 =	smov.u32 s19;
	s31 =	smov.u32 @p2 s10;
	s10 =	smov.u32 @p5 s26  }
0x32d: {  	v13 =	vadd.s32 v61, v16;
	s7 =	smov.u32 @p6 s11;
	v16, _, _ =	vpop @p4 (xrf0);
	s9 =	smov.u32 @p2 s31;
	s3 =	smov.u32 @p5 s10  }
0x32e: {  	vm14 =	vlt.s32 v13, v7;
	(v2sf) =	vpush @p4 v16, $0xF;
	s31 =	rddreg [dreg:$0x11];
	s20 =	smov.u32 @p2 s9;
	s9 =	simm.s32 $0xFFFFFFFF  }
0x32f: {  	v7 =	vsel vm14, $0x7FFFFFFF, v5;
	v12 =	vnsel @p3 vm0, $0x0, v12;
	s9 =	smov.u32 @p1 s8;
	s8 =	spop @p2 (v2sf);
	s11 =	smov.u32 @p2 s20  }
0x330: {  	(xrf0) =	vadd.scan.msk.s32 @p3 $0xffff, v12;
	s20 =	sld [smem:$0x7E1];
	s17 =	sand.u32 @p2 s9, s8;
	s10 =	smov.u32 @p2 s11  }
0x331: {  	(xrf0) =	vmax.scan.msk.u32 $0xffff, v7;
	s11 =	smov.u32 s31;
	p6 =	sgt.s32 @p2 s17, $0xFFFFFFFF;
	s10 =	sadd.s32 @p2 s10, s8  }
0x332: {  	v7 =	vmov @p1 v17;
	s11 =	smov.u32 @p5 s3;
	s3 =	smov.u32 @p4 s18;
	s8 =	sxor.u32 @p2 $0x80000000, s8  }
0x333: {  	v7 =	vpsel p1, v7, v11;
	p0 =	por !p6, !p2;
	s1 =	smov.u32 @p4 s3;
	s3 =	smov.u32 @p5 s11  }
0x334: {  	v12 =	vmov @p1 s2;
	v7 =	vpsel p1, v7, v8;
	s9 =	smov.u32 @p0 s10;
	p0 =	seq.s32 s20, $0x1;
	s10 =	smov.u32 @p4 s1  }
0x335: {  	vm0 =	vlt.s32 @p1 v12, v0;
	v7 =	vpsel p1, v7, v0;
	s3 =	smov.u32 @p5 s3;
	s1 =	sld [smem:$0x7E2];
	p0 =	por @!p5 p0, p0  }
0x336: {  	v7 =	vnsel @p1 vm0, $0x0, v7;
	v11, _, _ =	vpop @p3 (xrf0);
	s4 =	smov.u32 @p4 s10;
	s3 =	smov.u32 @p5 s3;
	p0 =	por @p5 p0, p0  }
0x337: {  	(v2sf) =	vpush @p3 v11, $0xF;
	v63, _, _ =	vpop (xrf0);
	s10 =	smov.u32 @p4 s4;
	s2 =	smov.u32 @p5 s3;
	s3 =	spop @p5 (v2sf)  }
0x338: {  	(v2sf) =	vpush v63, $0xF;
	s4 =	rddreg [dreg:$0x1e];
	p0 =	por @!p5 p0, p0;
	s2 =	smov.u32 @p5 s2  }
0x339: {  	(xrf0) =	vadd.scan.msk.s32 @p1 $0xffff, v7;
	v7 =	vmov @p2 v19;
	s4 =	smov.u32 @p3 s1;
	s1 =	simm.s32 $0xFFFFFFFF;
	p0 =	por @p5 p0, p0  }
0x33a: {  	v7 =	vpsel p2, v7, v10;
	s2 =	sadd.s32 @p5 s2, s3;
	s3 =	smov.u32 @p4 s10;
	s10 =	smov.u32 s24  }
0x33b: {  	s1 =	smov.u32 @p2 s9;
	v7 =	vpsel p2, v7, v9;
	v9 =	vmov @p2 s8;
	s8 =	smov.u32 s30;
	p0 =	por @!p5 p0, p0  }
0x33c: {  	s24 =	smov.u32 @p2 s0;
	s28 =	smov.u32 @p4 s3;
	p0 =	por @p5 p0, p0  }
0x33d: {  	s3 =	smov.u32 s30;
	s9 =	spop @p4 (v2sf);
	p0 =	por !p0, !p5  }
0x33e: {  	s7 =	smov.u32 @p0 s2;
	s2 =	smov.u32 @p4 s28;
	s28 =	sld [smem:$0x7E4]  }
0x33f: {  	s3 =	smov.u32 @p5 s7;
	p5 =	por p3, p3;
	s7 =	smov.u32 @p3 s4  }
0x340: {  	s2 =	smov.u32 @p4 s2;
	s10 =	smov.u32 @p3 s7;
	s7 =	sand.u32 @p4 s1, s9  }
0x341: {  	v10, _, _ =	vpop @p1 (xrf0);
	s2 =	smov.u32 @p4 s2;
	p0 =	sgt.s32 @p4 s7, $0xFFFFFFFF;
	s7 =	smov.u32 @p3 s10  }
0x342: {  	v7 =	vpsel p2, v7, v0;
	vm0 =	vlt.s32 @p2 v9, v0;
	(v2sf) =	vpush @p1 v10, $0xF;
	s2 =	sadd.s32 @p4 s2, s9;
	p3 =	por !p0, !p4;
	s8 =	smov.u32 @p5 s7  }
0x343: {  	v11 =	vmov @p4 v15;
	v7 =	vnsel @p2 vm0, $0x0, v7;
	s7 =	sxor.u32 @p4 $0x80000000, s9;
	s1 =	smov.u32 @p3 s2;
	p3 =	seq.s32 s21, $0x1  }
0x344: {  	v8 =	vpsel p4, v11, v8;
	(xrf0) =	vadd.scan.msk.s32 @p2 $0xffff, v7;
	s9 =	smov.u32 s31;
	s2 =	smov.u32 @p1 s22;
	p3 =	por @!p5 p0, p0  }
0x345: {  	v7 =	vpsel p4, v8, v0;
	v8 =	vmov @p4 s7;
	s19 =	smov.u32 @p1 s2;
	s2 =	smov.u32 @p5 s8;
	p3 =	por @p5 p3, p3  }
0x346: {  	v7 =	vpsel p4, v7, v0;
	vm0 =	vlt.s32 @p4 v8, v0;
	s2 =	smov.u32 @p5 s2;
	p3 =	por @!p5 p0, p0;
	s8 =	spop @p5 (v2sf)  }
0x347: {  	v7 =	vnsel @p4 vm0, $0x0, v7;
	s2 =	smov.u32 @p5 s2;
	p3 =	por @p5 p3, p3;
	s22 =	spop (v2sf)  }
0x348: {  	(xrf0) =	vadd.scan.msk.s32 @p4 $0xffff, v7;
	s7 =	smov.u32 @p5 s2;
	p3 =	por @!p5 p0, p0;
	s26 =	sxor.u32 $0x80000000, s22  }
0x349: {  	s4 =	smov.u32 @p1 s19;
	s7 =	smov.u32 @p5 s7;
	p3 =	por @p5 p3, p3;
	v8 =	vmov s26  }
0x34a: {  	s9 =	smov.u32 @p1 s4;
	v7, _, _ =	vpop @p2 (xrf0);
	s4 =	sadd.s32 @p5 s7, s8;
	p3 =	por !p3, !p5;
	vm15 =	vlt.s32 v8, v0  }
0x34b: {  	(v2sf) =	vpush @p2 v7, $0xF;
	s7 =	smov.u32 s30;
	s3 =	smov.u32 @p3 s4;
	s4 =	smov.u32 @p1 s9;
	v7 =	vnsel vm15, $0x0, v57  }
0x34c: {  	p3 =	seq.s32 s28, $0x1;
	s0 =	smov.u32 @p1 s4;
	s4 =	smov.u32 @p2 s24  }
0x34d: {  	p3 =	por @!p1 p0, p0;
	s7 =	smov.u32 @p2 s4;
	s4 =	smov.u32 s30  }
0x34e: {  	(xrf0) =	vadd.scan.msk.s32 $0xffff, v7;
	s0 =	smov.u32 @p1 s0;
	p3 =	por @p1 p3, p3;
	s4 =	smov.u32 @p5 s3;
	v7, _, _ =	vpop @p4 (xrf0)  }
0x34f: {  	p3 =	por @!p1 p0, p0;
	s3 =	smov.u32 @p4 s6;
	s6 =	smov.u32 s31;
	(v2sf) =	vpush @p4 v7, $0xF  }
0x350: {  	s0 =	smov.u32 @p1 s0;
	p3 =	por @p1 p3, p3;
	s6 =	smov.u32 @p4 s3  }
0x351: {  	s0 =	smov.u32 @p1 s0;
	s3 =	spop @p1 (v2sf);
	p3 =	por @!p1 p0, p0  }
0x352: {  	s0 =	sadd.s32 @p1 s0, s3;
	s3 =	smov.u32 @p2 s7;
	p3 =	por @p1 p3, p3  }
0x353: {  	p6 =	por @!p2 p0, p0;
	s3 =	smov.u32 @p2 s3;
	p3 =	por !p3, !p1  }
0x354: {  	s4 =	smov.u32 @p3 s0;
	s0 =	smov.u32 @p4 s6;
	s6 =	smov.u32 s30  }
0x355: {  	s3 =	smov.u32 @p2 s3;
	p3 =	por @p2 p6, p6;
	s6 =	smov.u32 @p1 s4  }
0x356: {  	v7, _, _ =	vpop (xrf0);
	s0 =	smov.u32 @p4 s0;
	p3 =	por @!p2 p0, p0;
	s4 =	simm.s32 $0xFFFFFFFF  }
0x357: {  	(v2sf) =	vpush v7, $0xF;
	p0 =	por @!p4 p0, p0;
	s0 =	smov.u32 @p4 s0;
	s4 =	smov.u32 @p4 s1  }
0x358: {  	s1 =	smov.u32 @p2 s3;
	p3 =	por @p2 p3, p3;
	s0 =	smov.u32 @p4 s0  }
0x359: {  	p3 =	por @!p2 p0, p0;
	p0 =	por @p4 p0, p0;
	s1 =	smov.u32 @p2 s1  }
0x35a: {  	s29 =	sand.u32 s4, s22;
	p3 =	por @p2 p3, p3;
	p0 =	por @!p4 p0, p0  }
0x35b: {  	s0 =	smov.u32 @p4 s0;
	s3 =	spop @p2 (v2sf);
	p3 =	por !p3, !p2  }
0x35c: {  	p1 =	por @p4 p0, p0;
	p0 =	sgt.s32 s29, $0xFFFFFFFF;
	s1 =	sadd.s32 @p2 s1, s3  }
0x35d: {  	s0 =	smov.u32 @p4 s0;
	p1 =	por @!p4 p0, p0;
	s6 =	smov.u32 @p3 s1  }
0x35e: {  	s1 =	smov.u32 s30;
	p3 =	por @p4 p1, p1;
	s3 =	spop @p4 (v2sf)  }
0x35f: {  	s1 =	smov.u32 @p2 s6;
	p2 =	por !p3, !p4;
	s0 =	sadd.s32 @p4 s0, s3  }
0x360: {  	s1 =	smov.u32 @p2 s0;
	s0 =	simm.s32 $0x2040  }
0x361: {  	[tilespmem:s0+$0xFFFFFFC0] =	vst v2  }
0x362: {  	[tilespmem:s0+$0x30] =	vst v2  }
0x363: {  	[tilespmem:s0+$0x20] =	vst v2  }
0x364: {  	[tilespmem:s0+$0x10] =	vst v2  }
0x365: {  	s2 =	sadd.s32 s23, s22;
	p6 =	por p0, p0;
	[tilespmem:s0+$0x0] =	vst v2  }
0x366: {  	s2 =	smov.u32 @p0 s4;
	p2 =	por p6, p6;
	[tilespmem:s0+$0xFFFFFFF0] =	vst v2;
	s31 =	spop (v2sf)  }
0x367: {  	s30 =	smov.u32 @p4 s1;
	p1 =	por p2, p2;
	[tilespmem:s0+$0xFFFFFFE0] =	vst v2;
	s7 =	sadd.s32 s5, s31  }
0x368: {  	s1 =	simm.s32 $0x0;
	s6 =	rddreg [dreg:$0xe];
	s7 =	smov.u32 @p1 s30  }
.LBB2_45:
0x369: {  	s1 =	sadd.s32 $0x8, s1;
	[tilespmem:s0+$0xFFFFFFD0] =	vst v2;
	s0 =	sadd.s32 $0x80, s0  }
0x36a: {  	[tilespmem:s0+$0xFFFFFFC0] =	vst v2;
	p0 =	slt.u32 s1, $0xF8  }
0x36b: {  	[tilespmem:s0+$0x30] =	vst v2  }
.Ltmp26:
0x36c: {  	[tilespmem:s0+$0x20] =	vst v2;
	(pc) =	sbr.rel @p0 .LBB2_45-.Ltmp26, $4  }
0x36d: {  	[tilespmem:s0+$0x10] =	vst v2  }
0x36e: {  	[tilespmem:s0+$0x0] =	vst v2  }
0x36f: {  	[tilespmem:s0+$0xFFFFFFF0] =	vst v2  }
0x370: {  	[tilespmem:s0+$0xFFFFFFE0] =	vst v2  }
0x371: {  	[tilespmem:s0+$0xFFFFFFD0] =	vst v2  }
0x372: {  	s31 =	simm.s32 $0x40;
	[dreg:$0x13] =	wrdreg s2  }
0x373: {  	v10 =	vld [tilespmem:s31+$0x30]  }
0x374: {  	v11 =	vld [tilespmem:s31+$0xFFFFFFD0]  }
0x375: {  	v12 =	vld [tilespmem:s31+$0xFFFFFFE0]  }
0x376: {  	v8 =	vld [tilespmem:s31+$0x10]  }
0x377: {  	v9 =	vld [tilespmem:s31+$0x20]  }
0x378: {  	v17 =	vld [tilespmem:s31+$0xFFFFFFC0]  }
0x379: {  	v13 =	vld [tilespmem:s31+$0xFFFFFFF0]  }
0x37a: {  	v7 =	vmov s2;
	v16 =	vld [tilespmem:s31+$0x0];
	v14 =	vshrl.u32 v10, $0x10  }
0x37b: {  	vm0 =	veq.s32 v10, $0x0;
	v15 =	vand.u32 $0xFF, v10;
	v10 =	vshrl.u32 v10, $0x8  }
0x37c: {  	v19 =	vshrl.u32 v12, $0x10;
	v20 =	vshrl.u32 v8, $0x10;
	v21 =	vshrl.u32 v9, $0x10  }
0x37d: {  	v23 =	vshrl.u32 v17, $0x10;
	v24 =	vshrl.u32 v17, $0x8;
	v25 =	vshrl.u32 v11, $0x8  }
0x37e: {  	vm2 =	veq.s32 v12, $0x0;
	v26 =	vshrl.u32 v12, $0x8;
	vm3 =	veq.s32 v13, $0x0  }
0x37f: {  	v27 =	vshrl.u32 v13, $0x8;
	vm4 =	veq.s32 v16, $0x0;
	v28 =	vshrl.u32 v16, $0x8  }
0x380: {  	vm5 =	veq.s32 v8, $0x0;
	v63 =	vshrl.u32 v8, $0x8;
	v14 =	vand.u32 $0xFF, v14  }
0x381: {  	v18 =	vor.u32 v1, v15;
	v15 =	vshrl.u32 v11, $0x10;
	v10 =	vand.u32 $0xFF, v10  }
0x382: {  	v19 =	vand.u32 $0xFF, v19;
	v23 =	vand.u32 $0xFF, v23;
	v20 =	vand.u32 $0xFF, v20  }
0x383: {  	v21 =	vand.u32 $0xFF, v21;
	v24 =	vand.u32 $0xFF, v24;
	v25 =	vand.u32 $0xFF, v25  }
0x384: {  	v26 =	vand.u32 $0xFF, v26;
	v27 =	vand.u32 $0xFF, v27;
	v28 =	vand.u32 $0xFF, v28  }
0x385: {  	v14 =	vadd.s32 $0x1, v14;
	vm1 =	veq.s32 v10, v7;
	v10 =	vshrl.u32 v13, $0x10  }
0x386: {  	v15 =	vand.u32 $0xFF, v15;
	v23 =	vadd.s32 $0x1, v23;
	v19 =	vadd.s32 $0x1, v19  }
0x387: {  	v20 =	vadd.s32 $0x1, v20;
	v21 =	vadd.s32 $0x1, v21;
	vm10 =	veq.s32 v26, v7  }
0x388: {  	vm11 =	veq.s32 v27, v7;
	vm12 =	veq.s32 v28, v7;
	v14 =	vsel vm0, $0x0, v14  }
0x389: {  	v10 =	vand.u32 $0xFF, v10;
	v15 =	vadd.s32 $0x1, v15;
	v19 =	vsel vm2, $0x0, v19  }
0x38a: {  	v20 =	vsel vm5, $0x0, v20;
	vm5 =	veq.s32 v25, v7;
	vm0 =	veq.s32 v14, v6  }
0x38b: {  	v14 =	vshrl.u32 v16, $0x10;
	v10 =	vadd.s32 $0x1, v10;
	vm8 =	veq.s32 v20, v6  }
0x38c: {  	v16 =	vand.u32 $0xFF, v16;
	vm0 =	vmand vm1, vm0;
	v14 =	vand.u32 $0xFF, v14  }
0x38d: {  	vm1 =	veq.s32 v11, $0x0;
	v10 =	vsel vm3, $0x0, v10;
	v22 =	vsel vm0, $0x1, v2  }
0x38e: {  	v14 =	vadd.s32 $0x1, v14;
	vm0 =	veq.s32 v17, $0x0;
	v15 =	vsel vm1, $0x0, v15  }
0x38f: {  	vm1 =	veq.s32 v9, $0x0;
	vm3 =	veq.s32 v10, v6;
	v23 =	vsel vm0, $0x0, v23  }
0x390: {  	vm2 =	veq.s32 v15, v6;
	v15 =	vshrl.u32 v9, $0x8;
	v14 =	vsel vm4, $0x0, v14  }
0x391: {  	v21 =	vsel vm1, $0x0, v21;
	vm1 =	veq.s32 v19, v6;
	vm4 =	veq.s32 v24, v7  }
0x392: {  	[tilespmem:v18+s12+$0x0] =	vst.idx.add.s32.msk $0xffff, v22;
	v18 =	vand.u32 $0xFF, v12;
	vm0 =	veq.s32 v23, v6;
	v23 =	vand.u32 $0xFF, v63  }
0x393: {  	v15 =	vand.u32 $0xFF, v15;
	vm7 =	veq.s32 v14, v6;
	vm9 =	veq.s32 v21, v6  }
0x394: {  	vm5 =	vmand vm5, vm2;
	vm2 =	vmand vm11, vm3;
	v14 =	vand.u32 $0xFF, v17  }
0x395: {  	v17 =	vand.u32 $0xFF, v13;
	vm13 =	veq.s32 v23, v7;
	vm14 =	veq.s32 v15, v7  }
0x396: {  	vm6 =	vmand vm4, vm0;
	vm4 =	vmand vm10, vm1;
	vm1 =	vmand vm12, vm7  }
0x397: {  	s3 =	simm.s32 $0x0;
	s4 =	simm.s32 $0xC0;
	v15 =	vand.u32 $0xFF, v11;
	vm0 =	vmand vm13, vm8;
	vm3 =	vmand vm14, vm9  }
.LBB2_47:
0x398: {  	v19 =	vld [tilespmem:s4+$0x30];
	s3 =	sadd.s32 $0x8, s3;
	v20 =	vsel vm6, $0x1, v2;
	v8 =	vand.u32 $0xFF, v8;
	v9 =	vand.u32 $0xFF, v9  }
0x399: {  	v21 =	vsel vm5, $0x1, v2;
	v22 =	vsel vm4, $0x1, v2;
	v23 =	vsel vm2, $0x1, v2;
	v10 =	vld [tilespmem:s4+$0xFFFFFFD0];
	p0 =	slt.u32 s3, $0x1F8  }
0x39a: {  	v24 =	vsel vm1, $0x1, v2;
	v25 =	vsel vm0, $0x1, v2;
	v26 =	vsel vm3, $0x1, v2;
	v11 =	vld [tilespmem:s4+$0xFFFFFFE0]  }
0x39b: {  	v14 =	vor.u32 v1, v14;
	v15 =	vor.u32 v1, v15;
	v18 =	vor.u32 v1, v18;
	v12 =	vld [tilespmem:s4+$0xFFFFFFF0]  }
0x39c: {  	v17 =	vor.u32 v1, v17;
	v16 =	vor.u32 v1, v16;
	v27 =	vor.u32 v1, v8;
	v13 =	vld [tilespmem:s4+$0x0]  }
0x39d: {  	v29 =	vor.u32 v1, v9;
	v8 =	vld [tilespmem:s4+$0x10];
	v28 =	vshrl.u32 v19, $0x10  }
0x39e: {  	vm0 =	veq.s32 v19, $0x0;
	v30 =	vand.u32 $0xFF, v19;
	v9 =	vld [tilespmem:s4+$0x20];
	v28 =	vand.u32 $0xFF, v28  }
0x39f: {  	v19 =	vshrl.u32 v19, $0x8;
	v30 =	vor.u32 v1, v30;
	v31 =	vld [tilespmem:s4+$0xFFFFFFC0];
	v28 =	vadd.s32 $0x1, v28  }
0x3a0: {  	v32 =	vshrl.u32 v10, $0x10;
	v19 =	vand.u32 $0xFF, v19;
	v28 =	vsel vm0, $0x0, v28;
	[tilespmem:v14+s12+$0x0] =	vst.idx.add.s32.msk $0xffff, v20  }
0x3a1: {  	vm1 =	veq.s32 v19, v7;
	v14 =	vshrl.u32 v11, $0x10;
	vm0 =	veq.s32 v28, v6;
	[tilespmem:v15+s12+$0x0] =	vst.idx.add.s32.msk $0xffff, v21  }
0x3a2: {  	v15 =	vshrl.u32 v12, $0x10;
	v19 =	vshrl.u32 v13, $0x10;
	vm0 =	vmand vm1, vm0;
	[tilespmem:v18+s12+$0x0] =	vst.idx.add.s32.msk $0xffff, v22  }
0x3a3: {  	s0 =	simm.s32 $0x0;
	v18 =	vshrl.u32 v8, $0x10;
	v20 =	vshrl.u32 v9, $0x10;
	v21 =	vsel vm0, $0x1, v2;
	[tilespmem:v17+s12+$0x0] =	vst.idx.add.s32.msk $0xffff, v23  }
0x3a4: {  	s2 =	simm.s32 $0x2810;
	s1 =	simm.s32 $0x3010;
	v14 =	vand.u32 $0xFF, v14;
	v22 =	vand.u32 $0xFF, v32;
	v17 =	vshrl.u32 v31, $0x10;
	[tilespmem:v30+s12+$0x0] =	vst.idx.add.s32.msk $0xffff, v21  }
0x3a5: {  	v15 =	vand.u32 $0xFF, v15;
	v19 =	vand.u32 $0xFF, v19;
	v17 =	vand.u32 $0xFF, v17;
	[tilespmem:v16+s12+$0x0] =	vst.idx.add.s32.msk $0xffff, v24  }
0x3a6: {  	v16 =	vadd.s32 $0x1, v17;
	v17 =	vand.u32 $0xFF, v18;
	v18 =	vand.u32 $0xFF, v20;
	[tilespmem:v27+s12+$0x0] =	vst.idx.add.s32.msk $0xffff, v25  }
0x3a7: {  	v14 =	vadd.s32 $0x1, v14;
	v15 =	vadd.s32 $0x1, v15;
	v20 =	vadd.s32 $0x1, v22;
	[tilespmem:v29+s12+$0x0] =	vst.idx.add.s32.msk $0xffff, v26  }
0x3a8: {  	v19 =	vadd.s32 $0x1, v19;
	v17 =	vadd.s32 $0x1, v17;
	v18 =	vadd.s32 $0x1, v18  }
0x3a9: {  	vm1 =	veq.s32 v10, $0x0;
	vm0 =	veq.s32 v31, $0x0;
	v21 =	vshrl.u32 v31, $0x8  }
0x3aa: {  	vm2 =	veq.s32 v11, $0x0;
	v23 =	vshrl.u32 v11, $0x8;
	v22 =	vshrl.u32 v10, $0x8  }
0x3ab: {  	vm3 =	veq.s32 v12, $0x0;
	vm4 =	veq.s32 v13, $0x0;
	v24 =	vshrl.u32 v12, $0x8  }
0x3ac: {  	vm5 =	veq.s32 v8, $0x0;
	v25 =	vshrl.u32 v13, $0x8;
	v26 =	vshrl.u32 v8, $0x8  }
0x3ad: {  	v27 =	vshrl.u32 v9, $0x8;
	v16 =	vsel vm0, $0x0, v16;
	vm0 =	veq.s32 v9, $0x0  }
0x3ae: {  	v14 =	vsel vm2, $0x0, v14;
	v15 =	vsel vm3, $0x0, v15;
	v20 =	vsel vm1, $0x0, v20  }
0x3af: {  	v19 =	vsel vm4, $0x0, v19;
	v17 =	vsel vm5, $0x0, v17;
	v18 =	vsel vm0, $0x0, v18  }
0x3b0: {  	v23 =	vand.u32 $0xFF, v23;
	v21 =	vand.u32 $0xFF, v21;
	v22 =	vand.u32 $0xFF, v22  }
0x3b1: {  	v24 =	vand.u32 $0xFF, v24;
	v25 =	vand.u32 $0xFF, v25;
	v26 =	vand.u32 $0xFF, v26  }
0x3b2: {  	vm0 =	veq.s32 v16, v6;
	vm1 =	veq.s32 v20, v6;
	v16 =	vand.u32 $0xFF, v27  }
0x3b3: {  	vm2 =	veq.s32 v14, v6;
	vm3 =	veq.s32 v15, v6;
	vm7 =	veq.s32 v19, v6  }
0x3b4: {  	vm4 =	veq.s32 v21, v7;
	vm8 =	veq.s32 v17, v6;
	vm9 =	veq.s32 v18, v6  }
0x3b5: {  	vm10 =	veq.s32 v23, v7;
	vm11 =	veq.s32 v24, v7;
	vm5 =	veq.s32 v22, v7  }
.Ltmp27:
0x3b6: {  	vm12 =	veq.s32 v25, v7;
	vm13 =	veq.s32 v26, v7;
	vm14 =	veq.s32 v16, v7;
	(pc) =	sbr.rel @p0 .LBB2_47-.Ltmp27, $4  }
0x3b7: {  	vm6 =	vmand vm4, vm0;
	vm5 =	vmand vm5, vm1;
	vm4 =	vmand vm10, vm2  }
0x3b8: {  	vm2 =	vmand vm11, vm3;
	vm1 =	vmand vm12, vm7;
	vm0 =	vmand vm13, vm8  }
0x3b9: {  	v14 =	vand.u32 $0xFF, v31;
	v15 =	vand.u32 $0xFF, v10;
	vm3 =	vmand vm14, vm9  }
0x3ba: {  	s4 =	sadd.s32 $0x80, s4;
	v18 =	vand.u32 $0xFF, v11;
	v17 =	vand.u32 $0xFF, v12;
	v16 =	vand.u32 $0xFF, v13  }
0x3bb: {  	v7 =	vor.u32 v1, v14  }
0x3bc: {  	v10 =	vor.u32 v1, v15  }
0x3bd: {  	v11 =	vor.u32 v1, v18  }
0x3be: {  	v12 =	vor.u32 v1, v17  }
0x3bf: {  	v13 =	vsel vm6, $0x1, v2;
	v8 =	vand.u32 $0xFF, v8;
	v14 =	vor.u32 v1, v16  }
0x3c0: {  	v9 =	vand.u32 $0xFF, v9;
	v15 =	vsel vm5, $0x1, v2;
	v8 =	vor.u32 v1, v8;
	[tilespmem:v7+s12+$0x0] =	vst.idx.add.s32.msk $0xffff, v13  }
0x3c1: {  	v9 =	vor.u32 v1, v9;
	v7 =	vsel vm4, $0x1, v2;
	[tilespmem:v10+s12+$0x0] =	vst.idx.add.s32.msk $0xffff, v15  }
0x3c2: {  	v10 =	vsel vm2, $0x1, v2;
	[tilespmem:v11+s12+$0x0] =	vst.idx.add.s32.msk $0xffff, v7  }
0x3c3: {  	v7 =	vsel vm1, $0x1, v2;
	[tilespmem:v12+s12+$0x0] =	vst.idx.add.s32.msk $0xffff, v10  }
0x3c4: {  	v10 =	vsel vm0, $0x1, v2;
	[tilespmem:v14+s12+$0x0] =	vst.idx.add.s32.msk $0xffff, v7  }
0x3c5: {  	v7 =	vsel vm3, $0x1, v2;
	[tilespmem:v8+s12+$0x0] =	vst.idx.add.s32.msk $0xffff, v10  }
0x3c6: {  	[tilespmem:v9+s12+$0x0] =	vst.idx.add.s32.msk $0xffff, v7  }
0x3c7: {  	s0 =	sand.u32 $0xE0, s0;
	v7 =	vld [tilespmem:s2+$0xFFFFF7F0]  }
0x3c8: {  	v8 =	vld [tilespmem:s0+$0x2100]  }
0x3c9: {  	v9 =	vld [tilespmem:s0+$0x2200]  }
0x3ca: {  	v10 =	vld [tilespmem:s0+$0x2300]  }
0x3cb: {  	v11 =	vld [tilespmem:s0+$0x2400]  }
0x3cc: {  	v12 =	vld [tilespmem:s0+$0x2500]  }
0x3cd: {  	v13 =	vld [tilespmem:s0+$0x2600]  }
0x3ce: {  	v14 =	vld [tilespmem:s0+$0x2700]  }
0x3cf: {  	v15 =	vld [tilespmem:s0+$0x2800]  }
0x3d0: {  	v61 =	vld [tilespmem:s0+$0x2900]  }
0x3d1: {  	v62 =	vld [tilespmem:s0+$0x2A00]  }
0x3d2: {  	v63 =	vld [tilespmem:s0+$0x2B00]  }
0x3d3: {  	v19 =	vld [tilespmem:s0+$0x2C00]  }
0x3d4: {  	v20 =	vld [tilespmem:s0+$0x2D00]  }
0x3d5: {  	v21 =	vld [tilespmem:s0+$0x2E00]  }
0x3d6: {  	v22 =	vld [tilespmem:s0+$0x2F00]  }
0x3d7: {  	v7 =	vadd.s32 v7, v8;
	v8 =	vld [tilespmem:s2+$0xFFFFF800]  }
0x3d8: {  	v7 =	vadd.s32 v9, v7;
	v9 =	vld [tilespmem:s2+$0xFFFFF900]  }
0x3d9: {  	v7 =	vadd.s32 v10, v7;
	v10 =	vld [tilespmem:s2+$0xFFFFFA00]  }
0x3da: {  	v7 =	vadd.s32 v11, v7;
	v11 =	vld [tilespmem:s2+$0xFFFFFB00]  }
0x3db: {  	v7 =	vadd.s32 v12, v7;
	v12 =	vld [tilespmem:s2+$0xFFFFFC00]  }
0x3dc: {  	v7 =	vadd.s32 v13, v7;
	v13 =	vld [tilespmem:s2+$0xFFFFFD00]  }
0x3dd: {  	v7 =	vadd.s32 v14, v7;
	v8 =	vadd.s32 v8, v9;
	v9 =	vld [tilespmem:s2+$0xFFFFFE00]  }
0x3de: {  	v7 =	vadd.s32 v15, v7;
	v8 =	vadd.s32 v10, v8;
	v10 =	vld [tilespmem:s2+$0xFFFFFF00]  }
0x3df: {  	v7 =	vadd.s32 v61, v7;
	v8 =	vadd.s32 v11, v8;
	v11 =	vld [tilespmem:s2+$0x0]  }
0x3e0: {  	v7 =	vadd.s32 v62, v7;
	v8 =	vadd.s32 v12, v8;
	v12 =	vld [tilespmem:s2+$0x100]  }
0x3e1: {  	v7 =	vadd.s32 v63, v7;
	v8 =	vadd.s32 v13, v8;
	v13 =	vld [tilespmem:s2+$0x200]  }
0x3e2: {  	v14 =	vadd.s32 v19, v7;
	v8 =	vadd.s32 v9, v8;
	v7 =	vld [tilespmem:s2+$0x300]  }
0x3e3: {  	v9 =	vadd.s32 v20, v14;
	v10 =	vadd.s32 v10, v8;
	v8 =	vld [tilespmem:s2+$0x400]  }
0x3e4: {  	v14 =	vadd.s32 v21, v9;
	v10 =	vadd.s32 v11, v10;
	v9 =	vld [tilespmem:s2+$0x500]  }
0x3e5: {  	v11 =	vadd.s32 v22, v14;
	v12 =	vadd.s32 v12, v10;
	v10 =	vld [tilespmem:s2+$0x600]  }
0x3e6: {  	s3 =	simm.s32 $0x20;
	s0 =	simm.s32 $0x0;
	[tilespmem:s1+$0xFFFFFFF0] =	vst v11;
	v12 =	vadd.s32 v13, v12;
	v11 =	vld [tilespmem:s2+$0x700];
	s2 =	simm.s32 $0x2830  }
.LBB2_49:
0x3e7: {  	v13 =	vld [tilespmem:s2+$0xFFFFF7F0];
	s4 =	sand.u32 $0xE0, s3;
	s0 =	sadd.s32 $0x2, s0;
	v7 =	vadd.s32 v7, v12  }
0x3e8: {  	v12 =	vld [tilespmem:s4+$0x2100];
	p0 =	slt.u32 s0, $0xE;
	v7 =	vadd.s32 v8, v7  }
0x3e9: {  	v8 =	vld [tilespmem:s4+$0x2200];
	v7 =	vadd.s32 v9, v7  }
0x3ea: {  	v9 =	vld [tilespmem:s4+$0x2300];
	v7 =	vadd.s32 v10, v7  }
0x3eb: {  	v10 =	vld [tilespmem:s4+$0x2400];
	v7 =	vadd.s32 v11, v7  }
0x3ec: {  	v11 =	vld [tilespmem:s4+$0x2500];
	[tilespmem:s1+$0x0] =	vst v7  }
0x3ed: {  	v7 =	vadd.s32 v13, v12;
	v12 =	vld [tilespmem:s4+$0x2600]  }
0x3ee: {  	v7 =	vadd.s32 v8, v7;
	v8 =	vld [tilespmem:s4+$0x2700]  }
0x3ef: {  	v7 =	vadd.s32 v9, v7;
	v9 =	vld [tilespmem:s4+$0x2800]  }
0x3f0: {  	v7 =	vadd.s32 v10, v7;
	v10 =	vld [tilespmem:s4+$0x2900]  }
0x3f1: {  	v7 =	vadd.s32 v11, v7;
	v11 =	vld [tilespmem:s4+$0x2A00]  }
0x3f2: {  	v7 =	vadd.s32 v12, v7;
	v12 =	vld [tilespmem:s4+$0x2B00]  }
0x3f3: {  	v7 =	vadd.s32 v8, v7;
	v8 =	vld [tilespmem:s4+$0x2C00]  }
0x3f4: {  	v7 =	vadd.s32 v9, v7;
	v9 =	vld [tilespmem:s4+$0x2D00]  }
0x3f5: {  	v7 =	vadd.s32 v10, v7;
	v10 =	vld [tilespmem:s4+$0x2E00]  }
0x3f6: {  	v7 =	vadd.s32 v11, v7;
	v11 =	vld [tilespmem:s4+$0x2F00]  }
0x3f7: {  	v7 =	vadd.s32 v12, v7;
	v12 =	vld [tilespmem:s2+$0xFFFFF800]  }
0x3f8: {  	v7 =	vadd.s32 v8, v7;
	v8 =	vld [tilespmem:s2+$0xFFFFF900]  }
0x3f9: {  	v7 =	vadd.s32 v9, v7;
	v9 =	vld [tilespmem:s2+$0xFFFFFA00]  }
0x3fa: {  	v7 =	vadd.s32 v10, v7;
	v10 =	vld [tilespmem:s2+$0xFFFFFB00]  }
0x3fb: {  	s1 =	sadd.s32 $0x20, s1;
	v7 =	vadd.s32 v11, v7;
	v11 =	vld [tilespmem:s2+$0xFFFFFC00]  }
0x3fc: {  	[tilespmem:s1+$0xFFFFFFF0] =	vst v7;
	v7 =	vld [tilespmem:s2+$0xFFFFFD00]  }
0x3fd: {  	v8 =	vadd.s32 v12, v8;
	v12 =	vld [tilespmem:s2+$0xFFFFFE00]  }
0x3fe: {  	v8 =	vadd.s32 v9, v8;
	v9 =	vld [tilespmem:s2+$0xFFFFFF00]  }
0x3ff: {  	v8 =	vadd.s32 v10, v8;
	v10 =	vld [tilespmem:s2+$0x0]  }
0x400: {  	v8 =	vadd.s32 v11, v8;
	v11 =	vld [tilespmem:s2+$0x100]  }
0x401: {  	v7 =	vadd.s32 v7, v8;
	v13 =	vld [tilespmem:s2+$0x200]  }
.Ltmp28:
0x402: {  	v8 =	vadd.s32 v12, v7;
	v7 =	vld [tilespmem:s2+$0x300];
	(pc) =	sbr.rel @p0 .LBB2_49-.Ltmp28, $4  }
0x403: {  	v9 =	vadd.s32 v9, v8;
	v8 =	vld [tilespmem:s2+$0x400]  }
0x404: {  	v10 =	vadd.s32 v10, v9;
	v9 =	vld [tilespmem:s2+$0x500]  }
0x405: {  	v11 =	vadd.s32 v11, v10;
	v10 =	vld [tilespmem:s2+$0x600]  }
0x406: {  	s3 =	sadd.s32 $0x20, s3;
	v12 =	vadd.s32 v13, v11;
	v11 =	vld [tilespmem:s2+$0x700];
	s2 =	sadd.s32 $0x20, s2  }
0x407: {  	v7 =	vadd.s32 v7, v12  }
0x408: {  	v7 =	vadd.s32 v8, v7  }
0x409: {  	v7 =	vadd.s32 v9, v7  }
0x40a: {  	v7 =	vadd.s32 v10, v7  }
0x40b: {  	v7 =	vadd.s32 v11, v7  }
0x40c: {  	s0 =	simm.s32 $0x30F0;
	[tilespmem:s1+$0x0] =	vst v7  }
0x40d: {  	v8 =	vld [tilespmem:s0+$0x0];
	_ =	sdelay $0x4  }
0x40e: {  	(xrf0) =	vadd.scan.msk.s32 $0xffff, v8  }
0x40f: {  	s5 =	simm.s32 $0x30E0  }
0x410: {  	v14 =	vld [tilespmem:s5+$0x0];
	_ =	sdelay $0x3  }
0x411: {  	v7, _, _ =	vpop (xrf0)  }
0x412: {  	(xrf0) =	vadd.scan.msk.s32 $0xffff, v14;
	(v2sf) =	vpush v7, $0xF;
	_ =	sdelay $0x5  }
0x413: {  	v9, _, _ =	vpop (xrf0)  }
0x414: {  	(v2sf) =	vpush v9, $0xF;
	_ =	sdelay $0x1  }
0x415: {  	s8 =	simm.s32 $0x30D0  }
0x416: {  	v13 =	vld [tilespmem:s8+$0x0];
	_ =	sdelay $0x1  }
0x417: {  	s5 =	simm.s32 $0x0  }
0x418: {  	v11 =	vadd.s32 s5, v8;
	v10 =	vbroadcast v7, $0xF  }
0x419: {  	s10 =	ssub.s32 s6, s7;
	v11 =	vsub.s32 v11, v7  }
0x41a: {  	s9 =	simm.s32 $0x30C0;
	(xrf0) =	vadd.scan.msk.s32 $0xffff, v13;
	v7 =	vmov s10;
	v10 =	vadd.s32 v10, v11;
	s11 =	spop (v2sf)  }
0x41b: {  	v12 =	vld [tilespmem:s9+$0x0];
	vm0 =	vlt.s32 v10, v7;
	s1 =	sadd.s32 $0x0, s11  }
0x41c: {  	v11 =	vbroadcast v9, $0xF;
	v10 =	vsel vm0, $0x7FFFFFFF, v5;
	v15 =	vadd.s32 s1, v14  }
0x41d: {  	(xrf0) =	vmax.scan.msk.u32 $0xffff, v10;
	v9 =	vsub.s32 v15, v9  }
0x41e: {  	v9 =	vadd.s32 v11, v9  }
0x41f: {  	vm9 =	vlt.s32 v9, v7  }
0x420: {  	s17 =	simm.s32 $0x30B0;
	(xrf0) =	vadd.scan.msk.s32 $0xffff, v12;
	v10, _, _ =	vpop (xrf0);
	v9 =	vsel vm9, $0x7FFFFFFF, v5  }
0x421: {  	s18 =	spop (v2sf);
	(v2sf) =	vpush v10, $0xF;
	v11 =	vld [tilespmem:s17+$0x0];
	_ =	sdelay $0x1  }
0x422: {  	s2 =	sadd.s32 s1, s18;
	(xrf0) =	vmax.scan.msk.u32 $0xffff, v9;
	v9, _, _ =	vpop (xrf0)  }
0x423: {  	v15 =	vbroadcast v10, $0xF;
	v16 =	vadd.s32 s2, v13;
	(v2sf) =	vpush v9, $0xF  }
0x424: {  	v9 =	vsub.s32 v16, v10  }
0x425: {  	v17, _, _ =	vpop (xrf0);
	(xrf0) =	vadd.scan.msk.s32 $0xffff, v11;
	v9 =	vadd.s32 v15, v9  }
0x426: {  	(v2sf) =	vpush v17, $0xF;
	_ =	sdelay $0x1  }
0x427: {  	vm10 =	vlt.s32 v9, v7;
	v9, _, _ =	vpop (xrf0)  }
0x428: {  	v10 =	vsel vm10, $0x7FFFFFFF, v5;
	(v2sf) =	vpush v9, $0xF  }
0x429: {  	(xrf0) =	vmax.scan.msk.u32 $0xffff, v10  }
0x42a: {  	s19 =	simm.s32 $0x30A0;
	v15, _, _ =	vpop (xrf0)  }
0x42b: {  	v9 =	vld [tilespmem:s19+$0x0];
	(v2sf) =	vpush v15, $0xF;
	_ =	sdelay $0x2  }
0x42c: {  	s20 =	spop (v2sf)  }
0x42d: {  	s4 =	sadd.s32 s2, s20;
	v10, _, _ =	vpop (xrf0)  }
0x42e: {  	v56 =	vadd.s32 s4, v12;
	(xrf0) =	vadd.scan.msk.s32 $0xffff, v9;
	(v2sf) =	vpush v10, $0xF;
	v10 =	vbroadcast v17, $0xF  }
0x42f: {  	v16 =	vsub.s32 v56, v17;
	s21 =	spop (v2sf)  }
0x430: {  	v16 =	vadd.s32 v10, v16;
	s3 =	sxor.u32 $0x80000000, s21  }
0x431: {  	vm11 =	vlt.s32 v16, v7;
	v57 =	vmov s3  }
0x432: {  	s22 =	simm.s32 $0x3090;
	v59 =	vsel vm11, $0x7FFFFFFF, v5;
	s23 =	spop (v2sf);
	vm1 =	vlt.s32 v57, v0  }
0x433: {  	v10 =	vld [tilespmem:s22+$0x0];
	(xrf0) =	vmax.scan.msk.u32 $0xffff, v59;
	s3 =	sadd.s32 s4, s23;
	v8 =	vnsel vm1, $0x0, v8  }
0x434: {  	v58 =	vbroadcast v15, $0xF;
	v18, _, _ =	vpop (xrf0);
	v19 =	vadd.s32 s3, v11;
	(xrf0) =	vadd.scan.msk.s32 $0xffff, v8  }
0x435: {  	(v2sf) =	vpush v18, $0xF;
	v15 =	vsub.s32 v19, v15;
	s24 =	spop (v2sf)  }
0x436: {  	v15 =	vadd.s32 v58, v15;
	s8 =	sxor.u32 $0x80000000, s24  }
0x437: {  	vm12 =	vlt.s32 v15, v7;
	v8 =	vmov s8  }
0x438: {  	(xrf0) =	vadd.scan.msk.s32 $0xffff, v10;
	s30 =	spop (v2sf);
	vm13 =	vlt.s32 v8, v0;
	v8 =	vsel vm12, $0x7FFFFFFF, v5  }
0x439: {  	v60, _, _ =	vpop (xrf0);
	s0 =	sadd.s32 s3, s30;
	v14 =	vnsel vm13, $0x0, v14;
	(xrf0) =	vmax.scan.msk.u32 $0xffff, v8  }
0x43a: {  	s26 =	simm.s32 $0x800000C0;
	s29 =	simm.s32 $0x3080;
	[dreg:$0x10] =	wrdreg s7;
	(v2sf) =	vpush v60, $0xF;
	v15 =	vadd.s32 s0, v9;
	(xrf0) =	vadd.scan.msk.s32 $0xffff, v14;
	v14 =	vbroadcast v18, $0xF;
	v61, _, _ =	vpop (xrf0)  }
0x43b: {  	s7 =	simm.s32 $0xFFFFFFFF;
	s10 =	simm.s32 $0x80000080;
	s18 =	simm.s32 $0x80000090;
	v15 =	vsub.s32 v15, v18;
	(v2sf) =	vpush v61, $0xF  }
0x43c: {  	s19 =	simm.s32 $0x800000B0;
	s20 =	simm.s32 $0x800000A0;
	s9 =	sand.u32 s7, s21;
	v15 =	vadd.s32 v14, v15  }
0x43d: {  	p0 =	sgt.s32 s9, $0xFFFFFFFF;
	s9 =	simm.s32 $0x80000060;
	s8 =	sadd.s32 $0x800000F0, s21;
	v8 =	vld [tilespmem:s29+$0x0]  }
0x43e: {  	s6 =	sadd.s32 $0x800000E0, s24;
	s8 =	smov.u32 @p0 s7;
	s7 =	simm.s32 $0x80000070;
	v14, _, _ =	vpop (xrf0)  }
0x43f: {  	p0 =	por p0, p0;
	s31 =	sand.u32 s8, s24;
	s11 =	spop (v2sf);
	vm14 =	vlt.s32 v15, v7;
	(v2sf) =	vpush v14, $0xF;
	v15, _, _ =	vpop (xrf0)  }
0x440: {  	p0 =	por p0, p0;
	p1 =	sgt.s32 s31, $0xFFFFFFFF;
	s17 =	sxor.u32 $0x80000000, s11;
	(v2sf) =	vpush v15, $0xF;
	v15, _, _ =	vpop (xrf0)  }
0x441: {  	s6 =	smov.u32 @p1 s8;
	s8 =	simm.s32 $0x80000050;
	p1 =	por p1, p1;
	v62 =	vmov s17;
	(v2sf) =	vpush v15, $0xF  }
0x442: {  	s21 =	sand.u32 s6, s11;
	s28 =	sadd.s32 $0x800000D0, s11;
	s11 =	simm.s32 $0x80000040;
	(xrf0) =	vadd.scan.msk.s32 $0xffff, v8;
	vm15 =	vlt.s32 v62, v0;
	v63 =	vsel vm14, $0x7FFFFFFF, v5  }
0x443: {  	p2 =	sgt.s32 s21, $0xFFFFFFFF;
	s21 =	simm.s32 $0x3070;
	s17 =	simm.s32 $0x0;
	v13 =	vnsel vm15, $0x0, v13;
	(xrf0) =	vmax.scan.msk.u32 $0xffff, v63  }
0x444: {  	s28 =	smov.u32 @p2 s6;
	s6 =	smov.u32 s0;
	(xrf0) =	vadd.scan.msk.s32 $0xffff, v13;
	v13 =	vld [tilespmem:s21+$0x0];
	s22 =	spop (v2sf)  }
.LBB2_51:
0x445: {  	s23 =	smov.u32 s5;
	s24 =	smov.u32 s28  }
0x446: {  	p3 =	sne.s32 s11, $0x80000000;
	s0 =	sadd.s32 s0, s22;
	s29 =	smov.u32 s18  }
0x447: {  	s18 =	smov.u32 s10;
	s10 =	smov.u32 s7;
	s7 =	smov.u32 s9  }
0x448: {  	p4 =	por p0, p0;
	p0 =	por p1, p1;
	p1 =	por p2, p2  }
0x449: {  	v18 =	vbroadcast v14, $0xF;
	s9 =	smov.u32 s8;
	s8 =	smov.u32 s11;
	v17 =	vadd.s32 s0, v10;
	v15, _, _ =	vpop (xrf0);
	s5 =	spop (v2sf)  }
0x44a: {  	v17 =	vsub.s32 v17, v14;
	(v2sf) =	vpush v15, $0xF;
	s22 =	sxor.u32 $0x80000000, s5;
	s28 =	sand.u32 s28, s5;
	s30 =	spop (v2sf);
	v14 =	vmov v15  }
0x44b: {  	v18 =	vadd.s32 v18, v17;
	v16, _, _ =	vpop (xrf0);
	p2 =	sgt.s32 s28, $0xFFFFFFFF;
	v17 =	vmov s22;
	s28 =	sadd.s32 s26, s5;
	s5 =	sadd.s32 s17, s30  }
.Ltmp29:
0x44c: {  	vm0 =	vlt.s32 v18, v7;
	(xrf0) =	vadd.scan.msk.s32 $0xffff, v13;
	(v2sf) =	vpush v16, $0xF;
	vm1 =	vlt.s32 v17, v0;
	s28 =	smov.u32 @p2 s24;
	v15, _, _ =	vpop (xrf0);
	s5 =	smov.u32 @p4 s23;
	(pc) =	sbr.rel @p3 .LBB2_51-.Ltmp29, $4  }
0x44d: {  	s17 =	smov.u32 s1;
	s1 =	smov.u32 s2;
	s2 =	smov.u32 s4;
	v16 =	vsel vm0, $0x7FFFFFFF, v5;
	v17 =	vnsel vm1, $0x0, v12;
	(v2sf) =	vpush v15, $0xF;
	v12 =	vmovc v11;
	v11 =	vmovc v9  }
0x44e: {  	s4 =	smov.u32 s3;
	s3 =	smov.u32 s6;
	s6 =	smov.u32 s0;
	v9 =	vmovc v10;
	v10 =	vmov v8;
	v8 =	vmov v13;
	(xrf0) =	vmax.scan.msk.u32 $0xffff, v16  }
0x44f: {  	s21 =	sadd.s32 $0xFFFFFFF0, s21;
	s26 =	smov.u32 s19;
	s19 =	smov.u32 s20;
	(xrf0) =	vadd.scan.msk.s32 $0xffff, v17  }
0x450: {  	s11 =	sadd.s32 $0xFFFFFFF0, s11;
	s20 =	smov.u32 s29;
	v13 =	vld [tilespmem:s21+$0x0];
	s22 =	spop (v2sf)  }
0x451: {  	s22 =	sadd.s32 s0, s22  }
0x452: {  	v15 =	vbroadcast v14, $0xF;
	v16 =	vadd.s32 s22, v10  }
0x453: {  	s24 =	spop (v2sf);
	v14 =	vsub.s32 v16, v14  }
0x454: {  	s11 =	sxor.u32 $0x80000000, s24;
	v14 =	vadd.s32 v15, v14  }
0x455: {  	v15 =	vmov s11;
	vm0 =	vlt.s32 v14, v7  }
0x456: {  	s23 =	sadd.s32 $0xFFFFFFF0, s21;
	v16 =	vsel vm0, $0x7FFFFFFF, v5;
	vm0 =	vlt.s32 v15, v0  }
0x457: {  	v14 =	vld [tilespmem:s23+$0x0];
	v12 =	vnsel vm0, $0x0, v12  }
0x458: {  	(xrf0) =	vadd.scan.msk.s32 $0xffff, v13  }
0x459: {  	(xrf0) =	vmax.scan.msk.u32 $0xffff, v16;
	v15, _, _ =	vpop (xrf0)  }
0x45a: {  	(xrf0) =	vadd.scan.msk.s32 $0xffff, v12;
	(v2sf) =	vpush v15, $0xF;
	v12, _, _ =	vpop (xrf0)  }
0x45b: {  	(v2sf) =	vpush v12, $0xF;
	v12, _, _ =	vpop (xrf0)  }
0x45c: {  	(xrf0) =	vadd.scan.msk.s32 $0xffff, v14;
	(v2sf) =	vpush v12, $0xF;
	_ =	sdelay $0x2  }
0x45d: {  	v12, _, _ =	vpop (xrf0)  }
0x45e: {  	(v2sf) =	vpush v12, $0xF;
	v16, _, _ =	vpop (xrf0)  }
0x45f: {  	(v2sf) =	vpush v16, $0xF;
	v16, _, _ =	vpop (xrf0)  }
0x460: {  	(v2sf) =	vpush v16, $0xF;
	v16, _, _ =	vpop (xrf0)  }
0x461: {  	s29 =	spop (v2sf);
	(v2sf) =	vpush v16, $0xF  }
0x462: {  	s30 =	spop (v2sf)  }
0x463: {  	s30 =	sadd.s32 s22, s30  }
0x464: {  	v17 =	vbroadcast v15, $0xF;
	v18 =	vadd.s32 s30, v8  }
0x465: {  	[smem:$0x7DB] =	sst s22;
	s0 =	sadd.s32 $0xFFFFFFF0, s23;
	s22 =	spop (v2sf);
	v15 =	vsub.s32 v18, v15  }
0x466: {  	s31 =	sxor.u32 $0x80000000, s22;
	s21 =	spop (v2sf);
	v15 =	vadd.s32 v17, v15;
	v17 =	vld [tilespmem:s0+$0x0]  }
0x467: {  	v18 =	vmov s31;
	vm0 =	vlt.s32 v15, v7;
	s23 =	spop (v2sf)  }
0x468: {  	vm1 =	vlt.s32 v18, v0;
	v15 =	vsel vm0, $0x7FFFFFFF, v5;
	s11 =	spop (v2sf)  }
0x469: {  	[smem:$0x7D4] =	sst s29;
	v11 =	vnsel vm1, $0x0, v11;
	(xrf0) =	vmax.scan.msk.u32 $0xffff, v15;
	s29 =	spop (v2sf)  }
0x46a: {  	(xrf0) =	vadd.scan.msk.s32 $0xffff, v11;
	[smem:$0x7D6] =	sst s29;
	s29 =	sadd.s32 s30, s23  }
0x46b: {  	v11 =	vbroadcast v12, $0xF;
	(xrf0) =	vadd.scan.msk.s32 $0xffff, v17;
	v15 =	vadd.s32 s29, v13  }
0x46c: {  	v12 =	vsub.s32 v15, v12  }
0x46d: {  	[smem:$0x7D5] =	sst s21;
	s23 =	spop (v2sf);
	v11 =	vadd.s32 v11, v12  }
0x46e: {  	s31 =	sxor.u32 $0x80000000, s11;
	s21 =	spop (v2sf);
	s23 =	sadd.s32 s29, s23  }
0x46f: {  	v19 =	vbroadcast v16, $0xF;
	v15 =	vmov s31;
	s31 =	spop (v2sf);
	v20 =	vadd.s32 s23, v14;
	v12, _, _ =	vpop (xrf0)  }
0x470: {  	s0 =	sxor.u32 $0x80000000, s21;
	[smem:$0x7D7] =	sst s31;
	v16 =	vsub.s32 v20, v16;
	vm0 =	vlt.s32 v11, v7;
	s31 =	spop (v2sf);
	v11, _, _ =	vpop (xrf0)  }
0x471: {  	v18 =	vmov s0;
	vm1 =	vlt.s32 v15, v0;
	v16 =	vadd.s32 v19, v16;
	s31 =	sadd.s32 s23, s31;
	v21, _, _ =	vpop (xrf0)  }
0x472: {  	v15 =	vsel vm0, $0x7FFFFFFF, v5;
	v20 =	vadd.s32 s31, v17;
	v19 =	vbroadcast v21, $0xF  }
0x473: {  	v9 =	vnsel vm1, $0x0, v9;
	vm0 =	vlt.s32 v16, v7;
	(xrf0) =	vmax.scan.msk.u32 $0xffff, v15;
	v15 =	vsub.s32 v20, v21  }
0x474: {  	vm1 =	vlt.s32 v18, v0;
	(xrf0) =	vadd.scan.msk.s32 $0xffff, v9;
	v9 =	vsel vm0, $0x7FFFFFFF, v5;
	v15 =	vadd.s32 v19, v15  }
0x475: {  	v10 =	vnsel vm1, $0x0, v10;
	(v2sf) =	vpush v12, $0xF;
	(xrf0) =	vmax.scan.msk.u32 $0xffff, v9;
	vm0 =	vlt.s32 v15, v7  }
0x476: {  	(v2sf) =	vpush v11, $0xF;
	(xrf0) =	vadd.scan.msk.s32 $0xffff, v10;
	v7 =	vsel vm0, $0x7FFFFFFF, v5  }
0x477: {  	(v2sf) =	vpush v21, $0xF;
	(xrf0) =	vmax.scan.msk.u32 $0xffff, v7  }
0x478: {  	s0 =	sand.u32 s28, s24  }
0x479: {  	p4 =	sgt.s32 s0, $0xFFFFFFFF;
	s0 =	sadd.s32 s26, s24;
	v7, _, _ =	vpop (xrf0)  }
0x47a: {  	s0 =	smov.u32 @p4 s28;
	(v2sf) =	vpush v7, $0xF;
	v7, _, _ =	vpop (xrf0)  }
0x47b: {  	s28 =	sand.u32 s0, s22;
	(v2sf) =	vpush v7, $0xF;
	v7, _, _ =	vpop (xrf0)  }
0x47c: {  	s19 =	sadd.s32 s19, s22;
	p6 =	sgt.s32 s28, $0xFFFFFFFF;
	(v2sf) =	vpush v7, $0xF;
	v7, _, _ =	vpop (xrf0)  }
0x47d: {  	s19 =	smov.u32 @p6 s0;
	(v2sf) =	vpush v7, $0xF;
	v7, _, _ =	vpop (xrf0)  }
0x47e: {  	s0 =	sand.u32 s19, s11;
	(v2sf) =	vpush v7, $0xF  }
0x47f: {  	p3 =	sgt.s32 s0, $0xFFFFFFFF  }
0x480: {  	s0 =	simm.s32 @!p3 $0x0  }
0x481: {  	s0 =	simm.s32 @p3 $0x1  }
0x482: {  	[smem:$0x7D8] =	sst s0;
	s0 =	sadd.s32 s20, s11  }
0x483: {  	s0 =	smov.u32 @p3 s19  }
0x484: {  	s19 =	sand.u32 s0, s21;
	s11 =	spop (v2sf)  }
0x485: {  	s21 =	sadd.s32 s18, s21;
	p3 =	sgt.s32 s19, $0xFFFFFFFF;
	s20 =	spop (v2sf)  }
0x486: {  	s19 =	simm.s32 @!p3 $0x0;
	s21 =	smov.u32 @p3 s0;
	s26 =	spop (v2sf)  }
0x487: {  	s19 =	simm.s32 @p3 $0x1;
	s26 =	sand.u32 s21, s11  }
0x488: {  	[smem:$0x7D9] =	sst s19;
	s28 =	sxor.u32 $0x80000000, s11;
	p3 =	sgt.s32 s26, $0xFFFFFFFF  }
0x489: {  	s10 =	sadd.s32 s10, s11;
	s18 =	simm.s32 @!p3 $0x0;
	s22 =	spop (v2sf)  }
0x48a: {  	s10 =	smov.u32 @p3 s21;
	s18 =	simm.s32 @p3 $0x1;
	s19 =	spop (v2sf)  }
0x48b: {  	[smem:$0x7DA] =	sst s18;
	s21 =	sand.u32 s10, s22;
	s24 =	spop (v2sf)  }
0x48c: {  	v7 =	vmov s28;
	s28 =	sxor.u32 $0x80000000, s22;
	p3 =	sgt.s32 s21, $0xFFFFFFFF;
	s18 =	spop (v2sf)  }
0x48d: {  	vm0 =	vlt.s32 v7, v0;
	v9 =	vmov s28;
	s26 =	sxor.u32 $0x80000000, s24;
	s0 =	simm.s32 @!p3 $0x0;
	s11 =	spop (v2sf)  }
0x48e: {  	v8 =	vnsel vm0, $0x0, v8;
	vm0 =	vlt.s32 v9, v0;
	v7 =	vmov s26;
	s0 =	simm.s32 @p3 $0x1;
	s28 =	sxor.u32 $0x80000000, s11  }
0x48f: {  	(xrf0) =	vadd.scan.msk.s32 $0xffff, v8;
	v8 =	vnsel vm0, $0x0, v13;
	vm0 =	vlt.s32 v7, v0;
	[smem:$0x7DC] =	sst s0;
	s0 =	sadd.s32 s7, s22;
	v9 =	vmov s28  }
0x490: {  	(xrf0) =	vadd.scan.msk.s32 $0xffff, v8;
	v7 =	vnsel vm0, $0x0, v14;
	s0 =	smov.u32 @p3 s10;
	vm0 =	vlt.s32 v9, v0  }
0x491: {  	s21 =	rddreg [dreg:$0x13];
	(xrf0) =	vadd.scan.msk.s32 $0xffff, v7;
	s22 =	sand.u32 s0, s24;
	v7 =	vnsel vm0, $0x0, v17  }
0x492: {  	s9 =	sadd.s32 s9, s24;
	s26 =	simm.s32 $0x20;
	p5 =	sgt.s32 s22, $0xFFFFFFFF;
	(xrf0) =	vadd.scan.msk.s32 $0xffff, v7  }
0x493: {  	v9 =	vld [tilespmem:s26+$0xFFFFFFF0];
	s22 =	rddreg [dreg:$0xc];
	s9 =	smov.u32 @p5 s0  }
0x494: {  	s8 =	sadd.s32 s8, s11;
	s28 =	sand.u32 s9, s11;
	s11 =	sshll.u32 s22, $0x10  }
0x495: {  	v7, _, _ =	vpop (xrf0);
	s10 =	sadd.s32 $0xFFFF0000, s11;
	p3 =	sgt.s32 s28, $0xFFFFFFFF;
	s28 =	sld [smem:$0x7D5]  }
0x496: {  	s11 =	sshll.u32 s21, $0x8;
	(v2sf) =	vpush v7, $0xF;
	v8, _, _ =	vpop (xrf0);
	s8 =	smov.u32 @p3 s9;
	s9 =	sld [smem:$0x7D7]  }
0x497: {  	v7 =	vld [tilespmem:s26+$0x10];
	s24 =	sor.u32 s11, s10;
	s10 =	sld [smem:$0x7D8];
	(v2sf) =	vpush v8, $0xF;
	v10, _, _ =	vpop (xrf0)  }
0x498: {  	v14 =	vshrl.u32 v9, $0x10;
	s11 =	sld [smem:$0x7D9];
	v8 =	vld [tilespmem:s26+$0xFFFFFFE0];
	(v2sf) =	vpush v10, $0xF;
	v10, _, _ =	vpop (xrf0)  }
0x499: {  	p0 =	por p0, p0;
	s7 =	sor.u32 s8, s24;
	v14 =	vand.u32 $0xFF, v14;
	(v2sf) =	vpush v10, $0xF;
	v10 =	vld [tilespmem:s26+$0x0];
	s26 =	sld [smem:$0x7D4]  }
0x49a: {  	p1 =	por p1, p1;
	vm1 =	veq.s32 v9, $0x0;
	s24 =	rddreg [dreg:$0xd];
	s7 =	sor.u32 $0x3F000000, s7;
	v14 =	vadd.s32 $0x1, v14  }
0x49b: {  	p2 =	por p2, p2;
	p6 =	por p6, p6;
	v13 =	vimm.s32 $0x0;
	s8 =	sld [smem:$0x7D6];
	v11 =	vmov s7;
	v14 =	vsel vm1, $0x0, v14  }
0x49c: {  	v12 =	vmov s24;
	s1 =	sadd.s32 s1, s28;
	vm0 =	veq.s32 v9, v11;
	vm1 =	veq.s32 v14, v6;
	s0 =	sadd.s32 s17, s26;
	s17 =	sld [smem:$0x7DA]  }
0x49d: {  	vm3 =	vgt.s32 v9, v11;
	v15 =	vshrl.u32 v7, $0x10;
	v16 =	vmpcnt.ones.xlane vm0;
	s0 =	smov.u32 @p0 s5;
	p0 =	por p1, p1;
	p1 =	por p2, p2  }
0x49e: {  	vm7 =	veq.s32 v7, $0x0;
	vm6 =	vgt.s32 v7, v11;
	p2 =	por p4, p4;
	s5 =	simm.s32 $0x60;
	s1 =	smov.u32 @p0 s0;
	v17 =	vshrl.u32 v10, $0x10  }
0x49f: {  	vm3 =	vmand vm3, vm1;
	vm1 =	veq.s32 v7, v11;
	p0 =	por p1, p1;
	s0 =	sadd.s32 s2, s8;
	p4 =	por p2, p2;
	v14 =	vand.u32 $0xFF, v17  }
0x4a0: {  	vm4 =	veq.s32 v8, $0x0;
	vm5 =	veq.s32 v10, $0x0;
	p2 =	por p6, p6;
	s2 =	simm.s32 $0x20;
	s0 =	smov.u32 @p0 s1;
	v14 =	vadd.s32 $0x1, v14  }
0x4a1: {  	v15 =	vand.u32 $0xFF, v15;
	vm2 =	veq.s32 v8, v11;
	p0 =	por p4, p4;
	s1 =	sadd.s32 s4, s9;
	p4 =	seq.s32 s10, $0x1;
	v14 =	vsel vm5, $0x0, v14  }
0x4a2: {  	v18 =	vsel vm2, $0x1, v2;
	s4 =	simm.s32 $0x40;
	s1 =	smov.u32 @p0 s0;
	p1 =	por p4, p4;
	vm5 =	vgt.s32 v10, v11;
	vm9 =	veq.s32 v14, v6  }
0x4a3: {  	(xrf0) =	vadd.scan.msk.s32 $0xffff, v18;
	v17 =	vshrl.u32 v8, $0x10;
	p0 =	por p2, p2;
	s0 =	sadd.s32 s3, s20;
	p2 =	seq.s32 s11, $0x1;
	v14 =	vsel vm3, $0x1, v2;
	vm5 =	vmand vm5, vm9  }
0x4a4: {  	v15 =	vadd.s32 $0x1, v15;
	v17 =	vand.u32 $0xFF, v17;
	s20 =	sld [smem:$0x7DC];
	s3 =	simm.s32 $0x0;
	s0 =	smov.u32 @p0 s1;
	(xrf0) =	vadd.scan.msk.s32 $0xffff, v14;
	v19 =	vsel vm5, $0x1, v2  }
0x4a5: {  	p6 =	por p1, p1;
	p1 =	por p2, p2;
	s1 =	sadd.s32 s6, s19;
	v14 =	vsel vm7, $0x0, v15;
	v15 =	vadd.s32 $0x1, v17;
	v17 =	vsel vm0, $0x1, v2;
	(xrf0) =	vadd.scan.msk.s32 $0xffff, v19  }
0x4a6: {  	vm8 =	vgt.s32 v8, v11;
	v22 =	vmpcnt.ones.xlane vm1;
	v18 =	vsel vm1, $0x1, v2;
	s19 =	sld [smem:$0x7DB];
	p0 =	por p6, p6;
	p6 =	seq.s32 s17, $0x1;
	(xrf0) =	vadd.scan.msk.s32 $0xffff, v17  }
0x4a7: {  	p4 =	por p1, p1;
	s1 =	smov.u32 @p0 s0;
	p1 =	por p6, p6;
	vm7 =	veq.s32 v14, v6;
	v14 =	vsel vm4, $0x0, v15;
	v15 =	vmpcnt.ones.xlane vm2;
	(xrf0) =	vadd.scan.msk.s32 $0xffff, v18  }
0x4a8: {  	p0 =	por p4, p4;
	p4 =	seq.s32 s20, $0x1;
	p6 =	por p5, p5;
	vm4 =	vmand vm6, vm7;
	vm6 =	veq.s32 v14, v6;
	vm7 =	veq.s32 v10, v11  }
0x4a9: {  	v20, _, _ =	vpop (xrf0);
	p5 =	por p3, p3;
	s0 =	sadd.s32 s19, s18;
	p2 =	por p1, p1;
	vm6 =	vmand vm8, vm6;
	v19 =	vadd.s32 v13, v15;
	v14 =	vmpcnt.ones.xlane vm7  }
0x4aa: {  	p1 =	por p4, p4;
	s21 =	spop (v2sf);
	p4 =	por p6, p6;
	v15 =	vsel vm7, $0x1, v2;
	v18 =	vmpcnt.ones.xlane vm6;
	v17 =	vadd.s32 v19, v16;
	v16, _, _ =	vpop (xrf0)  }
0x4ab: {  	s0 =	smov.u32 @p0 s1;
	p0 =	por p2, p2;
	p1 =	por p1, p1;
	v26 =	vsel vm4, $0x1, v2;
	v24 =	vsel vm6, $0x1, v2;
	(xrf0) =	vadd.scan.msk.s32 $0xffff, v15;
	v25 =	vadd.s32 v17, v14;
	v23, _, _ =	vpop (xrf0)  }
0x4ac: {  	s1 =	sadd.s32 s30, s21;
	s26 =	spop (v2sf);
	s30 =	simm.s32 $0x30;
	v14 =	vmpcnt.ones.xlane vm3;
	v18 =	vadd.s32 v12, v18;
	v15 =	vadd.s32 v25, v22;
	(xrf0) =	vadd.scan.msk.s32 $0xffff, v24;
	v22, _, _ =	vpop (xrf0)  }
0x4ad: {  	v21 =	vmpcnt.ones.xlane vm5;
	s1 =	smov.u32 @p0 s0;
	p0 =	por p1, p1;
	s0 =	sadd.s32 s29, s26;
	v16 =	vadd.s32 v16, v18;
	(xrf0) =	vadd.scan.msk.s32 $0xffff, v26;
	v28, _, _ =	vpop (xrf0)  }
0x4ae: {  	p6 =	por p5, p5;
	s28 =	spop (v2sf);
	s0 =	smov.u32 @p0 s1;
	v18 =	vadd.s32 v18, v14;
	v14 =	vor.u32 s30, v0;
	v24 =	vadd.s32 v28, v25  }
0x4af: {  	p0 =	por p4, p4;
	s1 =	sadd.s32 s23, s28;
	s29 =	spop (v2sf);
	v27 =	vadd.s32 v23, v18;
	v23 =	vadd.s32 v18, v21;
	v22 =	vadd.s32 v22, v19  }
0x4b0: {  	s1 =	smov.u32 @p0 s0;
	p0 =	por p6, p6;
	s0 =	sadd.s32 s31, s29;
	v19 =	vmpcnt.ones.xlane vm4;
	v21 =	vadd.s32 $0xFFFFFFFF, v27;
	v18 =	vadd.s32 $0xFFFFFFFF, v22  }
0x4b1: {  	s6 =	simm.s32 $0x10;
	s0 =	smov.u32 @p0 s1;
	s1 =	simm.s32 $0x0;
	v22 =	vadd.s32 $0xFFFFFFFF, v16;
	vm8 =	vlt.s32 v18, $0x100;
	v16 =	vadd.s32 $0xFFFFFFFF, v24;
	v24, _, _ =	vpop (xrf0)  }
.LBB2_53:
0x4b2: {  	v25 =	vld [tilespmem:s5+$0xFFFFFFF0];
	s8 =	sadd.s32 $0x20, s4;
	s3 =	sadd.s32 $0x4, s3;
	v26 =	vor.u32 s1, v0;
	v27 =	vor.u32 s6, v0;
	v19 =	vadd.s32 v23, v19;
	v28, _, _ =	vpop (xrf0);
	s1 =	smov.u32 s4  }
0x4b3: {  	v34 =	vadd.s32 v20, v13;
	v20 =	vor.u32 s2, v0;
	v29 =	vld [tilespmem:s5+$0x10];
	p0 =	slt.u32 s3, $0x1FC;
	v33 =	vadd.s32 v28, v12;
	v28, _, _ =	vpop (xrf0);
	s2 =	smov.u32 s8  }
0x4b4: {  	v13 =	vmovc v15;
	v32 =	vadd.s32 $0xFFFFFFFF, v34;
	v12 =	vmovc v19;
	v30 =	vld [tilespmem:s5+$0xFFFFFFE0];
	v31 =	vadd.s32 $0xFFFFFFFF, v33;
	v23 =	vadd.s32 v28, v23  }
0x4b5: {  	vm9 =	vmand vm0, vm8;
	vm10 =	vlt.s32 v32, $0x100;
	[tilespmem:v21+s13+$0x0] =	vst.idx.msk vm5, v10;
	v10 =	vld [tilespmem:s5+$0x0];
	v23 =	vadd.s32 $0xFFFFFFFF, v23  }
0x4b6: {  	v24 =	vadd.s32 v24, v17;
	vm2 =	vmand vm2, vm10;
	vm10 =	vlt.s32 v16, $0x100;
	[tilespmem:v22+s13+$0x0] =	vst.idx.msk vm3, v9  }
0x4b7: {  	vm11 =	veq.s32 v25, $0x0;
	v17 =	vshrl.u32 v25, $0x10;
	[tilespmem:v22+s14+$0x0] =	vst.idx.msk vm3, v27;
	v22 =	vadd.s32 $0xFFFFFFFF, v24;
	v9 =	vmovc v25  }
0x4b8: {  	v17 =	vand.u32 $0xFF, v17;
	v24 =	vshrl.u32 v29, $0x10;
	[tilespmem:v21+s14+$0x0] =	vst.idx.msk vm5, v20;
	vm0 =	vlt.s32 v22, $0x100  }
0x4b9: {  	vm8 =	veq.s32 v30, $0x0;
	v21 =	vand.u32 $0xFF, v24;
	[tilespmem:v31+s13+$0x0] =	vst.idx.msk vm6, v8;
	vm3 =	vmand vm7, vm0;
	v8 =	vmovc v30  }
0x4ba: {  	v17 =	vadd.s32 $0x1, v17;
	vm0 =	veq.s32 v9, v11;
	v21 =	vadd.s32 $0x1, v21;
	[tilespmem:v31+s14+$0x0] =	vst.idx.msk vm6, v26  }
0x4bb: {  	v17 =	vsel vm11, $0x0, v17;
	v24 =	vmpcnt.ones.xlane vm0;
	v25 =	vshrl.u32 v10, $0x10;
	[tilespmem:v23+s13+$0x0] =	vst.idx.msk vm4, v7;
	v7 =	vmovc v29  }
0x4bc: {  	vm10 =	vmand vm1, vm10;
	vm5 =	veq.s32 v17, v6;
	vm11 =	veq.s32 v7, $0x0;
	[tilespmem:v32+s16+$0x0] =	vst.idx.msk vm2, v26  }
0x4bd: {  	vm12 =	veq.s32 v10, $0x0;
	vm2 =	veq.s32 v8, v11;
	vm7 =	vgt.s32 v7, v11;
	[tilespmem:v23+s14+$0x0] =	vst.idx.msk vm4, v14  }
0x4be: {  	vm6 =	vgt.s32 v8, v11;
	v17 =	vshrl.u32 v8, $0x10;
	vm1 =	veq.s32 v7, v11;
	[tilespmem:v18+s16+$0x0] =	vst.idx.msk vm9, v27  }
0x4bf: {  	v17 =	vand.u32 $0xFF, v17;
	v23 =	vsel vm1, $0x1, v2;
	v18 =	vand.u32 $0xFF, v25;
	[tilespmem:v22+s16+$0x0] =	vst.idx.msk vm3, v20  }
0x4c0: {  	vm3 =	vgt.s32 v9, v11;
	v18 =	vadd.s32 $0x1, v18;
	v20 =	vsel vm11, $0x0, v21  }
0x4c1: {  	vm4 =	vgt.s32 v10, v11;
	vm3 =	vmand vm3, vm5;
	v18 =	vsel vm12, $0x0, v18  }
0x4c2: {  	v21 =	vsel vm2, $0x1, v2;
	v22 =	vsel vm3, $0x1, v2;
	vm5 =	veq.s32 v18, v6;
	[tilespmem:v16+s16+$0x0] =	vst.idx.msk vm10, v14  }
0x4c3: {  	v14 =	vadd.s32 $0x1, v17;
	vm5 =	vmand vm4, vm5;
	vm4 =	veq.s32 v20, v6;
	(xrf0) =	vadd.scan.msk.s32 $0xffff, v21  }
0x4c4: {  	v16 =	vsel vm0, $0x1, v2;
	v14 =	vsel vm8, $0x0, v14;
	v17 =	vsel vm5, $0x1, v2;
	(xrf0) =	vadd.scan.msk.s32 $0xffff, v22  }
0x4c5: {  	v18 =	vmpcnt.ones.xlane vm2;
	v21 =	vmpcnt.ones.xlane vm5;
	vm4 =	vmand vm7, vm4;
	(xrf0) =	vadd.scan.msk.s32 $0xffff, v17  }
0x4c6: {  	vm7 =	veq.s32 v10, v11;
	vm8 =	veq.s32 v14, v6;
	v14 =	vmpcnt.ones.xlane vm1;
	(xrf0) =	vadd.scan.msk.s32 $0xffff, v16  }
0x4c7: {  	vm6 =	vmand vm6, vm8;
	v16 =	vadd.s32 v15, v18;
	v15 =	vmpcnt.ones.xlane vm7;
	(xrf0) =	vadd.scan.msk.s32 $0xffff, v23  }
0x4c8: {  	v22 =	vsel vm7, $0x1, v2;
	v26 =	vsel vm6, $0x1, v2;
	v17 =	vadd.s32 v16, v24  }
0x4c9: {  	v25 =	vsel vm4, $0x1, v2;
	v27 =	vmpcnt.ones.xlane vm6;
	v24 =	vadd.s32 v17, v15;
	v20, _, _ =	vpop (xrf0);
	(xrf0) =	vadd.scan.msk.s32 $0xffff, v22  }
0x4ca: {  	s6 =	sadd.s32 $0x30, s4;
	v28 =	vmpcnt.ones.xlane vm3;
	v15 =	vadd.s32 v24, v14;
	(xrf0) =	vadd.scan.msk.s32 $0xffff, v26;
	v18, _, _ =	vpop (xrf0)  }
.Ltmp30:
0x4cb: {  	v19 =	vadd.s32 v19, v27;
	v14 =	vor.u32 s6, v0;
	v23, _, _ =	vpop (xrf0);
	(xrf0) =	vadd.scan.msk.s32 $0xffff, v25;
	(pc) =	sbr.rel @p0 .LBB2_53-.Ltmp30, $4  }
0x4cc: {  	v25 =	vadd.s32 v18, v19;
	v18 =	vadd.s32 v19, v28;
	v19 =	vmpcnt.ones.xlane vm4;
	v22, _, _ =	vpop (xrf0)  }
0x4cd: {  	v16 =	vadd.s32 v22, v16;
	v22 =	vadd.s32 v23, v18;
	v23 =	vadd.s32 v18, v21;
	v26, _, _ =	vpop (xrf0)  }
0x4ce: {  	v18 =	vadd.s32 $0xFFFFFFFF, v16;
	v21 =	vadd.s32 $0xFFFFFFFF, v22;
	v16 =	vadd.s32 v26, v24  }
0x4cf: {  	s4 =	sadd.s32 $0x40, s4;
	s5 =	sadd.s32 $0x40, s5;
	s6 =	sadd.s32 $0x10, s1;
	v22 =	vadd.s32 $0xFFFFFFFF, v25;
	vm8 =	vlt.s32 v18, $0x100;
	v16 =	vadd.s32 $0xFFFFFFFF, v16;
	v24, _, _ =	vpop (xrf0)  }
0x4d0: {  	_ =	sdelay $0x1  }
0x4d1: {  	v6, _, _ =	vpop (xrf0)  }
0x4d2: {  	v11 =	vadd.s32 v20, v13;
	v6 =	vadd.s32 v6, v12  }
0x4d3: {  	v59, _, _ =	vpop (xrf0);
	v11 =	vadd.s32 $0xFFFFFFFF, v11;
	v6 =	vadd.s32 $0xFFFFFFFF, v6  }
0x4d4: {  	v60 =	vor.u32 s6, v0;
	[tilespmem:v21+s13+$0x0] =	vst.idx.msk vm5, v10;
	v12 =	vadd.s32 v59, v23;
	vm9 =	vlt.s32 v11, $0x100  }
0x4d5: {  	[tilespmem:v22+s13+$0x0] =	vst.idx.msk vm3, v9;
	v62 =	vadd.s32 v24, v17;
	v61 =	vadd.s32 $0xFFFFFFFF, v12;
	vm2 =	vmand vm2, vm9  }
0x4d6: {  	v63 =	vor.u32 s2, v0;
	[tilespmem:v22+s14+$0x0] =	vst.idx.msk vm3, v60;
	v9 =	vadd.s32 $0xFFFFFFFF, v62  }
0x4d7: {  	vm0 =	vmand vm0, vm8;
	[tilespmem:v21+s14+$0x0] =	vst.idx.msk vm5, v63;
	vm14 =	vlt.s32 v9, $0x100  }
0x4d8: {  	v15 =	vor.u32 s1, v0;
	vm15 =	vlt.s32 v16, $0x100;
	vm3 =	vmand vm7, vm14;
	[tilespmem:v6+s13+$0x0] =	vst.idx.msk vm6, v8  }
0x4d9: {  	vm1 =	vmand vm1, vm15;
	[tilespmem:v6+s14+$0x0] =	vst.idx.msk vm6, v15  }
0x4da: {  	[tilespmem:v61+s13+$0x0] =	vst.idx.msk vm4, v7  }
0x4db: {  	[tilespmem:v11+s16+$0x0] =	vst.idx.msk vm2, v15  }
0x4dc: {  	[tilespmem:v61+s14+$0x0] =	vst.idx.msk vm4, v14  }
0x4dd: {  	s30 =	rddreg [dreg:$0x10];
	[tilespmem:v18+s16+$0x0] =	vst.idx.msk vm0, v60  }
0x4de: {  	[tilespmem:v9+s16+$0x0] =	vst.idx.msk vm3, v63  }
0x4df: {  	[tilespmem:v16+s16+$0x0] =	vst.idx.msk vm1, v14  }
0x4e0: {  	s11 =	rddreg [dreg:$0x9]  }
0x4e1: {  	s17 =	rddreg [dreg:$0xa]  }
0x4e2: {  	s18 =	rddreg [dreg:$0xb]  }
.Ltmp31:
0x4e3: {  	s19 =	rddreg [dreg:$0xe];
	(pc) =	sbr.rel .LBB2_55-.Ltmp31, $4  }
0x4e4: {  	s1 =	sadd.s32 s24, s30;
	s31 =	sld [smem:$0x7F5]  }
0x4e5: {  	s6 =	simm.s32 $0x0;
	s5 =	rddreg [dreg:$0xf];
	s0 =	sadd.s32 s0, s1  }
0x4e6: {  	s8 =	simm.s32 $0x1;
	s9 =	simm.s32 $0x3600;
	[smem:$0x0] =	sst s0  }
0x4e7: {  	s10 =	simm.s32 $0x3680;
	[smem:$0x1] =	sst s7;
	p3 =	seq.s32 s31, $0x1  }
.LBB2_79:
0x4e8: {  	v6 =	vadd.s32 $0x1, v0  }
0x4e9: {  	vm0 =	vlt.s32 v15, v6;
	v6 =	vsub.s32 v0, v15  }
0x4ea: {  	v6 =	vnsel vm0, $0x0, v6;
	_ =	sdelay $0x2  }
0x4eb: {  	v7 =	vld [tilespmem:$0x3600]  }
0x4ec: {  	v16 =	vld [tilespmem:$0x3680]  }
0x4ed: {  	v17 =	vadd.s32 $0x11, v0;
	v6 =	vld.idx.msk [tilespmem:v6+s16+$0x0], vm0  }
0x4ee: {  	v14 =	vsub.s32 v14, v15;
	vm1 =	vlt.s32 v15, v17  }
0x4ef: {  	v14 =	vnsel vm1, $0x0, v14;
	_ =	sdelay $0x1  }
0x4f0: {  	v7 =	vsel vm0, s7, v7  }
0x4f1: {  	v51 =	vld [tilespmem:$0x3690];
	[tilespmem:$0x3600] =	vst v7;
	v6 =	vsel vm0, v6, v16  }
0x4f2: {  	v7 =	vld [tilespmem:$0x3610];
	[tilespmem:$0x3680] =	vst v6  }
0x4f3: {  	v52 =	vadd.s32 $0x21, v0;
	v6 =	vld.idx.msk [tilespmem:v14+s16+$0x0], vm1  }
0x4f4: {  	v13 =	vsub.s32 v13, v15;
	vm10 =	vlt.s32 v15, v52  }
0x4f5: {  	v13 =	vnsel vm10, $0x0, v13;
	_ =	sdelay $0x1  }
0x4f6: {  	v7 =	vsel vm1, s7, v7  }
0x4f7: {  	v53 =	vld [tilespmem:$0x36A0];
	[tilespmem:$0x3610] =	vst v7;
	v6 =	vsel vm1, v6, v51  }
0x4f8: {  	v7 =	vld [tilespmem:$0x3620];
	[tilespmem:$0x3690] =	vst v6  }
0x4f9: {  	v54 =	vadd.s32 $0x31, v0;
	v6 =	vld.idx.msk [tilespmem:v13+s16+$0x0], vm10  }
0x4fa: {  	v12 =	vsub.s32 v12, v15;
	vm11 =	vlt.s32 v15, v54  }
0x4fb: {  	v12 =	vnsel vm11, $0x0, v12;
	_ =	sdelay $0x1  }
0x4fc: {  	v7 =	vsel vm10, s7, v7  }
0x4fd: {  	v55 =	vld [tilespmem:$0x36B0];
	[tilespmem:$0x3620] =	vst v7;
	v6 =	vsel vm10, v6, v53  }
0x4fe: {  	v7 =	vld [tilespmem:$0x3630];
	[tilespmem:$0x36A0] =	vst v6  }
0x4ff: {  	v56 =	vadd.s32 $0x41, v0;
	v6 =	vld.idx.msk [tilespmem:v12+s16+$0x0], vm11  }
0x500: {  	v11 =	vsub.s32 v11, v15;
	vm12 =	vlt.s32 v15, v56  }
0x501: {  	v11 =	vnsel vm12, $0x0, v11;
	_ =	sdelay $0x1  }
0x502: {  	v7 =	vsel vm11, s7, v7  }
0x503: {  	v57 =	vld [tilespmem:$0x36C0];
	[tilespmem:$0x3630] =	vst v7;
	v6 =	vsel vm11, v6, v55  }
0x504: {  	v7 =	vld [tilespmem:$0x3640];
	[tilespmem:$0x36B0] =	vst v6  }
0x505: {  	v58 =	vadd.s32 $0x51, v0;
	v6 =	vld.idx.msk [tilespmem:v11+s16+$0x0], vm12  }
0x506: {  	v10 =	vsub.s32 v10, v15;
	vm13 =	vlt.s32 v15, v58  }
0x507: {  	v10 =	vnsel vm13, $0x0, v10;
	_ =	sdelay $0x1  }
0x508: {  	v7 =	vsel vm12, s7, v7  }
0x509: {  	v59 =	vld [tilespmem:$0x36D0];
	[tilespmem:$0x3640] =	vst v7;
	v6 =	vsel vm12, v6, v57  }
0x50a: {  	v7 =	vld [tilespmem:$0x3650];
	[tilespmem:$0x36C0] =	vst v6  }
0x50b: {  	v60 =	vadd.s32 $0x61, v0;
	v6 =	vld.idx.msk [tilespmem:v10+s16+$0x0], vm13  }
0x50c: {  	v9 =	vsub.s32 v9, v15;
	vm14 =	vlt.s32 v15, v60  }
0x50d: {  	v9 =	vnsel vm14, $0x0, v9;
	_ =	sdelay $0x1  }
0x50e: {  	v7 =	vsel vm13, s7, v7  }
0x50f: {  	v61 =	vld [tilespmem:$0x36E0];
	[tilespmem:$0x3650] =	vst v7;
	v6 =	vsel vm13, v6, v59  }
0x510: {  	v7 =	vld [tilespmem:$0x3660];
	[tilespmem:$0x36D0] =	vst v6  }
0x511: {  	v62 =	vadd.s32 $0x71, v0;
	v6 =	vld.idx.msk [tilespmem:v9+s16+$0x0], vm14  }
0x512: {  	v8 =	vsub.s32 v8, v15;
	vm15 =	vlt.s32 v15, v62  }
0x513: {  	v8 =	vnsel vm15, $0x0, v8;
	_ =	sdelay $0x1  }
0x514: {  	v7 =	vsel vm14, s7, v7  }
0x515: {  	v63 =	vld [tilespmem:$0x36F0];
	[tilespmem:$0x3660] =	vst v7;
	v6 =	vsel vm14, v6, v61  }
0x516: {  	v7 =	vld [tilespmem:$0x3670];
	[tilespmem:$0x36E0] =	vst v6  }
0x517: {  	v6 =	vld.idx.msk [tilespmem:v8+s16+$0x0], vm15;
	_ =	sdelay $0x1  }
.Ltmp32:
0x518: {  	_ = 	snop;
	(pc) =	sbr.rel .LBB2_80-.Ltmp32, $4  }
0x519: {  	_ = 	snop  }
0x51a: {  	v7 =	vsel vm15, s7, v7  }
0x51b: {  	[tilespmem:$0x3670] =	vst v7;
	v6 =	vsel vm15, v6, v63  }
0x51c: {  	[tilespmem:$0x36F0] =	vst v6  }
.LBB2_13:
0x51d: {  	s7 =	simm.s32 $0x0  }
0x51e: {  	s0 =	smov.u32 s24;
	s8 =	simm.s32 $0x1;
	s11 =	rddreg [dreg:$0x9]  }
0x51f: {  	s9 =	simm.s32 $0x3600;
	s10 =	simm.s32 $0x3680;
	s17 =	rddreg [dreg:$0xa]  }
0x520: {  	s18 =	rddreg [dreg:$0xb];
	s7 =	simm.s32 @p3 $0x0;
	s0 =	smov.u32 @p3 s24  }
.LBB2_55:
0x521: {  	v14 =	vld [tilespmem:$0x3100];
	s1 =	sshrl.u32 s0, $0x1F  }
0x522: {  	v13 =	vld [tilespmem:$0x3110];
	s1 =	sadd.s32 s1, s0  }
0x523: {  	v12 =	vld [tilespmem:$0x3120];
	s1 =	sand.u32 $0xFFFFFFFE, s1  }
0x524: {  	v11 =	vld [tilespmem:$0x3130];
	p0 =	slt.s32 s1, $0x1  }
.Ltmp33:
0x525: {  	v10 =	vld [tilespmem:$0x3140];
	(pc) =	sbr.rel @p0 .LBB2_56-.Ltmp33, $4  }
0x526: {  	v9 =	vld [tilespmem:$0x3150]  }
0x527: {  	v8 =	vld [tilespmem:$0x3160]  }
0x528: {  	v6 =	vld [tilespmem:$0x3180]  }
0x529: {  	v7 =	vld [tilespmem:$0x3170]  }
0x52a: {  	s3 =	simm.s32 $0x1  }
0x52b: {  	v19 =	vmov s3  }
0x52c: {  	v15 =	vimm.s32 $0x0;
	v17 =	vor.u32 $0x20, v0  }
0x52d: {  	v16 =	vor.u32 $0x70, v0;
	v18 =	vor.u32 $0x30, v0;
	v20 =	vimm.s32 $0x0  }
0x52e: {  	v21 =	vor.u32 $0x80, v0;
	v22 =	vor.u32 $0x40, v0;
	v23 =	vor.u32 $0x10, v0  }
0x52f: {  	v24 =	vor.u32 $0x50, v0;
	v26 =	vimm.s32 $0x0;
	v33 =	vimm.s32 $0x0  }
0x530: {  	s2 =	simm.s32 $0x0;
	v31 =	vimm.s32 $0x0;
	v28 =	vimm.s32 $0x0;
	v29 =	vimm.s32 $0x0;
	v25 =	vld.idx.msk [tilespmem:v19+s13+$0x0], $0xffff  }
0x531: {  	v27 =	vimm.s32 $0x0;
	v30 =	vimm.s32 $0x0;
	v37 =	vmov s2  }
0x532: {  	vm2 =	vlt.s32 v19, v17;
	vm0 =	vlt.s32 v19, v16;
	vm3 =	vlt.s32 v19, v18  }
0x533: {  	vm4 =	vlt.s32 v19, v21;
	vm5 =	vlt.s32 v19, v22;
	v20 =	vsel vm0, $0xFFFFFFFF, v20  }
0x534: {  	vm6 =	vlt.s32 v19, v0;
	vm7 =	vlt.s32 v19, v23;
	[tilespmem:$0x1FFA0] =	vst v20;
	v20 =	vor.u32 $0x60, v0  }
0x535: {  	vm1 =	vlt.s32 v19, v24;
	vm0 =	vlt.s32 v19, v20;
	vm8 =	veq.s32 v25, v14  }
0x536: {  	vm9 =	veq.s32 v25, v13;
	vm10 =	vgt.s32 v25, v14;
	vm11 =	vgt.s32 v25, v12  }
0x537: {  	vm12 =	veq.s32 v25, v8;
	vm13 =	veq.s32 v25, v11;
	vm14 =	vgt.s32 v25, v6  }
0x538: {  	vm15 =	vgt.s32 v25, v9;
	vm6 =	vmand vm6, vm8;
	vm8 =	veq.s32 v25, v12  }
0x539: {  	vm7 =	vmand vm7, vm9;
	vm9 =	veq.s32 v25, v9;
	vm0 =	vmand vm0, vm12  }
0x53a: {  	vm6 =	vmor vm10, vm6;
	vm2 =	vmand vm2, vm8;
	vm8 =	vgt.s32 v25, v10  }
0x53b: {  	vm10 =	veq.s32 v25, v10;
	vm12 =	vmand vm1, vm9;
	vm2 =	vmor vm11, vm2  }
0x53c: {  	vm11 =	vgt.s32 v25, v8;
	v19 =	vsel vm2, $0x1, v2;
	vm2 =	veq.s32 v25, v6  }
0x53d: {  	v38 =	vsel vm6, $0x1, v2;
	vm0 =	vmor vm11, vm0;
	vm4 =	vmand vm4, vm2  }
0x53e: {  	vm2 =	vmand vm3, vm13;
	vm3 =	vmand vm5, vm10;
	vm10 =	vgt.s32 v25, v13  }
0x53f: {  	vm5 =	vgt.s32 v25, v7;
	v34 =	vsel vm0, $0x1, v2;
	vm0 =	vlt.s32 v37, v0  }
0x540: {  	vm13 =	vlt.s32 v37, v23;
	vm4 =	vmor vm14, vm4;
	v26 =	vsel vm5, $0xFFFFFFFF, v26  }
0x541: {  	vm5 =	veq.s32 v25, v7;
	vm14 =	vgt.s32 v25, v11;
	[tilespmem:$0x1FFB0] =	vst v26;
	v26 =	vimm.s32 $0x0  }
0x542: {  	v25 =	vimm.s32 $0x0;
	v32 =	vsel vm4, $0x1, v2;
	v36 =	vld.idx.msk [tilespmem:v37+s13+$0x0], $0xffff;
	v26 =	vsel vm5, $0xFFFFFFFF, v26  }
0x543: {  	vm4 =	vmor vm10, vm7;
	vm10 =	vmor vm8, vm3;
	[tilespmem:$0x1FFC0] =	vst v26;
	v26 =	vimm.s32 $0x0  }
0x544: {  	vm3 =	vlt.s32 v37, v24;
	vm7 =	vlt.s32 v37, v22;
	v26 =	vsel vm4, $0xFFFFFFFF, v26  }
0x545: {  	vm8 =	vlt.s32 v37, v20;
	v35 =	vsel vm10, $0x1, v2;
	[tilespmem:$0x1FFD0] =	vst v26;
	v26 =	vimm.s32 $0x0  }
0x546: {  	p0 =	sgt.s32 s1, $0x2;
	vm10 =	vlt.s32 v37, v17;
	v26 =	vsel vm3, $0xFFFFFFFF, v26;
	vm3 =	vlt.s32 v37, v21  }
.Ltmp34:
0x547: {  	[tilespmem:$0x1FFE0] =	vst v26;
	v26 =	vimm.s32 $0x0;
	vm6 =	veq.s32 v36, v11;
	vm1 =	veq.s32 v36, v14;
	(pc) =	sbr.rel @!p0 .LBB2_66-.Ltmp34, $4  }
0x548: {  	vm9 =	vgt.s32 v36, v14;
	vm11 =	veq.s32 v36, v8;
	vm0 =	vmand vm0, vm1  }
0x549: {  	v26 =	vsel vm3, $0xFFFFFFFF, v26;
	vm1 =	veq.s32 v36, v13;
	vm0 =	vmor vm9, vm0  }
0x54a: {  	[tilespmem:$0x1FFF0] =	vst v26;
	vm13 =	vmand vm13, vm1;
	vm9 =	vlt.s32 v37, v18;
	v26 =	vimm.s32 $0x0  }
0x54b: {  	s2 =	simm.s32 $0x2;
	v39 =	vsel vm0, $0x1, v2;
	vm0 =	vmor vm14, vm2;
	vm14 =	vgt.s32 v36, v13  }
.LBB2_67:
0x54c: {  	v15 =	vadd.s32 v39, v15  }
0x54d: {  	vm2 =	vgt.s32 v36, v9;
	v59 =	vsel vm0, $0x1, v2;
	vm0 =	vgt.s32 v36, v12  }
0x54e: {  	v40 =	vimm.s32 $0x0;
	vm3 =	vlt.s32 v37, v16;
	v60 =	vimm.s32 $0x0  }
0x54f: {  	vm4 =	veq.s32 v36, v6;
	vm15 =	vmor vm15, vm12;
	vm12 =	vgt.s32 v36, v11  }
0x550: {  	vm5 =	veq.s32 v36, v10;
	vm13 =	vmor vm14, vm13;
	vm14 =	veq.s32 v36, v12  }
0x551: {  	v61 =	vld [tilespmem:$0x1FFA0];
	v40 =	vsel vm0, $0xFFFFFFFF, v40;
	v15 =	vadd.s32 v38, v15;
	vm0 =	vgt.s32 v36, v6  }
0x552: {  	v62 =	vld [tilespmem:$0x1FFC0];
	vm7 =	vmand vm7, vm5;
	vm5 =	vmand vm8, vm11;
	v63 =	vsel vm15, $0x1, v2  }
0x553: {  	s3 =	smov.u32 s2;
	v49 =	vld [tilespmem:$0x1FFB0];
	vm8 =	veq.s32 v36, v9;
	vm11 =	veq.s32 v36, v7;
	v41 =	vsel vm13, $0x1, v2  }
0x554: {  	s4 =	sadd.s32 $0x1, s3;
	v37 =	vsel vm0, $0xFFFFFFFF, v60;
	vm0 =	vmmov vm10;
	vm10 =	vmmov vm6  }
0x555: {  	v46 =	vld [tilespmem:$0x1FFD0];
	vm3 =	vmand vm3, vm11;
	v56 =	vmov s4;
	v26 =	vadd.s32 v41, v26  }
0x556: {  	v47 =	vld [tilespmem:$0x1FFE0];
	v60 =	vimm.s32 $0x0;
	vm9 =	vmand vm9, vm10;
	vm10 =	vgt.s32 v36, v10  }
0x557: {  	[tilespmem:$0x1FF70] =	vst v37;
	v37 =	vmov s3;
	vm7 =	vmor vm10, vm7;
	vm6 =	vnez.u8 v61  }
0x558: {  	v48 =	vld [tilespmem:$0x1FFF0];
	vm1 =	vnez.u8 v62;
	vm11 =	vnez.u8 v49;
	v51 =	vsel vm7, $0x1, v2  }
0x559: {  	[tilespmem:$0x1FF80] =	vst v40;
	v42 =	vld [tilespmem:$0x1FF70];
	vm7 =	vlt.s32 v56, v23;
	v61 =	vimm.s32 $0x0;
	v62 =	vimm.s32 $0x0  }
0x55a: {  	v52 =	vld [tilespmem:$0x1FF80];
	vm6 =	vmand vm6, vm1;
	vm1 =	vnez.u8 v46;
	v33 =	vadd.s32 v51, v33  }
0x55b: {  	v38 =	vsel vm1, $0x1, v2;
	vm1 =	vnez.u8 v47;
	vm6 =	vmor vm11, vm6  }
0x55c: {  	vm11 =	vgt.s32 v36, v7;
	v33 =	vadd.s32 v35, v33;
	vm8 =	vmand vm1, vm8  }
0x55d: {  	vm1 =	vnez.u8 v48;
	v50 =	vsel vm6, $0x1, v2;
	vm6 =	vmand vm0, vm14  }
0x55e: {  	v26 =	vadd.s32 v38, v26;
	vm4 =	vmand vm1, vm4;
	vm0 =	vnez.u8 v42  }
0x55f: {  	vm2 =	vmor vm2, vm8;
	vm1 =	vnez.u8 v52;
	vm0 =	vmor vm0, vm4  }
0x560: {  	v43 =	vsel vm2, $0x1, v2;
	vm2 =	vgt.s32 v36, v8;
	vm1 =	vmor vm1, vm6  }
0x561: {  	v58 =	vld.idx.msk [tilespmem:v56+s13+$0x0], $0xffff;
	vm4 =	vlt.s32 v56, v0;
	vm6 =	vlt.s32 v56, v24;
	v44 =	vsel vm0, $0x1, v2  }
0x562: {  	vm0 =	vmor vm12, vm9;
	v25 =	vadd.s32 v43, v25;
	v53 =	vsel vm1, $0x1, v2  }
0x563: {  	vm1 =	vmor vm11, vm3;
	vm3 =	vlt.s32 v56, v21;
	v25 =	vadd.s32 v63, v25  }
0x564: {  	v31 =	vadd.s32 v44, v31;
	v28 =	vadd.s32 v53, v28;
	v54 =	vsel vm0, $0x1, v2  }
0x565: {  	v55 =	vsel vm1, $0x1, v2;
	vm0 =	vmor vm2, vm5;
	vm5 =	vlt.s32 v56, v17  }
0x566: {  	vm1 =	vlt.s32 v56, v18;
	vm2 =	vlt.s32 v56, v20;
	vm8 =	veq.s32 v58, v14  }
0x567: {  	vm9 =	veq.s32 v58, v13;
	vm10 =	vgt.s32 v58, v12;
	vm11 =	vgt.s32 v58, v14  }
0x568: {  	vm12 =	veq.s32 v58, v6;
	vm13 =	veq.s32 v58, v11;
	vm14 =	vgt.s32 v58, v6  }
0x569: {  	v63 =	vimm.s32 $0x0;
	vm15 =	vgt.s32 v58, v9;
	v29 =	vadd.s32 v55, v29  }
0x56a: {  	v27 =	vadd.s32 v54, v27;
	v57 =	vsel vm0, $0x1, v2;
	v28 =	vadd.s32 v19, v28  }
0x56b: {  	v31 =	vadd.s32 v32, v31;
	vm0 =	vlt.s32 v56, v16;
	v19 =	vimm.s32 $0x0  }
0x56c: {  	vm4 =	vmand vm4, vm8;
	vm8 =	veq.s32 v58, v12;
	vm7 =	vmand vm7, vm9  }
0x56d: {  	vm9 =	veq.s32 v58, v9;
	vm3 =	vmand vm3, vm12;
	vm1 =	vmand vm1, vm13  }
0x56e: {  	vm12 =	vgt.s32 v58, v13;
	v30 =	vadd.s32 v57, v30;
	v27 =	vadd.s32 v59, v27  }
0x56f: {  	v36 =	vld.idx.msk [tilespmem:v37+s13+$0x0], $0xffff;
	v29 =	vadd.s32 v50, v29;
	v19 =	vsel vm0, $0xFFFFFFFF, v19;
	vm0 =	vlt.s32 v56, v22  }
0x570: {  	vm4 =	vmor vm11, vm4;
	vm5 =	vmand vm5, vm8;
	vm8 =	veq.s32 v58, v10  }
0x571: {  	vm11 =	veq.s32 v58, v8;
	vm3 =	vmor vm14, vm3;
	v59 =	vimm.s32 $0x0  }
0x572: {  	v30 =	vadd.s32 v34, v30;
	vm5 =	vmor vm10, vm5;
	vm10 =	vgt.s32 v58, v8  }
0x573: {  	vm8 =	vmand vm0, vm8;
	vm0 =	vgt.s32 v58, v7;
	vm2 =	vmand vm2, vm11  }
0x574: {  	v38 =	vsel vm4, $0x1, v2;
	vm4 =	vlt.s32 v37, v24;
	vm11 =	veq.s32 v36, v8  }
0x575: {  	[tilespmem:$0x1FFA0] =	vst v19;
	vm14 =	vgt.s32 v36, v13;
	v19 =	vsel vm5, $0x1, v2;
	vm5 =	vgt.s32 v58, v10  }
0x576: {  	v32 =	vsel vm0, $0xFFFFFFFF, v59;
	vm0 =	veq.s32 v58, v7;
	vm2 =	vmor vm10, vm2  }
0x577: {  	vm10 =	vlt.s32 v37, v17;
	[tilespmem:$0x1FFB0] =	vst v32;
	v32 =	vsel vm0, $0xFFFFFFFF, v60;
	vm0 =	vgt.s32 v58, v11  }
0x578: {  	[tilespmem:$0x1FFC0] =	vst v32;
	v32 =	vsel vm3, $0x1, v2;
	vm3 =	vmor vm12, vm7;
	vm7 =	vlt.s32 v37, v22  }
0x579: {  	s2 =	sadd.s32 $0x2, s2;
	vm12 =	vmand vm6, vm9;
	vm6 =	veq.s32 v36, v11;
	v34 =	vsel vm3, $0xFFFFFFFF, v61  }
0x57a: {  	p0 =	slt.s32 s2, s1;
	vm9 =	vlt.s32 v37, v18;
	[tilespmem:$0x1FFD0] =	vst v34;
	v34 =	vsel vm4, $0xFFFFFFFF, v62;
	vm4 =	vlt.s32 v37, v21  }
.Ltmp35:
0x57b: {  	vm0 =	vmor vm0, vm1;
	vm3 =	vmor vm5, vm8;
	[tilespmem:$0x1FFE0] =	vst v34;
	v34 =	vsel vm4, $0xFFFFFFFF, v63;
	(pc) =	sbr.rel @p0 .LBB2_67-.Ltmp35, $4  }
0x57c: {  	vm5 =	veq.s32 v36, v14;
	[tilespmem:$0x1FFF0] =	vst v34;
	v34 =	vsel vm2, $0x1, v2;
	vm2 =	vlt.s32 v37, v0  }
0x57d: {  	v35 =	vsel vm3, $0x1, v2;
	vm3 =	vgt.s32 v36, v14;
	vm2 =	vmand vm2, vm5  }
0x57e: {  	vm4 =	vlt.s32 v37, v23;
	vm5 =	veq.s32 v36, v13;
	vm2 =	vmor vm3, vm2  }
0x57f: {  	vm8 =	vlt.s32 v37, v20;
	vm13 =	vmand vm4, vm5;
	v39 =	vsel vm2, $0x1, v2  }
0x580: {  	v17 =	vimm.s32 $0x0  }
0x581: {  	v17 =	vsel vm6, $0xFFFFFFFF, v17  }
0x582: {  	[tilespmem:$0x1FF90] =	vst v17;
	v17 =	vld [tilespmem:$0x1FFC0];
	_ =	sdelay $0x4  }
0x583: {  	vm3 =	vnez.u8 v17;
	v17 =	vld [tilespmem:$0x1FFD0];
	_ =	sdelay $0x4  }
0x584: {  	vm5 =	vnez.u8 v17;
	v17 =	vld [tilespmem:$0x1FFA0];
	_ =	sdelay $0x4  }
0x585: {  	vm2 =	vnez.u8 v17  }
.LBB2_69:
0x586: {  	v18 =	vld [tilespmem:$0x1FFE0];
	_ =	sdelay $0x4  }
0x587: {  	vm6 =	vmor vm14, vm13;
	vm13 =	vnez.u8 v18;
	v18 =	vld [tilespmem:$0x1FFF0];
	_ =	sdelay $0x1  }
0x588: {  	v17 =	vsel vm0, $0x1, v2;
	vm1 =	vmor vm15, vm12;
	vm2 =	vmand vm2, vm3  }
0x589: {  	vm12 =	veq.s32 v36, v10;
	vm0 =	vmand vm8, vm11;
	vm4 =	vlt.s32 v37, v16  }
0x58a: {  	v20 =	vsel vm5, $0x1, v2;
	vm15 =	veq.s32 v36, v9;
	v15 =	vadd.s32 v39, v15  }
0x58b: {  	vm3 =	vmand vm7, vm12;
	v16 =	vsel vm1, $0x1, v2;
	vm14 =	vnez.u8 v18;
	v18 =	vld [tilespmem:$0x1FFB0]  }
0x58c: {  	vm1 =	veq.s32 v36, v6;
	vm12 =	veq.s32 v36, v7;
	v22 =	vsel vm6, $0x1, v2  }
0x58d: {  	v21 =	vadd.s32 v38, v15;
	vm4 =	vmand vm4, vm12;
	vm12 =	vgt.s32 v36, v9  }
0x58e: {  	v22 =	vadd.s32 v22, v26;
	vm5 =	vmand vm13, vm15;
	vm13 =	veq.s32 v36, v12  }
0x58f: {  	vm5 =	vmor vm12, vm5;
	vm1 =	vmand vm14, vm1;
	vm14 =	vgt.s32 v36, v6  }
0x590: {  	vm1 =	vmor vm14, vm1;
	vm14 =	vgt.s32 v36, v7;
	vm15 =	vnez.u8 v18;
	v18 =	vld [tilespmem:$0x1FF90]  }
0x591: {  	v23 =	vsel vm5, $0x1, v2;
	v24 =	vsel vm1, $0x1, v2;
	vm1 =	vmor vm14, vm4  }
0x592: {  	v15 =	vadd.s32 v23, v25;
	v61 =	vsel vm1, $0x1, v2;
	vm2 =	vmor vm15, vm2  }
0x593: {  	v63 =	vadd.s32 v61, v29;
	vm15 =	vgt.s32 v36, v10;
	v60 =	vsel vm2, $0x1, v2  }
0x594: {  	vm2 =	vmand vm10, vm13;
	vm3 =	vmor vm15, vm3;
	vm15 =	vgt.s32 v36, v8  }
0x595: {  	vm13 =	vgt.s32 v36, v11;
	vm0 =	vmor vm15, vm0;
	vm11 =	vnez.u8 v18  }
0x596: {  	v62 =	vsel vm0, $0x1, v2;
	v18 =	vsel vm3, $0x1, v2;
	vm7 =	vmand vm9, vm11  }
0x597: {  	vm11 =	vgt.s32 v36, v12;
	v25 =	vadd.s32 v18, v33;
	v18 =	vadd.s32 v16, v15  }
.Ltmp36:
0x598: {  	v15 =	vadd.s32 v24, v31;
	vm12 =	vmor vm11, vm2;
	vm2 =	vmor vm13, vm7;
	(pc) =	sbr.rel .LBB2_57-.Ltmp36, $4  }
0x599: {  	v24 =	vadd.s32 v20, v22;
	v40 =	vsel vm12, $0x1, v2;
	v41 =	vsel vm2, $0x1, v2  }
0x59a: {  	v20 =	vadd.s32 v35, v25;
	v16 =	vadd.s32 v40, v28;
	v26 =	vadd.s32 v41, v27  }
0x59b: {  	v27 =	vadd.s32 v62, v30;
	v23 =	vadd.s32 v19, v16;
	v16 =	vadd.s32 v32, v15  }
0x59c: {  	v22 =	vadd.s32 v17, v26;
	v17 =	vadd.s32 v60, v63;
	v19 =	vadd.s32 v34, v27  }
.LBB2_56:
0x59d: {  	v21 =	vimm.s32 $0x0;
	v24 =	vimm.s32 $0x0;
	v23 =	vimm.s32 $0x0  }
0x59e: {  	v22 =	vimm.s32 $0x0;
	v20 =	vimm.s32 $0x0;
	v18 =	vimm.s32 $0x0  }
0x59f: {  	v19 =	vimm.s32 $0x0;
	v17 =	vimm.s32 $0x0;
	v16 =	vimm.s32 $0x0  }
.LBB2_57:
0x5a0: {  	p0 =	sge.s32 s1, s0  }
.Ltmp37:
0x5a1: {  	_ = 	snop;
	(pc) =	sbr.rel @p0 .LBB2_60-.Ltmp37, $1  }
0x5a2: {  	_ =	sdelay $0x3  }
0x5a3: {  	s1 =	ssub.s32 s0, s1  }
0x5a4: {  	s1 =	ssub.s32 $0x0, s1  }
.LBB2_59:
0x5a5: {  	s2 =	sadd.s32 s1, s0  }
0x5a6: {  	v15 =	vmov s2;
	_ =	sdelay $0x4  }
0x5a7: {  	v25 =	vld.idx.msk [tilespmem:v15+s13+$0x0], $0xffff  }
0x5a8: {  	v26 =	vor.u32 $0x10, v0;
	v27 =	vor.u32 $0x20, v0  }
0x5a9: {  	v30 =	vor.u32 $0x40, v0;
	v59 =	vor.u32 $0x50, v0;
	v60 =	vor.u32 $0x60, v0  }
0x5aa: {  	v61 =	vor.u32 $0x70, v0;
	v62 =	vor.u32 $0x80, v0;
	vm1 =	vlt.s32 v15, v0  }
0x5ab: {  	vm11 =	vlt.s32 v15, v26;
	vm3 =	vlt.s32 v15, v27;
	v27 =	vor.u32 $0x30, v0  }
0x5ac: {  	vm5 =	vlt.s32 v15, v62;
	vm4 =	vlt.s32 v15, v27;
	vm0 =	veq.s32 v25, v14  }
0x5ad: {  	vm2 =	vgt.s32 v25, v14;
	vm10 =	veq.s32 v25, v13;
	vm12 =	vgt.s32 v25, v13  }
0x5ae: {  	vm13 =	vgt.s32 v25, v12;
	vm14 =	veq.s32 v25, v12;
	vm15 =	veq.s32 v25, v11  }
0x5af: {  	vm6 =	vgt.s32 v25, v11;
	vm8 =	vgt.s32 v25, v10;
	vm9 =	veq.s32 v25, v10  }
0x5b0: {  	vm0 =	vmand vm1, vm0;
	vm1 =	vmand vm11, vm10;
	vm10 =	vlt.s32 v15, v30  }
0x5b1: {  	vm11 =	vlt.s32 v15, v59;
	vm0 =	vmor vm2, vm0;
	vm2 =	vmand vm3, vm14  }
0x5b2: {  	vm3 =	vmand vm4, vm15;
	vm14 =	vlt.s32 v15, v61;
	vm15 =	vgt.s32 v25, v9  }
0x5b3: {  	v26 =	vsel vm0, $0x1, v2;
	vm0 =	vmor vm12, vm1;
	vm1 =	vmor vm13, vm2  }
0x5b4: {  	vm7 =	vmor vm6, vm3;
	vm12 =	vlt.s32 v15, v60;
	vm13 =	veq.s32 v25, v9  }
0x5b5: {  	v27 =	vsel vm0, $0x1, v2;
	v28 =	vsel vm1, $0x1, v2;
	v29 =	vsel vm7, $0x1, v2  }
0x5b6: {  	vm1 =	vmand vm10, vm9;
	vm2 =	vmand vm11, vm13;
	vm10 =	veq.s32 v25, v7  }
0x5b7: {  	vm11 =	vgt.s32 v25, v8;
	vm13 =	vgt.s32 v25, v7;
	v21 =	vadd.s32 v26, v21  }
0x5b8: {  	vm0 =	vmor vm8, vm1;
	vm7 =	vmor vm15, vm2;
	vm8 =	veq.s32 v25, v8  }
0x5b9: {  	s1 =	sadd.s32 $0x1, s1;
	vm1 =	vmand vm14, vm10;
	vm14 =	vgt.s32 v25, v6;
	v24 =	vadd.s32 v27, v24  }
0x5ba: {  	p0 =	seq.s32 s1, $0x0;
	v23 =	vadd.s32 v28, v23;
	v22 =	vadd.s32 v29, v22;
	v15 =	vsel vm0, $0x1, v2  }
.Ltmp38:
0x5bb: {  	v63 =	vsel vm7, $0x1, v2;
	vm9 =	vmand vm12, vm8;
	vm12 =	veq.s32 v25, v6;
	(pc) =	sbr.rel @!p0 .LBB2_59-.Ltmp38, $4  }
0x5bc: {  	vm1 =	vmor vm13, vm1;
	vm3 =	vmand vm5, vm12;
	vm0 =	vmor vm11, vm9  }
0x5bd: {  	v20 =	vadd.s32 v15, v20;
	v18 =	vadd.s32 v63, v18;
	vm15 =	vmor vm14, vm3  }
0x5be: {  	v25 =	vsel vm1, $0x1, v2;
	v15 =	vsel vm0, $0x1, v2;
	v26 =	vsel vm15, $0x1, v2  }
0x5bf: {  	v17 =	vadd.s32 v25, v17;
	v19 =	vadd.s32 v15, v19;
	v16 =	vadd.s32 v26, v16  }
.LBB2_60:
0x5c0: {  	v15 =	vmov s0  }
0x5c1: {  	vm0 =	vgt.s32 v15, v0;
	_ =	sdelay $0x5  }
0x5c2: {  	[tilespmem:v21+s9+$0x0] =	vst.idx.msk vm0, v14;
	v14 =	vor.u32 $0x10, v0  }
0x5c3: {  	v25 =	vld [tilespmem:$0x3200];
	vm1 =	vgt.s32 v15, v14;
	_ =	sdelay $0x4  }
0x5c4: {  	[tilespmem:v21+s10+$0x0] =	vst.idx.msk vm0, v25  }
0x5c5: {  	[tilespmem:v24+s9+$0x0] =	vst.idx.msk vm1, v13;
	v13 =	vor.u32 $0x20, v0  }
0x5c6: {  	v21 =	vld [tilespmem:$0x3210];
	vm9 =	vgt.s32 v15, v13;
	_ =	sdelay $0x4  }
0x5c7: {  	[tilespmem:v24+s10+$0x0] =	vst.idx.msk vm1, v21  }
0x5c8: {  	[tilespmem:v23+s9+$0x0] =	vst.idx.msk vm9, v12;
	v12 =	vor.u32 $0x30, v0  }
0x5c9: {  	v21 =	vld [tilespmem:$0x3220];
	vm10 =	vgt.s32 v15, v12;
	_ =	sdelay $0x4  }
0x5ca: {  	[tilespmem:v23+s10+$0x0] =	vst.idx.msk vm9, v21  }
0x5cb: {  	[tilespmem:v22+s9+$0x0] =	vst.idx.msk vm10, v11;
	v11 =	vor.u32 $0x40, v0  }
0x5cc: {  	v21 =	vld [tilespmem:$0x3230];
	vm11 =	vgt.s32 v15, v11;
	_ =	sdelay $0x4  }
0x5cd: {  	[tilespmem:v22+s10+$0x0] =	vst.idx.msk vm10, v21  }
0x5ce: {  	[tilespmem:v20+s9+$0x0] =	vst.idx.msk vm11, v10;
	v10 =	vor.u32 $0x50, v0  }
0x5cf: {  	v21 =	vld [tilespmem:$0x3240];
	vm12 =	vgt.s32 v15, v10;
	_ =	sdelay $0x4  }
0x5d0: {  	[tilespmem:v20+s10+$0x0] =	vst.idx.msk vm11, v21  }
0x5d1: {  	[tilespmem:v18+s9+$0x0] =	vst.idx.msk vm12, v9;
	v9 =	vor.u32 $0x60, v0  }
0x5d2: {  	v20 =	vld [tilespmem:$0x3250];
	vm13 =	vgt.s32 v15, v9;
	_ =	sdelay $0x4  }
0x5d3: {  	[tilespmem:v18+s10+$0x0] =	vst.idx.msk vm12, v20  }
0x5d4: {  	[tilespmem:v19+s9+$0x0] =	vst.idx.msk vm13, v8;
	v8 =	vor.u32 $0x70, v0  }
0x5d5: {  	v18 =	vld [tilespmem:$0x3260];
	vm14 =	vgt.s32 v15, v8;
	_ =	sdelay $0x2  }
0x5d6: {  	p0 =	sgt.s32 @!p3 s25, $0x100  }
0x5d7: {  	p0 =	por p3, p0  }
0x5d8: {  	s0 =	sadd.s32 @!p0 $0x8000000F, s5;
	[tilespmem:v19+s10+$0x0] =	vst.idx.msk vm13, v18  }
0x5d9: {  	s1 =	sand.u32 @!p0 $0xF, s0;
	[tilespmem:v17+s9+$0x0] =	vst.idx.msk vm14, v7;
	v7 =	vor.u32 $0x80, v0  }
0x5da: {  	p1 =	slt.s32 @!p0 s0, $0x1;
	p2 =	sne.s32 @!p0 s1, $0x0;
	v18 =	vld [tilespmem:$0x3270];
	vm15 =	vgt.s32 v15, v7  }
0x5db: {  	s1 =	sshra.s32 @!p0 s0, $0x1F;
	p1 =	por @!p0 !p1, !p2  }
0x5dc: {  	s1 =	sshrl.u32 @!p0 s1, $0x1C;
	p1 =	por @!p0 !p1, !p1  }
0x5dd: {  	s0 =	sadd.s32 @!p0 s1, s0;
	s1 =	simm.s32 @!p0 $0x1;
	p1 =	por !p1, p0  }
0x5de: {  	s0 =	sshra.s32 @!p0 s0, $0x4;
	s1 =	simm.s32 @p1 $0x0  }
0x5df: {  	s0 =	ssub.s32 @!p0 s0, s1;
	[tilespmem:v17+s10+$0x0] =	vst.idx.msk vm14, v18  }
0x5e0: {  	p1 =	slt.s32 @!p0 s0, $0x1;
	[tilespmem:v16+s9+$0x0] =	vst.idx.msk vm15, v6  }
0x5e1: {  	p0 =	por p0, p1;
	v6 =	vld [tilespmem:$0x3280]  }
.Ltmp39:
0x5e2: {  	_ = 	snop;
	(pc) =	sbr.rel @p0 .LBB2_78-.Ltmp39, $2  }
0x5e3: {  	_ =	sdelay $0x2  }
0x5e4: {  	[tilespmem:v16+s10+$0x0] =	vst.idx.msk vm15, v6  }
.Ltmp40:
0x5e5: {  	(pc) =	sbr.rel .LBB2_62-.Ltmp40, $2  }
0x5e6: {  	_ =	sdelay $0x2  }
0x5e7: {  	v6 =	vmov s25;
	v7 =	vmov s19;
	v16 =	vmov s24;
	s1 =	simm.s32 $0x0;
	p0 =	slt.s32 s25, $0x1;
	s2 =	simm.s32 $0x0  }
.LBB2_64:
0x5e8: {  	v20 =	vmov v24;
	v21 =	vimm.s32 $0x0  }
.LBB2_76:
0x5e9: {  	_ =	sdelay $0x3  }
0x5ea: {  	v22 =	vld.idx.msk [tilespmem:v20+s15+$0x0], $0xffff;
	_ =	sdelay $0x1  }
0x5eb: {  	vm0 =	vlt.s32 @p1 v24, v19;
	vm1 =	veq.s32 @p1 v25, v17;
	v24 =	vmov @p1 v25  }
0x5ec: {  	vm0 =	vmand @p1 vm0, vm1;
	vm1 =	vgt.s32 @p1 v24, v17  }
0x5ed: {  	v21 =	vadd.s32 @p2 v23, v21;
	vm15 =	vlt.s32 v20, v19;
	vm0 =	vmor @p1 vm1, vm0  }
0x5ee: {  	v21 =	vpsel p2, v21, v18;
	v23 =	vsel @p1 vm0, $0x1, v2;
	vm14 =	veq.s32 v22, v17  }
0x5ef: {  	v20 =	vpsel p1, v23, v0;
	vm2 =	vgt.s32 v22, v17;
	vm0 =	vmand vm15, vm14  }
0x5f0: {  	v20 =	vadd.s32 @p1 v20, v21;
	vm0 =	vmor vm2, vm0  }
0x5f1: {  	v18 =	vpsel p1, v20, v18;
	v63 =	vsel vm0, $0x1, v2  }
0x5f2: {  	v18 =	vadd.s32 v63, v18  }
.LBB2_77:
0x5f3: {  	vm0 =	vlt.s32 v19, v6;
	vm1 =	vlt.s32 v18, v7  }
0x5f4: {  	vm0 =	vmand vm0, vm1  }
0x5f5: {  	v18 =	vadd.s32 v16, v18;
	_ =	sdelay $0x4  }
0x5f6: {  	s2 =	sadd.s32 $0x1, s2;
	[tilespmem:v18+s9+$0x0] =	vst.idx.msk vm0, v17  }
0x5f7: {  	p1 =	sne.s32 s2, s0;
	v17 =	vld [tilespmem:s3+$0x3480]  }
.Ltmp41:
0x5f8: {  	_ = 	snop;
	(pc) =	sbr.rel @!p1 .LBB2_78-.Ltmp41, $2  }
0x5f9: {  	_ =	sdelay $0x2  }
0x5fa: {  	[tilespmem:v18+s10+$0x0] =	vst.idx.msk vm0, v17  }
.LBB2_62:
.Ltmp42:
0x5fb: {  	(pc) =	sbr.rel @p0 .LBB2_77-.Ltmp42, $4  }
0x5fc: {  	_ = 	snop  }
0x5fd: {  	s3 =	sshll.u32 s2, $0x4  }
0x5fe: {  	v17 =	vld [tilespmem:s3+$0x3300]  }
0x5ff: {  	v18 =	vimm.s32 $0x0;
	v19 =	vor.u32 s3, v0  }
0x600: {  	p3 =	sne.s32 s25, $0x1  }
.Ltmp43:
0x601: {  	_ = 	snop;
	(pc) =	sbr.rel @!p3 .LBB2_64-.Ltmp43, $2  }
0x602: {  	_ =	sdelay $0x2  }
0x603: {  	s4 =	simm.s32 $0x1;
	v24 =	vmov s1;
	p1 =	por $0x0, $0x0;
	p2 =	por $0x0, $0x0  }
0x604: {  	p3 =	sne.s32 s25, $0x2  }
.Ltmp44:
0x605: {  	_ = 	snop;
	(pc) =	sbr.rel @!p3 .LBB2_71-.Ltmp44, $2  }
0x606: {  	_ =	sdelay $0x2  }
0x607: {  	s5 =	simm.s32 $0x2;
	v25 =	vld.idx.msk [tilespmem:v24+s15+$0x0], $0xffff;
	v22 =	vmov s4;
	p1 =	por $0x1, $0x1  }
0x608: {  	_ =	sdelay $0x1  }
0x609: {  	p3 =	sne.s32 s25, $0x3  }
.Ltmp45:
0x60a: {  	_ = 	snop;
	(pc) =	sbr.rel @!p3 .LBB2_73-.Ltmp45, $4  }
0x60b: {  	vm1 =	vlt.s32 v24, v19;
	vm0 =	veq.s32 v25, v17  }
0x60c: {  	vm2 =	vgt.s32 v25, v17;
	vm0 =	vmand vm1, vm0  }
0x60d: {  	v24 =	vld.idx.msk [tilespmem:v22+s15+$0x0], $0xffff;
	v20 =	vmov s5;
	vm0 =	vmor vm2, vm0  }
0x60e: {  	s4 =	simm.s32 $0x3;
	p2 =	por $0x1, $0x1;
	v21 =	vimm.s32 $0x0;
	v23 =	vsel vm0, $0x1, v2  }
.LBB2_74:
0x60f: {  	s5 =	smov.u32 s4;
	s4 =	sadd.s32 $0x1, s4  }
0x610: {  	v21 =	vadd.s32 v23, v21;
	p3 =	sne.s32 s25, s4  }
.Ltmp46:
0x611: {  	(pc) =	sbr.rel @p3 .LBB2_74-.Ltmp46, $4  }
0x612: {  	vm1 =	vlt.s32 v22, v19;
	v22 =	vmovc v20;
	vm0 =	veq.s32 v24, v17;
	v23 =	vmov v24;
	v24 =	vld.idx.msk [tilespmem:v20+s15+$0x0], $0xffff  }
0x613: {  	v20 =	vmov s5;
	vm2 =	vgt.s32 v23, v17;
	vm0 =	vmand vm1, vm0  }
0x614: {  	vm0 =	vmor vm2, vm0  }
0x615: {  	v23 =	vsel vm0, $0x1, v2  }
.Ltmp47:
0x616: {  	(pc) =	sbr.rel .LBB2_76-.Ltmp47, $2  }
0x617: {  	_ =	sdelay $0x2  }
0x618: {  	v25 =	vmov v24;
	v24 =	vmov v22  }
.LBB2_71:
.Ltmp48:
0x619: {  	(pc) =	sbr.rel .LBB2_76-.Ltmp48, $2  }
0x61a: {  	_ =	sdelay $0x2  }
0x61b: {  	v21 =	vimm.s32 $0x0;
	v20 =	vmov v22  }
.LBB2_73:
.Ltmp49:
0x61c: {  	(pc) =	sbr.rel .LBB2_76-.Ltmp49, $2  }
0x61d: {  	_ =	sdelay $0x2  }
0x61e: {  	v21 =	vimm.s32 $0x0;
	v25 =	vmov v24;
	v24 =	vmov v22  }
.LBB2_21:
0x61f: {  	p0 =	por $0x0, $0x0  }
0x620: {  	s0 =	simm.s32 @!p0 $0x0  }
0x621: {  	s0 =	simm.s32 @p0 $0x1;
	p0 =	por $0x0, $0x0  }
0x622: {  	[smem:$0x7EB] =	sst s0;
	s0 =	simm.s32 @!p0 $0x0  }
0x623: {  	s0 =	simm.s32 @p0 $0x1;
	p0 =	por $0x0, $0x0  }
0x624: {  	[smem:$0x7EC] =	sst s0;
	s0 =	simm.s32 @!p0 $0x0  }
0x625: {  	s0 =	simm.s32 @p0 $0x1;
	p0 =	por $0x0, $0x0  }
0x626: {  	[smem:$0x7ED] =	sst s0;
	s0 =	simm.s32 @!p0 $0x0  }
0x627: {  	s0 =	simm.s32 @p0 $0x1;
	p0 =	por $0x0, $0x0  }
0x628: {  	[smem:$0x7EE] =	sst s0;
	s0 =	simm.s32 @!p0 $0x0  }
0x629: {  	s0 =	simm.s32 @p0 $0x1;
	p0 =	por $0x0, $0x0  }
0x62a: {  	[smem:$0x7EF] =	sst s0;
	s0 =	simm.s32 @!p0 $0x0  }
0x62b: {  	s0 =	simm.s32 @p0 $0x1;
	p0 =	por $0x0, $0x0  }
0x62c: {  	[smem:$0x7F0] =	sst s0;
	s0 =	simm.s32 @!p0 $0x0  }
0x62d: {  	s0 =	simm.s32 @p0 $0x1;
	p0 =	por $0x0, $0x0  }
0x62e: {  	[smem:$0x7F1] =	sst s0;
	s0 =	simm.s32 @!p0 $0x0  }
0x62f: {  	s0 =	simm.s32 @p0 $0x1  }
0x630: {  	[smem:$0x7F2] =	sst s0  }
0x631: {  	_ = 	snop  }
0x632: {  	_ = 	snop  }
0x633: {  	_ = 	snop  }
0x634: {  	_ = 	snop  }
0x635: {  	_ = 	snop  }
0x636: {  	_ = 	snop  }
0x637: {  	_ = 	snop  }
0x638: {  	_ = 	snop  }
0x639: {  	_ = 	snop  }
0x63a: {  	_ = 	snop  }
0x63b: {  	_ = 	snop  }
.Ltmp50:
0x63c: {  	(pc) =	sbr.rel .LBB2_44-.Ltmp50, $4  }
0x63d: {  	_ = 	snop  }
0x63e: {  	s8 =	simm.s32 $0x0;
	s23 =	simm.s32 $0x800000F0  }
0x63f: {  	s9 =	simm.s32 $0xFFFFFFFF;
	s11 =	simm.s32 $0x0;
	s31 =	simm.s32 $0xFFFFFFFF  }
0x640: {  	s21 =	simm.s32 $0x30F0;
	s18 =	simm.s32 $0xFFFFFFFF;
	[smem:$0x7F3] =	sst s31  }
.LBB2_23:
0x641: {  	p0 =	por $0x0, $0x0  }
0x642: {  	s0 =	simm.s32 @!p0 $0x0  }
0x643: {  	s0 =	simm.s32 @p0 $0x1;
	p0 =	por $0x0, $0x0  }
0x644: {  	[smem:$0x7EB] =	sst s0;
	s0 =	simm.s32 @!p0 $0x0  }
0x645: {  	s0 =	simm.s32 @p0 $0x1;
	p0 =	por $0x0, $0x0  }
0x646: {  	[smem:$0x7EC] =	sst s0;
	s0 =	simm.s32 @!p0 $0x0  }
0x647: {  	s0 =	simm.s32 @p0 $0x1;
	p0 =	por $0x0, $0x0  }
0x648: {  	[smem:$0x7ED] =	sst s0;
	s0 =	simm.s32 @!p0 $0x0  }
0x649: {  	s0 =	simm.s32 @p0 $0x1;
	p0 =	por $0x0, $0x0  }
0x64a: {  	[smem:$0x7EE] =	sst s0;
	s0 =	simm.s32 @!p0 $0x0  }
0x64b: {  	s0 =	simm.s32 @p0 $0x1;
	p0 =	por $0x1, $0x1  }
0x64c: {  	[smem:$0x7EF] =	sst s0;
	s0 =	simm.s32 @!p0 $0x0  }
0x64d: {  	s0 =	simm.s32 @p0 $0x1;
	p0 =	por $0x0, $0x0  }
0x64e: {  	[smem:$0x7F0] =	sst s0;
	s0 =	simm.s32 @!p0 $0x0  }
0x64f: {  	s0 =	simm.s32 @p0 $0x1;
	p0 =	por $0x0, $0x0  }
0x650: {  	[smem:$0x7F1] =	sst s0;
	s0 =	simm.s32 @!p0 $0x0  }
0x651: {  	s0 =	simm.s32 @p0 $0x1  }
0x652: {  	[smem:$0x7F2] =	sst s0  }
0x653: {  	_ = 	snop  }
0x654: {  	_ = 	snop  }
0x655: {  	_ = 	snop  }
0x656: {  	_ = 	snop  }
0x657: {  	_ = 	snop  }
0x658: {  	_ = 	snop  }
0x659: {  	_ = 	snop  }
0x65a: {  	_ = 	snop  }
0x65b: {  	_ = 	snop  }
0x65c: {  	_ = 	snop  }
0x65d: {  	_ = 	snop  }
.Ltmp51:
0x65e: {  	(pc) =	sbr.rel .LBB2_44-.Ltmp51, $4  }
0x65f: {  	_ = 	snop  }
0x660: {  	s8 =	simm.s32 $0x0;
	s3 =	simm.s32 $0x800000F0;
	s23 =	simm.s32 $0x800000E0  }
0x661: {  	s9 =	simm.s32 $0xFFFFFFFF;
	s11 =	simm.s32 $0x0;
	s31 =	simm.s32 $0xFFFFFFFF  }
0x662: {  	s21 =	simm.s32 $0x30F0;
	s18 =	simm.s32 $0xFFFFFFFF;
	[smem:$0x7F3] =	sst s31  }
.LBB2_25:
0x663: {  	p0 =	por $0x0, $0x0  }
0x664: {  	s0 =	simm.s32 @!p0 $0x0  }
0x665: {  	s0 =	simm.s32 @p0 $0x1;
	p0 =	por $0x0, $0x0  }
0x666: {  	[smem:$0x7EB] =	sst s0;
	s0 =	simm.s32 @!p0 $0x0  }
0x667: {  	s0 =	simm.s32 @p0 $0x1;
	p0 =	por $0x0, $0x0  }
0x668: {  	[smem:$0x7EC] =	sst s0;
	s0 =	simm.s32 @!p0 $0x0  }
0x669: {  	s0 =	simm.s32 @p0 $0x1;
	p0 =	por $0x0, $0x0  }
0x66a: {  	[smem:$0x7ED] =	sst s0;
	s0 =	simm.s32 @!p0 $0x0  }
0x66b: {  	s0 =	simm.s32 @p0 $0x1;
	p0 =	por $0x0, $0x0  }
0x66c: {  	[smem:$0x7EE] =	sst s0;
	s0 =	simm.s32 @!p0 $0x0  }
0x66d: {  	s0 =	simm.s32 @p0 $0x1;
	p0 =	por $0x1, $0x1  }
0x66e: {  	[smem:$0x7EF] =	sst s0;
	s0 =	simm.s32 @!p0 $0x0  }
0x66f: {  	s0 =	simm.s32 @p0 $0x1;
	p0 =	por $0x1, $0x1  }
0x670: {  	[smem:$0x7F0] =	sst s0;
	s0 =	simm.s32 @!p0 $0x0  }
0x671: {  	s0 =	simm.s32 @p0 $0x1;
	p0 =	por $0x0, $0x0  }
0x672: {  	[smem:$0x7F1] =	sst s0;
	s0 =	simm.s32 @!p0 $0x0  }
0x673: {  	s0 =	simm.s32 @p0 $0x1  }
0x674: {  	[smem:$0x7F2] =	sst s0  }
0x675: {  	_ = 	snop  }
0x676: {  	_ = 	snop  }
0x677: {  	_ = 	snop  }
0x678: {  	_ = 	snop  }
0x679: {  	_ = 	snop  }
0x67a: {  	_ = 	snop  }
0x67b: {  	_ = 	snop  }
0x67c: {  	_ = 	snop  }
0x67d: {  	_ = 	snop  }
0x67e: {  	_ = 	snop  }
.Ltmp52:
0x67f: {  	(pc) =	sbr.rel .LBB2_44-.Ltmp52, $4  }
0x680: {  	s8 =	simm.s32 $0x0;
	s30 =	simm.s32 $0x800000F0  }
0x681: {  	s3 =	simm.s32 $0x800000E0;
	s23 =	simm.s32 $0x800000D0;
	s9 =	simm.s32 $0xFFFFFFFF  }
0x682: {  	s11 =	simm.s32 $0x0;
	s31 =	simm.s32 $0xFFFFFFFF;
	[dreg:$0x1f] =	wrdreg s30  }
0x683: {  	s21 =	simm.s32 $0x30F0;
	s18 =	simm.s32 $0xFFFFFFFF;
	[smem:$0x7F3] =	sst s31;
	v14 =	vmov v9  }
.LBB2_27:
0x684: {  	p0 =	por $0x0, $0x0  }
0x685: {  	s0 =	simm.s32 @!p0 $0x0  }
0x686: {  	s0 =	simm.s32 @p0 $0x1;
	p0 =	por $0x0, $0x0  }
0x687: {  	[smem:$0x7EB] =	sst s0;
	s0 =	simm.s32 @!p0 $0x0  }
0x688: {  	s0 =	simm.s32 @p0 $0x1;
	p0 =	por $0x0, $0x0  }
0x689: {  	[smem:$0x7EC] =	sst s0;
	s0 =	simm.s32 @!p0 $0x0  }
0x68a: {  	s0 =	simm.s32 @p0 $0x1;
	p0 =	por $0x0, $0x0  }
0x68b: {  	[smem:$0x7ED] =	sst s0;
	s0 =	simm.s32 @!p0 $0x0  }
0x68c: {  	s0 =	simm.s32 @p0 $0x1;
	p0 =	por $0x0, $0x0  }
0x68d: {  	[smem:$0x7EE] =	sst s0;
	s0 =	simm.s32 @!p0 $0x0  }
0x68e: {  	s0 =	simm.s32 @p0 $0x1;
	p0 =	por $0x1, $0x1  }
0x68f: {  	[smem:$0x7EF] =	sst s0;
	s0 =	simm.s32 @!p0 $0x0  }
0x690: {  	s0 =	simm.s32 @p0 $0x1;
	p0 =	por $0x1, $0x1  }
0x691: {  	[smem:$0x7F0] =	sst s0;
	s0 =	simm.s32 @!p0 $0x0  }
0x692: {  	s0 =	simm.s32 @p0 $0x1;
	p0 =	por $0x0, $0x0  }
0x693: {  	[smem:$0x7F1] =	sst s0;
	s0 =	simm.s32 @!p0 $0x0  }
0x694: {  	s0 =	simm.s32 @p0 $0x1  }
0x695: {  	[smem:$0x7F2] =	sst s0  }
0x696: {  	_ = 	snop  }
0x697: {  	_ = 	snop  }
0x698: {  	_ = 	snop  }
0x699: {  	_ = 	snop  }
0x69a: {  	_ = 	snop  }
0x69b: {  	_ = 	snop  }
0x69c: {  	_ = 	snop  }
0x69d: {  	_ = 	snop  }
0x69e: {  	_ = 	snop  }
0x69f: {  	_ = 	snop  }
.Ltmp53:
0x6a0: {  	(pc) =	sbr.rel .LBB2_44-.Ltmp53, $4  }
0x6a1: {  	s22 =	simm.s32 $0x800000F0;
	s30 =	simm.s32 $0x800000E0  }
0x6a2: {  	s8 =	simm.s32 $0x0;
	s3 =	simm.s32 $0x800000D0;
	s23 =	simm.s32 $0x800000C0  }
0x6a3: {  	s9 =	simm.s32 $0xFFFFFFFF;
	s31 =	simm.s32 $0xFFFFFFFF;
	[dreg:$0x1f] =	wrdreg s30  }
0x6a4: {  	v19 =	vmov v9;
	s11 =	simm.s32 $0x0;
	s18 =	simm.s32 $0xFFFFFFFF;
	[smem:$0x7F3] =	sst s31;
	v14 =	vmov v8  }
.LBB2_29:
0x6a5: {  	p0 =	por $0x0, $0x0  }
0x6a6: {  	s0 =	simm.s32 @!p0 $0x0  }
0x6a7: {  	s0 =	simm.s32 @p0 $0x1;
	p0 =	por $0x0, $0x0  }
0x6a8: {  	[smem:$0x7EB] =	sst s0;
	s0 =	simm.s32 @!p0 $0x0  }
0x6a9: {  	s0 =	simm.s32 @p0 $0x1;
	p0 =	por $0x0, $0x0  }
0x6aa: {  	[smem:$0x7EC] =	sst s0;
	s0 =	simm.s32 @!p0 $0x0  }
0x6ab: {  	s0 =	simm.s32 @p0 $0x1;
	p0 =	por $0x0, $0x0  }
0x6ac: {  	[smem:$0x7ED] =	sst s0;
	s0 =	simm.s32 @!p0 $0x0  }
0x6ad: {  	s0 =	simm.s32 @p0 $0x1;
	p0 =	por $0x0, $0x0  }
0x6ae: {  	[smem:$0x7EE] =	sst s0;
	s0 =	simm.s32 @!p0 $0x0  }
0x6af: {  	s0 =	simm.s32 @p0 $0x1;
	p0 =	por $0x1, $0x1  }
0x6b0: {  	[smem:$0x7EF] =	sst s0;
	s0 =	simm.s32 @!p0 $0x0  }
0x6b1: {  	s0 =	simm.s32 @p0 $0x1;
	p0 =	por $0x1, $0x1  }
0x6b2: {  	[smem:$0x7F0] =	sst s0;
	s0 =	simm.s32 @!p0 $0x0  }
0x6b3: {  	s0 =	simm.s32 @p0 $0x1;
	p0 =	por $0x1, $0x1  }
0x6b4: {  	[smem:$0x7F1] =	sst s0;
	s0 =	simm.s32 @!p0 $0x0  }
0x6b5: {  	s0 =	simm.s32 @p0 $0x1  }
0x6b6: {  	[smem:$0x7F2] =	sst s0  }
0x6b7: {  	_ = 	snop  }
0x6b8: {  	_ = 	snop  }
0x6b9: {  	_ = 	snop  }
0x6ba: {  	_ = 	snop  }
0x6bb: {  	_ = 	snop  }
0x6bc: {  	_ = 	snop  }
0x6bd: {  	_ = 	snop  }
0x6be: {  	_ = 	snop  }
0x6bf: {  	_ = 	snop  }
0x6c0: {  	_ = 	snop  }
.Ltmp54:
0x6c1: {  	s10 =	simm.s32 $0x800000F0;
	(pc) =	sbr.rel .LBB2_44-.Ltmp54, $4  }
0x6c2: {  	s22 =	simm.s32 $0x800000E0;
	s30 =	simm.s32 $0x800000D0  }
0x6c3: {  	s8 =	simm.s32 $0x0;
	s3 =	simm.s32 $0x800000C0;
	s23 =	simm.s32 $0x800000B0  }
0x6c4: {  	s9 =	simm.s32 $0xFFFFFFFF;
	s31 =	simm.s32 $0xFFFFFFFF;
	[dreg:$0x1f] =	wrdreg s30  }
0x6c5: {  	v12 =	vmov v9;
	v19 =	vmov v8;
	s11 =	simm.s32 $0x0;
	s18 =	simm.s32 $0xFFFFFFFF;
	[smem:$0x7F3] =	sst s31;
	v14 =	vmov v10  }
.LBB2_31:
0x6c6: {  	p0 =	por $0x0, $0x0  }
0x6c7: {  	s0 =	simm.s32 @!p0 $0x0  }
0x6c8: {  	s0 =	simm.s32 @p0 $0x1;
	p0 =	por $0x0, $0x0  }
0x6c9: {  	[smem:$0x7EB] =	sst s0;
	s0 =	simm.s32 @!p0 $0x0  }
0x6ca: {  	s0 =	simm.s32 @p0 $0x1;
	p0 =	por $0x0, $0x0  }
0x6cb: {  	[smem:$0x7EC] =	sst s0;
	s0 =	simm.s32 @!p0 $0x0  }
0x6cc: {  	s0 =	simm.s32 @p0 $0x1;
	p0 =	por $0x0, $0x0  }
0x6cd: {  	[smem:$0x7ED] =	sst s0;
	s0 =	simm.s32 @!p0 $0x0  }
0x6ce: {  	s0 =	simm.s32 @p0 $0x1;
	p0 =	por $0x1, $0x1  }
0x6cf: {  	[smem:$0x7EE] =	sst s0;
	s0 =	simm.s32 @!p0 $0x0  }
0x6d0: {  	s0 =	simm.s32 @p0 $0x1;
	p0 =	por $0x1, $0x1  }
0x6d1: {  	[smem:$0x7EF] =	sst s0;
	s0 =	simm.s32 @!p0 $0x0  }
0x6d2: {  	s0 =	simm.s32 @p0 $0x1;
	p0 =	por $0x1, $0x1  }
0x6d3: {  	[smem:$0x7F0] =	sst s0;
	s0 =	simm.s32 @!p0 $0x0  }
0x6d4: {  	s0 =	simm.s32 @p0 $0x1;
	p0 =	por $0x1, $0x1  }
0x6d5: {  	[smem:$0x7F1] =	sst s0;
	s0 =	simm.s32 @!p0 $0x0  }
0x6d6: {  	s0 =	simm.s32 @p0 $0x1  }
0x6d7: {  	[smem:$0x7F2] =	sst s0  }
0x6d8: {  	_ = 	snop  }
0x6d9: {  	_ = 	snop  }
0x6da: {  	_ = 	snop  }
0x6db: {  	_ = 	snop  }
0x6dc: {  	_ = 	snop  }
0x6dd: {  	_ = 	snop  }
0x6de: {  	_ = 	snop  }
0x6df: {  	_ = 	snop  }
0x6e0: {  	_ = 	snop  }
0x6e1: {  	s10 =	simm.s32 $0x800000E0  }
.Ltmp55:
0x6e2: {  	s22 =	simm.s32 $0x800000D0;
	(pc) =	sbr.rel .LBB2_44-.Ltmp55, $4  }
0x6e3: {  	s30 =	simm.s32 $0x800000C0;
	s8 =	simm.s32 $0x0;
	s3 =	simm.s32 $0x800000B0  }
0x6e4: {  	s23 =	simm.s32 $0x800000A0;
	s9 =	simm.s32 $0xFFFFFFFF;
	s11 =	simm.s32 $0x0  }
0x6e5: {  	s26 =	simm.s32 $0x0;
	s31 =	simm.s32 $0xFFFFFFFF;
	[dreg:$0x1f] =	wrdreg s30  }
0x6e6: {  	v12 =	vmovc v8;
	v18 =	vmov v9;
	v19 =	vmov v10;
	s5 =	simm.s32 $0x800000F0;
	s18 =	simm.s32 $0xFFFFFFFF;
	[smem:$0x7F3] =	sst s31;
	v14 =	vmov v11  }
.LBB2_33:
0x6e7: {  	s0 =	simm.s32 $0x800000F0;
	p0 =	por $0x0, $0x0  }
0x6e8: {  	[dreg:$0x17] =	wrdreg s0;
	s0 =	simm.s32 @!p0 $0x0  }
0x6e9: {  	s0 =	simm.s32 @p0 $0x1;
	p0 =	por $0x0, $0x0  }
0x6ea: {  	[smem:$0x7EB] =	sst s0;
	s0 =	simm.s32 @!p0 $0x0  }
0x6eb: {  	s0 =	simm.s32 @p0 $0x1;
	p0 =	por $0x0, $0x0  }
0x6ec: {  	[smem:$0x7EC] =	sst s0;
	s0 =	simm.s32 @!p0 $0x0  }
0x6ed: {  	s0 =	simm.s32 @p0 $0x1;
	p0 =	por $0x0, $0x0  }
0x6ee: {  	[smem:$0x7ED] =	sst s0;
	s0 =	simm.s32 @!p0 $0x0  }
0x6ef: {  	s0 =	simm.s32 @p0 $0x1;
	p0 =	por $0x1, $0x1  }
0x6f0: {  	[smem:$0x7EE] =	sst s0;
	s0 =	simm.s32 @!p0 $0x0  }
0x6f1: {  	s0 =	simm.s32 @p0 $0x1;
	p0 =	por $0x1, $0x1  }
0x6f2: {  	[smem:$0x7EF] =	sst s0;
	s0 =	simm.s32 @!p0 $0x0  }
0x6f3: {  	s0 =	simm.s32 @p0 $0x1;
	p0 =	por $0x1, $0x1  }
0x6f4: {  	[smem:$0x7F0] =	sst s0;
	s0 =	simm.s32 @!p0 $0x0  }
0x6f5: {  	s0 =	simm.s32 @p0 $0x1;
	p0 =	por $0x1, $0x1  }
0x6f6: {  	[smem:$0x7F1] =	sst s0;
	s0 =	simm.s32 @!p0 $0x0  }
0x6f7: {  	s0 =	simm.s32 @p0 $0x1  }
0x6f8: {  	[smem:$0x7F2] =	sst s0  }
0x6f9: {  	_ = 	snop  }
0x6fa: {  	_ = 	snop  }
0x6fb: {  	_ = 	snop  }
0x6fc: {  	_ = 	snop  }
0x6fd: {  	s24 =	simm.s32 $0x800000E0;
	s10 =	simm.s32 $0x800000D0  }
0x6fe: {  	s22 =	simm.s32 $0x800000C0;
	s30 =	simm.s32 $0x800000B0  }
.Ltmp56:
0x6ff: {  	s3 =	simm.s32 $0x800000A0;
	(pc) =	sbr.rel .LBB2_44-.Ltmp56, $4  }
0x700: {  	s23 =	simm.s32 $0x80000090;
	s9 =	simm.s32 $0xFFFFFFFF;
	s11 =	simm.s32 $0x0  }
0x701: {  	s6 =	simm.s32 $0x800000F0;
	s8 =	smov.u32 s26;
	[dreg:$0x15] =	wrdreg s24  }
0x702: {  	s5 =	simm.s32 $0x800000E0;
	s31 =	simm.s32 $0xFFFFFFFF;
	[dreg:$0x1f] =	wrdreg s30  }
0x703: {  	v12 =	vmovc v10;
	v19 =	vmovc v11;
	v20 =	vmov v9;
	v18 =	vmov v8;
	s18 =	simm.s32 $0xFFFFFFFF;
	s24 =	simm.s32 $0x0;
	[smem:$0x7F3] =	sst s31;
	v14 =	vmov v13  }
.LBB2_35:
0x704: {  	s0 =	simm.s32 $0x800000C0;
	p0 =	por $0x0, $0x0  }
0x705: {  	[dreg:$0x18] =	wrdreg s0;
	s0 =	simm.s32 @!p0 $0x0  }
0x706: {  	s0 =	simm.s32 @p0 $0x1;
	p0 =	por $0x0, $0x0  }
0x707: {  	[smem:$0x7EB] =	sst s0;
	s0 =	simm.s32 @!p0 $0x0  }
0x708: {  	s0 =	simm.s32 @p0 $0x1;
	p0 =	por $0x0, $0x0  }
0x709: {  	[smem:$0x7EC] =	sst s0;
	s0 =	simm.s32 @!p0 $0x0  }
0x70a: {  	s0 =	simm.s32 @p0 $0x1;
	p0 =	por $0x1, $0x1  }
0x70b: {  	[smem:$0x7ED] =	sst s0;
	s0 =	simm.s32 @!p0 $0x0  }
0x70c: {  	s0 =	simm.s32 @p0 $0x1;
	p0 =	por $0x1, $0x1  }
0x70d: {  	[smem:$0x7EE] =	sst s0;
	s0 =	simm.s32 @!p0 $0x0  }
0x70e: {  	s0 =	simm.s32 @p0 $0x1;
	p0 =	por $0x1, $0x1  }
0x70f: {  	[smem:$0x7EF] =	sst s0;
	s0 =	simm.s32 @!p0 $0x0  }
0x710: {  	s0 =	simm.s32 @p0 $0x1;
	p0 =	por $0x1, $0x1  }
0x711: {  	[smem:$0x7F0] =	sst s0;
	s0 =	simm.s32 @!p0 $0x0  }
0x712: {  	s22 =	simm.s32 $0x800000F0;
	s0 =	simm.s32 @p0 $0x1;
	p0 =	por $0x1, $0x1  }
0x713: {  	s23 =	simm.s32 $0x800000D0;
	[smem:$0x7F1] =	sst s0;
	s0 =	simm.s32 @!p0 $0x0  }
0x714: {  	s24 =	simm.s32 $0x800000E0;
	s10 =	simm.s32 $0x800000C0;
	s0 =	simm.s32 @p0 $0x1  }
0x715: {  	s30 =	simm.s32 $0x800000A0;
	[smem:$0x7F2] =	sst s0  }
0x716: {  	s3 =	simm.s32 $0x80000090;
	s9 =	simm.s32 $0xFFFFFFFF;
	s29 =	simm.s32 $0x800000F0  }
0x717: {  	s11 =	simm.s32 $0x0;
	s4 =	simm.s32 $0x0;
	s6 =	simm.s32 $0x800000E0  }
.Ltmp57:
0x718: {  	s20 =	smov.u32 s1;
	[dreg:$0x17] =	wrdreg s22;
	(pc) =	sbr.rel .LBB2_44-.Ltmp57, $4  }
0x719: {  	s8 =	smov.u32 s7;
	s5 =	simm.s32 $0x800000D0;
	[dreg:$0x16] =	wrdreg s23  }
0x71a: {  	s18 =	simm.s32 $0xFFFFFFFF;
	s31 =	simm.s32 $0xFFFFFFFF;
	[dreg:$0x15] =	wrdreg s24  }
0x71b: {  	v19 =	vmov v13;
	v17 =	vmov v16;
	s22 =	simm.s32 $0x800000B0;
	[dreg:$0x1f] =	wrdreg s30;
	s23 =	simm.s32 $0x80000080  }
0x71c: {  	v12 =	vmovc v11;
	v22 =	vmovc v9;
	v20 =	vmov v8;
	v18 =	vmov v10;
	s24 =	smov.u32 s26;
	s26 =	smov.u32 s7;
	[smem:$0x7F3] =	sst s31;
	v14 =	vmov v15  }
.LBB2_37:
0x71d: {  	s0 =	simm.s32 $0x800000C0;
	p0 =	por $0x0, $0x0  }
0x71e: {  	[dreg:$0x18] =	wrdreg s0;
	s0 =	simm.s32 @!p0 $0x0  }
0x71f: {  	s0 =	simm.s32 @p0 $0x1;
	p0 =	por $0x0, $0x0  }
0x720: {  	[smem:$0x7EB] =	sst s0;
	s0 =	simm.s32 @!p0 $0x0  }
0x721: {  	s0 =	simm.s32 @p0 $0x1;
	p0 =	por $0x1, $0x1  }
0x722: {  	s22 =	simm.s32 $0x800000F0;
	[smem:$0x7EC] =	sst s0;
	s0 =	simm.s32 @!p0 $0x0  }
0x723: {  	s24 =	simm.s32 $0x800000D0;
	s0 =	simm.s32 @p0 $0x1;
	p0 =	por $0x1, $0x1  }
0x724: {  	s30 =	simm.s32 $0x800000E0;
	[smem:$0x7ED] =	sst s0;
	s0 =	simm.s32 @!p0 $0x0  }
0x725: {  	s10 =	simm.s32 $0x800000B0;
	s0 =	simm.s32 @p0 $0x1;
	p0 =	por $0x1, $0x1  }
0x726: {  	s31 =	simm.s32 $0x80000090;
	[smem:$0x7EE] =	sst s0;
	s0 =	simm.s32 @!p0 $0x0  }
0x727: {  	s3 =	simm.s32 $0x80000080;
	s0 =	simm.s32 @p0 $0x1;
	p0 =	por $0x1, $0x1  }
0x728: {  	s29 =	simm.s32 $0x800000E0;
	[smem:$0x7EF] =	sst s0;
	s0 =	simm.s32 @!p0 $0x0  }
0x729: {  	s11 =	simm.s32 $0x0;
	s0 =	simm.s32 @p0 $0x1;
	p0 =	por $0x1, $0x1  }
0x72a: {  	s19 =	simm.s32 $0x0;
	[smem:$0x7F0] =	sst s0;
	s0 =	simm.s32 @!p0 $0x0  }
0x72b: {  	s20 =	smov.u32 s1;
	s0 =	simm.s32 @p0 $0x1;
	p0 =	por $0x1, $0x1  }
0x72c: {  	s8 =	smov.u32 s6;
	[smem:$0x7F1] =	sst s0;
	s0 =	simm.s32 @!p0 $0x0  }
.Ltmp58:
0x72d: {  	[dreg:$0x17] =	wrdreg s22;
	s0 =	simm.s32 @p0 $0x1;
	(pc) =	sbr.rel .LBB2_44-.Ltmp58, $4  }
0x72e: {  	s4 =	smov.u32 s26;
	s26 =	smov.u32 s6;
	[smem:$0x7F2] =	sst s0  }
0x72f: {  	s6 =	simm.s32 $0x800000D0;
	s5 =	simm.s32 $0x800000C0;
	[dreg:$0x16] =	wrdreg s24  }
0x730: {  	v17 =	vmov v21;
	v12 =	vmov v13;
	s18 =	simm.s32 $0xFFFFFFFF;
	[dreg:$0x15] =	wrdreg s30;
	s22 =	simm.s32 $0x800000A0  }
0x731: {  	v22 =	vmovc v8;
	v20 =	vmovc v10;
	v18 =	vmov v11;
	v19 =	vmov v15;
	[dreg:$0x1f] =	wrdreg s31;
	s24 =	smov.u32 s7;
	v14 =	vmov v24;
	p0 =	por p4, p4  }
.LBB2_39:
0x732: {  	s10 =	simm.s32 $0x800000A0;
	s22 =	simm.s32 $0x80000090  }
0x733: {  	s31 =	simm.s32 $0x80000080;
	s3 =	simm.s32 $0x80000070  }
0x734: {  	p0 =	por $0x0, $0x0;
	s23 =	simm.s32 $0x80000060;
	s29 =	simm.s32 $0x800000D0  }
0x735: {  	s11 =	simm.s32 $0x0;
	s8 =	smov.u32 s0;
	p3 =	por p5, p5  }
0x736: {  	s9 =	smov.u32 s18;
	s28 =	simm.s32 $0x0;
	s1 =	simm.s32 @!p0 $0x0  }
0x737: {  	s19 =	smov.u32 s26;
	s1 =	simm.s32 @p0 $0x1;
	p0 =	por $0x1, $0x1  }
0x738: {  	s4 =	smov.u32 s7;
	[smem:$0x7EB] =	sst s1;
	s1 =	simm.s32 @!p0 $0x0  }
0x739: {  	s24 =	smov.u32 s6;
	s1 =	simm.s32 @p0 $0x1;
	p0 =	por $0x1, $0x1  }
.Ltmp59:
0x73a: {  	[smem:$0x7EF] =	sst s1;
	s1 =	simm.s32 @!p0 $0x0;
	(pc) =	sbr.rel .LBB2_44-.Ltmp59, $4  }
0x73b: {  	s26 =	smov.u32 s0;
	s1 =	simm.s32 @p0 $0x1;
	p0 =	por $0x1, $0x1  }
0x73c: {  	s6 =	simm.s32 $0x800000C0;
	[smem:$0x7F0] =	sst s1;
	s1 =	simm.s32 @!p0 $0x0  }
0x73d: {  	v17 =	vmov v23;
	v12 =	vmov v15;
	s5 =	simm.s32 $0x800000B0;
	[dreg:$0x1f] =	wrdreg s31;
	s1 =	simm.s32 @p0 $0x1  }
0x73e: {  	v22 =	vmovc v10;
	v20 =	vmovc v11;
	v18 =	vmov v13;
	v19 =	vmov v24;
	v14 =	vmov v25;
	p0 =	por p6, p6;
	p6 =	por p3, p3;
	[smem:$0x7F1] =	sst s1  }
.LBB2_41:
0x73f: {  	s10 =	simm.s32 $0x80000090  }
0x740: {  	p1 =	por $0x1, $0x1;
	s22 =	simm.s32 $0x80000080;
	s31 =	simm.s32 $0x80000070  }
0x741: {  	s23 =	simm.s32 $0x80000050;
	s29 =	simm.s32 $0x800000C0;
	s28 =	rddreg [dreg:$0x11]  }
0x742: {  	s1 =	simm.s32 $0x0;
	s11 =	simm.s32 $0x0;
	s19 =	rddreg [dreg:$0x14]  }
.Ltmp60:
0x743: {  	s4 =	rddreg [dreg:$0x1a];
	s0 =	simm.s32 @!p1 $0x0;
	(pc) =	sbr.rel .LBB2_44-.Ltmp60, $4  }
0x744: {  	s24 =	rddreg [dreg:$0x1e];
	s0 =	simm.s32 @p1 $0x1;
	p1 =	por $0x1, $0x1  }
0x745: {  	s26 =	smov.u32 s8;
	[smem:$0x7EF] =	sst s0;
	s0 =	simm.s32 @!p1 $0x0  }
0x746: {  	s6 =	simm.s32 $0x800000B0;
	[dreg:$0x1f] =	wrdreg s31;
	s0 =	simm.s32 @p1 $0x1  }
0x747: {  	v12 =	vmovc v24;
	v22 =	vmovc v11;
	v20 =	vmov v13;
	v18 =	vmov v15;
	v19 =	vmov v25;
	s5 =	simm.s32 $0x800000A0;
	p2 =	por $0x1, $0x1;
	[smem:$0x7F1] =	sst s0  }
.LBB2_66:
0x748: {  	v17 =	vimm.s32 $0x0  }
0x749: {  	v17 =	vsel vm6, $0xFFFFFFFF, v17  }
0x74a: {  	[tilespmem:$0x1FF90] =	vst v17;
	v17 =	vld [tilespmem:$0x1FFC0];
	_ =	sdelay $0x4  }
0x74b: {  	vm3 =	vnez.u8 v17;
	v17 =	vld [tilespmem:$0x1FFD0];
	_ =	sdelay $0x4  }
0x74c: {  	vm5 =	vnez.u8 v17;
	v17 =	vld [tilespmem:$0x1FFA0]  }
.Ltmp61:
0x74d: {  	_ = 	snop;
	(pc) =	sbr.rel .LBB2_69-.Ltmp61, $4  }
0x74e: {  	_ = 	snop  }
0x74f: {  	v25 =	vimm.s32 $0x0;
	v33 =	vimm.s32 $0x0;
	v31 =	vimm.s32 $0x0  }
0x750: {  	v28 =	vimm.s32 $0x0;
	v29 =	vimm.s32 $0x0;
	v26 =	vimm.s32 $0x0  }
0x751: {  	v27 =	vimm.s32 $0x0;
	v30 =	vimm.s32 $0x0;
	vm2 =	vnez.u8 v17  }
.LBB2_82:
0x752: {  	_ =	sfence.sel $0x180000  }
0x753: {  	[bflag:$0x0] =	sbarrier.arrive $0xFFFF  }
0x754: {  	_ =	strace $0x90000047  }
0x755: {  	s0 =	stileid.u32;
	[bflag:$0x2] =	sbarrier.arrive $0xFFFF  }
0x756: {  	p0 =	sne.s32 s0, $0x0;
	s0 =	rddreg [dreg:$0x3]  }
0x757: {  	s0 =	sadd.s32 @!p0 $0x100000, s0  }
0x758: {  	[sflag:s0] =	ssyncadd.tile.s32 @!p0 $0x1;
	_ =	shalt  }
.Lfunc_end2:
_tile_overlayer_lowered:
.L_overlay_start_2:
0x759: {  	(tag) =	ssettag $0x2  }
0x75a: {  	s0 =	rddreg [dreg:$0x0];
	s2 =	stileid.u32  }
0x75b: {  	s1 =	rddreg [dreg:$0x1];
	p0 =	sne.s32 s2, $0x0  }
0x75c: {  	s3 =	rddreg [dreg:$0x2];
	[bflag:$0x3] =	sbarrier.arrive $0xFFFF;
	s2 =	simm.s32 @!p0 $0x1C01  }
0x75d: {  	[timem:s3], [sflag:s2] =	dma.local @!p0 [hbm:s0], s1  }
0x75e: {  	s0 =	simm.s32 @!p0 $0x1  }
0x75f: {  	_ =	swait.ge @!p0 [sflag:s0], s1  }
0x760: {  	s1 =	ssub.s32 @!p0 $0x0, s1;
	[sflag:s0] =	ssyncset.done @!p0 $0x0  }
0x761: {  	[sflag:s0] =	ssyncadd.s32 @!p0 s1  }
0x762: {  	[bflag:$0x3] =	sbarrier.arrive $0xFFFF  }
0x763: {  	_ =	shalt  }

</sc_bundles>
